<compile_context>
chip_gen: v7x
topology: tpu7x:2x2x1
jax: 0.10.2.dev20260603
libtpu: 0.0.44.dev20260713+nightly
codegen_flags: <defaults>
</compile_context>

<pallas_src>
import functools

import jax
import jax.numpy as jnp
from jax import lax
from jax.experimental import pallas as pl
from jax.experimental.pallas import tpu as pltpu
from jax.experimental.pallas import tpu_sc as plsc

VOCAB = 1000
B, T = 1024, 50
N_ROWS = B * T

NC, NS, L = 2, 16, 16
NW = NC * NS


def _lse_body(table_ref, lse_ref):
    t = table_ref[...]
    m = jnp.max(t, axis=1, keepdims=True)
    s = jnp.sum(jnp.exp(t - m), axis=1, keepdims=True)
    lse_ref[...] = jnp.log(s) + m


def _lse_table(table):
    return pl.pallas_call(
        _lse_body,
        out_shape=jax.ShapeDtypeStruct((VOCAB, 1), jnp.float32),
    )(table)


def _loss_body(part_ref, out_ref):
    out_ref[...] = jnp.sum(part_ref[...]).reshape(1, 1) * (1.0 / N_ROWS)


def _loss_reduce(partials):
    return pl.pallas_call(
        _loss_body,
        out_shape=jax.ShapeDtypeStruct((1, 1), jnp.float32),
    )(partials)


TBLK = 2


def _mm_body(xt_ref, tab_ref, out_ref):
    for i in range(TBLK):
        xv = xt_ref[i, 0, :]
        wiota = lax.broadcasted_iota(jnp.int32, (VOCAB, B), 0)
        oh = (wiota == xv[None, :]).astype(jnp.bfloat16)
        out_ref[i] = lax.dot_general(
            tab_ref[...], oh, (((1,), (0,)), ((), ())),
            preferred_element_type=jnp.float32)


def _logits_mm(x_t, table_bf):
    return pl.pallas_call(
        _mm_body,
        grid=(T // TBLK,),
        in_specs=[
            pl.BlockSpec((TBLK, 1, B), lambda t: (t, 0, 0)),
            pl.BlockSpec((VOCAB, VOCAB), lambda t: (0, 0)),
        ],
        out_specs=pl.BlockSpec((TBLK, VOCAB, B), lambda t: (t, 0, 0)),
        out_shape=jax.ShapeDtypeStruct((T, VOCAB, B), jnp.float32),
    )(x_t, table_bf)


ROWS_PER_W = N_ROWS // NW
GCHUNK = 128
NGROUP = ROWS_PER_W // L


def _sc_body(tab16_hbm, x_hbm, t_hbm, lse_hbm, part_hbm,
             xv_v, tv_v, row_v, lane_v, pick_v, lse_v, acc_v, sem):
    wid = lax.axis_index("s") * NC + lax.axis_index("c")
    base = wid * ROWS_PER_W

    pltpu.sync_copy(x_hbm.at[pl.ds(base, ROWS_PER_W)], xv_v)
    pltpu.sync_copy(t_hbm.at[pl.ds(base, ROWS_PER_W)], tv_v)
    pltpu.sync_copy(lse_hbm, lse_v)
    acc_v[...] = jnp.zeros((L,), jnp.float32)

    for j in range(NGROUP):
        s = pl.ds(j * L, L)
        f = xv_v[s] * VOCAB + tv_v[s]
        row_v[s] = lax.shift_right_logical(f, 4)
        lane_v[s] = lax.bitwise_and(f, 15)

    bounds = [(c * GCHUNK, min(GCHUNK, ROWS_PER_W - c * GCHUNK))
              for c in range(pl.cdiv(ROWS_PER_W, GCHUNK))]
    for off, ln in bounds:
        pltpu.async_copy(
            tab16_hbm.at[row_v.at[pl.ds(off, ln)]],
            pick_v.at[pl.ds(off, ln)], sem)
    for off, ln in bounds:
        pltpu.make_async_copy(
            tab16_hbm.at[row_v.at[pl.ds(off, ln)]],
            pick_v.at[pl.ds(off, ln)], sem).wait()

    for j in range(NGROUP):
        s = pl.ds(j * L, L)
        lsev = plsc.load_gather(lse_v, [xv_v[s]])
        rowids = lax.iota(jnp.int32, L) + j * L
        picked = plsc.load_gather(pick_v, [rowids, lane_v[s]])
        acc_v[...] = acc_v[...] + (lsev - picked)

    pltpu.sync_copy(acc_v, part_hbm.at[pl.ds(wid * L, L)])


@functools.lru_cache(maxsize=1)
def _sc_loss():
    return pl.kernel(
        _sc_body,
        out_type=jax.ShapeDtypeStruct((NW * L,), jnp.float32),
        mesh=plsc.VectorSubcoreMesh(
            core_axis_name="c", subcore_axis_name="s", num_cores=NC,
            num_subcores=NS),
        scratch_types=(
            pltpu.VMEM((ROWS_PER_W,), jnp.int32),
            pltpu.VMEM((ROWS_PER_W,), jnp.int32),
            pltpu.VMEM((ROWS_PER_W,), jnp.int32),
            pltpu.VMEM((ROWS_PER_W,), jnp.int32),
            pltpu.VMEM((ROWS_PER_W, L), jnp.float32),
            pltpu.VMEM((VOCAB,), jnp.float32),
            pltpu.VMEM((L,), jnp.float32),
            pltpu.SemaphoreType.DMA,
        ),
        compiler_params=pltpu.CompilerParams(
            needs_layout_passes=False, use_tc_tiling_on_sc=False),
    )


def kernel(x, targets, next_token_table):
    xi = x.astype(jnp.int32)
    ti = targets.astype(jnp.int32)
    lse = _lse_table(next_token_table).reshape(VOCAB)
    xt = xi.T
    partials = _sc_loss()(
        next_token_table.reshape(VOCAB * VOCAB // L, L),
        xt.reshape(N_ROWS), ti.T.reshape(N_ROWS), lse)
    logits_tvb = _logits_mm(
        xt.reshape(T, 1, B), next_token_table.T.astype(jnp.bfloat16))
    loss = _loss_reduce(partials)
    return jnp.transpose(logits_tvb, (2, 0, 1)), loss[0, 0]

# --- scband reference (transcript-rebuilt; emitter-appended) ---
"""Pipeline reference for scband-bigram-model-16741782520519 (READ-ONLY COPY).

The authoritative reference and input builder live on the scoring server;
editing this copy changes nothing except your own understanding.
"""

import jax, jax.numpy as jnp
import numpy as np

VOCAB = 1000
B, T = 1024, 50

def setup_inputs(seed: int = 0) -> dict:
    key = jax.random.key(seed)
    k1, k2, k3 = jax.random.split(key, 3)
    x = jax.random.randint(k1, (B, T), 0, VOCAB, dtype=jnp.int64) if jax.config.jax_enable_x64 else jax.random.randint(k1, (B, T), 0, VOCAB, dtype=jnp.int32)
    targets = jax.random.randint(k2, (B, T), 0, VOCAB, dtype=jnp.int32)
    next_token_table = jax.random.normal(k3, (VOCAB, VOCAB), dtype=jnp.float32)
    return {"x": x, "targets": targets, "next_token_table": next_token_table}

def reference(x, targets, next_token_table):
    # logits = nn.Embedding lookup: table[x] -> [B, T, C]
    logits = jnp.take(next_token_table, x, axis=0)
    Bt, Tt, C = logits.shape
    logits_view = logits.reshape(Bt * Tt, C)
    targets_view = targets.reshape(Bt * Tt)
    # F.cross_entropy with mean reduction
    lse = jax.scipy.special.logsumexp(logits_view, axis=-1)
    picked = jnp.take_along_axis(logits_view, targets_view[:, None], axis=1)[:, 0]
    loss = jnp.mean(lse - picked)
    return (logits, loss)

if __name__ == "__main__":
    import jax
    _d = setup_inputs()
    print(jax.jit(kernel)(*tuple(_d.values())))

</pallas_src>

<mosaic_0001>
#map = affine_map<(d0, d1) -> (0, 0)>
#map1 = affine_map<(d0, d1) -> (0)>
module attributes {stable_mosaic.version = 14 : i64} {
  func.func @_sc_body(%arg0: i32, %arg1: i32, %arg2: memref<62500x16xf32, #tpu.memory_space<hbm>>, %arg3: memref<51200xi32, #tpu.memory_space<hbm>>, %arg4: memref<51200xi32, #tpu.memory_space<hbm>>, %arg5: memref<1000xf32, #tpu.memory_space<hbm>>, %arg6: memref<512xf32, #tpu.memory_space<hbm>>, %arg7: memref<1600xi32, #tpu.memory_space<vmem>>, %arg8: memref<1600xi32, #tpu.memory_space<vmem>>, %arg9: memref<1600xi32, #tpu.memory_space<vmem>>, %arg10: memref<1600xi32, #tpu.memory_space<vmem>>, %arg11: memref<1600x16xf32, #tpu.memory_space<vmem>>, %arg12: memref<1000xf32, #tpu.memory_space<vmem>>, %arg13: memref<16xf32, #tpu.memory_space<vmem>>, %arg14: memref<!tpu.dma_semaphore, #tpu.memory_space<semaphore_mem>>) attributes {dimension_semantics = [#tpu.dimension_semantics<core_parallel>, #tpu.dimension_semantics<subcore_parallel>], iteration_bounds = array<i64: 2, 16>, scalar_prefetch = 0 : i64, scratch_operands = 8 : i64, tpu.core_type = #tpu.core_type<sc_vector_subcore>, window_params = [{transform_indices = #map}, {transform_indices = #map1}, {transform_indices = #map1}, {transform_indices = #map1}, {transform_indices = #map1}]} {
    %mul3A = arith.constant 2 : i32
    %mul3A_0 = arith.muli %arg1, %mul3A : i32
    %add3A = arith.addi %mul3A_0, %arg0 : i32
    %mul3A_1 = arith.constant 1600 : i32
    %mul3A_2 = arith.muli %add3A, %mul3A_1 : i32
    "tpu.region"() ({
      %run_scoped3A = tpu.sem_alloc : memref<!tpu.dma_semaphore, #tpu.memory_space<semaphore_mem>>
      %dma_start3A_3607 = tpu.memref_slice %arg3[%mul3A_2] : memref<51200xi32, #tpu.memory_space<hbm>> -> memref<1600xi32, #tpu.memory_space<hbm>>
      %dma_start3A_3608 = tpu.memref_slice %arg3[%mul3A_2] : memref<51200xi32, #tpu.memory_space<hbm>> -> memref<1600xi32, #tpu.memory_space<hbm>>
      tpu.enqueue_dma source(%dma_start3A_3608 : memref<1600xi32, #tpu.memory_space<hbm>>) target(%arg7 : memref<1600xi32, #tpu.memory_space<vmem>>) target_semaphore(%run_scoped3A : memref<!tpu.dma_semaphore, #tpu.memory_space<semaphore_mem>>)
      %dma_wait3A_3609 = tpu.memref_slice %arg3[%mul3A_2] : memref<51200xi32, #tpu.memory_space<hbm>> -> memref<1600xi32, #tpu.memory_space<hbm>>
      %dma_wait3A_3610 = tpu.memref_slice %arg3[%mul3A_2] : memref<51200xi32, #tpu.memory_space<hbm>> -> memref<1600xi32, #tpu.memory_space<hbm>>
      tpu.wait_dma2 semaphore(%run_scoped3A : memref<!tpu.dma_semaphore, #tpu.memory_space<semaphore_mem>>) src(%dma_wait3A_3610 : memref<1600xi32, #tpu.memory_space<hbm>>) dst(%arg7 : memref<1600xi32, #tpu.memory_space<vmem>>)
      tpu.yield
    }) : () -> ()
    "tpu.region"() ({
      %run_scoped3A = tpu.sem_alloc : memref<!tpu.dma_semaphore, #tpu.memory_space<semaphore_mem>>
      %dma_start3A_3607 = tpu.memref_slice %arg4[%mul3A_2] : memref<51200xi32, #tpu.memory_space<hbm>> -> memref<1600xi32, #tpu.memory_space<hbm>>
      %dma_start3A_3608 = tpu.memref_slice %arg4[%mul3A_2] : memref<51200xi32, #tpu.memory_space<hbm>> -> memref<1600xi32, #tpu.memory_space<hbm>>
      tpu.enqueue_dma source(%dma_start3A_3608 : memref<1600xi32, #tpu.memory_space<hbm>>) target(%arg8 : memref<1600xi32, #tpu.memory_space<vmem>>) target_semaphore(%run_scoped3A : memref<!tpu.dma_semaphore, #tpu.memory_space<semaphore_mem>>)
      %dma_wait3A_3609 = tpu.memref_slice %arg4[%mul3A_2] : memref<51200xi32, #tpu.memory_space<hbm>> -> memref<1600xi32, #tpu.memory_space<hbm>>
      %dma_wait3A_3610 = tpu.memref_slice %arg4[%mul3A_2] : memref<51200xi32, #tpu.memory_space<hbm>> -> memref<1600xi32, #tpu.memory_space<hbm>>
      tpu.wait_dma2 semaphore(%run_scoped3A : memref<!tpu.dma_semaphore, #tpu.memory_space<semaphore_mem>>) src(%dma_wait3A_3610 : memref<1600xi32, #tpu.memory_space<hbm>>) dst(%arg8 : memref<1600xi32, #tpu.memory_space<vmem>>)
      tpu.yield
    }) : () -> ()
    "tpu.region"() ({
      %run_scoped3A = tpu.sem_alloc : memref<!tpu.dma_semaphore, #tpu.memory_space<semaphore_mem>>
      tpu.enqueue_dma source(%arg5 : memref<1000xf32, #tpu.memory_space<hbm>>) target(%arg12 : memref<1000xf32, #tpu.memory_space<vmem>>) target_semaphore(%run_scoped3A : memref<!tpu.dma_semaphore, #tpu.memory_space<semaphore_mem>>)
      tpu.wait_dma2 semaphore(%run_scoped3A : memref<!tpu.dma_semaphore, #tpu.memory_space<semaphore_mem>>) src(%arg5 : memref<1000xf32, #tpu.memory_space<hbm>>) dst(%arg12 : memref<1000xf32, #tpu.memory_space<vmem>>)
      tpu.yield
    }) : () -> ()
    %broadcast_in_dim3A = arith.constant 0.000000e+00 : f32
    %broadcast_in_dim3A_3 = vector.broadcast %broadcast_in_dim3A : f32 to vector<16xf32>
    %swap3A = arith.constant 0 : index
    %swap3A_4 = tpu.vector_load %arg13[%swap3A] {strides = array<i32>} : memref<16xf32, #tpu.memory_space<vmem>>, vector<16xf32>,
    tpu.vector_store %arg13[%swap3A], %broadcast_in_dim3A_3 {strides = array<i32>} : memref<16xf32, #tpu.memory_space<vmem>>, vector<16xf32>,
    %get3A = arith.constant 0 : index
    %get3A_5 = tpu.vector_load %arg7[%get3A] {strides = array<i32>} : memref<1600xi32, #tpu.memory_space<vmem>>, vector<16xi32>,
    %mul3A_6 = arith.constant 1000 : i32
    %mul3A_7 = vector.broadcast %mul3A_6 : i32 to vector<16xi32>
    %mul3A_8 = arith.muli %get3A_5, %mul3A_7 : vector<16xi32>
    %get3A_9 = arith.constant 0 : index
    %get3A_10 = tpu.vector_load %arg8[%get3A_9] {strides = array<i32>} : memref<1600xi32, #tpu.memory_space<vmem>>, vector<16xi32>,
    %add3A_11 = arith.addi %mul3A_8, %get3A_10 : vector<16xi32>
    %shift_right_logical3A = arith.constant 4 : i32
    %shift_right_logical3A_12 = vector.broadcast %shift_right_logical3A : i32 to vector<16xi32>
    %shift_right_logical3A_13 = arith.shrui %add3A_11, %shift_right_logical3A_12 : vector<16xi32>
    %swap3A_14 = arith.constant 0 : index
    %swap3A_15 = tpu.vector_load %arg9[%swap3A_14] {strides = array<i32>} : memref<1600xi32, #tpu.memory_space<vmem>>, vector<16xi32>,
    tpu.vector_store %arg9[%swap3A_14], %shift_right_logical3A_13 {strides = array<i32>} : memref<1600xi32, #tpu.memory_space<vmem>>, vector<16xi32>,
    %and3A = arith.constant 15 : i32
    %and3A_16 = vector.broadcast %and3A : i32 to vector<16xi32>
    %and3A_17 = arith.andi %add3A_11, %and3A_16 : vector<16xi32>
    %swap3A_18 = arith.constant 0 : index
    %swap3A_19 = tpu.vector_load %arg10[%swap3A_18] {strides = array<i32>} : memref<1600xi32, #tpu.memory_space<vmem>>, vector<16xi32>,
    tpu.vector_store %arg10[%swap3A_18], %and3A_17 {strides = array<i32>} : memref<1600xi32, #tpu.memory_space<vmem>>, vector<16xi32>,
    %get3A_20 = arith.constant 16 : index
    %get3A_21 = tpu.vector_load %arg7[%get3A_20] {strides = array<i32>} : memref<1600xi32, #tpu.memory_space<vmem>>, vector<16xi32>,
    %mul3A_22 = arith.constant 1000 : i32
    %mul3A_23 = vector.broadcast %mul3A_22 : i32 to vector<16xi32>
    %mul3A_24 = arith.muli %get3A_21, %mul3A_23 : vector<16xi32>
    %get3A_25 = arith.constant 16 : index
    %get3A_26 = tpu.vector_load %arg8[%get3A_25] {strides = array<i32>} : memref<1600xi32, #tpu.memory_space<vmem>>, vector<16xi32>,
    %add3A_27 = arith.addi %mul3A_24, %get3A_26 : vector<16xi32>
    %shift_right_logical3A_28 = arith.constant 4 : i32
    %shift_right_logical3A_29 = vector.broadcast %shift_right_logical3A_28 : i32 to vector<16xi32>
    %shift_right_logical3A_30 = arith.shrui %add3A_27, %shift_right_logical3A_29 : vector<16xi32>
    %swap3A_31 = arith.constant 16 : index
    %swap3A_32 = tpu.vector_load %arg9[%swap3A_31] {strides = array<i32>} : memref<1600xi32, #tpu.memory_space<vmem>>, vector<16xi32>,
    tpu.vector_store %arg9[%swap3A_31], %shift_right_logical3A_30 {strides = array<i32>} : memref<1600xi32, #tpu.memory_space<vmem>>, vector<16xi32>,
    %and3A_33 = arith.constant 15 : i32
    %and3A_34 = vector.broadcast %and3A_33 : i32 to vector<16xi32>
    %and3A_35 = arith.andi %add3A_27, %and3A_34 : vector<16xi32>
    %swap3A_36 = arith.constant 16 : index
    %swap3A_37 = tpu.vector_load %arg10[%swap3A_36] {strides = array<i32>} : memref<1600xi32, #tpu.memory_space<vmem>>, vector<16xi32>,
    tpu.vector_store %arg10[%swap3A_36], %and3A_35 {strides = array<i32>} : memref<1600xi32, #tpu.memory_space<vmem>>, vector<16xi32>,
    %get3A_38 = arith.constant 32 : index
    %get3A_39 = tpu.vector_load %arg7[%get3A_38] {strides = array<i32>} : memref<1600xi32, #tpu.memory_space<vmem>>, vector<16xi32>,
    %mul3A_40 = arith.constant 1000 : i32
    %mul3A_41 = vector.broadcast %mul3A_40 : i32 to vector<16xi32>
    %mul3A_42 = arith.muli %get3A_39, %mul3A_41 : vector<16xi32>
    %get3A_43 = arith.constant 32 : index
    %get3A_44 = tpu.vector_load %arg8[%get3A_43] {strides = array<i32>} : memref<1600xi32, #tpu.memory_space<vmem>>, vector<16xi32>,
    %add3A_45 = arith.addi %mul3A_42, %get3A_44 : vector<16xi32>
    %shift_right_logical3A_46 = arith.constant 4 : i32
    %shift_right_logical3A_47 = vector.broadcast %shift_right_logical3A_46 : i32 to vector<16xi32>
    %shift_right_logical3A_48 = arith.shrui %add3A_45, %shift_right_logical3A_47 : vector<16xi32>
    %swap3A_49 = arith.constant 32 : index
    %swap3A_50 = tpu.vector_load %arg9[%swap3A_49] {strides = array<i32>} : memref<1600xi32, #tpu.memory_space<vmem>>, vector<16xi32>,
    tpu.vector_store %arg9[%swap3A_49], %shift_right_logical3A_48 {strides = array<i32>} : memref<1600xi32, #tpu.memory_space<vmem>>, vector<16xi32>,
    %and3A_51 = arith.constant 15 : i32
    %and3A_52 = vector.broadcast %and3A_51 : i32 to vector<16xi32>
    %and3A_53 = arith.andi %add3A_45, %and3A_52 : vector<16xi32>
    %swap3A_54 = arith.constant 32 : index
    %swap3A_55 = tpu.vector_load %arg10[%swap3A_54] {strides = array<i32>} : memref<1600xi32, #tpu.memory_space<vmem>>, vector<16xi32>,
    tpu.vector_store %arg10[%swap3A_54], %and3A_53 {strides = array<i32>} : memref<1600xi32, #tpu.memory_space<vmem>>, vector<16xi32>,
    %get3A_56 = arith.constant 48 : index
    %get3A_57 = tpu.vector_load %arg7[%get3A_56] {strides = array<i32>} : memref<1600xi32, #tpu.memory_space<vmem>>, vector<16xi32>,
    %mul3A_58 = arith.constant 1000 : i32
    %mul3A_59 = vector.broadcast %mul3A_58 : i32 to vector<16xi32>
    %mul3A_60 = arith.muli %get3A_57, %mul3A_59 : vector<16xi32>
    %get3A_61 = arith.constant 48 : index
    %get3A_62 = tpu.vector_load %arg8[%get3A_61] {strides = array<i32>} : memref<1600xi32, #tpu.memory_space<vmem>>, vector<16xi32>,
    %add3A_63 = arith.addi %mul3A_60, %get3A_62 : vector<16xi32>
    %shift_right_logical3A_64 = arith.constant 4 : i32
    %shift_right_logical3A_65 = vector.broadcast %shift_right_logical3A_64 : i32 to vector<16xi32>
    %shift_right_logical3A_66 = arith.shrui %add3A_63, %shift_right_logical3A_65 : vector<16xi32>
    %swap3A_67 = arith.constant 48 : index
    %swap3A_68 = tpu.vector_load %arg9[%swap3A_67] {strides = array<i32>} : memref<1600xi32, #tpu.memory_space<vmem>>, vector<16xi32>,
    tpu.vector_store %arg9[%swap3A_67], %shift_right_logical3A_66 {strides = array<i32>} : memref<1600xi32, #tpu.memory_space<vmem>>, vector<16xi32>,
    %and3A_69 = arith.constant 15 : i32
    %and3A_70 = vector.broadcast %and3A_69 : i32 to vector<16xi32>
    %and3A_71 = arith.andi %add3A_63, %and3A_70 : vector<16xi32>
    %swap3A_72 = arith.constant 48 : index
    %swap3A_73 = tpu.vector_load %arg10[%swap3A_72] {strides = array<i32>} : memref<1600xi32, #tpu.memory_space<vmem>>, vector<16xi32>,
    tpu.vector_store %arg10[%swap3A_72], %and3A_71 {strides = array<i32>} : memref<1600xi32, #tpu.memory_space<vmem>>, vector<16xi32>,
    %get3A_74 = arith.constant 64 : index
    %get3A_75 = tpu.vector_load %arg7[%get3A_74] {strides = array<i32>} : memref<1600xi32, #tpu.memory_space<vmem>>, vector<16xi32>,
    %mul3A_76 = arith.constant 1000 : i32
    %mul3A_77 = vector.broadcast %mul3A_76 : i32 to vector<16xi32>
    %mul3A_78 = arith.muli %get3A_75, %mul3A_77 : vector<16xi32>
    %get3A_79 = arith.constant 64 : index
    %get3A_80 = tpu.vector_load %arg8[%get3A_79] {strides = array<i32>} : memref<1600xi32, #tpu.memory_space<vmem>>, vector<16xi32>,
    %add3A_81 = arith.addi %mul3A_78, %get3A_80 : vector<16xi32>
    %shift_right_logical3A_82 = arith.constant 4 : i32
    %shift_right_logical3A_83 = vector.broadcast %shift_right_logical3A_82 : i32 to vector<16xi32>
    %shift_right_logical3A_84 = arith.shrui %add3A_81, %shift_right_logical3A_83 : vector<16xi32>
    %swap3A_85 = arith.constant 64 : index
    %swap3A_86 = tpu.vector_load %arg9[%swap3A_85] {strides = array<i32>} : memref<1600xi32, #tpu.memory_space<vmem>>, vector<16xi32>,
    tpu.vector_store %arg9[%swap3A_85], %shift_right_logical3A_84 {strides = array<i32>} : memref<1600xi32, #tpu.memory_space<vmem>>, vector<16xi32>,
    %and3A_87 = arith.constant 15 : i32
    %and3A_88 = vector.broadcast %and3A_87 : i32 to vector<16xi32>
    %and3A_89 = arith.andi %add3A_81, %and3A_88 : vector<16xi32>
    %swap3A_90 = arith.constant 64 : index
    %swap3A_91 = tpu.vector_load %arg10[%swap3A_90] {strides = array<i32>} : memref<1600xi32, #tpu.memory_space<vmem>>, vector<16xi32>,
    tpu.vector_store %arg10[%swap3A_90], %and3A_89 {strides = array<i32>} : memref<1600xi32, #tpu.memory_space<vmem>>, vector<16xi32>,
    %get3A_92 = arith.constant 80 : index
    %get3A_93 = tpu.vector_load %arg7[%get3A_92] {strides = array<i32>} : memref<1600xi32, #tpu.memory_space<vmem>>, vector<16xi32>,
    %mul3A_94 = arith.constant 1000 : i32
    %mul3A_95 = vector.broadcast %mul3A_94 : i32 to vector<16xi32>
    %mul3A_96 = arith.muli %get3A_93, %mul3A_95 : vector<16xi32>
    %get3A_97 = arith.constant 80 : index
    %get3A_98 = tpu.vector_load %arg8[%get3A_97] {strides = array<i32>} : memref<1600xi32, #tpu.memory_space<vmem>>, vector<16xi32>,
    %add3A_99 = arith.addi %mul3A_96, %get3A_98 : vector<16xi32>
    %shift_right_logical3A_100 = arith.constant 4 : i32
    %shift_right_logical3A_101 = vector.broadcast %shift_right_logical3A_100 : i32 to vector<16xi32>
    %shift_right_logical3A_102 = arith.shrui %add3A_99, %shift_right_logical3A_101 : vector<16xi32>
    %swap3A_103 = arith.constant 80 : index
    %swap3A_104 = tpu.vector_load %arg9[%swap3A_103] {strides = array<i32>} : memref<1600xi32, #tpu.memory_space<vmem>>, vector<16xi32>,
    tpu.vector_store %arg9[%swap3A_103], %shift_right_logical3A_102 {strides = array<i32>} : memref<1600xi32, #tpu.memory_space<vmem>>, vector<16xi32>,
    %and3A_105 = arith.constant 15 : i32
    %and3A_106 = vector.broadcast %and3A_105 : i32 to vector<16xi32>
    %and3A_107 = arith.andi %add3A_99, %and3A_106 : vector<16xi32>
    %swap3A_108 = arith.constant 80 : index
    %swap3A_109 = tpu.vector_load %arg10[%swap3A_108] {strides = array<i32>} : memref<1600xi32, #tpu.memory_space<vmem>>, vector<16xi32>,
    tpu.vector_store %arg10[%swap3A_108], %and3A_107 {strides = array<i32>} : memref<1600xi32, #tpu.memory_space<vmem>>, vector<16xi32>,
    %get3A_110 = arith.constant 96 : index
    %get3A_111 = tpu.vector_load %arg7[%get3A_110] {strides = array<i32>} : memref<1600xi32, #tpu.memory_space<vmem>>, vector<16xi32>,
    %mul3A_112 = arith.constant 1000 : i32
    %mul3A_113 = vector.broadcast %mul3A_112 : i32 to vector<16xi32>
    %mul3A_114 = arith.muli %get3A_111, %mul3A_113 : vector<16xi32>
    %get3A_115 = arith.constant 96 : index
    %get3A_116 = tpu.vector_load %arg8[%get3A_115] {strides = array<i32>} : memref<1600xi32, #tpu.memory_space<vmem>>, vector<16xi32>,
    %add3A_117 = arith.addi %mul3A_114, %get3A_116 : vector<16xi32>
    %shift_right_logical3A_118 = arith.constant 4 : i32
    %shift_right_logical3A_119 = vector.broadcast %shift_right_logical3A_118 : i32 to vector<16xi32>
    %shift_right_logical3A_120 = arith.shrui %add3A_117, %shift_right_logical3A_119 : vector<16xi32>
    %swap3A_121 = arith.constant 96 : index
    %swap3A_122 = tpu.vector_load %arg9[%swap3A_121] {strides = array<i32>} : memref<1600xi32, #tpu.memory_space<vmem>>, vector<16xi32>,
    tpu.vector_store %arg9[%swap3A_121], %shift_right_logical3A_120 {strides = array<i32>} : memref<1600xi32, #tpu.memory_space<vmem>>, vector<16xi32>,
    %and3A_123 = arith.constant 15 : i32
    %and3A_124 = vector.broadcast %and3A_123 : i32 to vector<16xi32>
    %and3A_125 = arith.andi %add3A_117, %and3A_124 : vector<16xi32>
    %swap3A_126 = arith.constant 96 : index
    %swap3A_127 = tpu.vector_load %arg10[%swap3A_126] {strides = array<i32>} : memref<1600xi32, #tpu.memory_space<vmem>>, vector<16xi32>,
    tpu.vector_store %arg10[%swap3A_126], %and3A_125 {strides = array<i32>} : memref<1600xi32, #tpu.memory_space<vmem>>, vector<16xi32>,
    %get3A_128 = arith.constant 112 : index
    %get3A_129 = tpu.vector_load %arg7[%get3A_128] {strides = array<i32>} : memref<1600xi32, #tpu.memory_space<vmem>>, vector<16xi32>,
    %mul3A_130 = arith.constant 1000 : i32
    %mul3A_131 = vector.broadcast %mul3A_130 : i32 to vector<16xi32>
    %mul3A_132 = arith.muli %get3A_129, %mul3A_131 : vector<16xi32>
    %get3A_133 = arith.constant 112 : index
    %get3A_134 = tpu.vector_load %arg8[%get3A_133] {strides = array<i32>} : memref<1600xi32, #tpu.memory_space<vmem>>, vector<16xi32>,
    %add3A_135 = arith.addi %mul3A_132, %get3A_134 : vector<16xi32>
    %shift_right_logical3A_136 = arith.constant 4 : i32
    %shift_right_logical3A_137 = vector.broadcast %shift_right_logical3A_136 : i32 to vector<16xi32>
    %shift_right_logical3A_138 = arith.shrui %add3A_135, %shift_right_logical3A_137 : vector<16xi32>
    %swap3A_139 = arith.constant 112 : index
    %swap3A_140 = tpu.vector_load %arg9[%swap3A_139] {strides = array<i32>} : memref<1600xi32, #tpu.memory_space<vmem>>, vector<16xi32>,
    tpu.vector_store %arg9[%swap3A_139], %shift_right_logical3A_138 {strides = array<i32>} : memref<1600xi32, #tpu.memory_space<vmem>>, vector<16xi32>,
    %and3A_141 = arith.constant 15 : i32
    %and3A_142 = vector.broadcast %and3A_141 : i32 to vector<16xi32>
    %and3A_143 = arith.andi %add3A_135, %and3A_142 : vector<16xi32>
    %swap3A_144 = arith.constant 112 : index
    %swap3A_145 = tpu.vector_load %arg10[%swap3A_144] {strides = array<i32>} : memref<1600xi32, #tpu.memory_space<vmem>>, vector<16xi32>,
    tpu.vector_store %arg10[%swap3A_144], %and3A_143 {strides = array<i32>} : memref<1600xi32, #tpu.memory_space<vmem>>, vector<16xi32>,
    %get3A_146 = arith.constant 128 : index
    %get3A_147 = tpu.vector_load %arg7[%get3A_146] {strides = array<i32>} : memref<1600xi32, #tpu.memory_space<vmem>>, vector<16xi32>,
    %mul3A_148 = arith.constant 1000 : i32
    %mul3A_149 = vector.broadcast %mul3A_148 : i32 to vector<16xi32>
    %mul3A_150 = arith.muli %get3A_147, %mul3A_149 : vector<16xi32>
    %get3A_151 = arith.constant 128 : index
    %get3A_152 = tpu.vector_load %arg8[%get3A_151] {strides = array<i32>} : memref<1600xi32, #tpu.memory_space<vmem>>, vector<16xi32>,
    %add3A_153 = arith.addi %mul3A_150, %get3A_152 : vector<16xi32>
    %shift_right_logical3A_154 = arith.constant 4 : i32
    %shift_right_logical3A_155 = vector.broadcast %shift_right_logical3A_154 : i32 to vector<16xi32>
    %shift_right_logical3A_156 = arith.shrui %add3A_153, %shift_right_logical3A_155 : vector<16xi32>
    %swap3A_157 = arith.constant 128 : index
    %swap3A_158 = tpu.vector_load %arg9[%swap3A_157] {strides = array<i32>} : memref<1600xi32, #tpu.memory_space<vmem>>, vector<16xi32>,
    tpu.vector_store %arg9[%swap3A_157], %shift_right_logical3A_156 {strides = array<i32>} : memref<1600xi32, #tpu.memory_space<vmem>>, vector<16xi32>,
    %and3A_159 = arith.constant 15 : i32
    %and3A_160 = vector.broadcast %and3A_159 : i32 to vector<16xi32>
    %and3A_161 = arith.andi %add3A_153, %and3A_160 : vector<16xi32>
    %swap3A_162 = arith.constant 128 : index
    %swap3A_163 = tpu.vector_load %arg10[%swap3A_162] {strides = array<i32>} : memref<1600xi32, #tpu.memory_space<vmem>>, vector<16xi32>,
    tpu.vector_store %arg10[%swap3A_162], %and3A_161 {strides = array<i32>} : memref<1600xi32, #tpu.memory_space<vmem>>, vector<16xi32>,
    %get3A_164 = arith.constant 144 : index
    %get3A_165 = tpu.vector_load %arg7[%get3A_164] {strides = array<i32>} : memref<1600xi32, #tpu.memory_space<vmem>>, vector<16xi32>,
    %mul3A_166 = arith.constant 1000 : i32
    %mul3A_167 = vector.broadcast %mul3A_166 : i32 to vector<16xi32>
    %mul3A_168 = arith.muli %get3A_165, %mul3A_167 : vector<16xi32>
    %get3A_169 = arith.constant 144 : index
    %get3A_170 = tpu.vector_load %arg8[%get3A_169] {strides = array<i32>} : memref<1600xi32, #tpu.memory_space<vmem>>, vector<16xi32>,
    %add3A_171 = arith.addi %mul3A_168, %get3A_170 : vector<16xi32>
    %shift_right_logical3A_172 = arith.constant 4 : i32
    %shift_right_logical3A_173 = vector.broadcast %shift_right_logical3A_172 : i32 to vector<16xi32>
    %shift_right_logical3A_174 = arith.shrui %add3A_171, %shift_right_logical3A_173 : vector<16xi32>
    %swap3A_175 = arith.constant 144 : index
    %swap3A_176 = tpu.vector_load %arg9[%swap3A_175] {strides = array<i32>} : memref<1600xi32, #tpu.memory_space<vmem>>, vector<16xi32>,
    tpu.vector_store %arg9[%swap3A_175], %shift_right_logical3A_174 {strides = array<i32>} : memref<1600xi32, #tpu.memory_space<vmem>>, vector<16xi32>,
    %and3A_177 = arith.constant 15 : i32
    %and3A_178 = vector.broadcast %and3A_177 : i32 to vector<16xi32>
    %and3A_179 = arith.andi %add3A_171, %and3A_178 : vector<16xi32>
    %swap3A_180 = arith.constant 144 : index
    %swap3A_181 = tpu.vector_load %arg10[%swap3A_180] {strides = array<i32>} : memref<1600xi32, #tpu.memory_space<vmem>>, vector<16xi32>,
    tpu.vector_store %arg10[%swap3A_180], %and3A_179 {strides = array<i32>} : memref<1600xi32, #tpu.memory_space<vmem>>, vector<16xi32>,
    %get3A_182 = arith.constant 160 : index
    %get3A_183 = tpu.vector_load %arg7[%get3A_182] {strides = array<i32>} : memref<1600xi32, #tpu.memory_space<vmem>>, vector<16xi32>,
    %mul3A_184 = arith.constant 1000 : i32
    %mul3A_185 = vector.broadcast %mul3A_184 : i32 to vector<16xi32>
    %mul3A_186 = arith.muli %get3A_183, %mul3A_185 : vector<16xi32>
    %get3A_187 = arith.constant 160 : index
    %get3A_188 = tpu.vector_load %arg8[%get3A_187] {strides = array<i32>} : memref<1600xi32, #tpu.memory_space<vmem>>, vector<16xi32>,
    %add3A_189 = arith.addi %mul3A_186, %get3A_188 : vector<16xi32>
    %shift_right_logical3A_190 = arith.constant 4 : i32
    %shift_right_logical3A_191 = vector.broadcast %shift_right_logical3A_190 : i32 to vector<16xi32>
    %shift_right_logical3A_192 = arith.shrui %add3A_189, %shift_right_logical3A_191 : vector<16xi32>
    %swap3A_193 = arith.constant 160 : index
    %swap3A_194 = tpu.vector_load %arg9[%swap3A_193] {strides = array<i32>} : memref<1600xi32, #tpu.memory_space<vmem>>, vector<16xi32>,
    tpu.vector_store %arg9[%swap3A_193], %shift_right_logical3A_192 {strides = array<i32>} : memref<1600xi32, #tpu.memory_space<vmem>>, vector<16xi32>,
    %and3A_195 = arith.constant 15 : i32
    %and3A_196 = vector.broadcast %and3A_195 : i32 to vector<16xi32>
    %and3A_197 = arith.andi %add3A_189, %and3A_196 : vector<16xi32>
    %swap3A_198 = arith.constant 160 : index
    %swap3A_199 = tpu.vector_load %arg10[%swap3A_198] {strides = array<i32>} : memref<1600xi32, #tpu.memory_space<vmem>>, vector<16xi32>,
    tpu.vector_store %arg10[%swap3A_198], %and3A_197 {strides = array<i32>} : memref<1600xi32, #tpu.memory_space<vmem>>, vector<16xi32>,
    %get3A_200 = arith.constant 176 : index
    %get3A_201 = tpu.vector_load %arg7[%get3A_200] {strides = array<i32>} : memref<1600xi32, #tpu.memory_space<vmem>>, vector<16xi32>,
    %mul3A_202 = arith.constant 1000 : i32
    %mul3A_203 = vector.broadcast %mul3A_202 : i32 to vector<16xi32>
    %mul3A_204 = arith.muli %get3A_201, %mul3A_203 : vector<16xi32>
    %get3A_205 = arith.constant 176 : index
    %get3A_206 = tpu.vector_load %arg8[%get3A_205] {strides = array<i32>} : memref<1600xi32, #tpu.memory_space<vmem>>, vector<16xi32>,
    %add3A_207 = arith.addi %mul3A_204, %get3A_206 : vector<16xi32>
    %shift_right_logical3A_208 = arith.constant 4 : i32
    %shift_right_logical3A_209 = vector.broadcast %shift_right_logical3A_208 : i32 to vector<16xi32>
    %shift_right_logical3A_210 = arith.shrui %add3A_207, %shift_right_logical3A_209 : vector<16xi32>
    %swap3A_211 = arith.constant 176 : index
    %swap3A_212 = tpu.vector_load %arg9[%swap3A_211] {strides = array<i32>} : memref<1600xi32, #tpu.memory_space<vmem>>, vector<16xi32>,
    tpu.vector_store %arg9[%swap3A_211], %shift_right_logical3A_210 {strides = array<i32>} : memref<1600xi32, #tpu.memory_space<vmem>>, vector<16xi32>,
    %and3A_213 = arith.constant 15 : i32
    %and3A_214 = vector.broadcast %and3A_213 : i32 to vector<16xi32>
    %and3A_215 = arith.andi %add3A_207, %and3A_214 : vector<16xi32>
    %swap3A_216 = arith.constant 176 : index
    %swap3A_217 = tpu.vector_load %arg10[%swap3A_216] {strides = array<i32>} : memref<1600xi32, #tpu.memory_space<vmem>>, vector<16xi32>,
    tpu.vector_store %arg10[%swap3A_216], %and3A_215 {strides = array<i32>} : memref<1600xi32, #tpu.memory_space<vmem>>, vector<16xi32>,
    %get3A_218 = arith.constant 192 : index
    %get3A_219 = tpu.vector_load %arg7[%get3A_218] {strides = array<i32>} : memref<1600xi32, #tpu.memory_space<vmem>>, vector<16xi32>,
    %mul3A_220 = arith.constant 1000 : i32
    %mul3A_221 = vector.broadcast %mul3A_220 : i32 to vector<16xi32>
    %mul3A_222 = arith.muli %get3A_219, %mul3A_221 : vector<16xi32>
    %get3A_223 = arith.constant 192 : index
    %get3A_224 = tpu.vector_load %arg8[%get3A_223] {strides = array<i32>} : memref<1600xi32, #tpu.memory_space<vmem>>, vector<16xi32>,
    %add3A_225 = arith.addi %mul3A_222, %get3A_224 : vector<16xi32>
    %shift_right_logical3A_226 = arith.constant 4 : i32
    %shift_right_logical3A_227 = vector.broadcast %shift_right_logical3A_226 : i32 to vector<16xi32>
    %shift_right_logical3A_228 = arith.shrui %add3A_225, %shift_right_logical3A_227 : vector<16xi32>
    %swap3A_229 = arith.constant 192 : index
    %swap3A_230 = tpu.vector_load %arg9[%swap3A_229] {strides = array<i32>} : memref<1600xi32, #tpu.memory_space<vmem>>, vector<16xi32>,
    tpu.vector_store %arg9[%swap3A_229], %shift_right_logical3A_228 {strides = array<i32>} : memref<1600xi32, #tpu.memory_space<vmem>>, vector<16xi32>,
    %and3A_231 = arith.constant 15 : i32
    %and3A_232 = vector.broadcast %and3A_231 : i32 to vector<16xi32>
    %and3A_233 = arith.andi %add3A_225, %and3A_232 : vector<16xi32>
    %swap3A_234 = arith.constant 192 : index
    %swap3A_235 = tpu.vector_load %arg10[%swap3A_234] {strides = array<i32>} : memref<1600xi32, #tpu.memory_space<vmem>>, vector<16xi32>,
    tpu.vector_store %arg10[%swap3A_234], %and3A_233 {strides = array<i32>} : memref<1600xi32, #tpu.memory_space<vmem>>, vector<16xi32>,
    %get3A_236 = arith.constant 208 : index
    %get3A_237 = tpu.vector_load %arg7[%get3A_236] {strides = array<i32>} : memref<1600xi32, #tpu.memory_space<vmem>>, vector<16xi32>,
    %mul3A_238 = arith.constant 1000 : i32
    %mul3A_239 = vector.broadcast %mul3A_238 : i32 to vector<16xi32>
    %mul3A_240 = arith.muli %get3A_237, %mul3A_239 : vector<16xi32>
    %get3A_241 = arith.constant 208 : index
    %get3A_242 = tpu.vector_load %arg8[%get3A_241] {strides = array<i32>} : memref<1600xi32, #tpu.memory_space<vmem>>, vector<16xi32>,
    %add3A_243 = arith.addi %mul3A_240, %get3A_242 : vector<16xi32>
    %shift_right_logical3A_244 = arith.constant 4 : i32
    %shift_right_logical3A_245 = vector.broadcast %shift_right_logical3A_244 : i32 to vector<16xi32>
    %shift_right_logical3A_246 = arith.shrui %add3A_243, %shift_right_logical3A_245 : vector<16xi32>
    %swap3A_247 = arith.constant 208 : index
    %swap3A_248 = tpu.vector_load %arg9[%swap3A_247] {strides = array<i32>} : memref<1600xi32, #tpu.memory_space<vmem>>, vector<16xi32>,
    tpu.vector_store %arg9[%swap3A_247], %shift_right_logical3A_246 {strides = array<i32>} : memref<1600xi32, #tpu.memory_space<vmem>>, vector<16xi32>,
    %and3A_249 = arith.constant 15 : i32
    %and3A_250 = vector.broadcast %and3A_249 : i32 to vector<16xi32>
    %and3A_251 = arith.andi %add3A_243, %and3A_250 : vector<16xi32>
    %swap3A_252 = arith.constant 208 : index
    %swap3A_253 = tpu.vector_load %arg10[%swap3A_252] {strides = array<i32>} : memref<1600xi32, #tpu.memory_space<vmem>>, vector<16xi32>,
    tpu.vector_store %arg10[%swap3A_252], %and3A_251 {strides = array<i32>} : memref<1600xi32, #tpu.memory_space<vmem>>, vector<16xi32>,
    %get3A_254 = arith.constant 224 : index
    %get3A_255 = tpu.vector_load %arg7[%get3A_254] {strides = array<i32>} : memref<1600xi32, #tpu.memory_space<vmem>>, vector<16xi32>,
    %mul3A_256 = arith.constant 1000 : i32
    %mul3A_257 = vector.broadcast %mul3A_256 : i32 to vector<16xi32>
    %mul3A_258 = arith.muli %get3A_255, %mul3A_257 : vector<16xi32>
    %get3A_259 = arith.constant 224 : index
    %get3A_260 = tpu.vector_load %arg8[%get3A_259] {strides = array<i32>} : memref<1600xi32, #tpu.memory_space<vmem>>, vector<16xi32>,
    %add3A_261 = arith.addi %mul3A_258, %get3A_260 : vector<16xi32>
    %shift_right_logical3A_262 = arith.constant 4 : i32
    %shift_right_logical3A_263 = vector.broadcast %shift_right_logical3A_262 : i32 to vector<16xi32>
    %shift_right_logical3A_264 = arith.shrui %add3A_261, %shift_right_logical3A_263 : vector<16xi32>
    %swap3A_265 = arith.constant 224 : index
    %swap3A_266 = tpu.vector_load %arg9[%swap3A_265] {strides = array<i32>} : memref<1600xi32, #tpu.memory_space<vmem>>, vector<16xi32>,
    tpu.vector_store %arg9[%swap3A_265], %shift_right_logical3A_264 {strides = array<i32>} : memref<1600xi32, #tpu.memory_space<vmem>>, vector<16xi32>,
    %and3A_267 = arith.constant 15 : i32
    %and3A_268 = vector.broadcast %and3A_267 : i32 to vector<16xi32>
    %and3A_269 = arith.andi %add3A_261, %and3A_268 : vector<16xi32>
    %swap3A_270 = arith.constant 224 : index
    %swap3A_271 = tpu.vector_load %arg10[%swap3A_270] {strides = array<i32>} : memref<1600xi32, #tpu.memory_space<vmem>>, vector<16xi32>,
    tpu.vector_store %arg10[%swap3A_270], %and3A_269 {strides = array<i32>} : memref<1600xi32, #tpu.memory_space<vmem>>, vector<16xi32>,
    %get3A_272 = arith.constant 240 : index
    %get3A_273 = tpu.vector_load %arg7[%get3A_272] {strides = array<i32>} : memref<1600xi32, #tpu.memory_space<vmem>>, vector<16xi32>,
    %mul3A_274 = arith.constant 1000 : i32
    %mul3A_275 = vector.broadcast %mul3A_274 : i32 to vector<16xi32>
    %mul3A_276 = arith.muli %get3A_273, %mul3A_275 : vector<16xi32>
    %get3A_277 = arith.constant 240 : index
    %get3A_278 = tpu.vector_load %arg8[%get3A_277] {strides = array<i32>} : memref<1600xi32, #tpu.memory_space<vmem>>, vector<16xi32>,
    %add3A_279 = arith.addi %mul3A_276, %get3A_278 : vector<16xi32>
    %shift_right_logical3A_280 = arith.constant 4 : i32
    %shift_right_logical3A_281 = vector.broadcast %shift_right_logical3A_280 : i32 to vector<16xi32>
    %shift_right_logical3A_282 = arith.shrui %add3A_279, %shift_right_logical3A_281 : vector<16xi32>
    %swap3A_283 = arith.constant 240 : index
    %swap3A_284 = tpu.vector_load %arg9[%swap3A_283] {strides = array<i32>} : memref<1600xi32, #tpu.memory_space<vmem>>, vector<16xi32>,
    tpu.vector_store %arg9[%swap3A_283], %shift_right_logical3A_282 {strides = array<i32>} : memref<1600xi32, #tpu.memory_space<vmem>>, vector<16xi32>,
    %and3A_285 = arith.constant 15 : i32
    %and3A_286 = vector.broadcast %and3A_285 : i32 to vector<16xi32>
    %and3A_287 = arith.andi %add3A_279, %and3A_286 : vector<16xi32>
    %swap3A_288 = arith.constant 240 : index
    %swap3A_289 = tpu.vector_load %arg10[%swap3A_288] {strides = array<i32>} : memref<1600xi32, #tpu.memory_space<vmem>>, vector<16xi32>,
    tpu.vector_store %arg10[%swap3A_288], %and3A_287 {strides = array<i32>} : memref<1600xi32, #tpu.memory_space<vmem>>, vector<16xi32>,
    %get3A_290 = arith.constant 256 : index
    %get3A_291 = tpu.vector_load %arg7[%get3A_290] {strides = array<i32>} : memref<1600xi32, #tpu.memory_space<vmem>>, vector<16xi32>,
    %mul3A_292 = arith.constant 1000 : i32
    %mul3A_293 = vector.broadcast %mul3A_292 : i32 to vector<16xi32>
    %mul3A_294 = arith.muli %get3A_291, %mul3A_293 : vector<16xi32>
    %get3A_295 = arith.constant 256 : index
    %get3A_296 = tpu.vector_load %arg8[%get3A_295] {strides = array<i32>} : memref<1600xi32, #tpu.memory_space<vmem>>, vector<16xi32>,
    %add3A_297 = arith.addi %mul3A_294, %get3A_296 : vector<16xi32>
    %shift_right_logical3A_298 = arith.constant 4 : i32
    %shift_right_logical3A_299 = vector.broadcast %shift_right_logical3A_298 : i32 to vector<16xi32>
    %shift_right_logical3A_300 = arith.shrui %add3A_297, %shift_right_logical3A_299 : vector<16xi32>
    %swap3A_301 = arith.constant 256 : index
    %swap3A_302 = tpu.vector_load %arg9[%swap3A_301] {strides = array<i32>} : memref<1600xi32, #tpu.memory_space<vmem>>, vector<16xi32>,
    tpu.vector_store %arg9[%swap3A_301], %shift_right_logical3A_300 {strides = array<i32>} : memref<1600xi32, #tpu.memory_space<vmem>>, vector<16xi32>,
    %and3A_303 = arith.constant 15 : i32
    %and3A_304 = vector.broadcast %and3A_303 : i32 to vector<16xi32>
    %and3A_305 = arith.andi %add3A_297, %and3A_304 : vector<16xi32>
    %swap3A_306 = arith.constant 256 : index
    %swap3A_307 = tpu.vector_load %arg10[%swap3A_306] {strides = array<i32>} : memref<1600xi32, #tpu.memory_space<vmem>>, vector<16xi32>,
    tpu.vector_store %arg10[%swap3A_306], %and3A_305 {strides = array<i32>} : memref<1600xi32, #tpu.memory_space<vmem>>, vector<16xi32>,
    %get3A_308 = arith.constant 272 : index
    %get3A_309 = tpu.vector_load %arg7[%get3A_308] {strides = array<i32>} : memref<1600xi32, #tpu.memory_space<vmem>>, vector<16xi32>,
    %mul3A_310 = arith.constant 1000 : i32
    %mul3A_311 = vector.broadcast %mul3A_310 : i32 to vector<16xi32>
    %mul3A_312 = arith.muli %get3A_309, %mul3A_311 : vector<16xi32>
    %get3A_313 = arith.constant 272 : index
    %get3A_314 = tpu.vector_load %arg8[%get3A_313] {strides = array<i32>} : memref<1600xi32, #tpu.memory_space<vmem>>, vector<16xi32>,
    %add3A_315 = arith.addi %mul3A_312, %get3A_314 : vector<16xi32>
    %shift_right_logical3A_316 = arith.constant 4 : i32
    %shift_right_logical3A_317 = vector.broadcast %shift_right_logical3A_316 : i32 to vector<16xi32>
    %shift_right_logical3A_318 = arith.shrui %add3A_315, %shift_right_logical3A_317 : vector<16xi32>
    %swap3A_319 = arith.constant 272 : index
    %swap3A_320 = tpu.vector_load %arg9[%swap3A_319] {strides = array<i32>} : memref<1600xi32, #tpu.memory_space<vmem>>, vector<16xi32>,
    tpu.vector_store %arg9[%swap3A_319], %shift_right_logical3A_318 {strides = array<i32>} : memref<1600xi32, #tpu.memory_space<vmem>>, vector<16xi32>,
    %and3A_321 = arith.constant 15 : i32
    %and3A_322 = vector.broadcast %and3A_321 : i32 to vector<16xi32>
    %and3A_323 = arith.andi %add3A_315, %and3A_322 : vector<16xi32>
    %swap3A_324 = arith.constant 272 : index
    %swap3A_325 = tpu.vector_load %arg10[%swap3A_324] {strides = array<i32>} : memref<1600xi32, #tpu.memory_space<vmem>>, vector<16xi32>,
    tpu.vector_store %arg10[%swap3A_324], %and3A_323 {strides = array<i32>} : memref<1600xi32, #tpu.memory_space<vmem>>, vector<16xi32>,
    %get3A_326 = arith.constant 288 : index
    %get3A_327 = tpu.vector_load %arg7[%get3A_326] {strides = array<i32>} : memref<1600xi32, #tpu.memory_space<vmem>>, vector<16xi32>,
    %mul3A_328 = arith.constant 1000 : i32
    %mul3A_329 = vector.broadcast %mul3A_328 : i32 to vector<16xi32>
    %mul3A_330 = arith.muli %get3A_327, %mul3A_329 : vector<16xi32>
    %get3A_331 = arith.constant 288 : index
    %get3A_332 = tpu.vector_load %arg8[%get3A_331] {strides = array<i32>} : memref<1600xi32, #tpu.memory_space<vmem>>, vector<16xi32>,
    %add3A_333 = arith.addi %mul3A_330, %get3A_332 : vector<16xi32>
    %shift_right_logical3A_334 = arith.constant 4 : i32
    %shift_right_logical3A_335 = vector.broadcast %shift_right_logical3A_334 : i32 to vector<16xi32>
    %shift_right_logical3A_336 = arith.shrui %add3A_333, %shift_right_logical3A_335 : vector<16xi32>
    %swap3A_337 = arith.constant 288 : index
    %swap3A_338 = tpu.vector_load %arg9[%swap3A_337] {strides = array<i32>} : memref<1600xi32, #tpu.memory_space<vmem>>, vector<16xi32>,
    tpu.vector_store %arg9[%swap3A_337], %shift_right_logical3A_336 {strides = array<i32>} : memref<1600xi32, #tpu.memory_space<vmem>>, vector<16xi32>,
    %and3A_339 = arith.constant 15 : i32
    %and3A_340 = vector.broadcast %and3A_339 : i32 to vector<16xi32>
    %and3A_341 = arith.andi %add3A_333, %and3A_340 : vector<16xi32>
    %swap3A_342 = arith.constant 288 : index
    %swap3A_343 = tpu.vector_load %arg10[%swap3A_342] {strides = array<i32>} : memref<1600xi32, #tpu.memory_space<vmem>>, vector<16xi32>,
    tpu.vector_store %arg10[%swap3A_342], %and3A_341 {strides = array<i32>} : memref<1600xi32, #tpu.memory_space<vmem>>, vector<16xi32>,
    %get3A_344 = arith.constant 304 : index
    %get3A_345 = tpu.vector_load %arg7[%get3A_344] {strides = array<i32>} : memref<1600xi32, #tpu.memory_space<vmem>>, vector<16xi32>,
    %mul3A_346 = arith.constant 1000 : i32
    %mul3A_347 = vector.broadcast %mul3A_346 : i32 to vector<16xi32>
    %mul3A_348 = arith.muli %get3A_345, %mul3A_347 : vector<16xi32>
    %get3A_349 = arith.constant 304 : index
    %get3A_350 = tpu.vector_load %arg8[%get3A_349] {strides = array<i32>} : memref<1600xi32, #tpu.memory_space<vmem>>, vector<16xi32>,
    %add3A_351 = arith.addi %mul3A_348, %get3A_350 : vector<16xi32>
    %shift_right_logical3A_352 = arith.constant 4 : i32
    %shift_right_logical3A_353 = vector.broadcast %shift_right_logical3A_352 : i32 to vector<16xi32>
    %shift_right_logical3A_354 = arith.shrui %add3A_351, %shift_right_logical3A_353 : vector<16xi32>
    %swap3A_355 = arith.constant 304 : index
    %swap3A_356 = tpu.vector_load %arg9[%swap3A_355] {strides = array<i32>} : memref<1600xi32, #tpu.memory_space<vmem>>, vector<16xi32>,
    tpu.vector_store %arg9[%swap3A_355], %shift_right_logical3A_354 {strides = array<i32>} : memref<1600xi32, #tpu.memory_space<vmem>>, vector<16xi32>,
    %and3A_357 = arith.constant 15 : i32
    %and3A_358 = vector.broadcast %and3A_357 : i32 to vector<16xi32>
    %and3A_359 = arith.andi %add3A_351, %and3A_358 : vector<16xi32>
    %swap3A_360 = arith.constant 304 : index
    %swap3A_361 = tpu.vector_load %arg10[%swap3A_360] {strides = array<i32>} : memref<1600xi32, #tpu.memory_space<vmem>>, vector<16xi32>,
    tpu.vector_store %arg10[%swap3A_360], %and3A_359 {strides = array<i32>} : memref<1600xi32, #tpu.memory_space<vmem>>, vector<16xi32>,
    %get3A_362 = arith.constant 320 : index
    %get3A_363 = tpu.vector_load %arg7[%get3A_362] {strides = array<i32>} : memref<1600xi32, #tpu.memory_space<vmem>>, vector<16xi32>,
    %mul3A_364 = arith.constant 1000 : i32
    %mul3A_365 = vector.broadcast %mul3A_364 : i32 to vector<16xi32>
    %mul3A_366 = arith.muli %get3A_363, %mul3A_365 : vector<16xi32>
    %get3A_367 = arith.constant 320 : index
    %get3A_368 = tpu.vector_load %arg8[%get3A_367] {strides = array<i32>} : memref<1600xi32, #tpu.memory_space<vmem>>, vector<16xi32>,
    %add3A_369 = arith.addi %mul3A_366, %get3A_368 : vector<16xi32>
    %shift_right_logical3A_370 = arith.constant 4 : i32
    %shift_right_logical3A_371 = vector.broadcast %shift_right_logical3A_370 : i32 to vector<16xi32>
    %shift_right_logical3A_372 = arith.shrui %add3A_369, %shift_right_logical3A_371 : vector<16xi32>
    %swap3A_373 = arith.constant 320 : index
    %swap3A_374 = tpu.vector_load %arg9[%swap3A_373] {strides = array<i32>} : memref<1600xi32, #tpu.memory_space<vmem>>, vector<16xi32>,
    tpu.vector_store %arg9[%swap3A_373], %shift_right_logical3A_372 {strides = array<i32>} : memref<1600xi32, #tpu.memory_space<vmem>>, vector<16xi32>,
    %and3A_375 = arith.constant 15 : i32
    %and3A_376 = vector.broadcast %and3A_375 : i32 to vector<16xi32>
    %and3A_377 = arith.andi %add3A_369, %and3A_376 : vector<16xi32>
    %swap3A_378 = arith.constant 320 : index
    %swap3A_379 = tpu.vector_load %arg10[%swap3A_378] {strides = array<i32>} : memref<1600xi32, #tpu.memory_space<vmem>>, vector<16xi32>,
    tpu.vector_store %arg10[%swap3A_378], %and3A_377 {strides = array<i32>} : memref<1600xi32, #tpu.memory_space<vmem>>, vector<16xi32>,
    %get3A_380 = arith.constant 336 : index
    %get3A_381 = tpu.vector_load %arg7[%get3A_380] {strides = array<i32>} : memref<1600xi32, #tpu.memory_space<vmem>>, vector<16xi32>,
    %mul3A_382 = arith.constant 1000 : i32
    %mul3A_383 = vector.broadcast %mul3A_382 : i32 to vector<16xi32>
    %mul3A_384 = arith.muli %get3A_381, %mul3A_383 : vector<16xi32>
    %get3A_385 = arith.constant 336 : index
    %get3A_386 = tpu.vector_load %arg8[%get3A_385] {strides = array<i32>} : memref<1600xi32, #tpu.memory_space<vmem>>, vector<16xi32>,
    %add3A_387 = arith.addi %mul3A_384, %get3A_386 : vector<16xi32>
    %shift_right_logical3A_388 = arith.constant 4 : i32
    %shift_right_logical3A_389 = vector.broadcast %shift_right_logical3A_388 : i32 to vector<16xi32>
    %shift_right_logical3A_390 = arith.shrui %add3A_387, %shift_right_logical3A_389 : vector<16xi32>
    %swap3A_391 = arith.constant 336 : index
    %swap3A_392 = tpu.vector_load %arg9[%swap3A_391] {strides = array<i32>} : memref<1600xi32, #tpu.memory_space<vmem>>, vector<16xi32>,
    tpu.vector_store %arg9[%swap3A_391], %shift_right_logical3A_390 {strides = array<i32>} : memref<1600xi32, #tpu.memory_space<vmem>>, vector<16xi32>,
    %and3A_393 = arith.constant 15 : i32
    %and3A_394 = vector.broadcast %and3A_393 : i32 to vector<16xi32>
    %and3A_395 = arith.andi %add3A_387, %and3A_394 : vector<16xi32>
    %swap3A_396 = arith.constant 336 : index
    %swap3A_397 = tpu.vector_load %arg10[%swap3A_396] {strides = array<i32>} : memref<1600xi32, #tpu.memory_space<vmem>>, vector<16xi32>,
    tpu.vector_store %arg10[%swap3A_396], %and3A_395 {strides = array<i32>} : memref<1600xi32, #tpu.memory_space<vmem>>, vector<16xi32>,
    %get3A_398 = arith.constant 352 : index
    %get3A_399 = tpu.vector_load %arg7[%get3A_398] {strides = array<i32>} : memref<1600xi32, #tpu.memory_space<vmem>>, vector<16xi32>,
    %mul3A_400 = arith.constant 1000 : i32
    %mul3A_401 = vector.broadcast %mul3A_400 : i32 to vector<16xi32>
    %mul3A_402 = arith.muli %get3A_399, %mul3A_401 : vector<16xi32>
    %get3A_403 = arith.constant 352 : index
    %get3A_404 = tpu.vector_load %arg8[%get3A_403] {strides = array<i32>} : memref<1600xi32, #tpu.memory_space<vmem>>, vector<16xi32>,
    %add3A_405 = arith.addi %mul3A_402, %get3A_404 : vector<16xi32>
    %shift_right_logical3A_406 = arith.constant 4 : i32
    %shift_right_logical3A_407 = vector.broadcast %shift_right_logical3A_406 : i32 to vector<16xi32>
    %shift_right_logical3A_408 = arith.shrui %add3A_405, %shift_right_logical3A_407 : vector<16xi32>
    %swap3A_409 = arith.constant 352 : index
    %swap3A_410 = tpu.vector_load %arg9[%swap3A_409] {strides = array<i32>} : memref<1600xi32, #tpu.memory_space<vmem>>, vector<16xi32>,
    tpu.vector_store %arg9[%swap3A_409], %shift_right_logical3A_408 {strides = array<i32>} : memref<1600xi32, #tpu.memory_space<vmem>>, vector<16xi32>,
    %and3A_411 = arith.constant 15 : i32
    %and3A_412 = vector.broadcast %and3A_411 : i32 to vector<16xi32>
    %and3A_413 = arith.andi %add3A_405, %and3A_412 : vector<16xi32>
    %swap3A_414 = arith.constant 352 : index
    %swap3A_415 = tpu.vector_load %arg10[%swap3A_414] {strides = array<i32>} : memref<1600xi32, #tpu.memory_space<vmem>>, vector<16xi32>,
    tpu.vector_store %arg10[%swap3A_414], %and3A_413 {strides = array<i32>} : memref<1600xi32, #tpu.memory_space<vmem>>, vector<16xi32>,
    %get3A_416 = arith.constant 368 : index
    %get3A_417 = tpu.vector_load %arg7[%get3A_416] {strides = array<i32>} : memref<1600xi32, #tpu.memory_space<vmem>>, vector<16xi32>,
    %mul3A_418 = arith.constant 1000 : i32
    %mul3A_419 = vector.broadcast %mul3A_418 : i32 to vector<16xi32>
    %mul3A_420 = arith.muli %get3A_417, %mul3A_419 : vector<16xi32>
    %get3A_421 = arith.constant 368 : index
    %get3A_422 = tpu.vector_load %arg8[%get3A_421] {strides = array<i32>} : memref<1600xi32, #tpu.memory_space<vmem>>, vector<16xi32>,
    %add3A_423 = arith.addi %mul3A_420, %get3A_422 : vector<16xi32>
    %shift_right_logical3A_424 = arith.constant 4 : i32
    %shift_right_logical3A_425 = vector.broadcast %shift_right_logical3A_424 : i32 to vector<16xi32>
    %shift_right_logical3A_426 = arith.shrui %add3A_423, %shift_right_logical3A_425 : vector<16xi32>
    %swap3A_427 = arith.constant 368 : index
    %swap3A_428 = tpu.vector_load %arg9[%swap3A_427] {strides = array<i32>} : memref<1600xi32, #tpu.memory_space<vmem>>, vector<16xi32>,
    tpu.vector_store %arg9[%swap3A_427], %shift_right_logical3A_426 {strides = array<i32>} : memref<1600xi32, #tpu.memory_space<vmem>>, vector<16xi32>,
    %and3A_429 = arith.constant 15 : i32
    %and3A_430 = vector.broadcast %and3A_429 : i32 to vector<16xi32>
    %and3A_431 = arith.andi %add3A_423, %and3A_430 : vector<16xi32>
    %swap3A_432 = arith.constant 368 : index
    %swap3A_433 = tpu.vector_load %arg10[%swap3A_432] {strides = array<i32>} : memref<1600xi32, #tpu.memory_space<vmem>>, vector<16xi32>,
    tpu.vector_store %arg10[%swap3A_432], %and3A_431 {strides = array<i32>} : memref<1600xi32, #tpu.memory_space<vmem>>, vector<16xi32>,
    %get3A_434 = arith.constant 384 : index
    %get3A_435 = tpu.vector_load %arg7[%get3A_434] {strides = array<i32>} : memref<1600xi32, #tpu.memory_space<vmem>>, vector<16xi32>,
    %mul3A_436 = arith.constant 1000 : i32
    %mul3A_437 = vector.broadcast %mul3A_436 : i32 to vector<16xi32>
    %mul3A_438 = arith.muli %get3A_435, %mul3A_437 : vector<16xi32>
    %get3A_439 = arith.constant 384 : index
    %get3A_440 = tpu.vector_load %arg8[%get3A_439] {strides = array<i32>} : memref<1600xi32, #tpu.memory_space<vmem>>, vector<16xi32>,
    %add3A_441 = arith.addi %mul3A_438, %get3A_440 : vector<16xi32>
    %shift_right_logical3A_442 = arith.constant 4 : i32
    %shift_right_logical3A_443 = vector.broadcast %shift_right_logical3A_442 : i32 to vector<16xi32>
    %shift_right_logical3A_444 = arith.shrui %add3A_441, %shift_right_logical3A_443 : vector<16xi32>
    %swap3A_445 = arith.constant 384 : index
    %swap3A_446 = tpu.vector_load %arg9[%swap3A_445] {strides = array<i32>} : memref<1600xi32, #tpu.memory_space<vmem>>, vector<16xi32>,
    tpu.vector_store %arg9[%swap3A_445], %shift_right_logical3A_444 {strides = array<i32>} : memref<1600xi32, #tpu.memory_space<vmem>>, vector<16xi32>,
    %and3A_447 = arith.constant 15 : i32
    %and3A_448 = vector.broadcast %and3A_447 : i32 to vector<16xi32>
    %and3A_449 = arith.andi %add3A_441, %and3A_448 : vector<16xi32>
    %swap3A_450 = arith.constant 384 : index
    %swap3A_451 = tpu.vector_load %arg10[%swap3A_450] {strides = array<i32>} : memref<1600xi32, #tpu.memory_space<vmem>>, vector<16xi32>,
    tpu.vector_store %arg10[%swap3A_450], %and3A_449 {strides = array<i32>} : memref<1600xi32, #tpu.memory_space<vmem>>, vector<16xi32>,
    %get3A_452 = arith.constant 400 : index
    %get3A_453 = tpu.vector_load %arg7[%get3A_452] {strides = array<i32>} : memref<1600xi32, #tpu.memory_space<vmem>>, vector<16xi32>,
    %mul3A_454 = arith.constant 1000 : i32
    %mul3A_455 = vector.broadcast %mul3A_454 : i32 to vector<16xi32>
    %mul3A_456 = arith.muli %get3A_453, %mul3A_455 : vector<16xi32>
    %get3A_457 = arith.constant 400 : index
    %get3A_458 = tpu.vector_load %arg8[%get3A_457] {strides = array<i32>} : memref<1600xi32, #tpu.memory_space<vmem>>, vector<16xi32>,
    %add3A_459 = arith.addi %mul3A_456, %get3A_458 : vector<16xi32>
    %shift_right_logical3A_460 = arith.constant 4 : i32
    %shift_right_logical3A_461 = vector.broadcast %shift_right_logical3A_460 : i32 to vector<16xi32>
    %shift_right_logical3A_462 = arith.shrui %add3A_459, %shift_right_logical3A_461 : vector<16xi32>
    %swap3A_463 = arith.constant 400 : index
    %swap3A_464 = tpu.vector_load %arg9[%swap3A_463] {strides = array<i32>} : memref<1600xi32, #tpu.memory_space<vmem>>, vector<16xi32>,
    tpu.vector_store %arg9[%swap3A_463], %shift_right_logical3A_462 {strides = array<i32>} : memref<1600xi32, #tpu.memory_space<vmem>>, vector<16xi32>,
    %and3A_465 = arith.constant 15 : i32
    %and3A_466 = vector.broadcast %and3A_465 : i32 to vector<16xi32>
    %and3A_467 = arith.andi %add3A_459, %and3A_466 : vector<16xi32>
    %swap3A_468 = arith.constant 400 : index
    %swap3A_469 = tpu.vector_load %arg10[%swap3A_468] {strides = array<i32>} : memref<1600xi32, #tpu.memory_space<vmem>>, vector<16xi32>,
    tpu.vector_store %arg10[%swap3A_468], %and3A_467 {strides = array<i32>} : memref<1600xi32, #tpu.memory_space<vmem>>, vector<16xi32>,
    %get3A_470 = arith.constant 416 : index
    %get3A_471 = tpu.vector_load %arg7[%get3A_470] {strides = array<i32>} : memref<1600xi32, #tpu.memory_space<vmem>>, vector<16xi32>,
    %mul3A_472 = arith.constant 1000 : i32
    %mul3A_473 = vector.broadcast %mul3A_472 : i32 to vector<16xi32>
    %mul3A_474 = arith.muli %get3A_471, %mul3A_473 : vector<16xi32>
    %get3A_475 = arith.constant 416 : index
    %get3A_476 = tpu.vector_load %arg8[%get3A_475] {strides = array<i32>} : memref<1600xi32, #tpu.memory_space<vmem>>, vector<16xi32>,
    %add3A_477 = arith.addi %mul3A_474, %get3A_476 : vector<16xi32>
    %shift_right_logical3A_478 = arith.constant 4 : i32
    %shift_right_logical3A_479 = vector.broadcast %shift_right_logical3A_478 : i32 to vector<16xi32>
    %shift_right_logical3A_480 = arith.shrui %add3A_477, %shift_right_logical3A_479 : vector<16xi32>
    %swap3A_481 = arith.constant 416 : index
    %swap3A_482 = tpu.vector_load %arg9[%swap3A_481] {strides = array<i32>} : memref<1600xi32, #tpu.memory_space<vmem>>, vector<16xi32>,
    tpu.vector_store %arg9[%swap3A_481], %shift_right_logical3A_480 {strides = array<i32>} : memref<1600xi32, #tpu.memory_space<vmem>>, vector<16xi32>,
    %and3A_483 = arith.constant 15 : i32
    %and3A_484 = vector.broadcast %and3A_483 : i32 to vector<16xi32>
    %and3A_485 = arith.andi %add3A_477, %and3A_484 : vector<16xi32>
    %swap3A_486 = arith.constant 416 : index
    %swap3A_487 = tpu.vector_load %arg10[%swap3A_486] {strides = array<i32>} : memref<1600xi32, #tpu.memory_space<vmem>>, vector<16xi32>,
    tpu.vector_store %arg10[%swap3A_486], %and3A_485 {strides = array<i32>} : memref<1600xi32, #tpu.memory_space<vmem>>, vector<16xi32>,
    %get3A_488 = arith.constant 432 : index
    %get3A_489 = tpu.vector_load %arg7[%get3A_488] {strides = array<i32>} : memref<1600xi32, #tpu.memory_space<vmem>>, vector<16xi32>,
    %mul3A_490 = arith.constant 1000 : i32
    %mul3A_491 = vector.broadcast %mul3A_490 : i32 to vector<16xi32>
    %mul3A_492 = arith.muli %get3A_489, %mul3A_491 : vector<16xi32>
    %get3A_493 = arith.constant 432 : index
    %get3A_494 = tpu.vector_load %arg8[%get3A_493] {strides = array<i32>} : memref<1600xi32, #tpu.memory_space<vmem>>, vector<16xi32>,
    %add3A_495 = arith.addi %mul3A_492, %get3A_494 : vector<16xi32>
    %shift_right_logical3A_496 = arith.constant 4 : i32
    %shift_right_logical3A_497 = vector.broadcast %shift_right_logical3A_496 : i32 to vector<16xi32>
    %shift_right_logical3A_498 = arith.shrui %add3A_495, %shift_right_logical3A_497 : vector<16xi32>
    %swap3A_499 = arith.constant 432 : index
    %swap3A_500 = tpu.vector_load %arg9[%swap3A_499] {strides = array<i32>} : memref<1600xi32, #tpu.memory_space<vmem>>, vector<16xi32>,
    tpu.vector_store %arg9[%swap3A_499], %shift_right_logical3A_498 {strides = array<i32>} : memref<1600xi32, #tpu.memory_space<vmem>>, vector<16xi32>,
    %and3A_501 = arith.constant 15 : i32
    %and3A_502 = vector.broadcast %and3A_501 : i32 to vector<16xi32>
    %and3A_503 = arith.andi %add3A_495, %and3A_502 : vector<16xi32>
    %swap3A_504 = arith.constant 432 : index
    %swap3A_505 = tpu.vector_load %arg10[%swap3A_504] {strides = array<i32>} : memref<1600xi32, #tpu.memory_space<vmem>>, vector<16xi32>,
    tpu.vector_store %arg10[%swap3A_504], %and3A_503 {strides = array<i32>} : memref<1600xi32, #tpu.memory_space<vmem>>, vector<16xi32>,
    %get3A_506 = arith.constant 448 : index
    %get3A_507 = tpu.vector_load %arg7[%get3A_506] {strides = array<i32>} : memref<1600xi32, #tpu.memory_space<vmem>>, vector<16xi32>,
    %mul3A_508 = arith.constant 1000 : i32
    %mul3A_509 = vector.broadcast %mul3A_508 : i32 to vector<16xi32>
    %mul3A_510 = arith.muli %get3A_507, %mul3A_509 : vector<16xi32>
    %get3A_511 = arith.constant 448 : index
    %get3A_512 = tpu.vector_load %arg8[%get3A_511] {strides = array<i32>} : memref<1600xi32, #tpu.memory_space<vmem>>, vector<16xi32>,
    %add3A_513 = arith.addi %mul3A_510, %get3A_512 : vector<16xi32>
    %shift_right_logical3A_514 = arith.constant 4 : i32
    %shift_right_logical3A_515 = vector.broadcast %shift_right_logical3A_514 : i32 to vector<16xi32>
    %shift_right_logical3A_516 = arith.shrui %add3A_513, %shift_right_logical3A_515 : vector<16xi32>
    %swap3A_517 = arith.constant 448 : index
    %swap3A_518 = tpu.vector_load %arg9[%swap3A_517] {strides = array<i32>} : memref<1600xi32, #tpu.memory_space<vmem>>, vector<16xi32>,
    tpu.vector_store %arg9[%swap3A_517], %shift_right_logical3A_516 {strides = array<i32>} : memref<1600xi32, #tpu.memory_space<vmem>>, vector<16xi32>,
    %and3A_519 = arith.constant 15 : i32
    %and3A_520 = vector.broadcast %and3A_519 : i32 to vector<16xi32>
    %and3A_521 = arith.andi %add3A_513, %and3A_520 : vector<16xi32>
    %swap3A_522 = arith.constant 448 : index
    %swap3A_523 = tpu.vector_load %arg10[%swap3A_522] {strides = array<i32>} : memref<1600xi32, #tpu.memory_space<vmem>>, vector<16xi32>,
    tpu.vector_store %arg10[%swap3A_522], %and3A_521 {strides = array<i32>} : memref<1600xi32, #tpu.memory_space<vmem>>, vector<16xi32>,
    %get3A_524 = arith.constant 464 : index
    %get3A_525 = tpu.vector_load %arg7[%get3A_524] {strides = array<i32>} : memref<1600xi32, #tpu.memory_space<vmem>>, vector<16xi32>,
    %mul3A_526 = arith.constant 1000 : i32
    %mul3A_527 = vector.broadcast %mul3A_526 : i32 to vector<16xi32>
    %mul3A_528 = arith.muli %get3A_525, %mul3A_527 : vector<16xi32>
    %get3A_529 = arith.constant 464 : index
    %get3A_530 = tpu.vector_load %arg8[%get3A_529] {strides = array<i32>} : memref<1600xi32, #tpu.memory_space<vmem>>, vector<16xi32>,
    %add3A_531 = arith.addi %mul3A_528, %get3A_530 : vector<16xi32>
    %shift_right_logical3A_532 = arith.constant 4 : i32
    %shift_right_logical3A_533 = vector.broadcast %shift_right_logical3A_532 : i32 to vector<16xi32>
    %shift_right_logical3A_534 = arith.shrui %add3A_531, %shift_right_logical3A_533 : vector<16xi32>
    %swap3A_535 = arith.constant 464 : index
    %swap3A_536 = tpu.vector_load %arg9[%swap3A_535] {strides = array<i32>} : memref<1600xi32, #tpu.memory_space<vmem>>, vector<16xi32>,
    tpu.vector_store %arg9[%swap3A_535], %shift_right_logical3A_534 {strides = array<i32>} : memref<1600xi32, #tpu.memory_space<vmem>>, vector<16xi32>,
    %and3A_537 = arith.constant 15 : i32
    %and3A_538 = vector.broadcast %and3A_537 : i32 to vector<16xi32>
    %and3A_539 = arith.andi %add3A_531, %and3A_538 : vector<16xi32>
    %swap3A_540 = arith.constant 464 : index
    %swap3A_541 = tpu.vector_load %arg10[%swap3A_540] {strides = array<i32>} : memref<1600xi32, #tpu.memory_space<vmem>>, vector<16xi32>,
    tpu.vector_store %arg10[%swap3A_540], %and3A_539 {strides = array<i32>} : memref<1600xi32, #tpu.memory_space<vmem>>, vector<16xi32>,
    %get3A_542 = arith.constant 480 : index
    %get3A_543 = tpu.vector_load %arg7[%get3A_542] {strides = array<i32>} : memref<1600xi32, #tpu.memory_space<vmem>>, vector<16xi32>,
    %mul3A_544 = arith.constant 1000 : i32
    %mul3A_545 = vector.broadcast %mul3A_544 : i32 to vector<16xi32>
    %mul3A_546 = arith.muli %get3A_543, %mul3A_545 : vector<16xi32>
    %get3A_547 = arith.constant 480 : index
    %get3A_548 = tpu.vector_load %arg8[%get3A_547] {strides = array<i32>} : memref<1600xi32, #tpu.memory_space<vmem>>, vector<16xi32>,
    %add3A_549 = arith.addi %mul3A_546, %get3A_548 : vector<16xi32>
    %shift_right_logical3A_550 = arith.constant 4 : i32
    %shift_right_logical3A_551 = vector.broadcast %shift_right_logical3A_550 : i32 to vector<16xi32>
    %shift_right_logical3A_552 = arith.shrui %add3A_549, %shift_right_logical3A_551 : vector<16xi32>
    %swap3A_553 = arith.constant 480 : index
    %swap3A_554 = tpu.vector_load %arg9[%swap3A_553] {strides = array<i32>} : memref<1600xi32, #tpu.memory_space<vmem>>, vector<16xi32>,
    tpu.vector_store %arg9[%swap3A_553], %shift_right_logical3A_552 {strides = array<i32>} : memref<1600xi32, #tpu.memory_space<vmem>>, vector<16xi32>,
    %and3A_555 = arith.constant 15 : i32
    %and3A_556 = vector.broadcast %and3A_555 : i32 to vector<16xi32>
    %and3A_557 = arith.andi %add3A_549, %and3A_556 : vector<16xi32>
    %swap3A_558 = arith.constant 480 : index
    %swap3A_559 = tpu.vector_load %arg10[%swap3A_558] {strides = array<i32>} : memref<1600xi32, #tpu.memory_space<vmem>>, vector<16xi32>,
    tpu.vector_store %arg10[%swap3A_558], %and3A_557 {strides = array<i32>} : memref<1600xi32, #tpu.memory_space<vmem>>, vector<16xi32>,
    %get3A_560 = arith.constant 496 : index
    %get3A_561 = tpu.vector_load %arg7[%get3A_560] {strides = array<i32>} : memref<1600xi32, #tpu.memory_space<vmem>>, vector<16xi32>,
    %mul3A_562 = arith.constant 1000 : i32
    %mul3A_563 = vector.broadcast %mul3A_562 : i32 to vector<16xi32>
    %mul3A_564 = arith.muli %get3A_561, %mul3A_563 : vector<16xi32>
    %get3A_565 = arith.constant 496 : index
    %get3A_566 = tpu.vector_load %arg8[%get3A_565] {strides = array<i32>} : memref<1600xi32, #tpu.memory_space<vmem>>, vector<16xi32>,
    %add3A_567 = arith.addi %mul3A_564, %get3A_566 : vector<16xi32>
    %shift_right_logical3A_568 = arith.constant 4 : i32
    %shift_right_logical3A_569 = vector.broadcast %shift_right_logical3A_568 : i32 to vector<16xi32>
    %shift_right_logical3A_570 = arith.shrui %add3A_567, %shift_right_logical3A_569 : vector<16xi32>
    %swap3A_571 = arith.constant 496 : index
    %swap3A_572 = tpu.vector_load %arg9[%swap3A_571] {strides = array<i32>} : memref<1600xi32, #tpu.memory_space<vmem>>, vector<16xi32>,
    tpu.vector_store %arg9[%swap3A_571], %shift_right_logical3A_570 {strides = array<i32>} : memref<1600xi32, #tpu.memory_space<vmem>>, vector<16xi32>,
    %and3A_573 = arith.constant 15 : i32
    %and3A_574 = vector.broadcast %and3A_573 : i32 to vector<16xi32>
    %and3A_575 = arith.andi %add3A_567, %and3A_574 : vector<16xi32>
    %swap3A_576 = arith.constant 496 : index
    %swap3A_577 = tpu.vector_load %arg10[%swap3A_576] {strides = array<i32>} : memref<1600xi32, #tpu.memory_space<vmem>>, vector<16xi32>,
    tpu.vector_store %arg10[%swap3A_576], %and3A_575 {strides = array<i32>} : memref<1600xi32, #tpu.memory_space<vmem>>, vector<16xi32>,
    %get3A_578 = arith.constant 512 : index
    %get3A_579 = tpu.vector_load %arg7[%get3A_578] {strides = array<i32>} : memref<1600xi32, #tpu.memory_space<vmem>>, vector<16xi32>,
    %mul3A_580 = arith.constant 1000 : i32
    %mul3A_581 = vector.broadcast %mul3A_580 : i32 to vector<16xi32>
    %mul3A_582 = arith.muli %get3A_579, %mul3A_581 : vector<16xi32>
    %get3A_583 = arith.constant 512 : index
    %get3A_584 = tpu.vector_load %arg8[%get3A_583] {strides = array<i32>} : memref<1600xi32, #tpu.memory_space<vmem>>, vector<16xi32>,
    %add3A_585 = arith.addi %mul3A_582, %get3A_584 : vector<16xi32>
    %shift_right_logical3A_586 = arith.constant 4 : i32
    %shift_right_logical3A_587 = vector.broadcast %shift_right_logical3A_586 : i32 to vector<16xi32>
    %shift_right_logical3A_588 = arith.shrui %add3A_585, %shift_right_logical3A_587 : vector<16xi32>
    %swap3A_589 = arith.constant 512 : index
    %swap3A_590 = tpu.vector_load %arg9[%swap3A_589] {strides = array<i32>} : memref<1600xi32, #tpu.memory_space<vmem>>, vector<16xi32>,
    tpu.vector_store %arg9[%swap3A_589], %shift_right_logical3A_588 {strides = array<i32>} : memref<1600xi32, #tpu.memory_space<vmem>>, vector<16xi32>,
    %and3A_591 = arith.constant 15 : i32
    %and3A_592 = vector.broadcast %and3A_591 : i32 to vector<16xi32>
    %and3A_593 = arith.andi %add3A_585, %and3A_592 : vector<16xi32>
    %swap3A_594 = arith.constant 512 : index
    %swap3A_595 = tpu.vector_load %arg10[%swap3A_594] {strides = array<i32>} : memref<1600xi32, #tpu.memory_space<vmem>>, vector<16xi32>,
    tpu.vector_store %arg10[%swap3A_594], %and3A_593 {strides = array<i32>} : memref<1600xi32, #tpu.memory_space<vmem>>, vector<16xi32>,
    %get3A_596 = arith.constant 528 : index
    %get3A_597 = tpu.vector_load %arg7[%get3A_596] {strides = array<i32>} : memref<1600xi32, #tpu.memory_space<vmem>>, vector<16xi32>,
    %mul3A_598 = arith.constant 1000 : i32
    %mul3A_599 = vector.broadcast %mul3A_598 : i32 to vector<16xi32>
    %mul3A_600 = arith.muli %get3A_597, %mul3A_599 : vector<16xi32>
    %get3A_601 = arith.constant 528 : index
    %get3A_602 = tpu.vector_load %arg8[%get3A_601] {strides = array<i32>} : memref<1600xi32, #tpu.memory_space<vmem>>, vector<16xi32>,
    %add3A_603 = arith.addi %mul3A_600, %get3A_602 : vector<16xi32>
    %shift_right_logical3A_604 = arith.constant 4 : i32
    %shift_right_logical3A_605 = vector.broadcast %shift_right_logical3A_604 : i32 to vector<16xi32>
    %shift_right_logical3A_606 = arith.shrui %add3A_603, %shift_right_logical3A_605 : vector<16xi32>
    %swap3A_607 = arith.constant 528 : index
    %swap3A_608 = tpu.vector_load %arg9[%swap3A_607] {strides = array<i32>} : memref<1600xi32, #tpu.memory_space<vmem>>, vector<16xi32>,
    tpu.vector_store %arg9[%swap3A_607], %shift_right_logical3A_606 {strides = array<i32>} : memref<1600xi32, #tpu.memory_space<vmem>>, vector<16xi32>,
    %and3A_609 = arith.constant 15 : i32
    %and3A_610 = vector.broadcast %and3A_609 : i32 to vector<16xi32>
    %and3A_611 = arith.andi %add3A_603, %and3A_610 : vector<16xi32>
    %swap3A_612 = arith.constant 528 : index
    %swap3A_613 = tpu.vector_load %arg10[%swap3A_612] {strides = array<i32>} : memref<1600xi32, #tpu.memory_space<vmem>>, vector<16xi32>,
    tpu.vector_store %arg10[%swap3A_612], %and3A_611 {strides = array<i32>} : memref<1600xi32, #tpu.memory_space<vmem>>, vector<16xi32>,
    %get3A_614 = arith.constant 544 : index
    %get3A_615 = tpu.vector_load %arg7[%get3A_614] {strides = array<i32>} : memref<1600xi32, #tpu.memory_space<vmem>>, vector<16xi32>,
    %mul3A_616 = arith.constant 1000 : i32
    %mul3A_617 = vector.broadcast %mul3A_616 : i32 to vector<16xi32>
    %mul3A_618 = arith.muli %get3A_615, %mul3A_617 : vector<16xi32>
    %get3A_619 = arith.constant 544 : index
    %get3A_620 = tpu.vector_load %arg8[%get3A_619] {strides = array<i32>} : memref<1600xi32, #tpu.memory_space<vmem>>, vector<16xi32>,
    %add3A_621 = arith.addi %mul3A_618, %get3A_620 : vector<16xi32>
    %shift_right_logical3A_622 = arith.constant 4 : i32
    %shift_right_logical3A_623 = vector.broadcast %shift_right_logical3A_622 : i32 to vector<16xi32>
    %shift_right_logical3A_624 = arith.shrui %add3A_621, %shift_right_logical3A_623 : vector<16xi32>
    %swap3A_625 = arith.constant 544 : index
    %swap3A_626 = tpu.vector_load %arg9[%swap3A_625] {strides = array<i32>} : memref<1600xi32, #tpu.memory_space<vmem>>, vector<16xi32>,
    tpu.vector_store %arg9[%swap3A_625], %shift_right_logical3A_624 {strides = array<i32>} : memref<1600xi32, #tpu.memory_space<vmem>>, vector<16xi32>,
    %and3A_627 = arith.constant 15 : i32
    %and3A_628 = vector.broadcast %and3A_627 : i32 to vector<16xi32>
    %and3A_629 = arith.andi %add3A_621, %and3A_628 : vector<16xi32>
    %swap3A_630 = arith.constant 544 : index
    %swap3A_631 = tpu.vector_load %arg10[%swap3A_630] {strides = array<i32>} : memref<1600xi32, #tpu.memory_space<vmem>>, vector<16xi32>,
    tpu.vector_store %arg10[%swap3A_630], %and3A_629 {strides = array<i32>} : memref<1600xi32, #tpu.memory_space<vmem>>, vector<16xi32>,
    %get3A_632 = arith.constant 560 : index
    %get3A_633 = tpu.vector_load %arg7[%get3A_632] {strides = array<i32>} : memref<1600xi32, #tpu.memory_space<vmem>>, vector<16xi32>,
    %mul3A_634 = arith.constant 1000 : i32
    %mul3A_635 = vector.broadcast %mul3A_634 : i32 to vector<16xi32>
    %mul3A_636 = arith.muli %get3A_633, %mul3A_635 : vector<16xi32>
    %get3A_637 = arith.constant 560 : index
    %get3A_638 = tpu.vector_load %arg8[%get3A_637] {strides = array<i32>} : memref<1600xi32, #tpu.memory_space<vmem>>, vector<16xi32>,
    %add3A_639 = arith.addi %mul3A_636, %get3A_638 : vector<16xi32>
    %shift_right_logical3A_640 = arith.constant 4 : i32
    %shift_right_logical3A_641 = vector.broadcast %shift_right_logical3A_640 : i32 to vector<16xi32>
    %shift_right_logical3A_642 = arith.shrui %add3A_639, %shift_right_logical3A_641 : vector<16xi32>
    %swap3A_643 = arith.constant 560 : index
    %swap3A_644 = tpu.vector_load %arg9[%swap3A_643] {strides = array<i32>} : memref<1600xi32, #tpu.memory_space<vmem>>, vector<16xi32>,
    tpu.vector_store %arg9[%swap3A_643], %shift_right_logical3A_642 {strides = array<i32>} : memref<1600xi32, #tpu.memory_space<vmem>>, vector<16xi32>,
    %and3A_645 = arith.constant 15 : i32
    %and3A_646 = vector.broadcast %and3A_645 : i32 to vector<16xi32>
    %and3A_647 = arith.andi %add3A_639, %and3A_646 : vector<16xi32>
    %swap3A_648 = arith.constant 560 : index
    %swap3A_649 = tpu.vector_load %arg10[%swap3A_648] {strides = array<i32>} : memref<1600xi32, #tpu.memory_space<vmem>>, vector<16xi32>,
    tpu.vector_store %arg10[%swap3A_648], %and3A_647 {strides = array<i32>} : memref<1600xi32, #tpu.memory_space<vmem>>, vector<16xi32>,
    %get3A_650 = arith.constant 576 : index
    %get3A_651 = tpu.vector_load %arg7[%get3A_650] {strides = array<i32>} : memref<1600xi32, #tpu.memory_space<vmem>>, vector<16xi32>,
    %mul3A_652 = arith.constant 1000 : i32
    %mul3A_653 = vector.broadcast %mul3A_652 : i32 to vector<16xi32>
    %mul3A_654 = arith.muli %get3A_651, %mul3A_653 : vector<16xi32>
    %get3A_655 = arith.constant 576 : index
    %get3A_656 = tpu.vector_load %arg8[%get3A_655] {strides = array<i32>} : memref<1600xi32, #tpu.memory_space<vmem>>, vector<16xi32>,
    %add3A_657 = arith.addi %mul3A_654, %get3A_656 : vector<16xi32>
    %shift_right_logical3A_658 = arith.constant 4 : i32
    %shift_right_logical3A_659 = vector.broadcast %shift_right_logical3A_658 : i32 to vector<16xi32>
    %shift_right_logical3A_660 = arith.shrui %add3A_657, %shift_right_logical3A_659 : vector<16xi32>
    %swap3A_661 = arith.constant 576 : index
    %swap3A_662 = tpu.vector_load %arg9[%swap3A_661] {strides = array<i32>} : memref<1600xi32, #tpu.memory_space<vmem>>, vector<16xi32>,
    tpu.vector_store %arg9[%swap3A_661], %shift_right_logical3A_660 {strides = array<i32>} : memref<1600xi32, #tpu.memory_space<vmem>>, vector<16xi32>,
    %and3A_663 = arith.constant 15 : i32
    %and3A_664 = vector.broadcast %and3A_663 : i32 to vector<16xi32>
    %and3A_665 = arith.andi %add3A_657, %and3A_664 : vector<16xi32>
    %swap3A_666 = arith.constant 576 : index
    %swap3A_667 = tpu.vector_load %arg10[%swap3A_666] {strides = array<i32>} : memref<1600xi32, #tpu.memory_space<vmem>>, vector<16xi32>,
    tpu.vector_store %arg10[%swap3A_666], %and3A_665 {strides = array<i32>} : memref<1600xi32, #tpu.memory_space<vmem>>, vector<16xi32>,
    %get3A_668 = arith.constant 592 : index
    %get3A_669 = tpu.vector_load %arg7[%get3A_668] {strides = array<i32>} : memref<1600xi32, #tpu.memory_space<vmem>>, vector<16xi32>,
    %mul3A_670 = arith.constant 1000 : i32
    %mul3A_671 = vector.broadcast %mul3A_670 : i32 to vector<16xi32>
    %mul3A_672 = arith.muli %get3A_669, %mul3A_671 : vector<16xi32>
    %get3A_673 = arith.constant 592 : index
    %get3A_674 = tpu.vector_load %arg8[%get3A_673] {strides = array<i32>} : memref<1600xi32, #tpu.memory_space<vmem>>, vector<16xi32>,
    %add3A_675 = arith.addi %mul3A_672, %get3A_674 : vector<16xi32>
    %shift_right_logical3A_676 = arith.constant 4 : i32
    %shift_right_logical3A_677 = vector.broadcast %shift_right_logical3A_676 : i32 to vector<16xi32>
    %shift_right_logical3A_678 = arith.shrui %add3A_675, %shift_right_logical3A_677 : vector<16xi32>
    %swap3A_679 = arith.constant 592 : index
    %swap3A_680 = tpu.vector_load %arg9[%swap3A_679] {strides = array<i32>} : memref<1600xi32, #tpu.memory_space<vmem>>, vector<16xi32>,
    tpu.vector_store %arg9[%swap3A_679], %shift_right_logical3A_678 {strides = array<i32>} : memref<1600xi32, #tpu.memory_space<vmem>>, vector<16xi32>,
    %and3A_681 = arith.constant 15 : i32
    %and3A_682 = vector.broadcast %and3A_681 : i32 to vector<16xi32>
    %and3A_683 = arith.andi %add3A_675, %and3A_682 : vector<16xi32>
    %swap3A_684 = arith.constant 592 : index
    %swap3A_685 = tpu.vector_load %arg10[%swap3A_684] {strides = array<i32>} : memref<1600xi32, #tpu.memory_space<vmem>>, vector<16xi32>,
    tpu.vector_store %arg10[%swap3A_684], %and3A_683 {strides = array<i32>} : memref<1600xi32, #tpu.memory_space<vmem>>, vector<16xi32>,
    %get3A_686 = arith.constant 608 : index
    %get3A_687 = tpu.vector_load %arg7[%get3A_686] {strides = array<i32>} : memref<1600xi32, #tpu.memory_space<vmem>>, vector<16xi32>,
    %mul3A_688 = arith.constant 1000 : i32
    %mul3A_689 = vector.broadcast %mul3A_688 : i32 to vector<16xi32>
    %mul3A_690 = arith.muli %get3A_687, %mul3A_689 : vector<16xi32>
    %get3A_691 = arith.constant 608 : index
    %get3A_692 = tpu.vector_load %arg8[%get3A_691] {strides = array<i32>} : memref<1600xi32, #tpu.memory_space<vmem>>, vector<16xi32>,
    %add3A_693 = arith.addi %mul3A_690, %get3A_692 : vector<16xi32>
    %shift_right_logical3A_694 = arith.constant 4 : i32
    %shift_right_logical3A_695 = vector.broadcast %shift_right_logical3A_694 : i32 to vector<16xi32>
    %shift_right_logical3A_696 = arith.shrui %add3A_693, %shift_right_logical3A_695 : vector<16xi32>
    %swap3A_697 = arith.constant 608 : index
    %swap3A_698 = tpu.vector_load %arg9[%swap3A_697] {strides = array<i32>} : memref<1600xi32, #tpu.memory_space<vmem>>, vector<16xi32>,
    tpu.vector_store %arg9[%swap3A_697], %shift_right_logical3A_696 {strides = array<i32>} : memref<1600xi32, #tpu.memory_space<vmem>>, vector<16xi32>,
    %and3A_699 = arith.constant 15 : i32
    %and3A_700 = vector.broadcast %and3A_699 : i32 to vector<16xi32>
    %and3A_701 = arith.andi %add3A_693, %and3A_700 : vector<16xi32>
    %swap3A_702 = arith.constant 608 : index
    %swap3A_703 = tpu.vector_load %arg10[%swap3A_702] {strides = array<i32>} : memref<1600xi32, #tpu.memory_space<vmem>>, vector<16xi32>,
    tpu.vector_store %arg10[%swap3A_702], %and3A_701 {strides = array<i32>} : memref<1600xi32, #tpu.memory_space<vmem>>, vector<16xi32>,
    %get3A_704 = arith.constant 624 : index
    %get3A_705 = tpu.vector_load %arg7[%get3A_704] {strides = array<i32>} : memref<1600xi32, #tpu.memory_space<vmem>>, vector<16xi32>,
    %mul3A_706 = arith.constant 1000 : i32
    %mul3A_707 = vector.broadcast %mul3A_706 : i32 to vector<16xi32>
    %mul3A_708 = arith.muli %get3A_705, %mul3A_707 : vector<16xi32>
    %get3A_709 = arith.constant 624 : index
    %get3A_710 = tpu.vector_load %arg8[%get3A_709] {strides = array<i32>} : memref<1600xi32, #tpu.memory_space<vmem>>, vector<16xi32>,
    %add3A_711 = arith.addi %mul3A_708, %get3A_710 : vector<16xi32>
    %shift_right_logical3A_712 = arith.constant 4 : i32
    %shift_right_logical3A_713 = vector.broadcast %shift_right_logical3A_712 : i32 to vector<16xi32>
    %shift_right_logical3A_714 = arith.shrui %add3A_711, %shift_right_logical3A_713 : vector<16xi32>
    %swap3A_715 = arith.constant 624 : index
    %swap3A_716 = tpu.vector_load %arg9[%swap3A_715] {strides = array<i32>} : memref<1600xi32, #tpu.memory_space<vmem>>, vector<16xi32>,
    tpu.vector_store %arg9[%swap3A_715], %shift_right_logical3A_714 {strides = array<i32>} : memref<1600xi32, #tpu.memory_space<vmem>>, vector<16xi32>,
    %and3A_717 = arith.constant 15 : i32
    %and3A_718 = vector.broadcast %and3A_717 : i32 to vector<16xi32>
    %and3A_719 = arith.andi %add3A_711, %and3A_718 : vector<16xi32>
    %swap3A_720 = arith.constant 624 : index
    %swap3A_721 = tpu.vector_load %arg10[%swap3A_720] {strides = array<i32>} : memref<1600xi32, #tpu.memory_space<vmem>>, vector<16xi32>,
    tpu.vector_store %arg10[%swap3A_720], %and3A_719 {strides = array<i32>} : memref<1600xi32, #tpu.memory_space<vmem>>, vector<16xi32>,
    %get3A_722 = arith.constant 640 : index
    %get3A_723 = tpu.vector_load %arg7[%get3A_722] {strides = array<i32>} : memref<1600xi32, #tpu.memory_space<vmem>>, vector<16xi32>,
    %mul3A_724 = arith.constant 1000 : i32
    %mul3A_725 = vector.broadcast %mul3A_724 : i32 to vector<16xi32>
    %mul3A_726 = arith.muli %get3A_723, %mul3A_725 : vector<16xi32>
    %get3A_727 = arith.constant 640 : index
    %get3A_728 = tpu.vector_load %arg8[%get3A_727] {strides = array<i32>} : memref<1600xi32, #tpu.memory_space<vmem>>, vector<16xi32>,
    %add3A_729 = arith.addi %mul3A_726, %get3A_728 : vector<16xi32>
    %shift_right_logical3A_730 = arith.constant 4 : i32
    %shift_right_logical3A_731 = vector.broadcast %shift_right_logical3A_730 : i32 to vector<16xi32>
    %shift_right_logical3A_732 = arith.shrui %add3A_729, %shift_right_logical3A_731 : vector<16xi32>
    %swap3A_733 = arith.constant 640 : index
    %swap3A_734 = tpu.vector_load %arg9[%swap3A_733] {strides = array<i32>} : memref<1600xi32, #tpu.memory_space<vmem>>, vector<16xi32>,
    tpu.vector_store %arg9[%swap3A_733], %shift_right_logical3A_732 {strides = array<i32>} : memref<1600xi32, #tpu.memory_space<vmem>>, vector<16xi32>,
    %and3A_735 = arith.constant 15 : i32
    %and3A_736 = vector.broadcast %and3A_735 : i32 to vector<16xi32>
    %and3A_737 = arith.andi %add3A_729, %and3A_736 : vector<16xi32>
    %swap3A_738 = arith.constant 640 : index
    %swap3A_739 = tpu.vector_load %arg10[%swap3A_738] {strides = array<i32>} : memref<1600xi32, #tpu.memory_space<vmem>>, vector<16xi32>,
    tpu.vector_store %arg10[%swap3A_738], %and3A_737 {strides = array<i32>} : memref<1600xi32, #tpu.memory_space<vmem>>, vector<16xi32>,
    %get3A_740 = arith.constant 656 : index
    %get3A_741 = tpu.vector_load %arg7[%get3A_740] {strides = array<i32>} : memref<1600xi32, #tpu.memory_space<vmem>>, vector<16xi32>,
    %mul3A_742 = arith.constant 1000 : i32
    %mul3A_743 = vector.broadcast %mul3A_742 : i32 to vector<16xi32>
    %mul3A_744 = arith.muli %get3A_741, %mul3A_743 : vector<16xi32>
    %get3A_745 = arith.constant 656 : index
    %get3A_746 = tpu.vector_load %arg8[%get3A_745] {strides = array<i32>} : memref<1600xi32, #tpu.memory_space<vmem>>, vector<16xi32>,
    %add3A_747 = arith.addi %mul3A_744, %get3A_746 : vector<16xi32>
    %shift_right_logical3A_748 = arith.constant 4 : i32
    %shift_right_logical3A_749 = vector.broadcast %shift_right_logical3A_748 : i32 to vector<16xi32>
    %shift_right_logical3A_750 = arith.shrui %add3A_747, %shift_right_logical3A_749 : vector<16xi32>
    %swap3A_751 = arith.constant 656 : index
    %swap3A_752 = tpu.vector_load %arg9[%swap3A_751] {strides = array<i32>} : memref<1600xi32, #tpu.memory_space<vmem>>, vector<16xi32>,
    tpu.vector_store %arg9[%swap3A_751], %shift_right_logical3A_750 {strides = array<i32>} : memref<1600xi32, #tpu.memory_space<vmem>>, vector<16xi32>,
    %and3A_753 = arith.constant 15 : i32
    %and3A_754 = vector.broadcast %and3A_753 : i32 to vector<16xi32>
    %and3A_755 = arith.andi %add3A_747, %and3A_754 : vector<16xi32>
    %swap3A_756 = arith.constant 656 : index
    %swap3A_757 = tpu.vector_load %arg10[%swap3A_756] {strides = array<i32>} : memref<1600xi32, #tpu.memory_space<vmem>>, vector<16xi32>,
    tpu.vector_store %arg10[%swap3A_756], %and3A_755 {strides = array<i32>} : memref<1600xi32, #tpu.memory_space<vmem>>, vector<16xi32>,
    %get3A_758 = arith.constant 672 : index
    %get3A_759 = tpu.vector_load %arg7[%get3A_758] {strides = array<i32>} : memref<1600xi32, #tpu.memory_space<vmem>>, vector<16xi32>,
    %mul3A_760 = arith.constant 1000 : i32
    %mul3A_761 = vector.broadcast %mul3A_760 : i32 to vector<16xi32>
    %mul3A_762 = arith.muli %get3A_759, %mul3A_761 : vector<16xi32>
    %get3A_763 = arith.constant 672 : index
    %get3A_764 = tpu.vector_load %arg8[%get3A_763] {strides = array<i32>} : memref<1600xi32, #tpu.memory_space<vmem>>, vector<16xi32>,
    %add3A_765 = arith.addi %mul3A_762, %get3A_764 : vector<16xi32>
    %shift_right_logical3A_766 = arith.constant 4 : i32
    %shift_right_logical3A_767 = vector.broadcast %shift_right_logical3A_766 : i32 to vector<16xi32>
    %shift_right_logical3A_768 = arith.shrui %add3A_765, %shift_right_logical3A_767 : vector<16xi32>
    %swap3A_769 = arith.constant 672 : index
    %swap3A_770 = tpu.vector_load %arg9[%swap3A_769] {strides = array<i32>} : memref<1600xi32, #tpu.memory_space<vmem>>, vector<16xi32>,
    tpu.vector_store %arg9[%swap3A_769], %shift_right_logical3A_768 {strides = array<i32>} : memref<1600xi32, #tpu.memory_space<vmem>>, vector<16xi32>,
    %and3A_771 = arith.constant 15 : i32
    %and3A_772 = vector.broadcast %and3A_771 : i32 to vector<16xi32>
    %and3A_773 = arith.andi %add3A_765, %and3A_772 : vector<16xi32>
    %swap3A_774 = arith.constant 672 : index
    %swap3A_775 = tpu.vector_load %arg10[%swap3A_774] {strides = array<i32>} : memref<1600xi32, #tpu.memory_space<vmem>>, vector<16xi32>,
    tpu.vector_store %arg10[%swap3A_774], %and3A_773 {strides = array<i32>} : memref<1600xi32, #tpu.memory_space<vmem>>, vector<16xi32>,
    %get3A_776 = arith.constant 688 : index
    %get3A_777 = tpu.vector_load %arg7[%get3A_776] {strides = array<i32>} : memref<1600xi32, #tpu.memory_space<vmem>>, vector<16xi32>,
    %mul3A_778 = arith.constant 1000 : i32
    %mul3A_779 = vector.broadcast %mul3A_778 : i32 to vector<16xi32>
    %mul3A_780 = arith.muli %get3A_777, %mul3A_779 : vector<16xi32>
    %get3A_781 = arith.constant 688 : index
    %get3A_782 = tpu.vector_load %arg8[%get3A_781] {strides = array<i32>} : memref<1600xi32, #tpu.memory_space<vmem>>, vector<16xi32>,
    %add3A_783 = arith.addi %mul3A_780, %get3A_782 : vector<16xi32>
    %shift_right_logical3A_784 = arith.constant 4 : i32
    %shift_right_logical3A_785 = vector.broadcast %shift_right_logical3A_784 : i32 to vector<16xi32>
    %shift_right_logical3A_786 = arith.shrui %add3A_783, %shift_right_logical3A_785 : vector<16xi32>
    %swap3A_787 = arith.constant 688 : index
    %swap3A_788 = tpu.vector_load %arg9[%swap3A_787] {strides = array<i32>} : memref<1600xi32, #tpu.memory_space<vmem>>, vector<16xi32>,
    tpu.vector_store %arg9[%swap3A_787], %shift_right_logical3A_786 {strides = array<i32>} : memref<1600xi32, #tpu.memory_space<vmem>>, vector<16xi32>,
    %and3A_789 = arith.constant 15 : i32
    %and3A_790 = vector.broadcast %and3A_789 : i32 to vector<16xi32>
    %and3A_791 = arith.andi %add3A_783, %and3A_790 : vector<16xi32>
    %swap3A_792 = arith.constant 688 : index
    %swap3A_793 = tpu.vector_load %arg10[%swap3A_792] {strides = array<i32>} : memref<1600xi32, #tpu.memory_space<vmem>>, vector<16xi32>,
    tpu.vector_store %arg10[%swap3A_792], %and3A_791 {strides = array<i32>} : memref<1600xi32, #tpu.memory_space<vmem>>, vector<16xi32>,
    %get3A_794 = arith.constant 704 : index
    %get3A_795 = tpu.vector_load %arg7[%get3A_794] {strides = array<i32>} : memref<1600xi32, #tpu.memory_space<vmem>>, vector<16xi32>,
    %mul3A_796 = arith.constant 1000 : i32
    %mul3A_797 = vector.broadcast %mul3A_796 : i32 to vector<16xi32>
    %mul3A_798 = arith.muli %get3A_795, %mul3A_797 : vector<16xi32>
    %get3A_799 = arith.constant 704 : index
    %get3A_800 = tpu.vector_load %arg8[%get3A_799] {strides = array<i32>} : memref<1600xi32, #tpu.memory_space<vmem>>, vector<16xi32>,
    %add3A_801 = arith.addi %mul3A_798, %get3A_800 : vector<16xi32>
    %shift_right_logical3A_802 = arith.constant 4 : i32
    %shift_right_logical3A_803 = vector.broadcast %shift_right_logical3A_802 : i32 to vector<16xi32>
    %shift_right_logical3A_804 = arith.shrui %add3A_801, %shift_right_logical3A_803 : vector<16xi32>
    %swap3A_805 = arith.constant 704 : index
    %swap3A_806 = tpu.vector_load %arg9[%swap3A_805] {strides = array<i32>} : memref<1600xi32, #tpu.memory_space<vmem>>, vector<16xi32>,
    tpu.vector_store %arg9[%swap3A_805], %shift_right_logical3A_804 {strides = array<i32>} : memref<1600xi32, #tpu.memory_space<vmem>>, vector<16xi32>,
    %and3A_807 = arith.constant 15 : i32
    %and3A_808 = vector.broadcast %and3A_807 : i32 to vector<16xi32>
    %and3A_809 = arith.andi %add3A_801, %and3A_808 : vector<16xi32>
    %swap3A_810 = arith.constant 704 : index
    %swap3A_811 = tpu.vector_load %arg10[%swap3A_810] {strides = array<i32>} : memref<1600xi32, #tpu.memory_space<vmem>>, vector<16xi32>,
    tpu.vector_store %arg10[%swap3A_810], %and3A_809 {strides = array<i32>} : memref<1600xi32, #tpu.memory_space<vmem>>, vector<16xi32>,
    %get3A_812 = arith.constant 720 : index
    %get3A_813 = tpu.vector_load %arg7[%get3A_812] {strides = array<i32>} : memref<1600xi32, #tpu.memory_space<vmem>>, vector<16xi32>,
    %mul3A_814 = arith.constant 1000 : i32
    %mul3A_815 = vector.broadcast %mul3A_814 : i32 to vector<16xi32>
    %mul3A_816 = arith.muli %get3A_813, %mul3A_815 : vector<16xi32>
    %get3A_817 = arith.constant 720 : index
    %get3A_818 = tpu.vector_load %arg8[%get3A_817] {strides = array<i32>} : memref<1600xi32, #tpu.memory_space<vmem>>, vector<16xi32>,
    %add3A_819 = arith.addi %mul3A_816, %get3A_818 : vector<16xi32>
    %shift_right_logical3A_820 = arith.constant 4 : i32
    %shift_right_logical3A_821 = vector.broadcast %shift_right_logical3A_820 : i32 to vector<16xi32>
    %shift_right_logical3A_822 = arith.shrui %add3A_819, %shift_right_logical3A_821 : vector<16xi32>
    %swap3A_823 = arith.constant 720 : index
    %swap3A_824 = tpu.vector_load %arg9[%swap3A_823] {strides = array<i32>} : memref<1600xi32, #tpu.memory_space<vmem>>, vector<16xi32>,
    tpu.vector_store %arg9[%swap3A_823], %shift_right_logical3A_822 {strides = array<i32>} : memref<1600xi32, #tpu.memory_space<vmem>>, vector<16xi32>,
    %and3A_825 = arith.constant 15 : i32
    %and3A_826 = vector.broadcast %and3A_825 : i32 to vector<16xi32>
    %and3A_827 = arith.andi %add3A_819, %and3A_826 : vector<16xi32>
    %swap3A_828 = arith.constant 720 : index
    %swap3A_829 = tpu.vector_load %arg10[%swap3A_828] {strides = array<i32>} : memref<1600xi32, #tpu.memory_space<vmem>>, vector<16xi32>,
    tpu.vector_store %arg10[%swap3A_828], %and3A_827 {strides = array<i32>} : memref<1600xi32, #tpu.memory_space<vmem>>, vector<16xi32>,
    %get3A_830 = arith.constant 736 : index
    %get3A_831 = tpu.vector_load %arg7[%get3A_830] {strides = array<i32>} : memref<1600xi32, #tpu.memory_space<vmem>>, vector<16xi32>,
    %mul3A_832 = arith.constant 1000 : i32
    %mul3A_833 = vector.broadcast %mul3A_832 : i32 to vector<16xi32>
    %mul3A_834 = arith.muli %get3A_831, %mul3A_833 : vector<16xi32>
    %get3A_835 = arith.constant 736 : index
    %get3A_836 = tpu.vector_load %arg8[%get3A_835] {strides = array<i32>} : memref<1600xi32, #tpu.memory_space<vmem>>, vector<16xi32>,
    %add3A_837 = arith.addi %mul3A_834, %get3A_836 : vector<16xi32>
    %shift_right_logical3A_838 = arith.constant 4 : i32
    %shift_right_logical3A_839 = vector.broadcast %shift_right_logical3A_838 : i32 to vector<16xi32>
    %shift_right_logical3A_840 = arith.shrui %add3A_837, %shift_right_logical3A_839 : vector<16xi32>
    %swap3A_841 = arith.constant 736 : index
    %swap3A_842 = tpu.vector_load %arg9[%swap3A_841] {strides = array<i32>} : memref<1600xi32, #tpu.memory_space<vmem>>, vector<16xi32>,
    tpu.vector_store %arg9[%swap3A_841], %shift_right_logical3A_840 {strides = array<i32>} : memref<1600xi32, #tpu.memory_space<vmem>>, vector<16xi32>,
    %and3A_843 = arith.constant 15 : i32
    %and3A_844 = vector.broadcast %and3A_843 : i32 to vector<16xi32>
    %and3A_845 = arith.andi %add3A_837, %and3A_844 : vector<16xi32>
    %swap3A_846 = arith.constant 736 : index
    %swap3A_847 = tpu.vector_load %arg10[%swap3A_846] {strides = array<i32>} : memref<1600xi32, #tpu.memory_space<vmem>>, vector<16xi32>,
    tpu.vector_store %arg10[%swap3A_846], %and3A_845 {strides = array<i32>} : memref<1600xi32, #tpu.memory_space<vmem>>, vector<16xi32>,
    %get3A_848 = arith.constant 752 : index
    %get3A_849 = tpu.vector_load %arg7[%get3A_848] {strides = array<i32>} : memref<1600xi32, #tpu.memory_space<vmem>>, vector<16xi32>,
    %mul3A_850 = arith.constant 1000 : i32
    %mul3A_851 = vector.broadcast %mul3A_850 : i32 to vector<16xi32>
    %mul3A_852 = arith.muli %get3A_849, %mul3A_851 : vector<16xi32>
    %get3A_853 = arith.constant 752 : index
    %get3A_854 = tpu.vector_load %arg8[%get3A_853] {strides = array<i32>} : memref<1600xi32, #tpu.memory_space<vmem>>, vector<16xi32>,
    %add3A_855 = arith.addi %mul3A_852, %get3A_854 : vector<16xi32>
    %shift_right_logical3A_856 = arith.constant 4 : i32
    %shift_right_logical3A_857 = vector.broadcast %shift_right_logical3A_856 : i32 to vector<16xi32>
    %shift_right_logical3A_858 = arith.shrui %add3A_855, %shift_right_logical3A_857 : vector<16xi32>
    %swap3A_859 = arith.constant 752 : index
    %swap3A_860 = tpu.vector_load %arg9[%swap3A_859] {strides = array<i32>} : memref<1600xi32, #tpu.memory_space<vmem>>, vector<16xi32>,
    tpu.vector_store %arg9[%swap3A_859], %shift_right_logical3A_858 {strides = array<i32>} : memref<1600xi32, #tpu.memory_space<vmem>>, vector<16xi32>,
    %and3A_861 = arith.constant 15 : i32
    %and3A_862 = vector.broadcast %and3A_861 : i32 to vector<16xi32>
    %and3A_863 = arith.andi %add3A_855, %and3A_862 : vector<16xi32>
    %swap3A_864 = arith.constant 752 : index
    %swap3A_865 = tpu.vector_load %arg10[%swap3A_864] {strides = array<i32>} : memref<1600xi32, #tpu.memory_space<vmem>>, vector<16xi32>,
    tpu.vector_store %arg10[%swap3A_864], %and3A_863 {strides = array<i32>} : memref<1600xi32, #tpu.memory_space<vmem>>, vector<16xi32>,
    %get3A_866 = arith.constant 768 : index
    %get3A_867 = tpu.vector_load %arg7[%get3A_866] {strides = array<i32>} : memref<1600xi32, #tpu.memory_space<vmem>>, vector<16xi32>,
    %mul3A_868 = arith.constant 1000 : i32
    %mul3A_869 = vector.broadcast %mul3A_868 : i32 to vector<16xi32>
    %mul3A_870 = arith.muli %get3A_867, %mul3A_869 : vector<16xi32>
    %get3A_871 = arith.constant 768 : index
    %get3A_872 = tpu.vector_load %arg8[%get3A_871] {strides = array<i32>} : memref<1600xi32, #tpu.memory_space<vmem>>, vector<16xi32>,
    %add3A_873 = arith.addi %mul3A_870, %get3A_872 : vector<16xi32>
    %shift_right_logical3A_874 = arith.constant 4 : i32
    %shift_right_logical3A_875 = vector.broadcast %shift_right_logical3A_874 : i32 to vector<16xi32>
    %shift_right_logical3A_876 = arith.shrui %add3A_873, %shift_right_logical3A_875 : vector<16xi32>
    %swap3A_877 = arith.constant 768 : index
    %swap3A_878 = tpu.vector_load %arg9[%swap3A_877] {strides = array<i32>} : memref<1600xi32, #tpu.memory_space<vmem>>, vector<16xi32>,
    tpu.vector_store %arg9[%swap3A_877], %shift_right_logical3A_876 {strides = array<i32>} : memref<1600xi32, #tpu.memory_space<vmem>>, vector<16xi32>,
    %and3A_879 = arith.constant 15 : i32
    %and3A_880 = vector.broadcast %and3A_879 : i32 to vector<16xi32>
    %and3A_881 = arith.andi %add3A_873, %and3A_880 : vector<16xi32>
    %swap3A_882 = arith.constant 768 : index
    %swap3A_883 = tpu.vector_load %arg10[%swap3A_882] {strides = array<i32>} : memref<1600xi32, #tpu.memory_space<vmem>>, vector<16xi32>,
    tpu.vector_store %arg10[%swap3A_882], %and3A_881 {strides = array<i32>} : memref<1600xi32, #tpu.memory_space<vmem>>, vector<16xi32>,
    %get3A_884 = arith.constant 784 : index
    %get3A_885 = tpu.vector_load %arg7[%get3A_884] {strides = array<i32>} : memref<1600xi32, #tpu.memory_space<vmem>>, vector<16xi32>,
    %mul3A_886 = arith.constant 1000 : i32
    %mul3A_887 = vector.broadcast %mul3A_886 : i32 to vector<16xi32>
    %mul3A_888 = arith.muli %get3A_885, %mul3A_887 : vector<16xi32>
    %get3A_889 = arith.constant 784 : index
    %get3A_890 = tpu.vector_load %arg8[%get3A_889] {strides = array<i32>} : memref<1600xi32, #tpu.memory_space<vmem>>, vector<16xi32>,
    %add3A_891 = arith.addi %mul3A_888, %get3A_890 : vector<16xi32>
    %shift_right_logical3A_892 = arith.constant 4 : i32
    %shift_right_logical3A_893 = vector.broadcast %shift_right_logical3A_892 : i32 to vector<16xi32>
    %shift_right_logical3A_894 = arith.shrui %add3A_891, %shift_right_logical3A_893 : vector<16xi32>
    %swap3A_895 = arith.constant 784 : index
    %swap3A_896 = tpu.vector_load %arg9[%swap3A_895] {strides = array<i32>} : memref<1600xi32, #tpu.memory_space<vmem>>, vector<16xi32>,
    tpu.vector_store %arg9[%swap3A_895], %shift_right_logical3A_894 {strides = array<i32>} : memref<1600xi32, #tpu.memory_space<vmem>>, vector<16xi32>,
    %and3A_897 = arith.constant 15 : i32
    %and3A_898 = vector.broadcast %and3A_897 : i32 to vector<16xi32>
    %and3A_899 = arith.andi %add3A_891, %and3A_898 : vector<16xi32>
    %swap3A_900 = arith.constant 784 : index
    %swap3A_901 = tpu.vector_load %arg10[%swap3A_900] {strides = array<i32>} : memref<1600xi32, #tpu.memory_space<vmem>>, vector<16xi32>,
    tpu.vector_store %arg10[%swap3A_900], %and3A_899 {strides = array<i32>} : memref<1600xi32, #tpu.memory_space<vmem>>, vector<16xi32>,
    %get3A_902 = arith.constant 800 : index
    %get3A_903 = tpu.vector_load %arg7[%get3A_902] {strides = array<i32>} : memref<1600xi32, #tpu.memory_space<vmem>>, vector<16xi32>,
    %mul3A_904 = arith.constant 1000 : i32
    %mul3A_905 = vector.broadcast %mul3A_904 : i32 to vector<16xi32>
    %mul3A_906 = arith.muli %get3A_903, %mul3A_905 : vector<16xi32>
    %get3A_907 = arith.constant 800 : index
    %get3A_908 = tpu.vector_load %arg8[%get3A_907] {strides = array<i32>} : memref<1600xi32, #tpu.memory_space<vmem>>, vector<16xi32>,
    %add3A_909 = arith.addi %mul3A_906, %get3A_908 : vector<16xi32>
    %shift_right_logical3A_910 = arith.constant 4 : i32
    %shift_right_logical3A_911 = vector.broadcast %shift_right_logical3A_910 : i32 to vector<16xi32>
    %shift_right_logical3A_912 = arith.shrui %add3A_909, %shift_right_logical3A_911 : vector<16xi32>
    %swap3A_913 = arith.constant 800 : index
    %swap3A_914 = tpu.vector_load %arg9[%swap3A_913] {strides = array<i32>} : memref<1600xi32, #tpu.memory_space<vmem>>, vector<16xi32>,
    tpu.vector_store %arg9[%swap3A_913], %shift_right_logical3A_912 {strides = array<i32>} : memref<1600xi32, #tpu.memory_space<vmem>>, vector<16xi32>,
    %and3A_915 = arith.constant 15 : i32
    %and3A_916 = vector.broadcast %and3A_915 : i32 to vector<16xi32>
    %and3A_917 = arith.andi %add3A_909, %and3A_916 : vector<16xi32>
    %swap3A_918 = arith.constant 800 : index
    %swap3A_919 = tpu.vector_load %arg10[%swap3A_918] {strides = array<i32>} : memref<1600xi32, #tpu.memory_space<vmem>>, vector<16xi32>,
    tpu.vector_store %arg10[%swap3A_918], %and3A_917 {strides = array<i32>} : memref<1600xi32, #tpu.memory_space<vmem>>, vector<16xi32>,
    %get3A_920 = arith.constant 816 : index
    %get3A_921 = tpu.vector_load %arg7[%get3A_920] {strides = array<i32>} : memref<1600xi32, #tpu.memory_space<vmem>>, vector<16xi32>,
    %mul3A_922 = arith.constant 1000 : i32
    %mul3A_923 = vector.broadcast %mul3A_922 : i32 to vector<16xi32>
    %mul3A_924 = arith.muli %get3A_921, %mul3A_923 : vector<16xi32>
    %get3A_925 = arith.constant 816 : index
    %get3A_926 = tpu.vector_load %arg8[%get3A_925] {strides = array<i32>} : memref<1600xi32, #tpu.memory_space<vmem>>, vector<16xi32>,
    %add3A_927 = arith.addi %mul3A_924, %get3A_926 : vector<16xi32>
    %shift_right_logical3A_928 = arith.constant 4 : i32
    %shift_right_logical3A_929 = vector.broadcast %shift_right_logical3A_928 : i32 to vector<16xi32>
    %shift_right_logical3A_930 = arith.shrui %add3A_927, %shift_right_logical3A_929 : vector<16xi32>
    %swap3A_931 = arith.constant 816 : index
    %swap3A_932 = tpu.vector_load %arg9[%swap3A_931] {strides = array<i32>} : memref<1600xi32, #tpu.memory_space<vmem>>, vector<16xi32>,
    tpu.vector_store %arg9[%swap3A_931], %shift_right_logical3A_930 {strides = array<i32>} : memref<1600xi32, #tpu.memory_space<vmem>>, vector<16xi32>,
    %and3A_933 = arith.constant 15 : i32
    %and3A_934 = vector.broadcast %and3A_933 : i32 to vector<16xi32>
    %and3A_935 = arith.andi %add3A_927, %and3A_934 : vector<16xi32>
    %swap3A_936 = arith.constant 816 : index
    %swap3A_937 = tpu.vector_load %arg10[%swap3A_936] {strides = array<i32>} : memref<1600xi32, #tpu.memory_space<vmem>>, vector<16xi32>,
    tpu.vector_store %arg10[%swap3A_936], %and3A_935 {strides = array<i32>} : memref<1600xi32, #tpu.memory_space<vmem>>, vector<16xi32>,
    %get3A_938 = arith.constant 832 : index
    %get3A_939 = tpu.vector_load %arg7[%get3A_938] {strides = array<i32>} : memref<1600xi32, #tpu.memory_space<vmem>>, vector<16xi32>,
    %mul3A_940 = arith.constant 1000 : i32
    %mul3A_941 = vector.broadcast %mul3A_940 : i32 to vector<16xi32>
    %mul3A_942 = arith.muli %get3A_939, %mul3A_941 : vector<16xi32>
    %get3A_943 = arith.constant 832 : index
    %get3A_944 = tpu.vector_load %arg8[%get3A_943] {strides = array<i32>} : memref<1600xi32, #tpu.memory_space<vmem>>, vector<16xi32>,
    %add3A_945 = arith.addi %mul3A_942, %get3A_944 : vector<16xi32>
    %shift_right_logical3A_946 = arith.constant 4 : i32
    %shift_right_logical3A_947 = vector.broadcast %shift_right_logical3A_946 : i32 to vector<16xi32>
    %shift_right_logical3A_948 = arith.shrui %add3A_945, %shift_right_logical3A_947 : vector<16xi32>
    %swap3A_949 = arith.constant 832 : index
    %swap3A_950 = tpu.vector_load %arg9[%swap3A_949] {strides = array<i32>} : memref<1600xi32, #tpu.memory_space<vmem>>, vector<16xi32>,
    tpu.vector_store %arg9[%swap3A_949], %shift_right_logical3A_948 {strides = array<i32>} : memref<1600xi32, #tpu.memory_space<vmem>>, vector<16xi32>,
    %and3A_951 = arith.constant 15 : i32
    %and3A_952 = vector.broadcast %and3A_951 : i32 to vector<16xi32>
    %and3A_953 = arith.andi %add3A_945, %and3A_952 : vector<16xi32>
    %swap3A_954 = arith.constant 832 : index
    %swap3A_955 = tpu.vector_load %arg10[%swap3A_954] {strides = array<i32>} : memref<1600xi32, #tpu.memory_space<vmem>>, vector<16xi32>,
    tpu.vector_store %arg10[%swap3A_954], %and3A_953 {strides = array<i32>} : memref<1600xi32, #tpu.memory_space<vmem>>, vector<16xi32>,
    %get3A_956 = arith.constant 848 : index
    %get3A_957 = tpu.vector_load %arg7[%get3A_956] {strides = array<i32>} : memref<1600xi32, #tpu.memory_space<vmem>>, vector<16xi32>,
    %mul3A_958 = arith.constant 1000 : i32
    %mul3A_959 = vector.broadcast %mul3A_958 : i32 to vector<16xi32>
    %mul3A_960 = arith.muli %get3A_957, %mul3A_959 : vector<16xi32>
    %get3A_961 = arith.constant 848 : index
    %get3A_962 = tpu.vector_load %arg8[%get3A_961] {strides = array<i32>} : memref<1600xi32, #tpu.memory_space<vmem>>, vector<16xi32>,
    %add3A_963 = arith.addi %mul3A_960, %get3A_962 : vector<16xi32>
    %shift_right_logical3A_964 = arith.constant 4 : i32
    %shift_right_logical3A_965 = vector.broadcast %shift_right_logical3A_964 : i32 to vector<16xi32>
    %shift_right_logical3A_966 = arith.shrui %add3A_963, %shift_right_logical3A_965 : vector<16xi32>
    %swap3A_967 = arith.constant 848 : index
    %swap3A_968 = tpu.vector_load %arg9[%swap3A_967] {strides = array<i32>} : memref<1600xi32, #tpu.memory_space<vmem>>, vector<16xi32>,
    tpu.vector_store %arg9[%swap3A_967], %shift_right_logical3A_966 {strides = array<i32>} : memref<1600xi32, #tpu.memory_space<vmem>>, vector<16xi32>,
    %and3A_969 = arith.constant 15 : i32
    %and3A_970 = vector.broadcast %and3A_969 : i32 to vector<16xi32>
    %and3A_971 = arith.andi %add3A_963, %and3A_970 : vector<16xi32>
    %swap3A_972 = arith.constant 848 : index
    %swap3A_973 = tpu.vector_load %arg10[%swap3A_972] {strides = array<i32>} : memref<1600xi32, #tpu.memory_space<vmem>>, vector<16xi32>,
    tpu.vector_store %arg10[%swap3A_972], %and3A_971 {strides = array<i32>} : memref<1600xi32, #tpu.memory_space<vmem>>, vector<16xi32>,
    %get3A_974 = arith.constant 864 : index
    %get3A_975 = tpu.vector_load %arg7[%get3A_974] {strides = array<i32>} : memref<1600xi32, #tpu.memory_space<vmem>>, vector<16xi32>,
    %mul3A_976 = arith.constant 1000 : i32
    %mul3A_977 = vector.broadcast %mul3A_976 : i32 to vector<16xi32>
    %mul3A_978 = arith.muli %get3A_975, %mul3A_977 : vector<16xi32>
    %get3A_979 = arith.constant 864 : index
    %get3A_980 = tpu.vector_load %arg8[%get3A_979] {strides = array<i32>} : memref<1600xi32, #tpu.memory_space<vmem>>, vector<16xi32>,
    %add3A_981 = arith.addi %mul3A_978, %get3A_980 : vector<16xi32>
    %shift_right_logical3A_982 = arith.constant 4 : i32
    %shift_right_logical3A_983 = vector.broadcast %shift_right_logical3A_982 : i32 to vector<16xi32>
    %shift_right_logical3A_984 = arith.shrui %add3A_981, %shift_right_logical3A_983 : vector<16xi32>
    %swap3A_985 = arith.constant 864 : index
    %swap3A_986 = tpu.vector_load %arg9[%swap3A_985] {strides = array<i32>} : memref<1600xi32, #tpu.memory_space<vmem>>, vector<16xi32>,
    tpu.vector_store %arg9[%swap3A_985], %shift_right_logical3A_984 {strides = array<i32>} : memref<1600xi32, #tpu.memory_space<vmem>>, vector<16xi32>,
    %and3A_987 = arith.constant 15 : i32
    %and3A_988 = vector.broadcast %and3A_987 : i32 to vector<16xi32>
    %and3A_989 = arith.andi %add3A_981, %and3A_988 : vector<16xi32>
    %swap3A_990 = arith.constant 864 : index
    %swap3A_991 = tpu.vector_load %arg10[%swap3A_990] {strides = array<i32>} : memref<1600xi32, #tpu.memory_space<vmem>>, vector<16xi32>,
    tpu.vector_store %arg10[%swap3A_990], %and3A_989 {strides = array<i32>} : memref<1600xi32, #tpu.memory_space<vmem>>, vector<16xi32>,
    %get3A_992 = arith.constant 880 : index
    %get3A_993 = tpu.vector_load %arg7[%get3A_992] {strides = array<i32>} : memref<1600xi32, #tpu.memory_space<vmem>>, vector<16xi32>,
    %mul3A_994 = arith.constant 1000 : i32
    %mul3A_995 = vector.broadcast %mul3A_994 : i32 to vector<16xi32>
    %mul3A_996 = arith.muli %get3A_993, %mul3A_995 : vector<16xi32>
    %get3A_997 = arith.constant 880 : index
    %get3A_998 = tpu.vector_load %arg8[%get3A_997] {strides = array<i32>} : memref<1600xi32, #tpu.memory_space<vmem>>, vector<16xi32>,
    %add3A_999 = arith.addi %mul3A_996, %get3A_998 : vector<16xi32>
    %shift_right_logical3A_1000 = arith.constant 4 : i32
    %shift_right_logical3A_1001 = vector.broadcast %shift_right_logical3A_1000 : i32 to vector<16xi32>
    %shift_right_logical3A_1002 = arith.shrui %add3A_999, %shift_right_logical3A_1001 : vector<16xi32>
    %swap3A_1003 = arith.constant 880 : index
    %swap3A_1004 = tpu.vector_load %arg9[%swap3A_1003] {strides = array<i32>} : memref<1600xi32, #tpu.memory_space<vmem>>, vector<16xi32>,
    tpu.vector_store %arg9[%swap3A_1003], %shift_right_logical3A_1002 {strides = array<i32>} : memref<1600xi32, #tpu.memory_space<vmem>>, vector<16xi32>,
    %and3A_1005 = arith.constant 15 : i32
    %and3A_1006 = vector.broadcast %and3A_1005 : i32 to vector<16xi32>
    %and3A_1007 = arith.andi %add3A_999, %and3A_1006 : vector<16xi32>
    %swap3A_1008 = arith.constant 880 : index
    %swap3A_1009 = tpu.vector_load %arg10[%swap3A_1008] {strides = array<i32>} : memref<1600xi32, #tpu.memory_space<vmem>>, vector<16xi32>,
    tpu.vector_store %arg10[%swap3A_1008], %and3A_1007 {strides = array<i32>} : memref<1600xi32, #tpu.memory_space<vmem>>, vector<16xi32>,
    %get3A_1010 = arith.constant 896 : index
    %get3A_1011 = tpu.vector_load %arg7[%get3A_1010] {strides = array<i32>} : memref<1600xi32, #tpu.memory_space<vmem>>, vector<16xi32>,
    %mul3A_1012 = arith.constant 1000 : i32
    %mul3A_1013 = vector.broadcast %mul3A_1012 : i32 to vector<16xi32>
    %mul3A_1014 = arith.muli %get3A_1011, %mul3A_1013 : vector<16xi32>
    %get3A_1015 = arith.constant 896 : index
    %get3A_1016 = tpu.vector_load %arg8[%get3A_1015] {strides = array<i32>} : memref<1600xi32, #tpu.memory_space<vmem>>, vector<16xi32>,
    %add3A_1017 = arith.addi %mul3A_1014, %get3A_1016 : vector<16xi32>
    %shift_right_logical3A_1018 = arith.constant 4 : i32
    %shift_right_logical3A_1019 = vector.broadcast %shift_right_logical3A_1018 : i32 to vector<16xi32>
    %shift_right_logical3A_1020 = arith.shrui %add3A_1017, %shift_right_logical3A_1019 : vector<16xi32>
    %swap3A_1021 = arith.constant 896 : index
    %swap3A_1022 = tpu.vector_load %arg9[%swap3A_1021] {strides = array<i32>} : memref<1600xi32, #tpu.memory_space<vmem>>, vector<16xi32>,
    tpu.vector_store %arg9[%swap3A_1021], %shift_right_logical3A_1020 {strides = array<i32>} : memref<1600xi32, #tpu.memory_space<vmem>>, vector<16xi32>,
    %and3A_1023 = arith.constant 15 : i32
    %and3A_1024 = vector.broadcast %and3A_1023 : i32 to vector<16xi32>
    %and3A_1025 = arith.andi %add3A_1017, %and3A_1024 : vector<16xi32>
    %swap3A_1026 = arith.constant 896 : index
    %swap3A_1027 = tpu.vector_load %arg10[%swap3A_1026] {strides = array<i32>} : memref<1600xi32, #tpu.memory_space<vmem>>, vector<16xi32>,
    tpu.vector_store %arg10[%swap3A_1026], %and3A_1025 {strides = array<i32>} : memref<1600xi32, #tpu.memory_space<vmem>>, vector<16xi32>,
    %get3A_1028 = arith.constant 912 : index
    %get3A_1029 = tpu.vector_load %arg7[%get3A_1028] {strides = array<i32>} : memref<1600xi32, #tpu.memory_space<vmem>>, vector<16xi32>,
    %mul3A_1030 = arith.constant 1000 : i32
    %mul3A_1031 = vector.broadcast %mul3A_1030 : i32 to vector<16xi32>
    %mul3A_1032 = arith.muli %get3A_1029, %mul3A_1031 : vector<16xi32>
    %get3A_1033 = arith.constant 912 : index
    %get3A_1034 = tpu.vector_load %arg8[%get3A_1033] {strides = array<i32>} : memref<1600xi32, #tpu.memory_space<vmem>>, vector<16xi32>,
    %add3A_1035 = arith.addi %mul3A_1032, %get3A_1034 : vector<16xi32>
    %shift_right_logical3A_1036 = arith.constant 4 : i32
    %shift_right_logical3A_1037 = vector.broadcast %shift_right_logical3A_1036 : i32 to vector<16xi32>
    %shift_right_logical3A_1038 = arith.shrui %add3A_1035, %shift_right_logical3A_1037 : vector<16xi32>
    %swap3A_1039 = arith.constant 912 : index
    %swap3A_1040 = tpu.vector_load %arg9[%swap3A_1039] {strides = array<i32>} : memref<1600xi32, #tpu.memory_space<vmem>>, vector<16xi32>,
    tpu.vector_store %arg9[%swap3A_1039], %shift_right_logical3A_1038 {strides = array<i32>} : memref<1600xi32, #tpu.memory_space<vmem>>, vector<16xi32>,
    %and3A_1041 = arith.constant 15 : i32
    %and3A_1042 = vector.broadcast %and3A_1041 : i32 to vector<16xi32>
    %and3A_1043 = arith.andi %add3A_1035, %and3A_1042 : vector<16xi32>
    %swap3A_1044 = arith.constant 912 : index
    %swap3A_1045 = tpu.vector_load %arg10[%swap3A_1044] {strides = array<i32>} : memref<1600xi32, #tpu.memory_space<vmem>>, vector<16xi32>,
    tpu.vector_store %arg10[%swap3A_1044], %and3A_1043 {strides = array<i32>} : memref<1600xi32, #tpu.memory_space<vmem>>, vector<16xi32>,
    %get3A_1046 = arith.constant 928 : index
    %get3A_1047 = tpu.vector_load %arg7[%get3A_1046] {strides = array<i32>} : memref<1600xi32, #tpu.memory_space<vmem>>, vector<16xi32>,
    %mul3A_1048 = arith.constant 1000 : i32
    %mul3A_1049 = vector.broadcast %mul3A_1048 : i32 to vector<16xi32>
    %mul3A_1050 = arith.muli %get3A_1047, %mul3A_1049 : vector<16xi32>
    %get3A_1051 = arith.constant 928 : index
    %get3A_1052 = tpu.vector_load %arg8[%get3A_1051] {strides = array<i32>} : memref<1600xi32, #tpu.memory_space<vmem>>, vector<16xi32>,
    %add3A_1053 = arith.addi %mul3A_1050, %get3A_1052 : vector<16xi32>
    %shift_right_logical3A_1054 = arith.constant 4 : i32
    %shift_right_logical3A_1055 = vector.broadcast %shift_right_logical3A_1054 : i32 to vector<16xi32>
    %shift_right_logical3A_1056 = arith.shrui %add3A_1053, %shift_right_logical3A_1055 : vector<16xi32>
    %swap3A_1057 = arith.constant 928 : index
    %swap3A_1058 = tpu.vector_load %arg9[%swap3A_1057] {strides = array<i32>} : memref<1600xi32, #tpu.memory_space<vmem>>, vector<16xi32>,
    tpu.vector_store %arg9[%swap3A_1057], %shift_right_logical3A_1056 {strides = array<i32>} : memref<1600xi32, #tpu.memory_space<vmem>>, vector<16xi32>,
    %and3A_1059 = arith.constant 15 : i32
    %and3A_1060 = vector.broadcast %and3A_1059 : i32 to vector<16xi32>
    %and3A_1061 = arith.andi %add3A_1053, %and3A_1060 : vector<16xi32>
    %swap3A_1062 = arith.constant 928 : index
    %swap3A_1063 = tpu.vector_load %arg10[%swap3A_1062] {strides = array<i32>} : memref<1600xi32, #tpu.memory_space<vmem>>, vector<16xi32>,
    tpu.vector_store %arg10[%swap3A_1062], %and3A_1061 {strides = array<i32>} : memref<1600xi32, #tpu.memory_space<vmem>>, vector<16xi32>,
    %get3A_1064 = arith.constant 944 : index
    %get3A_1065 = tpu.vector_load %arg7[%get3A_1064] {strides = array<i32>} : memref<1600xi32, #tpu.memory_space<vmem>>, vector<16xi32>,
    %mul3A_1066 = arith.constant 1000 : i32
    %mul3A_1067 = vector.broadcast %mul3A_1066 : i32 to vector<16xi32>
    %mul3A_1068 = arith.muli %get3A_1065, %mul3A_1067 : vector<16xi32>
    %get3A_1069 = arith.constant 944 : index
    %get3A_1070 = tpu.vector_load %arg8[%get3A_1069] {strides = array<i32>} : memref<1600xi32, #tpu.memory_space<vmem>>, vector<16xi32>,
    %add3A_1071 = arith.addi %mul3A_1068, %get3A_1070 : vector<16xi32>
    %shift_right_logical3A_1072 = arith.constant 4 : i32
    %shift_right_logical3A_1073 = vector.broadcast %shift_right_logical3A_1072 : i32 to vector<16xi32>
    %shift_right_logical3A_1074 = arith.shrui %add3A_1071, %shift_right_logical3A_1073 : vector<16xi32>
    %swap3A_1075 = arith.constant 944 : index
    %swap3A_1076 = tpu.vector_load %arg9[%swap3A_1075] {strides = array<i32>} : memref<1600xi32, #tpu.memory_space<vmem>>, vector<16xi32>,
    tpu.vector_store %arg9[%swap3A_1075], %shift_right_logical3A_1074 {strides = array<i32>} : memref<1600xi32, #tpu.memory_space<vmem>>, vector<16xi32>,
    %and3A_1077 = arith.constant 15 : i32
    %and3A_1078 = vector.broadcast %and3A_1077 : i32 to vector<16xi32>
    %and3A_1079 = arith.andi %add3A_1071, %and3A_1078 : vector<16xi32>
    %swap3A_1080 = arith.constant 944 : index
    %swap3A_1081 = tpu.vector_load %arg10[%swap3A_1080] {strides = array<i32>} : memref<1600xi32, #tpu.memory_space<vmem>>, vector<16xi32>,
    tpu.vector_store %arg10[%swap3A_1080], %and3A_1079 {strides = array<i32>} : memref<1600xi32, #tpu.memory_space<vmem>>, vector<16xi32>,
    %get3A_1082 = arith.constant 960 : index
    %get3A_1083 = tpu.vector_load %arg7[%get3A_1082] {strides = array<i32>} : memref<1600xi32, #tpu.memory_space<vmem>>, vector<16xi32>,
    %mul3A_1084 = arith.constant 1000 : i32
    %mul3A_1085 = vector.broadcast %mul3A_1084 : i32 to vector<16xi32>
    %mul3A_1086 = arith.muli %get3A_1083, %mul3A_1085 : vector<16xi32>
    %get3A_1087 = arith.constant 960 : index
    %get3A_1088 = tpu.vector_load %arg8[%get3A_1087] {strides = array<i32>} : memref<1600xi32, #tpu.memory_space<vmem>>, vector<16xi32>,
    %add3A_1089 = arith.addi %mul3A_1086, %get3A_1088 : vector<16xi32>
    %shift_right_logical3A_1090 = arith.constant 4 : i32
    %shift_right_logical3A_1091 = vector.broadcast %shift_right_logical3A_1090 : i32 to vector<16xi32>
    %shift_right_logical3A_1092 = arith.shrui %add3A_1089, %shift_right_logical3A_1091 : vector<16xi32>
    %swap3A_1093 = arith.constant 960 : index
    %swap3A_1094 = tpu.vector_load %arg9[%swap3A_1093] {strides = array<i32>} : memref<1600xi32, #tpu.memory_space<vmem>>, vector<16xi32>,
    tpu.vector_store %arg9[%swap3A_1093], %shift_right_logical3A_1092 {strides = array<i32>} : memref<1600xi32, #tpu.memory_space<vmem>>, vector<16xi32>,
    %and3A_1095 = arith.constant 15 : i32
    %and3A_1096 = vector.broadcast %and3A_1095 : i32 to vector<16xi32>
    %and3A_1097 = arith.andi %add3A_1089, %and3A_1096 : vector<16xi32>
    %swap3A_1098 = arith.constant 960 : index
    %swap3A_1099 = tpu.vector_load %arg10[%swap3A_1098] {strides = array<i32>} : memref<1600xi32, #tpu.memory_space<vmem>>, vector<16xi32>,
    tpu.vector_store %arg10[%swap3A_1098], %and3A_1097 {strides = array<i32>} : memref<1600xi32, #tpu.memory_space<vmem>>, vector<16xi32>,
    %get3A_1100 = arith.constant 976 : index
    %get3A_1101 = tpu.vector_load %arg7[%get3A_1100] {strides = array<i32>} : memref<1600xi32, #tpu.memory_space<vmem>>, vector<16xi32>,
    %mul3A_1102 = arith.constant 1000 : i32
    %mul3A_1103 = vector.broadcast %mul3A_1102 : i32 to vector<16xi32>
    %mul3A_1104 = arith.muli %get3A_1101, %mul3A_1103 : vector<16xi32>
    %get3A_1105 = arith.constant 976 : index
    %get3A_1106 = tpu.vector_load %arg8[%get3A_1105] {strides = array<i32>} : memref<1600xi32, #tpu.memory_space<vmem>>, vector<16xi32>,
    %add3A_1107 = arith.addi %mul3A_1104, %get3A_1106 : vector<16xi32>
    %shift_right_logical3A_1108 = arith.constant 4 : i32
    %shift_right_logical3A_1109 = vector.broadcast %shift_right_logical3A_1108 : i32 to vector<16xi32>
    %shift_right_logical3A_1110 = arith.shrui %add3A_1107, %shift_right_logical3A_1109 : vector<16xi32>
    %swap3A_1111 = arith.constant 976 : index
    %swap3A_1112 = tpu.vector_load %arg9[%swap3A_1111] {strides = array<i32>} : memref<1600xi32, #tpu.memory_space<vmem>>, vector<16xi32>,
    tpu.vector_store %arg9[%swap3A_1111], %shift_right_logical3A_1110 {strides = array<i32>} : memref<1600xi32, #tpu.memory_space<vmem>>, vector<16xi32>,
    %and3A_1113 = arith.constant 15 : i32
    %and3A_1114 = vector.broadcast %and3A_1113 : i32 to vector<16xi32>
    %and3A_1115 = arith.andi %add3A_1107, %and3A_1114 : vector<16xi32>
    %swap3A_1116 = arith.constant 976 : index
    %swap3A_1117 = tpu.vector_load %arg10[%swap3A_1116] {strides = array<i32>} : memref<1600xi32, #tpu.memory_space<vmem>>, vector<16xi32>,
    tpu.vector_store %arg10[%swap3A_1116], %and3A_1115 {strides = array<i32>} : memref<1600xi32, #tpu.memory_space<vmem>>, vector<16xi32>,
    %get3A_1118 = arith.constant 992 : index
    %get3A_1119 = tpu.vector_load %arg7[%get3A_1118] {strides = array<i32>} : memref<1600xi32, #tpu.memory_space<vmem>>, vector<16xi32>,
    %mul3A_1120 = arith.constant 1000 : i32
    %mul3A_1121 = vector.broadcast %mul3A_1120 : i32 to vector<16xi32>
    %mul3A_1122 = arith.muli %get3A_1119, %mul3A_1121 : vector<16xi32>
    %get3A_1123 = arith.constant 992 : index
    %get3A_1124 = tpu.vector_load %arg8[%get3A_1123] {strides = array<i32>} : memref<1600xi32, #tpu.memory_space<vmem>>, vector<16xi32>,
    %add3A_1125 = arith.addi %mul3A_1122, %get3A_1124 : vector<16xi32>
    %shift_right_logical3A_1126 = arith.constant 4 : i32
    %shift_right_logical3A_1127 = vector.broadcast %shift_right_logical3A_1126 : i32 to vector<16xi32>
    %shift_right_logical3A_1128 = arith.shrui %add3A_1125, %shift_right_logical3A_1127 : vector<16xi32>
    %swap3A_1129 = arith.constant 992 : index
    %swap3A_1130 = tpu.vector_load %arg9[%swap3A_1129] {strides = array<i32>} : memref<1600xi32, #tpu.memory_space<vmem>>, vector<16xi32>,
    tpu.vector_store %arg9[%swap3A_1129], %shift_right_logical3A_1128 {strides = array<i32>} : memref<1600xi32, #tpu.memory_space<vmem>>, vector<16xi32>,
    %and3A_1131 = arith.constant 15 : i32
    %and3A_1132 = vector.broadcast %and3A_1131 : i32 to vector<16xi32>
    %and3A_1133 = arith.andi %add3A_1125, %and3A_1132 : vector<16xi32>
    %swap3A_1134 = arith.constant 992 : index
    %swap3A_1135 = tpu.vector_load %arg10[%swap3A_1134] {strides = array<i32>} : memref<1600xi32, #tpu.memory_space<vmem>>, vector<16xi32>,
    tpu.vector_store %arg10[%swap3A_1134], %and3A_1133 {strides = array<i32>} : memref<1600xi32, #tpu.memory_space<vmem>>, vector<16xi32>,
    %get3A_1136 = arith.constant 1008 : index
    %get3A_1137 = tpu.vector_load %arg7[%get3A_1136] {strides = array<i32>} : memref<1600xi32, #tpu.memory_space<vmem>>, vector<16xi32>,
    %mul3A_1138 = arith.constant 1000 : i32
    %mul3A_1139 = vector.broadcast %mul3A_1138 : i32 to vector<16xi32>
    %mul3A_1140 = arith.muli %get3A_1137, %mul3A_1139 : vector<16xi32>
    %get3A_1141 = arith.constant 1008 : index
    %get3A_1142 = tpu.vector_load %arg8[%get3A_1141] {strides = array<i32>} : memref<1600xi32, #tpu.memory_space<vmem>>, vector<16xi32>,
    %add3A_1143 = arith.addi %mul3A_1140, %get3A_1142 : vector<16xi32>
    %shift_right_logical3A_1144 = arith.constant 4 : i32
    %shift_right_logical3A_1145 = vector.broadcast %shift_right_logical3A_1144 : i32 to vector<16xi32>
    %shift_right_logical3A_1146 = arith.shrui %add3A_1143, %shift_right_logical3A_1145 : vector<16xi32>
    %swap3A_1147 = arith.constant 1008 : index
    %swap3A_1148 = tpu.vector_load %arg9[%swap3A_1147] {strides = array<i32>} : memref<1600xi32, #tpu.memory_space<vmem>>, vector<16xi32>,
    tpu.vector_store %arg9[%swap3A_1147], %shift_right_logical3A_1146 {strides = array<i32>} : memref<1600xi32, #tpu.memory_space<vmem>>, vector<16xi32>,
    %and3A_1149 = arith.constant 15 : i32
    %and3A_1150 = vector.broadcast %and3A_1149 : i32 to vector<16xi32>
    %and3A_1151 = arith.andi %add3A_1143, %and3A_1150 : vector<16xi32>
    %swap3A_1152 = arith.constant 1008 : index
    %swap3A_1153 = tpu.vector_load %arg10[%swap3A_1152] {strides = array<i32>} : memref<1600xi32, #tpu.memory_space<vmem>>, vector<16xi32>,
    tpu.vector_store %arg10[%swap3A_1152], %and3A_1151 {strides = array<i32>} : memref<1600xi32, #tpu.memory_space<vmem>>, vector<16xi32>,
    %get3A_1154 = arith.constant 1024 : index
    %get3A_1155 = tpu.vector_load %arg7[%get3A_1154] {strides = array<i32>} : memref<1600xi32, #tpu.memory_space<vmem>>, vector<16xi32>,
    %mul3A_1156 = arith.constant 1000 : i32
    %mul3A_1157 = vector.broadcast %mul3A_1156 : i32 to vector<16xi32>
    %mul3A_1158 = arith.muli %get3A_1155, %mul3A_1157 : vector<16xi32>
    %get3A_1159 = arith.constant 1024 : index
    %get3A_1160 = tpu.vector_load %arg8[%get3A_1159] {strides = array<i32>} : memref<1600xi32, #tpu.memory_space<vmem>>, vector<16xi32>,
    %add3A_1161 = arith.addi %mul3A_1158, %get3A_1160 : vector<16xi32>
    %shift_right_logical3A_1162 = arith.constant 4 : i32
    %shift_right_logical3A_1163 = vector.broadcast %shift_right_logical3A_1162 : i32 to vector<16xi32>
    %shift_right_logical3A_1164 = arith.shrui %add3A_1161, %shift_right_logical3A_1163 : vector<16xi32>
    %swap3A_1165 = arith.constant 1024 : index
    %swap3A_1166 = tpu.vector_load %arg9[%swap3A_1165] {strides = array<i32>} : memref<1600xi32, #tpu.memory_space<vmem>>, vector<16xi32>,
    tpu.vector_store %arg9[%swap3A_1165], %shift_right_logical3A_1164 {strides = array<i32>} : memref<1600xi32, #tpu.memory_space<vmem>>, vector<16xi32>,
    %and3A_1167 = arith.constant 15 : i32
    %and3A_1168 = vector.broadcast %and3A_1167 : i32 to vector<16xi32>
    %and3A_1169 = arith.andi %add3A_1161, %and3A_1168 : vector<16xi32>
    %swap3A_1170 = arith.constant 1024 : index
    %swap3A_1171 = tpu.vector_load %arg10[%swap3A_1170] {strides = array<i32>} : memref<1600xi32, #tpu.memory_space<vmem>>, vector<16xi32>,
    tpu.vector_store %arg10[%swap3A_1170], %and3A_1169 {strides = array<i32>} : memref<1600xi32, #tpu.memory_space<vmem>>, vector<16xi32>,
    %get3A_1172 = arith.constant 1040 : index
    %get3A_1173 = tpu.vector_load %arg7[%get3A_1172] {strides = array<i32>} : memref<1600xi32, #tpu.memory_space<vmem>>, vector<16xi32>,
    %mul3A_1174 = arith.constant 1000 : i32
    %mul3A_1175 = vector.broadcast %mul3A_1174 : i32 to vector<16xi32>
    %mul3A_1176 = arith.muli %get3A_1173, %mul3A_1175 : vector<16xi32>
    %get3A_1177 = arith.constant 1040 : index
    %get3A_1178 = tpu.vector_load %arg8[%get3A_1177] {strides = array<i32>} : memref<1600xi32, #tpu.memory_space<vmem>>, vector<16xi32>,
    %add3A_1179 = arith.addi %mul3A_1176, %get3A_1178 : vector<16xi32>
    %shift_right_logical3A_1180 = arith.constant 4 : i32
    %shift_right_logical3A_1181 = vector.broadcast %shift_right_logical3A_1180 : i32 to vector<16xi32>
    %shift_right_logical3A_1182 = arith.shrui %add3A_1179, %shift_right_logical3A_1181 : vector<16xi32>
    %swap3A_1183 = arith.constant 1040 : index
    %swap3A_1184 = tpu.vector_load %arg9[%swap3A_1183] {strides = array<i32>} : memref<1600xi32, #tpu.memory_space<vmem>>, vector<16xi32>,
    tpu.vector_store %arg9[%swap3A_1183], %shift_right_logical3A_1182 {strides = array<i32>} : memref<1600xi32, #tpu.memory_space<vmem>>, vector<16xi32>,
    %and3A_1185 = arith.constant 15 : i32
    %and3A_1186 = vector.broadcast %and3A_1185 : i32 to vector<16xi32>
    %and3A_1187 = arith.andi %add3A_1179, %and3A_1186 : vector<16xi32>
    %swap3A_1188 = arith.constant 1040 : index
    %swap3A_1189 = tpu.vector_load %arg10[%swap3A_1188] {strides = array<i32>} : memref<1600xi32, #tpu.memory_space<vmem>>, vector<16xi32>,
    tpu.vector_store %arg10[%swap3A_1188], %and3A_1187 {strides = array<i32>} : memref<1600xi32, #tpu.memory_space<vmem>>, vector<16xi32>,
    %get3A_1190 = arith.constant 1056 : index
    %get3A_1191 = tpu.vector_load %arg7[%get3A_1190] {strides = array<i32>} : memref<1600xi32, #tpu.memory_space<vmem>>, vector<16xi32>,
    %mul3A_1192 = arith.constant 1000 : i32
    %mul3A_1193 = vector.broadcast %mul3A_1192 : i32 to vector<16xi32>
    %mul3A_1194 = arith.muli %get3A_1191, %mul3A_1193 : vector<16xi32>
    %get3A_1195 = arith.constant 1056 : index
    %get3A_1196 = tpu.vector_load %arg8[%get3A_1195] {strides = array<i32>} : memref<1600xi32, #tpu.memory_space<vmem>>, vector<16xi32>,
    %add3A_1197 = arith.addi %mul3A_1194, %get3A_1196 : vector<16xi32>
    %shift_right_logical3A_1198 = arith.constant 4 : i32
    %shift_right_logical3A_1199 = vector.broadcast %shift_right_logical3A_1198 : i32 to vector<16xi32>
    %shift_right_logical3A_1200 = arith.shrui %add3A_1197, %shift_right_logical3A_1199 : vector<16xi32>
    %swap3A_1201 = arith.constant 1056 : index
    %swap3A_1202 = tpu.vector_load %arg9[%swap3A_1201] {strides = array<i32>} : memref<1600xi32, #tpu.memory_space<vmem>>, vector<16xi32>,
    tpu.vector_store %arg9[%swap3A_1201], %shift_right_logical3A_1200 {strides = array<i32>} : memref<1600xi32, #tpu.memory_space<vmem>>, vector<16xi32>,
    %and3A_1203 = arith.constant 15 : i32
    %and3A_1204 = vector.broadcast %and3A_1203 : i32 to vector<16xi32>
    %and3A_1205 = arith.andi %add3A_1197, %and3A_1204 : vector<16xi32>
    %swap3A_1206 = arith.constant 1056 : index
    %swap3A_1207 = tpu.vector_load %arg10[%swap3A_1206] {strides = array<i32>} : memref<1600xi32, #tpu.memory_space<vmem>>, vector<16xi32>,
    tpu.vector_store %arg10[%swap3A_1206], %and3A_1205 {strides = array<i32>} : memref<1600xi32, #tpu.memory_space<vmem>>, vector<16xi32>,
    %get3A_1208 = arith.constant 1072 : index
    %get3A_1209 = tpu.vector_load %arg7[%get3A_1208] {strides = array<i32>} : memref<1600xi32, #tpu.memory_space<vmem>>, vector<16xi32>,
    %mul3A_1210 = arith.constant 1000 : i32
    %mul3A_1211 = vector.broadcast %mul3A_1210 : i32 to vector<16xi32>
    %mul3A_1212 = arith.muli %get3A_1209, %mul3A_1211 : vector<16xi32>
    %get3A_1213 = arith.constant 1072 : index
    %get3A_1214 = tpu.vector_load %arg8[%get3A_1213] {strides = array<i32>} : memref<1600xi32, #tpu.memory_space<vmem>>, vector<16xi32>,
    %add3A_1215 = arith.addi %mul3A_1212, %get3A_1214 : vector<16xi32>
    %shift_right_logical3A_1216 = arith.constant 4 : i32
    %shift_right_logical3A_1217 = vector.broadcast %shift_right_logical3A_1216 : i32 to vector<16xi32>
    %shift_right_logical3A_1218 = arith.shrui %add3A_1215, %shift_right_logical3A_1217 : vector<16xi32>
    %swap3A_1219 = arith.constant 1072 : index
    %swap3A_1220 = tpu.vector_load %arg9[%swap3A_1219] {strides = array<i32>} : memref<1600xi32, #tpu.memory_space<vmem>>, vector<16xi32>,
    tpu.vector_store %arg9[%swap3A_1219], %shift_right_logical3A_1218 {strides = array<i32>} : memref<1600xi32, #tpu.memory_space<vmem>>, vector<16xi32>,
    %and3A_1221 = arith.constant 15 : i32
    %and3A_1222 = vector.broadcast %and3A_1221 : i32 to vector<16xi32>
    %and3A_1223 = arith.andi %add3A_1215, %and3A_1222 : vector<16xi32>
    %swap3A_1224 = arith.constant 1072 : index
    %swap3A_1225 = tpu.vector_load %arg10[%swap3A_1224] {strides = array<i32>} : memref<1600xi32, #tpu.memory_space<vmem>>, vector<16xi32>,
    tpu.vector_store %arg10[%swap3A_1224], %and3A_1223 {strides = array<i32>} : memref<1600xi32, #tpu.memory_space<vmem>>, vector<16xi32>,
    %get3A_1226 = arith.constant 1088 : index
    %get3A_1227 = tpu.vector_load %arg7[%get3A_1226] {strides = array<i32>} : memref<1600xi32, #tpu.memory_space<vmem>>, vector<16xi32>,
    %mul3A_1228 = arith.constant 1000 : i32
    %mul3A_1229 = vector.broadcast %mul3A_1228 : i32 to vector<16xi32>
    %mul3A_1230 = arith.muli %get3A_1227, %mul3A_1229 : vector<16xi32>
    %get3A_1231 = arith.constant 1088 : index
    %get3A_1232 = tpu.vector_load %arg8[%get3A_1231] {strides = array<i32>} : memref<1600xi32, #tpu.memory_space<vmem>>, vector<16xi32>,
    %add3A_1233 = arith.addi %mul3A_1230, %get3A_1232 : vector<16xi32>
    %shift_right_logical3A_1234 = arith.constant 4 : i32
    %shift_right_logical3A_1235 = vector.broadcast %shift_right_logical3A_1234 : i32 to vector<16xi32>
    %shift_right_logical3A_1236 = arith.shrui %add3A_1233, %shift_right_logical3A_1235 : vector<16xi32>
    %swap3A_1237 = arith.constant 1088 : index
    %swap3A_1238 = tpu.vector_load %arg9[%swap3A_1237] {strides = array<i32>} : memref<1600xi32, #tpu.memory_space<vmem>>, vector<16xi32>,
    tpu.vector_store %arg9[%swap3A_1237], %shift_right_logical3A_1236 {strides = array<i32>} : memref<1600xi32, #tpu.memory_space<vmem>>, vector<16xi32>,
    %and3A_1239 = arith.constant 15 : i32
    %and3A_1240 = vector.broadcast %and3A_1239 : i32 to vector<16xi32>
    %and3A_1241 = arith.andi %add3A_1233, %and3A_1240 : vector<16xi32>
    %swap3A_1242 = arith.constant 1088 : index
    %swap3A_1243 = tpu.vector_load %arg10[%swap3A_1242] {strides = array<i32>} : memref<1600xi32, #tpu.memory_space<vmem>>, vector<16xi32>,
    tpu.vector_store %arg10[%swap3A_1242], %and3A_1241 {strides = array<i32>} : memref<1600xi32, #tpu.memory_space<vmem>>, vector<16xi32>,
    %get3A_1244 = arith.constant 1104 : index
    %get3A_1245 = tpu.vector_load %arg7[%get3A_1244] {strides = array<i32>} : memref<1600xi32, #tpu.memory_space<vmem>>, vector<16xi32>,
    %mul3A_1246 = arith.constant 1000 : i32
    %mul3A_1247 = vector.broadcast %mul3A_1246 : i32 to vector<16xi32>
    %mul3A_1248 = arith.muli %get3A_1245, %mul3A_1247 : vector<16xi32>
    %get3A_1249 = arith.constant 1104 : index
    %get3A_1250 = tpu.vector_load %arg8[%get3A_1249] {strides = array<i32>} : memref<1600xi32, #tpu.memory_space<vmem>>, vector<16xi32>,
    %add3A_1251 = arith.addi %mul3A_1248, %get3A_1250 : vector<16xi32>
    %shift_right_logical3A_1252 = arith.constant 4 : i32
    %shift_right_logical3A_1253 = vector.broadcast %shift_right_logical3A_1252 : i32 to vector<16xi32>
    %shift_right_logical3A_1254 = arith.shrui %add3A_1251, %shift_right_logical3A_1253 : vector<16xi32>
    %swap3A_1255 = arith.constant 1104 : index
    %swap3A_1256 = tpu.vector_load %arg9[%swap3A_1255] {strides = array<i32>} : memref<1600xi32, #tpu.memory_space<vmem>>, vector<16xi32>,
    tpu.vector_store %arg9[%swap3A_1255], %shift_right_logical3A_1254 {strides = array<i32>} : memref<1600xi32, #tpu.memory_space<vmem>>, vector<16xi32>,
    %and3A_1257 = arith.constant 15 : i32
    %and3A_1258 = vector.broadcast %and3A_1257 : i32 to vector<16xi32>
    %and3A_1259 = arith.andi %add3A_1251, %and3A_1258 : vector<16xi32>
    %swap3A_1260 = arith.constant 1104 : index
    %swap3A_1261 = tpu.vector_load %arg10[%swap3A_1260] {strides = array<i32>} : memref<1600xi32, #tpu.memory_space<vmem>>, vector<16xi32>,
    tpu.vector_store %arg10[%swap3A_1260], %and3A_1259 {strides = array<i32>} : memref<1600xi32, #tpu.memory_space<vmem>>, vector<16xi32>,
    %get3A_1262 = arith.constant 1120 : index
    %get3A_1263 = tpu.vector_load %arg7[%get3A_1262] {strides = array<i32>} : memref<1600xi32, #tpu.memory_space<vmem>>, vector<16xi32>,
    %mul3A_1264 = arith.constant 1000 : i32
    %mul3A_1265 = vector.broadcast %mul3A_1264 : i32 to vector<16xi32>
    %mul3A_1266 = arith.muli %get3A_1263, %mul3A_1265 : vector<16xi32>
    %get3A_1267 = arith.constant 1120 : index
    %get3A_1268 = tpu.vector_load %arg8[%get3A_1267] {strides = array<i32>} : memref<1600xi32, #tpu.memory_space<vmem>>, vector<16xi32>,
    %add3A_1269 = arith.addi %mul3A_1266, %get3A_1268 : vector<16xi32>
    %shift_right_logical3A_1270 = arith.constant 4 : i32
    %shift_right_logical3A_1271 = vector.broadcast %shift_right_logical3A_1270 : i32 to vector<16xi32>
    %shift_right_logical3A_1272 = arith.shrui %add3A_1269, %shift_right_logical3A_1271 : vector<16xi32>
    %swap3A_1273 = arith.constant 1120 : index
    %swap3A_1274 = tpu.vector_load %arg9[%swap3A_1273] {strides = array<i32>} : memref<1600xi32, #tpu.memory_space<vmem>>, vector<16xi32>,
    tpu.vector_store %arg9[%swap3A_1273], %shift_right_logical3A_1272 {strides = array<i32>} : memref<1600xi32, #tpu.memory_space<vmem>>, vector<16xi32>,
    %and3A_1275 = arith.constant 15 : i32
    %and3A_1276 = vector.broadcast %and3A_1275 : i32 to vector<16xi32>
    %and3A_1277 = arith.andi %add3A_1269, %and3A_1276 : vector<16xi32>
    %swap3A_1278 = arith.constant 1120 : index
    %swap3A_1279 = tpu.vector_load %arg10[%swap3A_1278] {strides = array<i32>} : memref<1600xi32, #tpu.memory_space<vmem>>, vector<16xi32>,
    tpu.vector_store %arg10[%swap3A_1278], %and3A_1277 {strides = array<i32>} : memref<1600xi32, #tpu.memory_space<vmem>>, vector<16xi32>,
    %get3A_1280 = arith.constant 1136 : index
    %get3A_1281 = tpu.vector_load %arg7[%get3A_1280] {strides = array<i32>} : memref<1600xi32, #tpu.memory_space<vmem>>, vector<16xi32>,
    %mul3A_1282 = arith.constant 1000 : i32
    %mul3A_1283 = vector.broadcast %mul3A_1282 : i32 to vector<16xi32>
    %mul3A_1284 = arith.muli %get3A_1281, %mul3A_1283 : vector<16xi32>
    %get3A_1285 = arith.constant 1136 : index
    %get3A_1286 = tpu.vector_load %arg8[%get3A_1285] {strides = array<i32>} : memref<1600xi32, #tpu.memory_space<vmem>>, vector<16xi32>,
    %add3A_1287 = arith.addi %mul3A_1284, %get3A_1286 : vector<16xi32>
    %shift_right_logical3A_1288 = arith.constant 4 : i32
    %shift_right_logical3A_1289 = vector.broadcast %shift_right_logical3A_1288 : i32 to vector<16xi32>
    %shift_right_logical3A_1290 = arith.shrui %add3A_1287, %shift_right_logical3A_1289 : vector<16xi32>
    %swap3A_1291 = arith.constant 1136 : index
    %swap3A_1292 = tpu.vector_load %arg9[%swap3A_1291] {strides = array<i32>} : memref<1600xi32, #tpu.memory_space<vmem>>, vector<16xi32>,
    tpu.vector_store %arg9[%swap3A_1291], %shift_right_logical3A_1290 {strides = array<i32>} : memref<1600xi32, #tpu.memory_space<vmem>>, vector<16xi32>,
    %and3A_1293 = arith.constant 15 : i32
    %and3A_1294 = vector.broadcast %and3A_1293 : i32 to vector<16xi32>
    %and3A_1295 = arith.andi %add3A_1287, %and3A_1294 : vector<16xi32>
    %swap3A_1296 = arith.constant 1136 : index
    %swap3A_1297 = tpu.vector_load %arg10[%swap3A_1296] {strides = array<i32>} : memref<1600xi32, #tpu.memory_space<vmem>>, vector<16xi32>,
    tpu.vector_store %arg10[%swap3A_1296], %and3A_1295 {strides = array<i32>} : memref<1600xi32, #tpu.memory_space<vmem>>, vector<16xi32>,
    %get3A_1298 = arith.constant 1152 : index
    %get3A_1299 = tpu.vector_load %arg7[%get3A_1298] {strides = array<i32>} : memref<1600xi32, #tpu.memory_space<vmem>>, vector<16xi32>,
    %mul3A_1300 = arith.constant 1000 : i32
    %mul3A_1301 = vector.broadcast %mul3A_1300 : i32 to vector<16xi32>
    %mul3A_1302 = arith.muli %get3A_1299, %mul3A_1301 : vector<16xi32>
    %get3A_1303 = arith.constant 1152 : index
    %get3A_1304 = tpu.vector_load %arg8[%get3A_1303] {strides = array<i32>} : memref<1600xi32, #tpu.memory_space<vmem>>, vector<16xi32>,
    %add3A_1305 = arith.addi %mul3A_1302, %get3A_1304 : vector<16xi32>
    %shift_right_logical3A_1306 = arith.constant 4 : i32
    %shift_right_logical3A_1307 = vector.broadcast %shift_right_logical3A_1306 : i32 to vector<16xi32>
    %shift_right_logical3A_1308 = arith.shrui %add3A_1305, %shift_right_logical3A_1307 : vector<16xi32>
    %swap3A_1309 = arith.constant 1152 : index
    %swap3A_1310 = tpu.vector_load %arg9[%swap3A_1309] {strides = array<i32>} : memref<1600xi32, #tpu.memory_space<vmem>>, vector<16xi32>,
    tpu.vector_store %arg9[%swap3A_1309], %shift_right_logical3A_1308 {strides = array<i32>} : memref<1600xi32, #tpu.memory_space<vmem>>, vector<16xi32>,
    %and3A_1311 = arith.constant 15 : i32
    %and3A_1312 = vector.broadcast %and3A_1311 : i32 to vector<16xi32>
    %and3A_1313 = arith.andi %add3A_1305, %and3A_1312 : vector<16xi32>
    %swap3A_1314 = arith.constant 1152 : index
    %swap3A_1315 = tpu.vector_load %arg10[%swap3A_1314] {strides = array<i32>} : memref<1600xi32, #tpu.memory_space<vmem>>, vector<16xi32>,
    tpu.vector_store %arg10[%swap3A_1314], %and3A_1313 {strides = array<i32>} : memref<1600xi32, #tpu.memory_space<vmem>>, vector<16xi32>,
    %get3A_1316 = arith.constant 1168 : index
    %get3A_1317 = tpu.vector_load %arg7[%get3A_1316] {strides = array<i32>} : memref<1600xi32, #tpu.memory_space<vmem>>, vector<16xi32>,
    %mul3A_1318 = arith.constant 1000 : i32
    %mul3A_1319 = vector.broadcast %mul3A_1318 : i32 to vector<16xi32>
    %mul3A_1320 = arith.muli %get3A_1317, %mul3A_1319 : vector<16xi32>
    %get3A_1321 = arith.constant 1168 : index
    %get3A_1322 = tpu.vector_load %arg8[%get3A_1321] {strides = array<i32>} : memref<1600xi32, #tpu.memory_space<vmem>>, vector<16xi32>,
    %add3A_1323 = arith.addi %mul3A_1320, %get3A_1322 : vector<16xi32>
    %shift_right_logical3A_1324 = arith.constant 4 : i32
    %shift_right_logical3A_1325 = vector.broadcast %shift_right_logical3A_1324 : i32 to vector<16xi32>
    %shift_right_logical3A_1326 = arith.shrui %add3A_1323, %shift_right_logical3A_1325 : vector<16xi32>
    %swap3A_1327 = arith.constant 1168 : index
    %swap3A_1328 = tpu.vector_load %arg9[%swap3A_1327] {strides = array<i32>} : memref<1600xi32, #tpu.memory_space<vmem>>, vector<16xi32>,
    tpu.vector_store %arg9[%swap3A_1327], %shift_right_logical3A_1326 {strides = array<i32>} : memref<1600xi32, #tpu.memory_space<vmem>>, vector<16xi32>,
    %and3A_1329 = arith.constant 15 : i32
    %and3A_1330 = vector.broadcast %and3A_1329 : i32 to vector<16xi32>
    %and3A_1331 = arith.andi %add3A_1323, %and3A_1330 : vector<16xi32>
    %swap3A_1332 = arith.constant 1168 : index
    %swap3A_1333 = tpu.vector_load %arg10[%swap3A_1332] {strides = array<i32>} : memref<1600xi32, #tpu.memory_space<vmem>>, vector<16xi32>,
    tpu.vector_store %arg10[%swap3A_1332], %and3A_1331 {strides = array<i32>} : memref<1600xi32, #tpu.memory_space<vmem>>, vector<16xi32>,
    %get3A_1334 = arith.constant 1184 : index
    %get3A_1335 = tpu.vector_load %arg7[%get3A_1334] {strides = array<i32>} : memref<1600xi32, #tpu.memory_space<vmem>>, vector<16xi32>,
    %mul3A_1336 = arith.constant 1000 : i32
    %mul3A_1337 = vector.broadcast %mul3A_1336 : i32 to vector<16xi32>
    %mul3A_1338 = arith.muli %get3A_1335, %mul3A_1337 : vector<16xi32>
    %get3A_1339 = arith.constant 1184 : index
    %get3A_1340 = tpu.vector_load %arg8[%get3A_1339] {strides = array<i32>} : memref<1600xi32, #tpu.memory_space<vmem>>, vector<16xi32>,
    %add3A_1341 = arith.addi %mul3A_1338, %get3A_1340 : vector<16xi32>
    %shift_right_logical3A_1342 = arith.constant 4 : i32
    %shift_right_logical3A_1343 = vector.broadcast %shift_right_logical3A_1342 : i32 to vector<16xi32>
    %shift_right_logical3A_1344 = arith.shrui %add3A_1341, %shift_right_logical3A_1343 : vector<16xi32>
    %swap3A_1345 = arith.constant 1184 : index
    %swap3A_1346 = tpu.vector_load %arg9[%swap3A_1345] {strides = array<i32>} : memref<1600xi32, #tpu.memory_space<vmem>>, vector<16xi32>,
    tpu.vector_store %arg9[%swap3A_1345], %shift_right_logical3A_1344 {strides = array<i32>} : memref<1600xi32, #tpu.memory_space<vmem>>, vector<16xi32>,
    %and3A_1347 = arith.constant 15 : i32
    %and3A_1348 = vector.broadcast %and3A_1347 : i32 to vector<16xi32>
    %and3A_1349 = arith.andi %add3A_1341, %and3A_1348 : vector<16xi32>
    %swap3A_1350 = arith.constant 1184 : index
    %swap3A_1351 = tpu.vector_load %arg10[%swap3A_1350] {strides = array<i32>} : memref<1600xi32, #tpu.memory_space<vmem>>, vector<16xi32>,
    tpu.vector_store %arg10[%swap3A_1350], %and3A_1349 {strides = array<i32>} : memref<1600xi32, #tpu.memory_space<vmem>>, vector<16xi32>,
    %get3A_1352 = arith.constant 1200 : index
    %get3A_1353 = tpu.vector_load %arg7[%get3A_1352] {strides = array<i32>} : memref<1600xi32, #tpu.memory_space<vmem>>, vector<16xi32>,
    %mul3A_1354 = arith.constant 1000 : i32
    %mul3A_1355 = vector.broadcast %mul3A_1354 : i32 to vector<16xi32>
    %mul3A_1356 = arith.muli %get3A_1353, %mul3A_1355 : vector<16xi32>
    %get3A_1357 = arith.constant 1200 : index
    %get3A_1358 = tpu.vector_load %arg8[%get3A_1357] {strides = array<i32>} : memref<1600xi32, #tpu.memory_space<vmem>>, vector<16xi32>,
    %add3A_1359 = arith.addi %mul3A_1356, %get3A_1358 : vector<16xi32>
    %shift_right_logical3A_1360 = arith.constant 4 : i32
    %shift_right_logical3A_1361 = vector.broadcast %shift_right_logical3A_1360 : i32 to vector<16xi32>
    %shift_right_logical3A_1362 = arith.shrui %add3A_1359, %shift_right_logical3A_1361 : vector<16xi32>
    %swap3A_1363 = arith.constant 1200 : index
    %swap3A_1364 = tpu.vector_load %arg9[%swap3A_1363] {strides = array<i32>} : memref<1600xi32, #tpu.memory_space<vmem>>, vector<16xi32>,
    tpu.vector_store %arg9[%swap3A_1363], %shift_right_logical3A_1362 {strides = array<i32>} : memref<1600xi32, #tpu.memory_space<vmem>>, vector<16xi32>,
    %and3A_1365 = arith.constant 15 : i32
    %and3A_1366 = vector.broadcast %and3A_1365 : i32 to vector<16xi32>
    %and3A_1367 = arith.andi %add3A_1359, %and3A_1366 : vector<16xi32>
    %swap3A_1368 = arith.constant 1200 : index
    %swap3A_1369 = tpu.vector_load %arg10[%swap3A_1368] {strides = array<i32>} : memref<1600xi32, #tpu.memory_space<vmem>>, vector<16xi32>,
    tpu.vector_store %arg10[%swap3A_1368], %and3A_1367 {strides = array<i32>} : memref<1600xi32, #tpu.memory_space<vmem>>, vector<16xi32>,
    %get3A_1370 = arith.constant 1216 : index
    %get3A_1371 = tpu.vector_load %arg7[%get3A_1370] {strides = array<i32>} : memref<1600xi32, #tpu.memory_space<vmem>>, vector<16xi32>,
    %mul3A_1372 = arith.constant 1000 : i32
    %mul3A_1373 = vector.broadcast %mul3A_1372 : i32 to vector<16xi32>
    %mul3A_1374 = arith.muli %get3A_1371, %mul3A_1373 : vector<16xi32>
    %get3A_1375 = arith.constant 1216 : index
    %get3A_1376 = tpu.vector_load %arg8[%get3A_1375] {strides = array<i32>} : memref<1600xi32, #tpu.memory_space<vmem>>, vector<16xi32>,
    %add3A_1377 = arith.addi %mul3A_1374, %get3A_1376 : vector<16xi32>
    %shift_right_logical3A_1378 = arith.constant 4 : i32
    %shift_right_logical3A_1379 = vector.broadcast %shift_right_logical3A_1378 : i32 to vector<16xi32>
    %shift_right_logical3A_1380 = arith.shrui %add3A_1377, %shift_right_logical3A_1379 : vector<16xi32>
    %swap3A_1381 = arith.constant 1216 : index
    %swap3A_1382 = tpu.vector_load %arg9[%swap3A_1381] {strides = array<i32>} : memref<1600xi32, #tpu.memory_space<vmem>>, vector<16xi32>,
    tpu.vector_store %arg9[%swap3A_1381], %shift_right_logical3A_1380 {strides = array<i32>} : memref<1600xi32, #tpu.memory_space<vmem>>, vector<16xi32>,
    %and3A_1383 = arith.constant 15 : i32
    %and3A_1384 = vector.broadcast %and3A_1383 : i32 to vector<16xi32>
    %and3A_1385 = arith.andi %add3A_1377, %and3A_1384 : vector<16xi32>
    %swap3A_1386 = arith.constant 1216 : index
    %swap3A_1387 = tpu.vector_load %arg10[%swap3A_1386] {strides = array<i32>} : memref<1600xi32, #tpu.memory_space<vmem>>, vector<16xi32>,
    tpu.vector_store %arg10[%swap3A_1386], %and3A_1385 {strides = array<i32>} : memref<1600xi32, #tpu.memory_space<vmem>>, vector<16xi32>,
    %get3A_1388 = arith.constant 1232 : index
    %get3A_1389 = tpu.vector_load %arg7[%get3A_1388] {strides = array<i32>} : memref<1600xi32, #tpu.memory_space<vmem>>, vector<16xi32>,
    %mul3A_1390 = arith.constant 1000 : i32
    %mul3A_1391 = vector.broadcast %mul3A_1390 : i32 to vector<16xi32>
    %mul3A_1392 = arith.muli %get3A_1389, %mul3A_1391 : vector<16xi32>
    %get3A_1393 = arith.constant 1232 : index
    %get3A_1394 = tpu.vector_load %arg8[%get3A_1393] {strides = array<i32>} : memref<1600xi32, #tpu.memory_space<vmem>>, vector<16xi32>,
    %add3A_1395 = arith.addi %mul3A_1392, %get3A_1394 : vector<16xi32>
    %shift_right_logical3A_1396 = arith.constant 4 : i32
    %shift_right_logical3A_1397 = vector.broadcast %shift_right_logical3A_1396 : i32 to vector<16xi32>
    %shift_right_logical3A_1398 = arith.shrui %add3A_1395, %shift_right_logical3A_1397 : vector<16xi32>
    %swap3A_1399 = arith.constant 1232 : index
    %swap3A_1400 = tpu.vector_load %arg9[%swap3A_1399] {strides = array<i32>} : memref<1600xi32, #tpu.memory_space<vmem>>, vector<16xi32>,
    tpu.vector_store %arg9[%swap3A_1399], %shift_right_logical3A_1398 {strides = array<i32>} : memref<1600xi32, #tpu.memory_space<vmem>>, vector<16xi32>,
    %and3A_1401 = arith.constant 15 : i32
    %and3A_1402 = vector.broadcast %and3A_1401 : i32 to vector<16xi32>
    %and3A_1403 = arith.andi %add3A_1395, %and3A_1402 : vector<16xi32>
    %swap3A_1404 = arith.constant 1232 : index
    %swap3A_1405 = tpu.vector_load %arg10[%swap3A_1404] {strides = array<i32>} : memref<1600xi32, #tpu.memory_space<vmem>>, vector<16xi32>,
    tpu.vector_store %arg10[%swap3A_1404], %and3A_1403 {strides = array<i32>} : memref<1600xi32, #tpu.memory_space<vmem>>, vector<16xi32>,
    %get3A_1406 = arith.constant 1248 : index
    %get3A_1407 = tpu.vector_load %arg7[%get3A_1406] {strides = array<i32>} : memref<1600xi32, #tpu.memory_space<vmem>>, vector<16xi32>,
    %mul3A_1408 = arith.constant 1000 : i32
    %mul3A_1409 = vector.broadcast %mul3A_1408 : i32 to vector<16xi32>
    %mul3A_1410 = arith.muli %get3A_1407, %mul3A_1409 : vector<16xi32>
    %get3A_1411 = arith.constant 1248 : index
    %get3A_1412 = tpu.vector_load %arg8[%get3A_1411] {strides = array<i32>} : memref<1600xi32, #tpu.memory_space<vmem>>, vector<16xi32>,
    %add3A_1413 = arith.addi %mul3A_1410, %get3A_1412 : vector<16xi32>
    %shift_right_logical3A_1414 = arith.constant 4 : i32
    %shift_right_logical3A_1415 = vector.broadcast %shift_right_logical3A_1414 : i32 to vector<16xi32>
    %shift_right_logical3A_1416 = arith.shrui %add3A_1413, %shift_right_logical3A_1415 : vector<16xi32>
    %swap3A_1417 = arith.constant 1248 : index
    %swap3A_1418 = tpu.vector_load %arg9[%swap3A_1417] {strides = array<i32>} : memref<1600xi32, #tpu.memory_space<vmem>>, vector<16xi32>,
    tpu.vector_store %arg9[%swap3A_1417], %shift_right_logical3A_1416 {strides = array<i32>} : memref<1600xi32, #tpu.memory_space<vmem>>, vector<16xi32>,
    %and3A_1419 = arith.constant 15 : i32
    %and3A_1420 = vector.broadcast %and3A_1419 : i32 to vector<16xi32>
    %and3A_1421 = arith.andi %add3A_1413, %and3A_1420 : vector<16xi32>
    %swap3A_1422 = arith.constant 1248 : index
    %swap3A_1423 = tpu.vector_load %arg10[%swap3A_1422] {strides = array<i32>} : memref<1600xi32, #tpu.memory_space<vmem>>, vector<16xi32>,
    tpu.vector_store %arg10[%swap3A_1422], %and3A_1421 {strides = array<i32>} : memref<1600xi32, #tpu.memory_space<vmem>>, vector<16xi32>,
    %get3A_1424 = arith.constant 1264 : index
    %get3A_1425 = tpu.vector_load %arg7[%get3A_1424] {strides = array<i32>} : memref<1600xi32, #tpu.memory_space<vmem>>, vector<16xi32>,
    %mul3A_1426 = arith.constant 1000 : i32
    %mul3A_1427 = vector.broadcast %mul3A_1426 : i32 to vector<16xi32>
    %mul3A_1428 = arith.muli %get3A_1425, %mul3A_1427 : vector<16xi32>
    %get3A_1429 = arith.constant 1264 : index
    %get3A_1430 = tpu.vector_load %arg8[%get3A_1429] {strides = array<i32>} : memref<1600xi32, #tpu.memory_space<vmem>>, vector<16xi32>,
    %add3A_1431 = arith.addi %mul3A_1428, %get3A_1430 : vector<16xi32>
    %shift_right_logical3A_1432 = arith.constant 4 : i32
    %shift_right_logical3A_1433 = vector.broadcast %shift_right_logical3A_1432 : i32 to vector<16xi32>
    %shift_right_logical3A_1434 = arith.shrui %add3A_1431, %shift_right_logical3A_1433 : vector<16xi32>
    %swap3A_1435 = arith.constant 1264 : index
    %swap3A_1436 = tpu.vector_load %arg9[%swap3A_1435] {strides = array<i32>} : memref<1600xi32, #tpu.memory_space<vmem>>, vector<16xi32>,
    tpu.vector_store %arg9[%swap3A_1435], %shift_right_logical3A_1434 {strides = array<i32>} : memref<1600xi32, #tpu.memory_space<vmem>>, vector<16xi32>,
    %and3A_1437 = arith.constant 15 : i32
    %and3A_1438 = vector.broadcast %and3A_1437 : i32 to vector<16xi32>
    %and3A_1439 = arith.andi %add3A_1431, %and3A_1438 : vector<16xi32>
    %swap3A_1440 = arith.constant 1264 : index
    %swap3A_1441 = tpu.vector_load %arg10[%swap3A_1440] {strides = array<i32>} : memref<1600xi32, #tpu.memory_space<vmem>>, vector<16xi32>,
    tpu.vector_store %arg10[%swap3A_1440], %and3A_1439 {strides = array<i32>} : memref<1600xi32, #tpu.memory_space<vmem>>, vector<16xi32>,
    %get3A_1442 = arith.constant 1280 : index
    %get3A_1443 = tpu.vector_load %arg7[%get3A_1442] {strides = array<i32>} : memref<1600xi32, #tpu.memory_space<vmem>>, vector<16xi32>,
    %mul3A_1444 = arith.constant 1000 : i32
    %mul3A_1445 = vector.broadcast %mul3A_1444 : i32 to vector<16xi32>
    %mul3A_1446 = arith.muli %get3A_1443, %mul3A_1445 : vector<16xi32>
    %get3A_1447 = arith.constant 1280 : index
    %get3A_1448 = tpu.vector_load %arg8[%get3A_1447] {strides = array<i32>} : memref<1600xi32, #tpu.memory_space<vmem>>, vector<16xi32>,
    %add3A_1449 = arith.addi %mul3A_1446, %get3A_1448 : vector<16xi32>
    %shift_right_logical3A_1450 = arith.constant 4 : i32
    %shift_right_logical3A_1451 = vector.broadcast %shift_right_logical3A_1450 : i32 to vector<16xi32>
    %shift_right_logical3A_1452 = arith.shrui %add3A_1449, %shift_right_logical3A_1451 : vector<16xi32>
    %swap3A_1453 = arith.constant 1280 : index
    %swap3A_1454 = tpu.vector_load %arg9[%swap3A_1453] {strides = array<i32>} : memref<1600xi32, #tpu.memory_space<vmem>>, vector<16xi32>,
    tpu.vector_store %arg9[%swap3A_1453], %shift_right_logical3A_1452 {strides = array<i32>} : memref<1600xi32, #tpu.memory_space<vmem>>, vector<16xi32>,
    %and3A_1455 = arith.constant 15 : i32
    %and3A_1456 = vector.broadcast %and3A_1455 : i32 to vector<16xi32>
    %and3A_1457 = arith.andi %add3A_1449, %and3A_1456 : vector<16xi32>
    %swap3A_1458 = arith.constant 1280 : index
    %swap3A_1459 = tpu.vector_load %arg10[%swap3A_1458] {strides = array<i32>} : memref<1600xi32, #tpu.memory_space<vmem>>, vector<16xi32>,
    tpu.vector_store %arg10[%swap3A_1458], %and3A_1457 {strides = array<i32>} : memref<1600xi32, #tpu.memory_space<vmem>>, vector<16xi32>,
    %get3A_1460 = arith.constant 1296 : index
    %get3A_1461 = tpu.vector_load %arg7[%get3A_1460] {strides = array<i32>} : memref<1600xi32, #tpu.memory_space<vmem>>, vector<16xi32>,
    %mul3A_1462 = arith.constant 1000 : i32
    %mul3A_1463 = vector.broadcast %mul3A_1462 : i32 to vector<16xi32>
    %mul3A_1464 = arith.muli %get3A_1461, %mul3A_1463 : vector<16xi32>
    %get3A_1465 = arith.constant 1296 : index
    %get3A_1466 = tpu.vector_load %arg8[%get3A_1465] {strides = array<i32>} : memref<1600xi32, #tpu.memory_space<vmem>>, vector<16xi32>,
    %add3A_1467 = arith.addi %mul3A_1464, %get3A_1466 : vector<16xi32>
    %shift_right_logical3A_1468 = arith.constant 4 : i32
    %shift_right_logical3A_1469 = vector.broadcast %shift_right_logical3A_1468 : i32 to vector<16xi32>
    %shift_right_logical3A_1470 = arith.shrui %add3A_1467, %shift_right_logical3A_1469 : vector<16xi32>
    %swap3A_1471 = arith.constant 1296 : index
    %swap3A_1472 = tpu.vector_load %arg9[%swap3A_1471] {strides = array<i32>} : memref<1600xi32, #tpu.memory_space<vmem>>, vector<16xi32>,
    tpu.vector_store %arg9[%swap3A_1471], %shift_right_logical3A_1470 {strides = array<i32>} : memref<1600xi32, #tpu.memory_space<vmem>>, vector<16xi32>,
    %and3A_1473 = arith.constant 15 : i32
    %and3A_1474 = vector.broadcast %and3A_1473 : i32 to vector<16xi32>
    %and3A_1475 = arith.andi %add3A_1467, %and3A_1474 : vector<16xi32>
    %swap3A_1476 = arith.constant 1296 : index
    %swap3A_1477 = tpu.vector_load %arg10[%swap3A_1476] {strides = array<i32>} : memref<1600xi32, #tpu.memory_space<vmem>>, vector<16xi32>,
    tpu.vector_store %arg10[%swap3A_1476], %and3A_1475 {strides = array<i32>} : memref<1600xi32, #tpu.memory_space<vmem>>, vector<16xi32>,
    %get3A_1478 = arith.constant 1312 : index
    %get3A_1479 = tpu.vector_load %arg7[%get3A_1478] {strides = array<i32>} : memref<1600xi32, #tpu.memory_space<vmem>>, vector<16xi32>,
    %mul3A_1480 = arith.constant 1000 : i32
    %mul3A_1481 = vector.broadcast %mul3A_1480 : i32 to vector<16xi32>
    %mul3A_1482 = arith.muli %get3A_1479, %mul3A_1481 : vector<16xi32>
    %get3A_1483 = arith.constant 1312 : index
    %get3A_1484 = tpu.vector_load %arg8[%get3A_1483] {strides = array<i32>} : memref<1600xi32, #tpu.memory_space<vmem>>, vector<16xi32>,
    %add3A_1485 = arith.addi %mul3A_1482, %get3A_1484 : vector<16xi32>
    %shift_right_logical3A_1486 = arith.constant 4 : i32
    %shift_right_logical3A_1487 = vector.broadcast %shift_right_logical3A_1486 : i32 to vector<16xi32>
    %shift_right_logical3A_1488 = arith.shrui %add3A_1485, %shift_right_logical3A_1487 : vector<16xi32>
    %swap3A_1489 = arith.constant 1312 : index
    %swap3A_1490 = tpu.vector_load %arg9[%swap3A_1489] {strides = array<i32>} : memref<1600xi32, #tpu.memory_space<vmem>>, vector<16xi32>,
    tpu.vector_store %arg9[%swap3A_1489], %shift_right_logical3A_1488 {strides = array<i32>} : memref<1600xi32, #tpu.memory_space<vmem>>, vector<16xi32>,
    %and3A_1491 = arith.constant 15 : i32
    %and3A_1492 = vector.broadcast %and3A_1491 : i32 to vector<16xi32>
    %and3A_1493 = arith.andi %add3A_1485, %and3A_1492 : vector<16xi32>
    %swap3A_1494 = arith.constant 1312 : index
    %swap3A_1495 = tpu.vector_load %arg10[%swap3A_1494] {strides = array<i32>} : memref<1600xi32, #tpu.memory_space<vmem>>, vector<16xi32>,
    tpu.vector_store %arg10[%swap3A_1494], %and3A_1493 {strides = array<i32>} : memref<1600xi32, #tpu.memory_space<vmem>>, vector<16xi32>,
    %get3A_1496 = arith.constant 1328 : index
    %get3A_1497 = tpu.vector_load %arg7[%get3A_1496] {strides = array<i32>} : memref<1600xi32, #tpu.memory_space<vmem>>, vector<16xi32>,
    %mul3A_1498 = arith.constant 1000 : i32
    %mul3A_1499 = vector.broadcast %mul3A_1498 : i32 to vector<16xi32>
    %mul3A_1500 = arith.muli %get3A_1497, %mul3A_1499 : vector<16xi32>
    %get3A_1501 = arith.constant 1328 : index
    %get3A_1502 = tpu.vector_load %arg8[%get3A_1501] {strides = array<i32>} : memref<1600xi32, #tpu.memory_space<vmem>>, vector<16xi32>,
    %add3A_1503 = arith.addi %mul3A_1500, %get3A_1502 : vector<16xi32>
    %shift_right_logical3A_1504 = arith.constant 4 : i32
    %shift_right_logical3A_1505 = vector.broadcast %shift_right_logical3A_1504 : i32 to vector<16xi32>
    %shift_right_logical3A_1506 = arith.shrui %add3A_1503, %shift_right_logical3A_1505 : vector<16xi32>
    %swap3A_1507 = arith.constant 1328 : index
    %swap3A_1508 = tpu.vector_load %arg9[%swap3A_1507] {strides = array<i32>} : memref<1600xi32, #tpu.memory_space<vmem>>, vector<16xi32>,
    tpu.vector_store %arg9[%swap3A_1507], %shift_right_logical3A_1506 {strides = array<i32>} : memref<1600xi32, #tpu.memory_space<vmem>>, vector<16xi32>,
    %and3A_1509 = arith.constant 15 : i32
    %and3A_1510 = vector.broadcast %and3A_1509 : i32 to vector<16xi32>
    %and3A_1511 = arith.andi %add3A_1503, %and3A_1510 : vector<16xi32>
    %swap3A_1512 = arith.constant 1328 : index
    %swap3A_1513 = tpu.vector_load %arg10[%swap3A_1512] {strides = array<i32>} : memref<1600xi32, #tpu.memory_space<vmem>>, vector<16xi32>,
    tpu.vector_store %arg10[%swap3A_1512], %and3A_1511 {strides = array<i32>} : memref<1600xi32, #tpu.memory_space<vmem>>, vector<16xi32>,
    %get3A_1514 = arith.constant 1344 : index
    %get3A_1515 = tpu.vector_load %arg7[%get3A_1514] {strides = array<i32>} : memref<1600xi32, #tpu.memory_space<vmem>>, vector<16xi32>,
    %mul3A_1516 = arith.constant 1000 : i32
    %mul3A_1517 = vector.broadcast %mul3A_1516 : i32 to vector<16xi32>
    %mul3A_1518 = arith.muli %get3A_1515, %mul3A_1517 : vector<16xi32>
    %get3A_1519 = arith.constant 1344 : index
    %get3A_1520 = tpu.vector_load %arg8[%get3A_1519] {strides = array<i32>} : memref<1600xi32, #tpu.memory_space<vmem>>, vector<16xi32>,
    %add3A_1521 = arith.addi %mul3A_1518, %get3A_1520 : vector<16xi32>
    %shift_right_logical3A_1522 = arith.constant 4 : i32
    %shift_right_logical3A_1523 = vector.broadcast %shift_right_logical3A_1522 : i32 to vector<16xi32>
    %shift_right_logical3A_1524 = arith.shrui %add3A_1521, %shift_right_logical3A_1523 : vector<16xi32>
    %swap3A_1525 = arith.constant 1344 : index
    %swap3A_1526 = tpu.vector_load %arg9[%swap3A_1525] {strides = array<i32>} : memref<1600xi32, #tpu.memory_space<vmem>>, vector<16xi32>,
    tpu.vector_store %arg9[%swap3A_1525], %shift_right_logical3A_1524 {strides = array<i32>} : memref<1600xi32, #tpu.memory_space<vmem>>, vector<16xi32>,
    %and3A_1527 = arith.constant 15 : i32
    %and3A_1528 = vector.broadcast %and3A_1527 : i32 to vector<16xi32>
    %and3A_1529 = arith.andi %add3A_1521, %and3A_1528 : vector<16xi32>
    %swap3A_1530 = arith.constant 1344 : index
    %swap3A_1531 = tpu.vector_load %arg10[%swap3A_1530] {strides = array<i32>} : memref<1600xi32, #tpu.memory_space<vmem>>, vector<16xi32>,
    tpu.vector_store %arg10[%swap3A_1530], %and3A_1529 {strides = array<i32>} : memref<1600xi32, #tpu.memory_space<vmem>>, vector<16xi32>,
    %get3A_1532 = arith.constant 1360 : index
    %get3A_1533 = tpu.vector_load %arg7[%get3A_1532] {strides = array<i32>} : memref<1600xi32, #tpu.memory_space<vmem>>, vector<16xi32>,
    %mul3A_1534 = arith.constant 1000 : i32
    %mul3A_1535 = vector.broadcast %mul3A_1534 : i32 to vector<16xi32>
    %mul3A_1536 = arith.muli %get3A_1533, %mul3A_1535 : vector<16xi32>
    %get3A_1537 = arith.constant 1360 : index
    %get3A_1538 = tpu.vector_load %arg8[%get3A_1537] {strides = array<i32>} : memref<1600xi32, #tpu.memory_space<vmem>>, vector<16xi32>,
    %add3A_1539 = arith.addi %mul3A_1536, %get3A_1538 : vector<16xi32>
    %shift_right_logical3A_1540 = arith.constant 4 : i32
    %shift_right_logical3A_1541 = vector.broadcast %shift_right_logical3A_1540 : i32 to vector<16xi32>
    %shift_right_logical3A_1542 = arith.shrui %add3A_1539, %shift_right_logical3A_1541 : vector<16xi32>
    %swap3A_1543 = arith.constant 1360 : index
    %swap3A_1544 = tpu.vector_load %arg9[%swap3A_1543] {strides = array<i32>} : memref<1600xi32, #tpu.memory_space<vmem>>, vector<16xi32>,
    tpu.vector_store %arg9[%swap3A_1543], %shift_right_logical3A_1542 {strides = array<i32>} : memref<1600xi32, #tpu.memory_space<vmem>>, vector<16xi32>,
    %and3A_1545 = arith.constant 15 : i32
    %and3A_1546 = vector.broadcast %and3A_1545 : i32 to vector<16xi32>
    %and3A_1547 = arith.andi %add3A_1539, %and3A_1546 : vector<16xi32>
    %swap3A_1548 = arith.constant 1360 : index
    %swap3A_1549 = tpu.vector_load %arg10[%swap3A_1548] {strides = array<i32>} : memref<1600xi32, #tpu.memory_space<vmem>>, vector<16xi32>,
    tpu.vector_store %arg10[%swap3A_1548], %and3A_1547 {strides = array<i32>} : memref<1600xi32, #tpu.memory_space<vmem>>, vector<16xi32>,
    %get3A_1550 = arith.constant 1376 : index
    %get3A_1551 = tpu.vector_load %arg7[%get3A_1550] {strides = array<i32>} : memref<1600xi32, #tpu.memory_space<vmem>>, vector<16xi32>,
    %mul3A_1552 = arith.constant 1000 : i32
    %mul3A_1553 = vector.broadcast %mul3A_1552 : i32 to vector<16xi32>
    %mul3A_1554 = arith.muli %get3A_1551, %mul3A_1553 : vector<16xi32>
    %get3A_1555 = arith.constant 1376 : index
    %get3A_1556 = tpu.vector_load %arg8[%get3A_1555] {strides = array<i32>} : memref<1600xi32, #tpu.memory_space<vmem>>, vector<16xi32>,
    %add3A_1557 = arith.addi %mul3A_1554, %get3A_1556 : vector<16xi32>
    %shift_right_logical3A_1558 = arith.constant 4 : i32
    %shift_right_logical3A_1559 = vector.broadcast %shift_right_logical3A_1558 : i32 to vector<16xi32>
    %shift_right_logical3A_1560 = arith.shrui %add3A_1557, %shift_right_logical3A_1559 : vector<16xi32>
    %swap3A_1561 = arith.constant 1376 : index
    %swap3A_1562 = tpu.vector_load %arg9[%swap3A_1561] {strides = array<i32>} : memref<1600xi32, #tpu.memory_space<vmem>>, vector<16xi32>,
    tpu.vector_store %arg9[%swap3A_1561], %shift_right_logical3A_1560 {strides = array<i32>} : memref<1600xi32, #tpu.memory_space<vmem>>, vector<16xi32>,
    %and3A_1563 = arith.constant 15 : i32
    %and3A_1564 = vector.broadcast %and3A_1563 : i32 to vector<16xi32>
    %and3A_1565 = arith.andi %add3A_1557, %and3A_1564 : vector<16xi32>
    %swap3A_1566 = arith.constant 1376 : index
    %swap3A_1567 = tpu.vector_load %arg10[%swap3A_1566] {strides = array<i32>} : memref<1600xi32, #tpu.memory_space<vmem>>, vector<16xi32>,
    tpu.vector_store %arg10[%swap3A_1566], %and3A_1565 {strides = array<i32>} : memref<1600xi32, #tpu.memory_space<vmem>>, vector<16xi32>,
    %get3A_1568 = arith.constant 1392 : index
    %get3A_1569 = tpu.vector_load %arg7[%get3A_1568] {strides = array<i32>} : memref<1600xi32, #tpu.memory_space<vmem>>, vector<16xi32>,
    %mul3A_1570 = arith.constant 1000 : i32
    %mul3A_1571 = vector.broadcast %mul3A_1570 : i32 to vector<16xi32>
    %mul3A_1572 = arith.muli %get3A_1569, %mul3A_1571 : vector<16xi32>
    %get3A_1573 = arith.constant 1392 : index
    %get3A_1574 = tpu.vector_load %arg8[%get3A_1573] {strides = array<i32>} : memref<1600xi32, #tpu.memory_space<vmem>>, vector<16xi32>,
    %add3A_1575 = arith.addi %mul3A_1572, %get3A_1574 : vector<16xi32>
    %shift_right_logical3A_1576 = arith.constant 4 : i32
    %shift_right_logical3A_1577 = vector.broadcast %shift_right_logical3A_1576 : i32 to vector<16xi32>
    %shift_right_logical3A_1578 = arith.shrui %add3A_1575, %shift_right_logical3A_1577 : vector<16xi32>
    %swap3A_1579 = arith.constant 1392 : index
    %swap3A_1580 = tpu.vector_load %arg9[%swap3A_1579] {strides = array<i32>} : memref<1600xi32, #tpu.memory_space<vmem>>, vector<16xi32>,
    tpu.vector_store %arg9[%swap3A_1579], %shift_right_logical3A_1578 {strides = array<i32>} : memref<1600xi32, #tpu.memory_space<vmem>>, vector<16xi32>,
    %and3A_1581 = arith.constant 15 : i32
    %and3A_1582 = vector.broadcast %and3A_1581 : i32 to vector<16xi32>
    %and3A_1583 = arith.andi %add3A_1575, %and3A_1582 : vector<16xi32>
    %swap3A_1584 = arith.constant 1392 : index
    %swap3A_1585 = tpu.vector_load %arg10[%swap3A_1584] {strides = array<i32>} : memref<1600xi32, #tpu.memory_space<vmem>>, vector<16xi32>,
    tpu.vector_store %arg10[%swap3A_1584], %and3A_1583 {strides = array<i32>} : memref<1600xi32, #tpu.memory_space<vmem>>, vector<16xi32>,
    %get3A_1586 = arith.constant 1408 : index
    %get3A_1587 = tpu.vector_load %arg7[%get3A_1586] {strides = array<i32>} : memref<1600xi32, #tpu.memory_space<vmem>>, vector<16xi32>,
    %mul3A_1588 = arith.constant 1000 : i32
    %mul3A_1589 = vector.broadcast %mul3A_1588 : i32 to vector<16xi32>
    %mul3A_1590 = arith.muli %get3A_1587, %mul3A_1589 : vector<16xi32>
    %get3A_1591 = arith.constant 1408 : index
    %get3A_1592 = tpu.vector_load %arg8[%get3A_1591] {strides = array<i32>} : memref<1600xi32, #tpu.memory_space<vmem>>, vector<16xi32>,
    %add3A_1593 = arith.addi %mul3A_1590, %get3A_1592 : vector<16xi32>
    %shift_right_logical3A_1594 = arith.constant 4 : i32
    %shift_right_logical3A_1595 = vector.broadcast %shift_right_logical3A_1594 : i32 to vector<16xi32>
    %shift_right_logical3A_1596 = arith.shrui %add3A_1593, %shift_right_logical3A_1595 : vector<16xi32>
    %swap3A_1597 = arith.constant 1408 : index
    %swap3A_1598 = tpu.vector_load %arg9[%swap3A_1597] {strides = array<i32>} : memref<1600xi32, #tpu.memory_space<vmem>>, vector<16xi32>,
    tpu.vector_store %arg9[%swap3A_1597], %shift_right_logical3A_1596 {strides = array<i32>} : memref<1600xi32, #tpu.memory_space<vmem>>, vector<16xi32>,
    %and3A_1599 = arith.constant 15 : i32
    %and3A_1600 = vector.broadcast %and3A_1599 : i32 to vector<16xi32>
    %and3A_1601 = arith.andi %add3A_1593, %and3A_1600 : vector<16xi32>
    %swap3A_1602 = arith.constant 1408 : index
    %swap3A_1603 = tpu.vector_load %arg10[%swap3A_1602] {strides = array<i32>} : memref<1600xi32, #tpu.memory_space<vmem>>, vector<16xi32>,
    tpu.vector_store %arg10[%swap3A_1602], %and3A_1601 {strides = array<i32>} : memref<1600xi32, #tpu.memory_space<vmem>>, vector<16xi32>,
    %get3A_1604 = arith.constant 1424 : index
    %get3A_1605 = tpu.vector_load %arg7[%get3A_1604] {strides = array<i32>} : memref<1600xi32, #tpu.memory_space<vmem>>, vector<16xi32>,
    %mul3A_1606 = arith.constant 1000 : i32
    %mul3A_1607 = vector.broadcast %mul3A_1606 : i32 to vector<16xi32>
    %mul3A_1608 = arith.muli %get3A_1605, %mul3A_1607 : vector<16xi32>
    %get3A_1609 = arith.constant 1424 : index
    %get3A_1610 = tpu.vector_load %arg8[%get3A_1609] {strides = array<i32>} : memref<1600xi32, #tpu.memory_space<vmem>>, vector<16xi32>,
    %add3A_1611 = arith.addi %mul3A_1608, %get3A_1610 : vector<16xi32>
    %shift_right_logical3A_1612 = arith.constant 4 : i32
    %shift_right_logical3A_1613 = vector.broadcast %shift_right_logical3A_1612 : i32 to vector<16xi32>
    %shift_right_logical3A_1614 = arith.shrui %add3A_1611, %shift_right_logical3A_1613 : vector<16xi32>
    %swap3A_1615 = arith.constant 1424 : index
    %swap3A_1616 = tpu.vector_load %arg9[%swap3A_1615] {strides = array<i32>} : memref<1600xi32, #tpu.memory_space<vmem>>, vector<16xi32>,
    tpu.vector_store %arg9[%swap3A_1615], %shift_right_logical3A_1614 {strides = array<i32>} : memref<1600xi32, #tpu.memory_space<vmem>>, vector<16xi32>,
    %and3A_1617 = arith.constant 15 : i32
    %and3A_1618 = vector.broadcast %and3A_1617 : i32 to vector<16xi32>
    %and3A_1619 = arith.andi %add3A_1611, %and3A_1618 : vector<16xi32>
    %swap3A_1620 = arith.constant 1424 : index
    %swap3A_1621 = tpu.vector_load %arg10[%swap3A_1620] {strides = array<i32>} : memref<1600xi32, #tpu.memory_space<vmem>>, vector<16xi32>,
    tpu.vector_store %arg10[%swap3A_1620], %and3A_1619 {strides = array<i32>} : memref<1600xi32, #tpu.memory_space<vmem>>, vector<16xi32>,
    %get3A_1622 = arith.constant 1440 : index
    %get3A_1623 = tpu.vector_load %arg7[%get3A_1622] {strides = array<i32>} : memref<1600xi32, #tpu.memory_space<vmem>>, vector<16xi32>,
    %mul3A_1624 = arith.constant 1000 : i32
    %mul3A_1625 = vector.broadcast %mul3A_1624 : i32 to vector<16xi32>
    %mul3A_1626 = arith.muli %get3A_1623, %mul3A_1625 : vector<16xi32>
    %get3A_1627 = arith.constant 1440 : index
    %get3A_1628 = tpu.vector_load %arg8[%get3A_1627] {strides = array<i32>} : memref<1600xi32, #tpu.memory_space<vmem>>, vector<16xi32>,
    %add3A_1629 = arith.addi %mul3A_1626, %get3A_1628 : vector<16xi32>
    %shift_right_logical3A_1630 = arith.constant 4 : i32
    %shift_right_logical3A_1631 = vector.broadcast %shift_right_logical3A_1630 : i32 to vector<16xi32>
    %shift_right_logical3A_1632 = arith.shrui %add3A_1629, %shift_right_logical3A_1631 : vector<16xi32>
    %swap3A_1633 = arith.constant 1440 : index
    %swap3A_1634 = tpu.vector_load %arg9[%swap3A_1633] {strides = array<i32>} : memref<1600xi32, #tpu.memory_space<vmem>>, vector<16xi32>,
    tpu.vector_store %arg9[%swap3A_1633], %shift_right_logical3A_1632 {strides = array<i32>} : memref<1600xi32, #tpu.memory_space<vmem>>, vector<16xi32>,
    %and3A_1635 = arith.constant 15 : i32
    %and3A_1636 = vector.broadcast %and3A_1635 : i32 to vector<16xi32>
    %and3A_1637 = arith.andi %add3A_1629, %and3A_1636 : vector<16xi32>
    %swap3A_1638 = arith.constant 1440 : index
    %swap3A_1639 = tpu.vector_load %arg10[%swap3A_1638] {strides = array<i32>} : memref<1600xi32, #tpu.memory_space<vmem>>, vector<16xi32>,
    tpu.vector_store %arg10[%swap3A_1638], %and3A_1637 {strides = array<i32>} : memref<1600xi32, #tpu.memory_space<vmem>>, vector<16xi32>,
    %get3A_1640 = arith.constant 1456 : index
    %get3A_1641 = tpu.vector_load %arg7[%get3A_1640] {strides = array<i32>} : memref<1600xi32, #tpu.memory_space<vmem>>, vector<16xi32>,
    %mul3A_1642 = arith.constant 1000 : i32
    %mul3A_1643 = vector.broadcast %mul3A_1642 : i32 to vector<16xi32>
    %mul3A_1644 = arith.muli %get3A_1641, %mul3A_1643 : vector<16xi32>
    %get3A_1645 = arith.constant 1456 : index
    %get3A_1646 = tpu.vector_load %arg8[%get3A_1645] {strides = array<i32>} : memref<1600xi32, #tpu.memory_space<vmem>>, vector<16xi32>,
    %add3A_1647 = arith.addi %mul3A_1644, %get3A_1646 : vector<16xi32>
    %shift_right_logical3A_1648 = arith.constant 4 : i32
    %shift_right_logical3A_1649 = vector.broadcast %shift_right_logical3A_1648 : i32 to vector<16xi32>
    %shift_right_logical3A_1650 = arith.shrui %add3A_1647, %shift_right_logical3A_1649 : vector<16xi32>
    %swap3A_1651 = arith.constant 1456 : index
    %swap3A_1652 = tpu.vector_load %arg9[%swap3A_1651] {strides = array<i32>} : memref<1600xi32, #tpu.memory_space<vmem>>, vector<16xi32>,
    tpu.vector_store %arg9[%swap3A_1651], %shift_right_logical3A_1650 {strides = array<i32>} : memref<1600xi32, #tpu.memory_space<vmem>>, vector<16xi32>,
    %and3A_1653 = arith.constant 15 : i32
    %and3A_1654 = vector.broadcast %and3A_1653 : i32 to vector<16xi32>
    %and3A_1655 = arith.andi %add3A_1647, %and3A_1654 : vector<16xi32>
    %swap3A_1656 = arith.constant 1456 : index
    %swap3A_1657 = tpu.vector_load %arg10[%swap3A_1656] {strides = array<i32>} : memref<1600xi32, #tpu.memory_space<vmem>>, vector<16xi32>,
    tpu.vector_store %arg10[%swap3A_1656], %and3A_1655 {strides = array<i32>} : memref<1600xi32, #tpu.memory_space<vmem>>, vector<16xi32>,
    %get3A_1658 = arith.constant 1472 : index
    %get3A_1659 = tpu.vector_load %arg7[%get3A_1658] {strides = array<i32>} : memref<1600xi32, #tpu.memory_space<vmem>>, vector<16xi32>,
    %mul3A_1660 = arith.constant 1000 : i32
    %mul3A_1661 = vector.broadcast %mul3A_1660 : i32 to vector<16xi32>
    %mul3A_1662 = arith.muli %get3A_1659, %mul3A_1661 : vector<16xi32>
    %get3A_1663 = arith.constant 1472 : index
    %get3A_1664 = tpu.vector_load %arg8[%get3A_1663] {strides = array<i32>} : memref<1600xi32, #tpu.memory_space<vmem>>, vector<16xi32>,
    %add3A_1665 = arith.addi %mul3A_1662, %get3A_1664 : vector<16xi32>
    %shift_right_logical3A_1666 = arith.constant 4 : i32
    %shift_right_logical3A_1667 = vector.broadcast %shift_right_logical3A_1666 : i32 to vector<16xi32>
    %shift_right_logical3A_1668 = arith.shrui %add3A_1665, %shift_right_logical3A_1667 : vector<16xi32>
    %swap3A_1669 = arith.constant 1472 : index
    %swap3A_1670 = tpu.vector_load %arg9[%swap3A_1669] {strides = array<i32>} : memref<1600xi32, #tpu.memory_space<vmem>>, vector<16xi32>,
    tpu.vector_store %arg9[%swap3A_1669], %shift_right_logical3A_1668 {strides = array<i32>} : memref<1600xi32, #tpu.memory_space<vmem>>, vector<16xi32>,
    %and3A_1671 = arith.constant 15 : i32
    %and3A_1672 = vector.broadcast %and3A_1671 : i32 to vector<16xi32>
    %and3A_1673 = arith.andi %add3A_1665, %and3A_1672 : vector<16xi32>
    %swap3A_1674 = arith.constant 1472 : index
    %swap3A_1675 = tpu.vector_load %arg10[%swap3A_1674] {strides = array<i32>} : memref<1600xi32, #tpu.memory_space<vmem>>, vector<16xi32>,
    tpu.vector_store %arg10[%swap3A_1674], %and3A_1673 {strides = array<i32>} : memref<1600xi32, #tpu.memory_space<vmem>>, vector<16xi32>,
    %get3A_1676 = arith.constant 1488 : index
    %get3A_1677 = tpu.vector_load %arg7[%get3A_1676] {strides = array<i32>} : memref<1600xi32, #tpu.memory_space<vmem>>, vector<16xi32>,
    %mul3A_1678 = arith.constant 1000 : i32
    %mul3A_1679 = vector.broadcast %mul3A_1678 : i32 to vector<16xi32>
    %mul3A_1680 = arith.muli %get3A_1677, %mul3A_1679 : vector<16xi32>
    %get3A_1681 = arith.constant 1488 : index
    %get3A_1682 = tpu.vector_load %arg8[%get3A_1681] {strides = array<i32>} : memref<1600xi32, #tpu.memory_space<vmem>>, vector<16xi32>,
    %add3A_1683 = arith.addi %mul3A_1680, %get3A_1682 : vector<16xi32>
    %shift_right_logical3A_1684 = arith.constant 4 : i32
    %shift_right_logical3A_1685 = vector.broadcast %shift_right_logical3A_1684 : i32 to vector<16xi32>
    %shift_right_logical3A_1686 = arith.shrui %add3A_1683, %shift_right_logical3A_1685 : vector<16xi32>
    %swap3A_1687 = arith.constant 1488 : index
    %swap3A_1688 = tpu.vector_load %arg9[%swap3A_1687] {strides = array<i32>} : memref<1600xi32, #tpu.memory_space<vmem>>, vector<16xi32>,
    tpu.vector_store %arg9[%swap3A_1687], %shift_right_logical3A_1686 {strides = array<i32>} : memref<1600xi32, #tpu.memory_space<vmem>>, vector<16xi32>,
    %and3A_1689 = arith.constant 15 : i32
    %and3A_1690 = vector.broadcast %and3A_1689 : i32 to vector<16xi32>
    %and3A_1691 = arith.andi %add3A_1683, %and3A_1690 : vector<16xi32>
    %swap3A_1692 = arith.constant 1488 : index
    %swap3A_1693 = tpu.vector_load %arg10[%swap3A_1692] {strides = array<i32>} : memref<1600xi32, #tpu.memory_space<vmem>>, vector<16xi32>,
    tpu.vector_store %arg10[%swap3A_1692], %and3A_1691 {strides = array<i32>} : memref<1600xi32, #tpu.memory_space<vmem>>, vector<16xi32>,
    %get3A_1694 = arith.constant 1504 : index
    %get3A_1695 = tpu.vector_load %arg7[%get3A_1694] {strides = array<i32>} : memref<1600xi32, #tpu.memory_space<vmem>>, vector<16xi32>,
    %mul3A_1696 = arith.constant 1000 : i32
    %mul3A_1697 = vector.broadcast %mul3A_1696 : i32 to vector<16xi32>
    %mul3A_1698 = arith.muli %get3A_1695, %mul3A_1697 : vector<16xi32>
    %get3A_1699 = arith.constant 1504 : index
    %get3A_1700 = tpu.vector_load %arg8[%get3A_1699] {strides = array<i32>} : memref<1600xi32, #tpu.memory_space<vmem>>, vector<16xi32>,
    %add3A_1701 = arith.addi %mul3A_1698, %get3A_1700 : vector<16xi32>
    %shift_right_logical3A_1702 = arith.constant 4 : i32
    %shift_right_logical3A_1703 = vector.broadcast %shift_right_logical3A_1702 : i32 to vector<16xi32>
    %shift_right_logical3A_1704 = arith.shrui %add3A_1701, %shift_right_logical3A_1703 : vector<16xi32>
    %swap3A_1705 = arith.constant 1504 : index
    %swap3A_1706 = tpu.vector_load %arg9[%swap3A_1705] {strides = array<i32>} : memref<1600xi32, #tpu.memory_space<vmem>>, vector<16xi32>,
    tpu.vector_store %arg9[%swap3A_1705], %shift_right_logical3A_1704 {strides = array<i32>} : memref<1600xi32, #tpu.memory_space<vmem>>, vector<16xi32>,
    %and3A_1707 = arith.constant 15 : i32
    %and3A_1708 = vector.broadcast %and3A_1707 : i32 to vector<16xi32>
    %and3A_1709 = arith.andi %add3A_1701, %and3A_1708 : vector<16xi32>
    %swap3A_1710 = arith.constant 1504 : index
    %swap3A_1711 = tpu.vector_load %arg10[%swap3A_1710] {strides = array<i32>} : memref<1600xi32, #tpu.memory_space<vmem>>, vector<16xi32>,
    tpu.vector_store %arg10[%swap3A_1710], %and3A_1709 {strides = array<i32>} : memref<1600xi32, #tpu.memory_space<vmem>>, vector<16xi32>,
    %get3A_1712 = arith.constant 1520 : index
    %get3A_1713 = tpu.vector_load %arg7[%get3A_1712] {strides = array<i32>} : memref<1600xi32, #tpu.memory_space<vmem>>, vector<16xi32>,
    %mul3A_1714 = arith.constant 1000 : i32
    %mul3A_1715 = vector.broadcast %mul3A_1714 : i32 to vector<16xi32>
    %mul3A_1716 = arith.muli %get3A_1713, %mul3A_1715 : vector<16xi32>
    %get3A_1717 = arith.constant 1520 : index
    %get3A_1718 = tpu.vector_load %arg8[%get3A_1717] {strides = array<i32>} : memref<1600xi32, #tpu.memory_space<vmem>>, vector<16xi32>,
    %add3A_1719 = arith.addi %mul3A_1716, %get3A_1718 : vector<16xi32>
    %shift_right_logical3A_1720 = arith.constant 4 : i32
    %shift_right_logical3A_1721 = vector.broadcast %shift_right_logical3A_1720 : i32 to vector<16xi32>
    %shift_right_logical3A_1722 = arith.shrui %add3A_1719, %shift_right_logical3A_1721 : vector<16xi32>
    %swap3A_1723 = arith.constant 1520 : index
    %swap3A_1724 = tpu.vector_load %arg9[%swap3A_1723] {strides = array<i32>} : memref<1600xi32, #tpu.memory_space<vmem>>, vector<16xi32>,
    tpu.vector_store %arg9[%swap3A_1723], %shift_right_logical3A_1722 {strides = array<i32>} : memref<1600xi32, #tpu.memory_space<vmem>>, vector<16xi32>,
    %and3A_1725 = arith.constant 15 : i32
    %and3A_1726 = vector.broadcast %and3A_1725 : i32 to vector<16xi32>
    %and3A_1727 = arith.andi %add3A_1719, %and3A_1726 : vector<16xi32>
    %swap3A_1728 = arith.constant 1520 : index
    %swap3A_1729 = tpu.vector_load %arg10[%swap3A_1728] {strides = array<i32>} : memref<1600xi32, #tpu.memory_space<vmem>>, vector<16xi32>,
    tpu.vector_store %arg10[%swap3A_1728], %and3A_1727 {strides = array<i32>} : memref<1600xi32, #tpu.memory_space<vmem>>, vector<16xi32>,
    %get3A_1730 = arith.constant 1536 : index
    %get3A_1731 = tpu.vector_load %arg7[%get3A_1730] {strides = array<i32>} : memref<1600xi32, #tpu.memory_space<vmem>>, vector<16xi32>,
    %mul3A_1732 = arith.constant 1000 : i32
    %mul3A_1733 = vector.broadcast %mul3A_1732 : i32 to vector<16xi32>
    %mul3A_1734 = arith.muli %get3A_1731, %mul3A_1733 : vector<16xi32>
    %get3A_1735 = arith.constant 1536 : index
    %get3A_1736 = tpu.vector_load %arg8[%get3A_1735] {strides = array<i32>} : memref<1600xi32, #tpu.memory_space<vmem>>, vector<16xi32>,
    %add3A_1737 = arith.addi %mul3A_1734, %get3A_1736 : vector<16xi32>
    %shift_right_logical3A_1738 = arith.constant 4 : i32
    %shift_right_logical3A_1739 = vector.broadcast %shift_right_logical3A_1738 : i32 to vector<16xi32>
    %shift_right_logical3A_1740 = arith.shrui %add3A_1737, %shift_right_logical3A_1739 : vector<16xi32>
    %swap3A_1741 = arith.constant 1536 : index
    %swap3A_1742 = tpu.vector_load %arg9[%swap3A_1741] {strides = array<i32>} : memref<1600xi32, #tpu.memory_space<vmem>>, vector<16xi32>,
    tpu.vector_store %arg9[%swap3A_1741], %shift_right_logical3A_1740 {strides = array<i32>} : memref<1600xi32, #tpu.memory_space<vmem>>, vector<16xi32>,
    %and3A_1743 = arith.constant 15 : i32
    %and3A_1744 = vector.broadcast %and3A_1743 : i32 to vector<16xi32>
    %and3A_1745 = arith.andi %add3A_1737, %and3A_1744 : vector<16xi32>
    %swap3A_1746 = arith.constant 1536 : index
    %swap3A_1747 = tpu.vector_load %arg10[%swap3A_1746] {strides = array<i32>} : memref<1600xi32, #tpu.memory_space<vmem>>, vector<16xi32>,
    tpu.vector_store %arg10[%swap3A_1746], %and3A_1745 {strides = array<i32>} : memref<1600xi32, #tpu.memory_space<vmem>>, vector<16xi32>,
    %get3A_1748 = arith.constant 1552 : index
    %get3A_1749 = tpu.vector_load %arg7[%get3A_1748] {strides = array<i32>} : memref<1600xi32, #tpu.memory_space<vmem>>, vector<16xi32>,
    %mul3A_1750 = arith.constant 1000 : i32
    %mul3A_1751 = vector.broadcast %mul3A_1750 : i32 to vector<16xi32>
    %mul3A_1752 = arith.muli %get3A_1749, %mul3A_1751 : vector<16xi32>
    %get3A_1753 = arith.constant 1552 : index
    %get3A_1754 = tpu.vector_load %arg8[%get3A_1753] {strides = array<i32>} : memref<1600xi32, #tpu.memory_space<vmem>>, vector<16xi32>,
    %add3A_1755 = arith.addi %mul3A_1752, %get3A_1754 : vector<16xi32>
    %shift_right_logical3A_1756 = arith.constant 4 : i32
    %shift_right_logical3A_1757 = vector.broadcast %shift_right_logical3A_1756 : i32 to vector<16xi32>
    %shift_right_logical3A_1758 = arith.shrui %add3A_1755, %shift_right_logical3A_1757 : vector<16xi32>
    %swap3A_1759 = arith.constant 1552 : index
    %swap3A_1760 = tpu.vector_load %arg9[%swap3A_1759] {strides = array<i32>} : memref<1600xi32, #tpu.memory_space<vmem>>, vector<16xi32>,
    tpu.vector_store %arg9[%swap3A_1759], %shift_right_logical3A_1758 {strides = array<i32>} : memref<1600xi32, #tpu.memory_space<vmem>>, vector<16xi32>,
    %and3A_1761 = arith.constant 15 : i32
    %and3A_1762 = vector.broadcast %and3A_1761 : i32 to vector<16xi32>
    %and3A_1763 = arith.andi %add3A_1755, %and3A_1762 : vector<16xi32>
    %swap3A_1764 = arith.constant 1552 : index
    %swap3A_1765 = tpu.vector_load %arg10[%swap3A_1764] {strides = array<i32>} : memref<1600xi32, #tpu.memory_space<vmem>>, vector<16xi32>,
    tpu.vector_store %arg10[%swap3A_1764], %and3A_1763 {strides = array<i32>} : memref<1600xi32, #tpu.memory_space<vmem>>, vector<16xi32>,
    %get3A_1766 = arith.constant 1568 : index
    %get3A_1767 = tpu.vector_load %arg7[%get3A_1766] {strides = array<i32>} : memref<1600xi32, #tpu.memory_space<vmem>>, vector<16xi32>,
    %mul3A_1768 = arith.constant 1000 : i32
    %mul3A_1769 = vector.broadcast %mul3A_1768 : i32 to vector<16xi32>
    %mul3A_1770 = arith.muli %get3A_1767, %mul3A_1769 : vector<16xi32>
    %get3A_1771 = arith.constant 1568 : index
    %get3A_1772 = tpu.vector_load %arg8[%get3A_1771] {strides = array<i32>} : memref<1600xi32, #tpu.memory_space<vmem>>, vector<16xi32>,
    %add3A_1773 = arith.addi %mul3A_1770, %get3A_1772 : vector<16xi32>
    %shift_right_logical3A_1774 = arith.constant 4 : i32
    %shift_right_logical3A_1775 = vector.broadcast %shift_right_logical3A_1774 : i32 to vector<16xi32>
    %shift_right_logical3A_1776 = arith.shrui %add3A_1773, %shift_right_logical3A_1775 : vector<16xi32>
    %swap3A_1777 = arith.constant 1568 : index
    %swap3A_1778 = tpu.vector_load %arg9[%swap3A_1777] {strides = array<i32>} : memref<1600xi32, #tpu.memory_space<vmem>>, vector<16xi32>,
    tpu.vector_store %arg9[%swap3A_1777], %shift_right_logical3A_1776 {strides = array<i32>} : memref<1600xi32, #tpu.memory_space<vmem>>, vector<16xi32>,
    %and3A_1779 = arith.constant 15 : i32
    %and3A_1780 = vector.broadcast %and3A_1779 : i32 to vector<16xi32>
    %and3A_1781 = arith.andi %add3A_1773, %and3A_1780 : vector<16xi32>
    %swap3A_1782 = arith.constant 1568 : index
    %swap3A_1783 = tpu.vector_load %arg10[%swap3A_1782] {strides = array<i32>} : memref<1600xi32, #tpu.memory_space<vmem>>, vector<16xi32>,
    tpu.vector_store %arg10[%swap3A_1782], %and3A_1781 {strides = array<i32>} : memref<1600xi32, #tpu.memory_space<vmem>>, vector<16xi32>,
    %get3A_1784 = arith.constant 1584 : index
    %get3A_1785 = tpu.vector_load %arg7[%get3A_1784] {strides = array<i32>} : memref<1600xi32, #tpu.memory_space<vmem>>, vector<16xi32>,
    %mul3A_1786 = arith.constant 1000 : i32
    %mul3A_1787 = vector.broadcast %mul3A_1786 : i32 to vector<16xi32>
    %mul3A_1788 = arith.muli %get3A_1785, %mul3A_1787 : vector<16xi32>
    %get3A_1789 = arith.constant 1584 : index
    %get3A_1790 = tpu.vector_load %arg8[%get3A_1789] {strides = array<i32>} : memref<1600xi32, #tpu.memory_space<vmem>>, vector<16xi32>,
    %add3A_1791 = arith.addi %mul3A_1788, %get3A_1790 : vector<16xi32>
    %shift_right_logical3A_1792 = arith.constant 4 : i32
    %shift_right_logical3A_1793 = vector.broadcast %shift_right_logical3A_1792 : i32 to vector<16xi32>
    %shift_right_logical3A_1794 = arith.shrui %add3A_1791, %shift_right_logical3A_1793 : vector<16xi32>
    %swap3A_1795 = arith.constant 1584 : index
    %swap3A_1796 = tpu.vector_load %arg9[%swap3A_1795] {strides = array<i32>} : memref<1600xi32, #tpu.memory_space<vmem>>, vector<16xi32>,
    tpu.vector_store %arg9[%swap3A_1795], %shift_right_logical3A_1794 {strides = array<i32>} : memref<1600xi32, #tpu.memory_space<vmem>>, vector<16xi32>,
    %and3A_1797 = arith.constant 15 : i32
    %and3A_1798 = vector.broadcast %and3A_1797 : i32 to vector<16xi32>
    %and3A_1799 = arith.andi %add3A_1791, %and3A_1798 : vector<16xi32>
    %swap3A_1800 = arith.constant 1584 : index
    %swap3A_1801 = tpu.vector_load %arg10[%swap3A_1800] {strides = array<i32>} : memref<1600xi32, #tpu.memory_space<vmem>>, vector<16xi32>,
    tpu.vector_store %arg10[%swap3A_1800], %and3A_1799 {strides = array<i32>} : memref<1600xi32, #tpu.memory_space<vmem>>, vector<16xi32>,
    %dma_start3A = arith.constant 0 : i32
    %dma_start3A_1802 = arith.constant 0 : i32
    %dma_start3A_1803 = tpu.memref_slice %arg11[%dma_start3A, %dma_start3A_1802] : memref<1600x16xf32, #tpu.memory_space<vmem>> -> memref<128x16xf32, #tpu.memory_space<vmem>>
    %dma_start3A_1804 = arith.constant 0 : i32
    %dma_start3A_1805 = tpu.memref_slice %arg9[%dma_start3A_1804] : memref<1600xi32, #tpu.memory_space<vmem>> -> memref<128xi32, #tpu.memory_space<vmem>>
    %dma_start3A_1806 = arith.constant 0 : i32
    %dma_start3A_1807 = arith.constant 0 : i32
    %dma_start3A_1808 = tpu.memref_slice %arg2[%dma_start3A_1806, %dma_start3A_1807] : memref<62500x16xf32, #tpu.memory_space<hbm>> -> memref<62500x16xf32, #tpu.memory_space<hbm>>
    tpu.enqueue_indirect_dma source(%dma_start3A_1808 : memref<62500x16xf32, #tpu.memory_space<hbm>>) target(%dma_start3A_1803 : memref<128x16xf32, #tpu.memory_space<vmem>>) offsets(%dma_start3A_1805 : memref<128xi32, #tpu.memory_space<vmem>>) semaphore(%arg14 : memref<!tpu.dma_semaphore, #tpu.memory_space<semaphore_mem>>)
    %dma_start3A_1809 = arith.constant 128 : i32
    %dma_start3A_1810 = arith.constant 0 : i32
    %dma_start3A_1811 = tpu.memref_slice %arg11[%dma_start3A_1809, %dma_start3A_1810] : memref<1600x16xf32, #tpu.memory_space<vmem>> -> memref<128x16xf32, #tpu.memory_space<vmem>>
    %dma_start3A_1812 = arith.constant 128 : i32
    %dma_start3A_1813 = tpu.memref_slice %arg9[%dma_start3A_1812] : memref<1600xi32, #tpu.memory_space<vmem>> -> memref<128xi32, #tpu.memory_space<vmem>>
    %dma_start3A_1814 = arith.constant 0 : i32
    %dma_start3A_1815 = arith.constant 0 : i32
    %dma_start3A_1816 = tpu.memref_slice %arg2[%dma_start3A_1814, %dma_start3A_1815] : memref<62500x16xf32, #tpu.memory_space<hbm>> -> memref<62500x16xf32, #tpu.memory_space<hbm>>
    tpu.enqueue_indirect_dma source(%dma_start3A_1816 : memref<62500x16xf32, #tpu.memory_space<hbm>>) target(%dma_start3A_1811 : memref<128x16xf32, #tpu.memory_space<vmem>>) offsets(%dma_start3A_1813 : memref<128xi32, #tpu.memory_space<vmem>>) semaphore(%arg14 : memref<!tpu.dma_semaphore, #tpu.memory_space<semaphore_mem>>)
    %dma_start3A_1817 = arith.constant 256 : i32
    %dma_start3A_1818 = arith.constant 0 : i32
    %dma_start3A_1819 = tpu.memref_slice %arg11[%dma_start3A_1817, %dma_start3A_1818] : memref<1600x16xf32, #tpu.memory_space<vmem>> -> memref<128x16xf32, #tpu.memory_space<vmem>>
    %dma_start3A_1820 = arith.constant 256 : i32
    %dma_start3A_1821 = tpu.memref_slice %arg9[%dma_start3A_1820] : memref<1600xi32, #tpu.memory_space<vmem>> -> memref<128xi32, #tpu.memory_space<vmem>>
    %dma_start3A_1822 = arith.constant 0 : i32
    %dma_start3A_1823 = arith.constant 0 : i32
    %dma_start3A_1824 = tpu.memref_slice %arg2[%dma_start3A_1822, %dma_start3A_1823] : memref<62500x16xf32, #tpu.memory_space<hbm>> -> memref<62500x16xf32, #tpu.memory_space<hbm>>
    tpu.enqueue_indirect_dma source(%dma_start3A_1824 : memref<62500x16xf32, #tpu.memory_space<hbm>>) target(%dma_start3A_1819 : memref<128x16xf32, #tpu.memory_space<vmem>>) offsets(%dma_start3A_1821 : memref<128xi32, #tpu.memory_space<vmem>>) semaphore(%arg14 : memref<!tpu.dma_semaphore, #tpu.memory_space<semaphore_mem>>)
    %dma_start3A_1825 = arith.constant 384 : i32
    %dma_start3A_1826 = arith.constant 0 : i32
    %dma_start3A_1827 = tpu.memref_slice %arg11[%dma_start3A_1825, %dma_start3A_1826] : memref<1600x16xf32, #tpu.memory_space<vmem>> -> memref<128x16xf32, #tpu.memory_space<vmem>>
    %dma_start3A_1828 = arith.constant 384 : i32
    %dma_start3A_1829 = tpu.memref_slice %arg9[%dma_start3A_1828] : memref<1600xi32, #tpu.memory_space<vmem>> -> memref<128xi32, #tpu.memory_space<vmem>>
    %dma_start3A_1830 = arith.constant 0 : i32
    %dma_start3A_1831 = arith.constant 0 : i32
    %dma_start3A_1832 = tpu.memref_slice %arg2[%dma_start3A_1830, %dma_start3A_1831] : memref<62500x16xf32, #tpu.memory_space<hbm>> -> memref<62500x16xf32, #tpu.memory_space<hbm>>
    tpu.enqueue_indirect_dma source(%dma_start3A_1832 : memref<62500x16xf32, #tpu.memory_space<hbm>>) target(%dma_start3A_1827 : memref<128x16xf32, #tpu.memory_space<vmem>>) offsets(%dma_start3A_1829 : memref<128xi32, #tpu.memory_space<vmem>>) semaphore(%arg14 : memref<!tpu.dma_semaphore, #tpu.memory_space<semaphore_mem>>)
    %dma_start3A_1833 = arith.constant 512 : i32
    %dma_start3A_1834 = arith.constant 0 : i32
    %dma_start3A_1835 = tpu.memref_slice %arg11[%dma_start3A_1833, %dma_start3A_1834] : memref<1600x16xf32, #tpu.memory_space<vmem>> -> memref<128x16xf32, #tpu.memory_space<vmem>>
    %dma_start3A_1836 = arith.constant 512 : i32
    %dma_start3A_1837 = tpu.memref_slice %arg9[%dma_start3A_1836] : memref<1600xi32, #tpu.memory_space<vmem>> -> memref<128xi32, #tpu.memory_space<vmem>>
    %dma_start3A_1838 = arith.constant 0 : i32
    %dma_start3A_1839 = arith.constant 0 : i32
    %dma_start3A_1840 = tpu.memref_slice %arg2[%dma_start3A_1838, %dma_start3A_1839] : memref<62500x16xf32, #tpu.memory_space<hbm>> -> memref<62500x16xf32, #tpu.memory_space<hbm>>
    tpu.enqueue_indirect_dma source(%dma_start3A_1840 : memref<62500x16xf32, #tpu.memory_space<hbm>>) target(%dma_start3A_1835 : memref<128x16xf32, #tpu.memory_space<vmem>>) offsets(%dma_start3A_1837 : memref<128xi32, #tpu.memory_space<vmem>>) semaphore(%arg14 : memref<!tpu.dma_semaphore, #tpu.memory_space<semaphore_mem>>)
    %dma_start3A_1841 = arith.constant 640 : i32
    %dma_start3A_1842 = arith.constant 0 : i32
    %dma_start3A_1843 = tpu.memref_slice %arg11[%dma_start3A_1841, %dma_start3A_1842] : memref<1600x16xf32, #tpu.memory_space<vmem>> -> memref<128x16xf32, #tpu.memory_space<vmem>>
    %dma_start3A_1844 = arith.constant 640 : i32
    %dma_start3A_1845 = tpu.memref_slice %arg9[%dma_start3A_1844] : memref<1600xi32, #tpu.memory_space<vmem>> -> memref<128xi32, #tpu.memory_space<vmem>>
    %dma_start3A_1846 = arith.constant 0 : i32
    %dma_start3A_1847 = arith.constant 0 : i32
    %dma_start3A_1848 = tpu.memref_slice %arg2[%dma_start3A_1846, %dma_start3A_1847] : memref<62500x16xf32, #tpu.memory_space<hbm>> -> memref<62500x16xf32, #tpu.memory_space<hbm>>
    tpu.enqueue_indirect_dma source(%dma_start3A_1848 : memref<62500x16xf32, #tpu.memory_space<hbm>>) target(%dma_start3A_1843 : memref<128x16xf32, #tpu.memory_space<vmem>>) offsets(%dma_start3A_1845 : memref<128xi32, #tpu.memory_space<vmem>>) semaphore(%arg14 : memref<!tpu.dma_semaphore, #tpu.memory_space<semaphore_mem>>)
    %dma_start3A_1849 = arith.constant 768 : i32
    %dma_start3A_1850 = arith.constant 0 : i32
    %dma_start3A_1851 = tpu.memref_slice %arg11[%dma_start3A_1849, %dma_start3A_1850] : memref<1600x16xf32, #tpu.memory_space<vmem>> -> memref<128x16xf32, #tpu.memory_space<vmem>>
    %dma_start3A_1852 = arith.constant 768 : i32
    %dma_start3A_1853 = tpu.memref_slice %arg9[%dma_start3A_1852] : memref<1600xi32, #tpu.memory_space<vmem>> -> memref<128xi32, #tpu.memory_space<vmem>>
    %dma_start3A_1854 = arith.constant 0 : i32
    %dma_start3A_1855 = arith.constant 0 : i32
    %dma_start3A_1856 = tpu.memref_slice %arg2[%dma_start3A_1854, %dma_start3A_1855] : memref<62500x16xf32, #tpu.memory_space<hbm>> -> memref<62500x16xf32, #tpu.memory_space<hbm>>
    tpu.enqueue_indirect_dma source(%dma_start3A_1856 : memref<62500x16xf32, #tpu.memory_space<hbm>>) target(%dma_start3A_1851 : memref<128x16xf32, #tpu.memory_space<vmem>>) offsets(%dma_start3A_1853 : memref<128xi32, #tpu.memory_space<vmem>>) semaphore(%arg14 : memref<!tpu.dma_semaphore, #tpu.memory_space<semaphore_mem>>)
    %dma_start3A_1857 = arith.constant 896 : i32
    %dma_start3A_1858 = arith.constant 0 : i32
    %dma_start3A_1859 = tpu.memref_slice %arg11[%dma_start3A_1857, %dma_start3A_1858] : memref<1600x16xf32, #tpu.memory_space<vmem>> -> memref<128x16xf32, #tpu.memory_space<vmem>>
    %dma_start3A_1860 = arith.constant 896 : i32
    %dma_start3A_1861 = tpu.memref_slice %arg9[%dma_start3A_1860] : memref<1600xi32, #tpu.memory_space<vmem>> -> memref<128xi32, #tpu.memory_space<vmem>>
    %dma_start3A_1862 = arith.constant 0 : i32
    %dma_start3A_1863 = arith.constant 0 : i32
    %dma_start3A_1864 = tpu.memref_slice %arg2[%dma_start3A_1862, %dma_start3A_1863] : memref<62500x16xf32, #tpu.memory_space<hbm>> -> memref<62500x16xf32, #tpu.memory_space<hbm>>
    tpu.enqueue_indirect_dma source(%dma_start3A_1864 : memref<62500x16xf32, #tpu.memory_space<hbm>>) target(%dma_start3A_1859 : memref<128x16xf32, #tpu.memory_space<vmem>>) offsets(%dma_start3A_1861 : memref<128xi32, #tpu.memory_space<vmem>>) semaphore(%arg14 : memref<!tpu.dma_semaphore, #tpu.memory_space<semaphore_mem>>)
    %dma_start3A_1865 = arith.constant 1024 : i32
    %dma_start3A_1866 = arith.constant 0 : i32
    %dma_start3A_1867 = tpu.memref_slice %arg11[%dma_start3A_1865, %dma_start3A_1866] : memref<1600x16xf32, #tpu.memory_space<vmem>> -> memref<128x16xf32, #tpu.memory_space<vmem>>
    %dma_start3A_1868 = arith.constant 1024 : i32
    %dma_start3A_1869 = tpu.memref_slice %arg9[%dma_start3A_1868] : memref<1600xi32, #tpu.memory_space<vmem>> -> memref<128xi32, #tpu.memory_space<vmem>>
    %dma_start3A_1870 = arith.constant 0 : i32
    %dma_start3A_1871 = arith.constant 0 : i32
    %dma_start3A_1872 = tpu.memref_slice %arg2[%dma_start3A_1870, %dma_start3A_1871] : memref<62500x16xf32, #tpu.memory_space<hbm>> -> memref<62500x16xf32, #tpu.memory_space<hbm>>
    tpu.enqueue_indirect_dma source(%dma_start3A_1872 : memref<62500x16xf32, #tpu.memory_space<hbm>>) target(%dma_start3A_1867 : memref<128x16xf32, #tpu.memory_space<vmem>>) offsets(%dma_start3A_1869 : memref<128xi32, #tpu.memory_space<vmem>>) semaphore(%arg14 : memref<!tpu.dma_semaphore, #tpu.memory_space<semaphore_mem>>)
    %dma_start3A_1873 = arith.constant 1152 : i32
    %dma_start3A_1874 = arith.constant 0 : i32
    %dma_start3A_1875 = tpu.memref_slice %arg11[%dma_start3A_1873, %dma_start3A_1874] : memref<1600x16xf32, #tpu.memory_space<vmem>> -> memref<128x16xf32, #tpu.memory_space<vmem>>
    %dma_start3A_1876 = arith.constant 1152 : i32
    %dma_start3A_1877 = tpu.memref_slice %arg9[%dma_start3A_1876] : memref<1600xi32, #tpu.memory_space<vmem>> -> memref<128xi32, #tpu.memory_space<vmem>>
    %dma_start3A_1878 = arith.constant 0 : i32
    %dma_start3A_1879 = arith.constant 0 : i32
    %dma_start3A_1880 = tpu.memref_slice %arg2[%dma_start3A_1878, %dma_start3A_1879] : memref<62500x16xf32, #tpu.memory_space<hbm>> -> memref<62500x16xf32, #tpu.memory_space<hbm>>
    tpu.enqueue_indirect_dma source(%dma_start3A_1880 : memref<62500x16xf32, #tpu.memory_space<hbm>>) target(%dma_start3A_1875 : memref<128x16xf32, #tpu.memory_space<vmem>>) offsets(%dma_start3A_1877 : memref<128xi32, #tpu.memory_space<vmem>>) semaphore(%arg14 : memref<!tpu.dma_semaphore, #tpu.memory_space<semaphore_mem>>)
    %dma_start3A_1881 = arith.constant 1280 : i32
    %dma_start3A_1882 = arith.constant 0 : i32
    %dma_start3A_1883 = tpu.memref_slice %arg11[%dma_start3A_1881, %dma_start3A_1882] : memref<1600x16xf32, #tpu.memory_space<vmem>> -> memref<128x16xf32, #tpu.memory_space<vmem>>
    %dma_start3A_1884 = arith.constant 1280 : i32
    %dma_start3A_1885 = tpu.memref_slice %arg9[%dma_start3A_1884] : memref<1600xi32, #tpu.memory_space<vmem>> -> memref<128xi32, #tpu.memory_space<vmem>>
    %dma_start3A_1886 = arith.constant 0 : i32
    %dma_start3A_1887 = arith.constant 0 : i32
    %dma_start3A_1888 = tpu.memref_slice %arg2[%dma_start3A_1886, %dma_start3A_1887] : memref<62500x16xf32, #tpu.memory_space<hbm>> -> memref<62500x16xf32, #tpu.memory_space<hbm>>
    tpu.enqueue_indirect_dma source(%dma_start3A_1888 : memref<62500x16xf32, #tpu.memory_space<hbm>>) target(%dma_start3A_1883 : memref<128x16xf32, #tpu.memory_space<vmem>>) offsets(%dma_start3A_1885 : memref<128xi32, #tpu.memory_space<vmem>>) semaphore(%arg14 : memref<!tpu.dma_semaphore, #tpu.memory_space<semaphore_mem>>)
    %dma_start3A_1889 = arith.constant 1408 : i32
    %dma_start3A_1890 = arith.constant 0 : i32
    %dma_start3A_1891 = tpu.memref_slice %arg11[%dma_start3A_1889, %dma_start3A_1890] : memref<1600x16xf32, #tpu.memory_space<vmem>> -> memref<128x16xf32, #tpu.memory_space<vmem>>
    %dma_start3A_1892 = arith.constant 1408 : i32
    %dma_start3A_1893 = tpu.memref_slice %arg9[%dma_start3A_1892] : memref<1600xi32, #tpu.memory_space<vmem>> -> memref<128xi32, #tpu.memory_space<vmem>>
    %dma_start3A_1894 = arith.constant 0 : i32
    %dma_start3A_1895 = arith.constant 0 : i32
    %dma_start3A_1896 = tpu.memref_slice %arg2[%dma_start3A_1894, %dma_start3A_1895] : memref<62500x16xf32, #tpu.memory_space<hbm>> -> memref<62500x16xf32, #tpu.memory_space<hbm>>
    tpu.enqueue_indirect_dma source(%dma_start3A_1896 : memref<62500x16xf32, #tpu.memory_space<hbm>>) target(%dma_start3A_1891 : memref<128x16xf32, #tpu.memory_space<vmem>>) offsets(%dma_start3A_1893 : memref<128xi32, #tpu.memory_space<vmem>>) semaphore(%arg14 : memref<!tpu.dma_semaphore, #tpu.memory_space<semaphore_mem>>)
    %dma_start3A_1897 = arith.constant 1536 : i32
    %dma_start3A_1898 = arith.constant 0 : i32
    %dma_start3A_1899 = tpu.memref_slice %arg11[%dma_start3A_1897, %dma_start3A_1898] : memref<1600x16xf32, #tpu.memory_space<vmem>> -> memref<64x16xf32, #tpu.memory_space<vmem>>
    %dma_start3A_1900 = arith.constant 1536 : i32
    %dma_start3A_1901 = tpu.memref_slice %arg9[%dma_start3A_1900] : memref<1600xi32, #tpu.memory_space<vmem>> -> memref<64xi32, #tpu.memory_space<vmem>>
    %dma_start3A_1902 = arith.constant 0 : i32
    %dma_start3A_1903 = arith.constant 0 : i32
    %dma_start3A_1904 = tpu.memref_slice %arg2[%dma_start3A_1902, %dma_start3A_1903] : memref<62500x16xf32, #tpu.memory_space<hbm>> -> memref<62500x16xf32, #tpu.memory_space<hbm>>
    tpu.enqueue_indirect_dma source(%dma_start3A_1904 : memref<62500x16xf32, #tpu.memory_space<hbm>>) target(%dma_start3A_1899 : memref<64x16xf32, #tpu.memory_space<vmem>>) offsets(%dma_start3A_1901 : memref<64xi32, #tpu.memory_space<vmem>>) semaphore(%arg14 : memref<!tpu.dma_semaphore, #tpu.memory_space<semaphore_mem>>)
    %dma_wait3A = arith.constant 0 : i32
    %dma_wait3A_1905 = arith.constant 0 : i32
    %dma_wait3A_1906 = tpu.memref_slice %arg11[%dma_wait3A, %dma_wait3A_1905] : memref<1600x16xf32, #tpu.memory_space<vmem>> -> memref<128x16xf32, #tpu.memory_space<vmem>>
    %dma_wait3A_1907 = arith.constant 0 : i32
    %dma_wait3A_1908 = tpu.memref_slice %arg9[%dma_wait3A_1907] : memref<1600xi32, #tpu.memory_space<vmem>> -> memref<128xi32, #tpu.memory_space<vmem>>
    %dma_wait3A_1909 = arith.constant 0 : i32
    %dma_wait3A_1910 = arith.constant 0 : i32
    %dma_wait3A_1911 = tpu.memref_slice %arg2[%dma_wait3A_1909, %dma_wait3A_1910] : memref<62500x16xf32, #tpu.memory_space<hbm>> -> memref<62500x16xf32, #tpu.memory_space<hbm>>
    tpu.wait_indirect_dma semaphore(%arg14 : memref<!tpu.dma_semaphore, #tpu.memory_space<semaphore_mem>>) src(%dma_wait3A_1911 : memref<62500x16xf32, #tpu.memory_space<hbm>>) dst(%dma_wait3A_1906 : memref<128x16xf32, #tpu.memory_space<vmem>>)
    %dma_wait3A_1912 = arith.constant 128 : i32
    %dma_wait3A_1913 = arith.constant 0 : i32
    %dma_wait3A_1914 = tpu.memref_slice %arg11[%dma_wait3A_1912, %dma_wait3A_1913] : memref<1600x16xf32, #tpu.memory_space<vmem>> -> memref<128x16xf32, #tpu.memory_space<vmem>>
    %dma_wait3A_1915 = arith.constant 128 : i32
    %dma_wait3A_1916 = tpu.memref_slice %arg9[%dma_wait3A_1915] : memref<1600xi32, #tpu.memory_space<vmem>> -> memref<128xi32, #tpu.memory_space<vmem>>
    %dma_wait3A_1917 = arith.constant 0 : i32
    %dma_wait3A_1918 = arith.constant 0 : i32
    %dma_wait3A_1919 = tpu.memref_slice %arg2[%dma_wait3A_1917, %dma_wait3A_1918] : memref<62500x16xf32, #tpu.memory_space<hbm>> -> memref<62500x16xf32, #tpu.memory_space<hbm>>
    tpu.wait_indirect_dma semaphore(%arg14 : memref<!tpu.dma_semaphore, #tpu.memory_space<semaphore_mem>>) src(%dma_wait3A_1919 : memref<62500x16xf32, #tpu.memory_space<hbm>>) dst(%dma_wait3A_1914 : memref<128x16xf32, #tpu.memory_space<vmem>>)
    %dma_wait3A_1920 = arith.constant 256 : i32
    %dma_wait3A_1921 = arith.constant 0 : i32
    %dma_wait3A_1922 = tpu.memref_slice %arg11[%dma_wait3A_1920, %dma_wait3A_1921] : memref<1600x16xf32, #tpu.memory_space<vmem>> -> memref<128x16xf32, #tpu.memory_space<vmem>>
    %dma_wait3A_1923 = arith.constant 256 : i32
    %dma_wait3A_1924 = tpu.memref_slice %arg9[%dma_wait3A_1923] : memref<1600xi32, #tpu.memory_space<vmem>> -> memref<128xi32, #tpu.memory_space<vmem>>
    %dma_wait3A_1925 = arith.constant 0 : i32
    %dma_wait3A_1926 = arith.constant 0 : i32
    %dma_wait3A_1927 = tpu.memref_slice %arg2[%dma_wait3A_1925, %dma_wait3A_1926] : memref<62500x16xf32, #tpu.memory_space<hbm>> -> memref<62500x16xf32, #tpu.memory_space<hbm>>
    tpu.wait_indirect_dma semaphore(%arg14 : memref<!tpu.dma_semaphore, #tpu.memory_space<semaphore_mem>>) src(%dma_wait3A_1927 : memref<62500x16xf32, #tpu.memory_space<hbm>>) dst(%dma_wait3A_1922 : memref<128x16xf32, #tpu.memory_space<vmem>>)
    %dma_wait3A_1928 = arith.constant 384 : i32
    %dma_wait3A_1929 = arith.constant 0 : i32
    %dma_wait3A_1930 = tpu.memref_slice %arg11[%dma_wait3A_1928, %dma_wait3A_1929] : memref<1600x16xf32, #tpu.memory_space<vmem>> -> memref<128x16xf32, #tpu.memory_space<vmem>>
    %dma_wait3A_1931 = arith.constant 384 : i32
    %dma_wait3A_1932 = tpu.memref_slice %arg9[%dma_wait3A_1931] : memref<1600xi32, #tpu.memory_space<vmem>> -> memref<128xi32, #tpu.memory_space<vmem>>
    %dma_wait3A_1933 = arith.constant 0 : i32
    %dma_wait3A_1934 = arith.constant 0 : i32
    %dma_wait3A_1935 = tpu.memref_slice %arg2[%dma_wait3A_1933, %dma_wait3A_1934] : memref<62500x16xf32, #tpu.memory_space<hbm>> -> memref<62500x16xf32, #tpu.memory_space<hbm>>
    tpu.wait_indirect_dma semaphore(%arg14 : memref<!tpu.dma_semaphore, #tpu.memory_space<semaphore_mem>>) src(%dma_wait3A_1935 : memref<62500x16xf32, #tpu.memory_space<hbm>>) dst(%dma_wait3A_1930 : memref<128x16xf32, #tpu.memory_space<vmem>>)
    %dma_wait3A_1936 = arith.constant 512 : i32
    %dma_wait3A_1937 = arith.constant 0 : i32
    %dma_wait3A_1938 = tpu.memref_slice %arg11[%dma_wait3A_1936, %dma_wait3A_1937] : memref<1600x16xf32, #tpu.memory_space<vmem>> -> memref<128x16xf32, #tpu.memory_space<vmem>>
    %dma_wait3A_1939 = arith.constant 512 : i32
    %dma_wait3A_1940 = tpu.memref_slice %arg9[%dma_wait3A_1939] : memref<1600xi32, #tpu.memory_space<vmem>> -> memref<128xi32, #tpu.memory_space<vmem>>
    %dma_wait3A_1941 = arith.constant 0 : i32
    %dma_wait3A_1942 = arith.constant 0 : i32
    %dma_wait3A_1943 = tpu.memref_slice %arg2[%dma_wait3A_1941, %dma_wait3A_1942] : memref<62500x16xf32, #tpu.memory_space<hbm>> -> memref<62500x16xf32, #tpu.memory_space<hbm>>
    tpu.wait_indirect_dma semaphore(%arg14 : memref<!tpu.dma_semaphore, #tpu.memory_space<semaphore_mem>>) src(%dma_wait3A_1943 : memref<62500x16xf32, #tpu.memory_space<hbm>>) dst(%dma_wait3A_1938 : memref<128x16xf32, #tpu.memory_space<vmem>>)
    %dma_wait3A_1944 = arith.constant 640 : i32
    %dma_wait3A_1945 = arith.constant 0 : i32
    %dma_wait3A_1946 = tpu.memref_slice %arg11[%dma_wait3A_1944, %dma_wait3A_1945] : memref<1600x16xf32, #tpu.memory_space<vmem>> -> memref<128x16xf32, #tpu.memory_space<vmem>>
    %dma_wait3A_1947 = arith.constant 640 : i32
    %dma_wait3A_1948 = tpu.memref_slice %arg9[%dma_wait3A_1947] : memref<1600xi32, #tpu.memory_space<vmem>> -> memref<128xi32, #tpu.memory_space<vmem>>
    %dma_wait3A_1949 = arith.constant 0 : i32
    %dma_wait3A_1950 = arith.constant 0 : i32
    %dma_wait3A_1951 = tpu.memref_slice %arg2[%dma_wait3A_1949, %dma_wait3A_1950] : memref<62500x16xf32, #tpu.memory_space<hbm>> -> memref<62500x16xf32, #tpu.memory_space<hbm>>
    tpu.wait_indirect_dma semaphore(%arg14 : memref<!tpu.dma_semaphore, #tpu.memory_space<semaphore_mem>>) src(%dma_wait3A_1951 : memref<62500x16xf32, #tpu.memory_space<hbm>>) dst(%dma_wait3A_1946 : memref<128x16xf32, #tpu.memory_space<vmem>>)
    %dma_wait3A_1952 = arith.constant 768 : i32
    %dma_wait3A_1953 = arith.constant 0 : i32
    %dma_wait3A_1954 = tpu.memref_slice %arg11[%dma_wait3A_1952, %dma_wait3A_1953] : memref<1600x16xf32, #tpu.memory_space<vmem>> -> memref<128x16xf32, #tpu.memory_space<vmem>>
    %dma_wait3A_1955 = arith.constant 768 : i32
    %dma_wait3A_1956 = tpu.memref_slice %arg9[%dma_wait3A_1955] : memref<1600xi32, #tpu.memory_space<vmem>> -> memref<128xi32, #tpu.memory_space<vmem>>
    %dma_wait3A_1957 = arith.constant 0 : i32
    %dma_wait3A_1958 = arith.constant 0 : i32
    %dma_wait3A_1959 = tpu.memref_slice %arg2[%dma_wait3A_1957, %dma_wait3A_1958] : memref<62500x16xf32, #tpu.memory_space<hbm>> -> memref<62500x16xf32, #tpu.memory_space<hbm>>
    tpu.wait_indirect_dma semaphore(%arg14 : memref<!tpu.dma_semaphore, #tpu.memory_space<semaphore_mem>>) src(%dma_wait3A_1959 : memref<62500x16xf32, #tpu.memory_space<hbm>>) dst(%dma_wait3A_1954 : memref<128x16xf32, #tpu.memory_space<vmem>>)
    %dma_wait3A_1960 = arith.constant 896 : i32
    %dma_wait3A_1961 = arith.constant 0 : i32
    %dma_wait3A_1962 = tpu.memref_slice %arg11[%dma_wait3A_1960, %dma_wait3A_1961] : memref<1600x16xf32, #tpu.memory_space<vmem>> -> memref<128x16xf32, #tpu.memory_space<vmem>>
    %dma_wait3A_1963 = arith.constant 896 : i32
    %dma_wait3A_1964 = tpu.memref_slice %arg9[%dma_wait3A_1963] : memref<1600xi32, #tpu.memory_space<vmem>> -> memref<128xi32, #tpu.memory_space<vmem>>
    %dma_wait3A_1965 = arith.constant 0 : i32
    %dma_wait3A_1966 = arith.constant 0 : i32
    %dma_wait3A_1967 = tpu.memref_slice %arg2[%dma_wait3A_1965, %dma_wait3A_1966] : memref<62500x16xf32, #tpu.memory_space<hbm>> -> memref<62500x16xf32, #tpu.memory_space<hbm>>
    tpu.wait_indirect_dma semaphore(%arg14 : memref<!tpu.dma_semaphore, #tpu.memory_space<semaphore_mem>>) src(%dma_wait3A_1967 : memref<62500x16xf32, #tpu.memory_space<hbm>>) dst(%dma_wait3A_1962 : memref<128x16xf32, #tpu.memory_space<vmem>>)
    %dma_wait3A_1968 = arith.constant 1024 : i32
    %dma_wait3A_1969 = arith.constant 0 : i32
    %dma_wait3A_1970 = tpu.memref_slice %arg11[%dma_wait3A_1968, %dma_wait3A_1969] : memref<1600x16xf32, #tpu.memory_space<vmem>> -> memref<128x16xf32, #tpu.memory_space<vmem>>
    %dma_wait3A_1971 = arith.constant 1024 : i32
    %dma_wait3A_1972 = tpu.memref_slice %arg9[%dma_wait3A_1971] : memref<1600xi32, #tpu.memory_space<vmem>> -> memref<128xi32, #tpu.memory_space<vmem>>
    %dma_wait3A_1973 = arith.constant 0 : i32
    %dma_wait3A_1974 = arith.constant 0 : i32
    %dma_wait3A_1975 = tpu.memref_slice %arg2[%dma_wait3A_1973, %dma_wait3A_1974] : memref<62500x16xf32, #tpu.memory_space<hbm>> -> memref<62500x16xf32, #tpu.memory_space<hbm>>
    tpu.wait_indirect_dma semaphore(%arg14 : memref<!tpu.dma_semaphore, #tpu.memory_space<semaphore_mem>>) src(%dma_wait3A_1975 : memref<62500x16xf32, #tpu.memory_space<hbm>>) dst(%dma_wait3A_1970 : memref<128x16xf32, #tpu.memory_space<vmem>>)
    %dma_wait3A_1976 = arith.constant 1152 : i32
    %dma_wait3A_1977 = arith.constant 0 : i32
    %dma_wait3A_1978 = tpu.memref_slice %arg11[%dma_wait3A_1976, %dma_wait3A_1977] : memref<1600x16xf32, #tpu.memory_space<vmem>> -> memref<128x16xf32, #tpu.memory_space<vmem>>
    %dma_wait3A_1979 = arith.constant 1152 : i32
    %dma_wait3A_1980 = tpu.memref_slice %arg9[%dma_wait3A_1979] : memref<1600xi32, #tpu.memory_space<vmem>> -> memref<128xi32, #tpu.memory_space<vmem>>
    %dma_wait3A_1981 = arith.constant 0 : i32
    %dma_wait3A_1982 = arith.constant 0 : i32
    %dma_wait3A_1983 = tpu.memref_slice %arg2[%dma_wait3A_1981, %dma_wait3A_1982] : memref<62500x16xf32, #tpu.memory_space<hbm>> -> memref<62500x16xf32, #tpu.memory_space<hbm>>
    tpu.wait_indirect_dma semaphore(%arg14 : memref<!tpu.dma_semaphore, #tpu.memory_space<semaphore_mem>>) src(%dma_wait3A_1983 : memref<62500x16xf32, #tpu.memory_space<hbm>>) dst(%dma_wait3A_1978 : memref<128x16xf32, #tpu.memory_space<vmem>>)
    %dma_wait3A_1984 = arith.constant 1280 : i32
    %dma_wait3A_1985 = arith.constant 0 : i32
    %dma_wait3A_1986 = tpu.memref_slice %arg11[%dma_wait3A_1984, %dma_wait3A_1985] : memref<1600x16xf32, #tpu.memory_space<vmem>> -> memref<128x16xf32, #tpu.memory_space<vmem>>
    %dma_wait3A_1987 = arith.constant 1280 : i32
    %dma_wait3A_1988 = tpu.memref_slice %arg9[%dma_wait3A_1987] : memref<1600xi32, #tpu.memory_space<vmem>> -> memref<128xi32, #tpu.memory_space<vmem>>
    %dma_wait3A_1989 = arith.constant 0 : i32
    %dma_wait3A_1990 = arith.constant 0 : i32
    %dma_wait3A_1991 = tpu.memref_slice %arg2[%dma_wait3A_1989, %dma_wait3A_1990] : memref<62500x16xf32, #tpu.memory_space<hbm>> -> memref<62500x16xf32, #tpu.memory_space<hbm>>
    tpu.wait_indirect_dma semaphore(%arg14 : memref<!tpu.dma_semaphore, #tpu.memory_space<semaphore_mem>>) src(%dma_wait3A_1991 : memref<62500x16xf32, #tpu.memory_space<hbm>>) dst(%dma_wait3A_1986 : memref<128x16xf32, #tpu.memory_space<vmem>>)
    %dma_wait3A_1992 = arith.constant 1408 : i32
    %dma_wait3A_1993 = arith.constant 0 : i32
    %dma_wait3A_1994 = tpu.memref_slice %arg11[%dma_wait3A_1992, %dma_wait3A_1993] : memref<1600x16xf32, #tpu.memory_space<vmem>> -> memref<128x16xf32, #tpu.memory_space<vmem>>
    %dma_wait3A_1995 = arith.constant 1408 : i32
    %dma_wait3A_1996 = tpu.memref_slice %arg9[%dma_wait3A_1995] : memref<1600xi32, #tpu.memory_space<vmem>> -> memref<128xi32, #tpu.memory_space<vmem>>
    %dma_wait3A_1997 = arith.constant 0 : i32
    %dma_wait3A_1998 = arith.constant 0 : i32
    %dma_wait3A_1999 = tpu.memref_slice %arg2[%dma_wait3A_1997, %dma_wait3A_1998] : memref<62500x16xf32, #tpu.memory_space<hbm>> -> memref<62500x16xf32, #tpu.memory_space<hbm>>
    tpu.wait_indirect_dma semaphore(%arg14 : memref<!tpu.dma_semaphore, #tpu.memory_space<semaphore_mem>>) src(%dma_wait3A_1999 : memref<62500x16xf32, #tpu.memory_space<hbm>>) dst(%dma_wait3A_1994 : memref<128x16xf32, #tpu.memory_space<vmem>>)
    %dma_wait3A_2000 = arith.constant 1536 : i32
    %dma_wait3A_2001 = arith.constant 0 : i32
    %dma_wait3A_2002 = tpu.memref_slice %arg11[%dma_wait3A_2000, %dma_wait3A_2001] : memref<1600x16xf32, #tpu.memory_space<vmem>> -> memref<64x16xf32, #tpu.memory_space<vmem>>
    %dma_wait3A_2003 = arith.constant 1536 : i32
    %dma_wait3A_2004 = tpu.memref_slice %arg9[%dma_wait3A_2003] : memref<1600xi32, #tpu.memory_space<vmem>> -> memref<64xi32, #tpu.memory_space<vmem>>
    %dma_wait3A_2005 = arith.constant 0 : i32
    %dma_wait3A_2006 = arith.constant 0 : i32
    %dma_wait3A_2007 = tpu.memref_slice %arg2[%dma_wait3A_2005, %dma_wait3A_2006] : memref<62500x16xf32, #tpu.memory_space<hbm>> -> memref<62500x16xf32, #tpu.memory_space<hbm>>
    tpu.wait_indirect_dma semaphore(%arg14 : memref<!tpu.dma_semaphore, #tpu.memory_space<semaphore_mem>>) src(%dma_wait3A_2007 : memref<62500x16xf32, #tpu.memory_space<hbm>>) dst(%dma_wait3A_2002 : memref<64x16xf32, #tpu.memory_space<vmem>>)
    %get3A_2008 = arith.constant 0 : index
    %get3A_2009 = tpu.vector_load %arg7[%get3A_2008] {strides = array<i32>} : memref<1600xi32, #tpu.memory_space<vmem>>, vector<16xi32>,
    %gather3A = tpu.vector_load_idx %arg12[%get3A_2009] : memref<1000xf32, #tpu.memory_space<vmem>>[vector<16xi32>], vector<16xf32>,
    %iota3A = tpu.iota {dimensions = array<i32: 0>} : vector<16xi32>
    %add3A_2010 = arith.constant 0 : i32
    %add3A_2011 = vector.broadcast %add3A_2010 : i32 to vector<16xi32>
    %add3A_2012 = arith.addi %iota3A, %add3A_2011 : vector<16xi32>
    %get3A_2013 = arith.constant 0 : index
    %get3A_2014 = tpu.vector_load %arg10[%get3A_2013] {strides = array<i32>} : memref<1600xi32, #tpu.memory_space<vmem>>, vector<16xi32>,
    %gather3A_2015 = tpu.vector_load_idx %arg11[%add3A_2012, %get3A_2014] : memref<1600x16xf32, #tpu.memory_space<vmem>>[vector<16xi32>, vector<16xi32>], vector<16xf32>,
    %get3A_2016 = arith.constant 0 : index
    %get3A_2017 = tpu.vector_load %arg13[%get3A_2016] {strides = array<i32>} : memref<16xf32, #tpu.memory_space<vmem>>, vector<16xf32>,
    %sub3A = arith.subf %gather3A, %gather3A_2015 : vector<16xf32>
    %add3A_2018 = arith.addf %get3A_2017, %sub3A : vector<16xf32>
    %swap3A_2019 = arith.constant 0 : index
    %swap3A_2020 = tpu.vector_load %arg13[%swap3A_2019] {strides = array<i32>} : memref<16xf32, #tpu.memory_space<vmem>>, vector<16xf32>,
    tpu.vector_store %arg13[%swap3A_2019], %add3A_2018 {strides = array<i32>} : memref<16xf32, #tpu.memory_space<vmem>>, vector<16xf32>,
    %get3A_2021 = arith.constant 16 : index
    %get3A_2022 = tpu.vector_load %arg7[%get3A_2021] {strides = array<i32>} : memref<1600xi32, #tpu.memory_space<vmem>>, vector<16xi32>,
    %gather3A_2023 = tpu.vector_load_idx %arg12[%get3A_2022] : memref<1000xf32, #tpu.memory_space<vmem>>[vector<16xi32>], vector<16xf32>,
    %iota3A_2024 = tpu.iota {dimensions = array<i32: 0>} : vector<16xi32>
    %add3A_2025 = arith.constant 16 : i32
    %add3A_2026 = vector.broadcast %add3A_2025 : i32 to vector<16xi32>
    %add3A_2027 = arith.addi %iota3A_2024, %add3A_2026 : vector<16xi32>
    %get3A_2028 = arith.constant 16 : index
    %get3A_2029 = tpu.vector_load %arg10[%get3A_2028] {strides = array<i32>} : memref<1600xi32, #tpu.memory_space<vmem>>, vector<16xi32>,
    %gather3A_2030 = tpu.vector_load_idx %arg11[%add3A_2027, %get3A_2029] : memref<1600x16xf32, #tpu.memory_space<vmem>>[vector<16xi32>, vector<16xi32>], vector<16xf32>,
    %get3A_2031 = arith.constant 0 : index
    %get3A_2032 = tpu.vector_load %arg13[%get3A_2031] {strides = array<i32>} : memref<16xf32, #tpu.memory_space<vmem>>, vector<16xf32>,
    %sub3A_2033 = arith.subf %gather3A_2023, %gather3A_2030 : vector<16xf32>
    %add3A_2034 = arith.addf %get3A_2032, %sub3A_2033 : vector<16xf32>
    %swap3A_2035 = arith.constant 0 : index
    %swap3A_2036 = tpu.vector_load %arg13[%swap3A_2035] {strides = array<i32>} : memref<16xf32, #tpu.memory_space<vmem>>, vector<16xf32>,
    tpu.vector_store %arg13[%swap3A_2035], %add3A_2034 {strides = array<i32>} : memref<16xf32, #tpu.memory_space<vmem>>, vector<16xf32>,
    %get3A_2037 = arith.constant 32 : index
    %get3A_2038 = tpu.vector_load %arg7[%get3A_2037] {strides = array<i32>} : memref<1600xi32, #tpu.memory_space<vmem>>, vector<16xi32>,
    %gather3A_2039 = tpu.vector_load_idx %arg12[%get3A_2038] : memref<1000xf32, #tpu.memory_space<vmem>>[vector<16xi32>], vector<16xf32>,
    %iota3A_2040 = tpu.iota {dimensions = array<i32: 0>} : vector<16xi32>
    %add3A_2041 = arith.constant 32 : i32
    %add3A_2042 = vector.broadcast %add3A_2041 : i32 to vector<16xi32>
    %add3A_2043 = arith.addi %iota3A_2040, %add3A_2042 : vector<16xi32>
    %get3A_2044 = arith.constant 32 : index
    %get3A_2045 = tpu.vector_load %arg10[%get3A_2044] {strides = array<i32>} : memref<1600xi32, #tpu.memory_space<vmem>>, vector<16xi32>,
    %gather3A_2046 = tpu.vector_load_idx %arg11[%add3A_2043, %get3A_2045] : memref<1600x16xf32, #tpu.memory_space<vmem>>[vector<16xi32>, vector<16xi32>], vector<16xf32>,
    %get3A_2047 = arith.constant 0 : index
    %get3A_2048 = tpu.vector_load %arg13[%get3A_2047] {strides = array<i32>} : memref<16xf32, #tpu.memory_space<vmem>>, vector<16xf32>,
    %sub3A_2049 = arith.subf %gather3A_2039, %gather3A_2046 : vector<16xf32>
    %add3A_2050 = arith.addf %get3A_2048, %sub3A_2049 : vector<16xf32>
    %swap3A_2051 = arith.constant 0 : index
    %swap3A_2052 = tpu.vector_load %arg13[%swap3A_2051] {strides = array<i32>} : memref<16xf32, #tpu.memory_space<vmem>>, vector<16xf32>,
    tpu.vector_store %arg13[%swap3A_2051], %add3A_2050 {strides = array<i32>} : memref<16xf32, #tpu.memory_space<vmem>>, vector<16xf32>,
    %get3A_2053 = arith.constant 48 : index
    %get3A_2054 = tpu.vector_load %arg7[%get3A_2053] {strides = array<i32>} : memref<1600xi32, #tpu.memory_space<vmem>>, vector<16xi32>,
    %gather3A_2055 = tpu.vector_load_idx %arg12[%get3A_2054] : memref<1000xf32, #tpu.memory_space<vmem>>[vector<16xi32>], vector<16xf32>,
    %iota3A_2056 = tpu.iota {dimensions = array<i32: 0>} : vector<16xi32>
    %add3A_2057 = arith.constant 48 : i32
    %add3A_2058 = vector.broadcast %add3A_2057 : i32 to vector<16xi32>
    %add3A_2059 = arith.addi %iota3A_2056, %add3A_2058 : vector<16xi32>
    %get3A_2060 = arith.constant 48 : index
    %get3A_2061 = tpu.vector_load %arg10[%get3A_2060] {strides = array<i32>} : memref<1600xi32, #tpu.memory_space<vmem>>, vector<16xi32>,
    %gather3A_2062 = tpu.vector_load_idx %arg11[%add3A_2059, %get3A_2061] : memref<1600x16xf32, #tpu.memory_space<vmem>>[vector<16xi32>, vector<16xi32>], vector<16xf32>,
    %get3A_2063 = arith.constant 0 : index
    %get3A_2064 = tpu.vector_load %arg13[%get3A_2063] {strides = array<i32>} : memref<16xf32, #tpu.memory_space<vmem>>, vector<16xf32>,
    %sub3A_2065 = arith.subf %gather3A_2055, %gather3A_2062 : vector<16xf32>
    %add3A_2066 = arith.addf %get3A_2064, %sub3A_2065 : vector<16xf32>
    %swap3A_2067 = arith.constant 0 : index
    %swap3A_2068 = tpu.vector_load %arg13[%swap3A_2067] {strides = array<i32>} : memref<16xf32, #tpu.memory_space<vmem>>, vector<16xf32>,
    tpu.vector_store %arg13[%swap3A_2067], %add3A_2066 {strides = array<i32>} : memref<16xf32, #tpu.memory_space<vmem>>, vector<16xf32>,
    %get3A_2069 = arith.constant 64 : index
    %get3A_2070 = tpu.vector_load %arg7[%get3A_2069] {strides = array<i32>} : memref<1600xi32, #tpu.memory_space<vmem>>, vector<16xi32>,
    %gather3A_2071 = tpu.vector_load_idx %arg12[%get3A_2070] : memref<1000xf32, #tpu.memory_space<vmem>>[vector<16xi32>], vector<16xf32>,
    %iota3A_2072 = tpu.iota {dimensions = array<i32: 0>} : vector<16xi32>
    %add3A_2073 = arith.constant 64 : i32
    %add3A_2074 = vector.broadcast %add3A_2073 : i32 to vector<16xi32>
    %add3A_2075 = arith.addi %iota3A_2072, %add3A_2074 : vector<16xi32>
    %get3A_2076 = arith.constant 64 : index
    %get3A_2077 = tpu.vector_load %arg10[%get3A_2076] {strides = array<i32>} : memref<1600xi32, #tpu.memory_space<vmem>>, vector<16xi32>,
    %gather3A_2078 = tpu.vector_load_idx %arg11[%add3A_2075, %get3A_2077] : memref<1600x16xf32, #tpu.memory_space<vmem>>[vector<16xi32>, vector<16xi32>], vector<16xf32>,
    %get3A_2079 = arith.constant 0 : index
    %get3A_2080 = tpu.vector_load %arg13[%get3A_2079] {strides = array<i32>} : memref<16xf32, #tpu.memory_space<vmem>>, vector<16xf32>,
    %sub3A_2081 = arith.subf %gather3A_2071, %gather3A_2078 : vector<16xf32>
    %add3A_2082 = arith.addf %get3A_2080, %sub3A_2081 : vector<16xf32>
    %swap3A_2083 = arith.constant 0 : index
    %swap3A_2084 = tpu.vector_load %arg13[%swap3A_2083] {strides = array<i32>} : memref<16xf32, #tpu.memory_space<vmem>>, vector<16xf32>,
    tpu.vector_store %arg13[%swap3A_2083], %add3A_2082 {strides = array<i32>} : memref<16xf32, #tpu.memory_space<vmem>>, vector<16xf32>,
    %get3A_2085 = arith.constant 80 : index
    %get3A_2086 = tpu.vector_load %arg7[%get3A_2085] {strides = array<i32>} : memref<1600xi32, #tpu.memory_space<vmem>>, vector<16xi32>,
    %gather3A_2087 = tpu.vector_load_idx %arg12[%get3A_2086] : memref<1000xf32, #tpu.memory_space<vmem>>[vector<16xi32>], vector<16xf32>,
    %iota3A_2088 = tpu.iota {dimensions = array<i32: 0>} : vector<16xi32>
    %add3A_2089 = arith.constant 80 : i32
    %add3A_2090 = vector.broadcast %add3A_2089 : i32 to vector<16xi32>
    %add3A_2091 = arith.addi %iota3A_2088, %add3A_2090 : vector<16xi32>
    %get3A_2092 = arith.constant 80 : index
    %get3A_2093 = tpu.vector_load %arg10[%get3A_2092] {strides = array<i32>} : memref<1600xi32, #tpu.memory_space<vmem>>, vector<16xi32>,
    %gather3A_2094 = tpu.vector_load_idx %arg11[%add3A_2091, %get3A_2093] : memref<1600x16xf32, #tpu.memory_space<vmem>>[vector<16xi32>, vector<16xi32>], vector<16xf32>,
    %get3A_2095 = arith.constant 0 : index
    %get3A_2096 = tpu.vector_load %arg13[%get3A_2095] {strides = array<i32>} : memref<16xf32, #tpu.memory_space<vmem>>, vector<16xf32>,
    %sub3A_2097 = arith.subf %gather3A_2087, %gather3A_2094 : vector<16xf32>
    %add3A_2098 = arith.addf %get3A_2096, %sub3A_2097 : vector<16xf32>
    %swap3A_2099 = arith.constant 0 : index
    %swap3A_2100 = tpu.vector_load %arg13[%swap3A_2099] {strides = array<i32>} : memref<16xf32, #tpu.memory_space<vmem>>, vector<16xf32>,
    tpu.vector_store %arg13[%swap3A_2099], %add3A_2098 {strides = array<i32>} : memref<16xf32, #tpu.memory_space<vmem>>, vector<16xf32>,
    %get3A_2101 = arith.constant 96 : index
    %get3A_2102 = tpu.vector_load %arg7[%get3A_2101] {strides = array<i32>} : memref<1600xi32, #tpu.memory_space<vmem>>, vector<16xi32>,
    %gather3A_2103 = tpu.vector_load_idx %arg12[%get3A_2102] : memref<1000xf32, #tpu.memory_space<vmem>>[vector<16xi32>], vector<16xf32>,
    %iota3A_2104 = tpu.iota {dimensions = array<i32: 0>} : vector<16xi32>
    %add3A_2105 = arith.constant 96 : i32
    %add3A_2106 = vector.broadcast %add3A_2105 : i32 to vector<16xi32>
    %add3A_2107 = arith.addi %iota3A_2104, %add3A_2106 : vector<16xi32>
    %get3A_2108 = arith.constant 96 : index
    %get3A_2109 = tpu.vector_load %arg10[%get3A_2108] {strides = array<i32>} : memref<1600xi32, #tpu.memory_space<vmem>>, vector<16xi32>,
    %gather3A_2110 = tpu.vector_load_idx %arg11[%add3A_2107, %get3A_2109] : memref<1600x16xf32, #tpu.memory_space<vmem>>[vector<16xi32>, vector<16xi32>], vector<16xf32>,
    %get3A_2111 = arith.constant 0 : index
    %get3A_2112 = tpu.vector_load %arg13[%get3A_2111] {strides = array<i32>} : memref<16xf32, #tpu.memory_space<vmem>>, vector<16xf32>,
    %sub3A_2113 = arith.subf %gather3A_2103, %gather3A_2110 : vector<16xf32>
    %add3A_2114 = arith.addf %get3A_2112, %sub3A_2113 : vector<16xf32>
    %swap3A_2115 = arith.constant 0 : index
    %swap3A_2116 = tpu.vector_load %arg13[%swap3A_2115] {strides = array<i32>} : memref<16xf32, #tpu.memory_space<vmem>>, vector<16xf32>,
    tpu.vector_store %arg13[%swap3A_2115], %add3A_2114 {strides = array<i32>} : memref<16xf32, #tpu.memory_space<vmem>>, vector<16xf32>,
    %get3A_2117 = arith.constant 112 : index
    %get3A_2118 = tpu.vector_load %arg7[%get3A_2117] {strides = array<i32>} : memref<1600xi32, #tpu.memory_space<vmem>>, vector<16xi32>,
    %gather3A_2119 = tpu.vector_load_idx %arg12[%get3A_2118] : memref<1000xf32, #tpu.memory_space<vmem>>[vector<16xi32>], vector<16xf32>,
    %iota3A_2120 = tpu.iota {dimensions = array<i32: 0>} : vector<16xi32>
    %add3A_2121 = arith.constant 112 : i32
    %add3A_2122 = vector.broadcast %add3A_2121 : i32 to vector<16xi32>
    %add3A_2123 = arith.addi %iota3A_2120, %add3A_2122 : vector<16xi32>
    %get3A_2124 = arith.constant 112 : index
    %get3A_2125 = tpu.vector_load %arg10[%get3A_2124] {strides = array<i32>} : memref<1600xi32, #tpu.memory_space<vmem>>, vector<16xi32>,
    %gather3A_2126 = tpu.vector_load_idx %arg11[%add3A_2123, %get3A_2125] : memref<1600x16xf32, #tpu.memory_space<vmem>>[vector<16xi32>, vector<16xi32>], vector<16xf32>,
    %get3A_2127 = arith.constant 0 : index
    %get3A_2128 = tpu.vector_load %arg13[%get3A_2127] {strides = array<i32>} : memref<16xf32, #tpu.memory_space<vmem>>, vector<16xf32>,
    %sub3A_2129 = arith.subf %gather3A_2119, %gather3A_2126 : vector<16xf32>
    %add3A_2130 = arith.addf %get3A_2128, %sub3A_2129 : vector<16xf32>
    %swap3A_2131 = arith.constant 0 : index
    %swap3A_2132 = tpu.vector_load %arg13[%swap3A_2131] {strides = array<i32>} : memref<16xf32, #tpu.memory_space<vmem>>, vector<16xf32>,
    tpu.vector_store %arg13[%swap3A_2131], %add3A_2130 {strides = array<i32>} : memref<16xf32, #tpu.memory_space<vmem>>, vector<16xf32>,
    %get3A_2133 = arith.constant 128 : index
    %get3A_2134 = tpu.vector_load %arg7[%get3A_2133] {strides = array<i32>} : memref<1600xi32, #tpu.memory_space<vmem>>, vector<16xi32>,
    %gather3A_2135 = tpu.vector_load_idx %arg12[%get3A_2134] : memref<1000xf32, #tpu.memory_space<vmem>>[vector<16xi32>], vector<16xf32>,
    %iota3A_2136 = tpu.iota {dimensions = array<i32: 0>} : vector<16xi32>
    %add3A_2137 = arith.constant 128 : i32
    %add3A_2138 = vector.broadcast %add3A_2137 : i32 to vector<16xi32>
    %add3A_2139 = arith.addi %iota3A_2136, %add3A_2138 : vector<16xi32>
    %get3A_2140 = arith.constant 128 : index
    %get3A_2141 = tpu.vector_load %arg10[%get3A_2140] {strides = array<i32>} : memref<1600xi32, #tpu.memory_space<vmem>>, vector<16xi32>,
    %gather3A_2142 = tpu.vector_load_idx %arg11[%add3A_2139, %get3A_2141] : memref<1600x16xf32, #tpu.memory_space<vmem>>[vector<16xi32>, vector<16xi32>], vector<16xf32>,
    %get3A_2143 = arith.constant 0 : index
    %get3A_2144 = tpu.vector_load %arg13[%get3A_2143] {strides = array<i32>} : memref<16xf32, #tpu.memory_space<vmem>>, vector<16xf32>,
    %sub3A_2145 = arith.subf %gather3A_2135, %gather3A_2142 : vector<16xf32>
    %add3A_2146 = arith.addf %get3A_2144, %sub3A_2145 : vector<16xf32>
    %swap3A_2147 = arith.constant 0 : index
    %swap3A_2148 = tpu.vector_load %arg13[%swap3A_2147] {strides = array<i32>} : memref<16xf32, #tpu.memory_space<vmem>>, vector<16xf32>,
    tpu.vector_store %arg13[%swap3A_2147], %add3A_2146 {strides = array<i32>} : memref<16xf32, #tpu.memory_space<vmem>>, vector<16xf32>,
    %get3A_2149 = arith.constant 144 : index
    %get3A_2150 = tpu.vector_load %arg7[%get3A_2149] {strides = array<i32>} : memref<1600xi32, #tpu.memory_space<vmem>>, vector<16xi32>,
    %gather3A_2151 = tpu.vector_load_idx %arg12[%get3A_2150] : memref<1000xf32, #tpu.memory_space<vmem>>[vector<16xi32>], vector<16xf32>,
    %iota3A_2152 = tpu.iota {dimensions = array<i32: 0>} : vector<16xi32>
    %add3A_2153 = arith.constant 144 : i32
    %add3A_2154 = vector.broadcast %add3A_2153 : i32 to vector<16xi32>
    %add3A_2155 = arith.addi %iota3A_2152, %add3A_2154 : vector<16xi32>
    %get3A_2156 = arith.constant 144 : index
    %get3A_2157 = tpu.vector_load %arg10[%get3A_2156] {strides = array<i32>} : memref<1600xi32, #tpu.memory_space<vmem>>, vector<16xi32>,
    %gather3A_2158 = tpu.vector_load_idx %arg11[%add3A_2155, %get3A_2157] : memref<1600x16xf32, #tpu.memory_space<vmem>>[vector<16xi32>, vector<16xi32>], vector<16xf32>,
    %get3A_2159 = arith.constant 0 : index
    %get3A_2160 = tpu.vector_load %arg13[%get3A_2159] {strides = array<i32>} : memref<16xf32, #tpu.memory_space<vmem>>, vector<16xf32>,
    %sub3A_2161 = arith.subf %gather3A_2151, %gather3A_2158 : vector<16xf32>
    %add3A_2162 = arith.addf %get3A_2160, %sub3A_2161 : vector<16xf32>
    %swap3A_2163 = arith.constant 0 : index
    %swap3A_2164 = tpu.vector_load %arg13[%swap3A_2163] {strides = array<i32>} : memref<16xf32, #tpu.memory_space<vmem>>, vector<16xf32>,
    tpu.vector_store %arg13[%swap3A_2163], %add3A_2162 {strides = array<i32>} : memref<16xf32, #tpu.memory_space<vmem>>, vector<16xf32>,
    %get3A_2165 = arith.constant 160 : index
    %get3A_2166 = tpu.vector_load %arg7[%get3A_2165] {strides = array<i32>} : memref<1600xi32, #tpu.memory_space<vmem>>, vector<16xi32>,
    %gather3A_2167 = tpu.vector_load_idx %arg12[%get3A_2166] : memref<1000xf32, #tpu.memory_space<vmem>>[vector<16xi32>], vector<16xf32>,
    %iota3A_2168 = tpu.iota {dimensions = array<i32: 0>} : vector<16xi32>
    %add3A_2169 = arith.constant 160 : i32
    %add3A_2170 = vector.broadcast %add3A_2169 : i32 to vector<16xi32>
    %add3A_2171 = arith.addi %iota3A_2168, %add3A_2170 : vector<16xi32>
    %get3A_2172 = arith.constant 160 : index
    %get3A_2173 = tpu.vector_load %arg10[%get3A_2172] {strides = array<i32>} : memref<1600xi32, #tpu.memory_space<vmem>>, vector<16xi32>,
    %gather3A_2174 = tpu.vector_load_idx %arg11[%add3A_2171, %get3A_2173] : memref<1600x16xf32, #tpu.memory_space<vmem>>[vector<16xi32>, vector<16xi32>], vector<16xf32>,
    %get3A_2175 = arith.constant 0 : index
    %get3A_2176 = tpu.vector_load %arg13[%get3A_2175] {strides = array<i32>} : memref<16xf32, #tpu.memory_space<vmem>>, vector<16xf32>,
    %sub3A_2177 = arith.subf %gather3A_2167, %gather3A_2174 : vector<16xf32>
    %add3A_2178 = arith.addf %get3A_2176, %sub3A_2177 : vector<16xf32>
    %swap3A_2179 = arith.constant 0 : index
    %swap3A_2180 = tpu.vector_load %arg13[%swap3A_2179] {strides = array<i32>} : memref<16xf32, #tpu.memory_space<vmem>>, vector<16xf32>,
    tpu.vector_store %arg13[%swap3A_2179], %add3A_2178 {strides = array<i32>} : memref<16xf32, #tpu.memory_space<vmem>>, vector<16xf32>,
    %get3A_2181 = arith.constant 176 : index
    %get3A_2182 = tpu.vector_load %arg7[%get3A_2181] {strides = array<i32>} : memref<1600xi32, #tpu.memory_space<vmem>>, vector<16xi32>,
    %gather3A_2183 = tpu.vector_load_idx %arg12[%get3A_2182] : memref<1000xf32, #tpu.memory_space<vmem>>[vector<16xi32>], vector<16xf32>,
    %iota3A_2184 = tpu.iota {dimensions = array<i32: 0>} : vector<16xi32>
    %add3A_2185 = arith.constant 176 : i32
    %add3A_2186 = vector.broadcast %add3A_2185 : i32 to vector<16xi32>
    %add3A_2187 = arith.addi %iota3A_2184, %add3A_2186 : vector<16xi32>
    %get3A_2188 = arith.constant 176 : index
    %get3A_2189 = tpu.vector_load %arg10[%get3A_2188] {strides = array<i32>} : memref<1600xi32, #tpu.memory_space<vmem>>, vector<16xi32>,
    %gather3A_2190 = tpu.vector_load_idx %arg11[%add3A_2187, %get3A_2189] : memref<1600x16xf32, #tpu.memory_space<vmem>>[vector<16xi32>, vector<16xi32>], vector<16xf32>,
    %get3A_2191 = arith.constant 0 : index
    %get3A_2192 = tpu.vector_load %arg13[%get3A_2191] {strides = array<i32>} : memref<16xf32, #tpu.memory_space<vmem>>, vector<16xf32>,
    %sub3A_2193 = arith.subf %gather3A_2183, %gather3A_2190 : vector<16xf32>
    %add3A_2194 = arith.addf %get3A_2192, %sub3A_2193 : vector<16xf32>
    %swap3A_2195 = arith.constant 0 : index
    %swap3A_2196 = tpu.vector_load %arg13[%swap3A_2195] {strides = array<i32>} : memref<16xf32, #tpu.memory_space<vmem>>, vector<16xf32>,
    tpu.vector_store %arg13[%swap3A_2195], %add3A_2194 {strides = array<i32>} : memref<16xf32, #tpu.memory_space<vmem>>, vector<16xf32>,
    %get3A_2197 = arith.constant 192 : index
    %get3A_2198 = tpu.vector_load %arg7[%get3A_2197] {strides = array<i32>} : memref<1600xi32, #tpu.memory_space<vmem>>, vector<16xi32>,
    %gather3A_2199 = tpu.vector_load_idx %arg12[%get3A_2198] : memref<1000xf32, #tpu.memory_space<vmem>>[vector<16xi32>], vector<16xf32>,
    %iota3A_2200 = tpu.iota {dimensions = array<i32: 0>} : vector<16xi32>
    %add3A_2201 = arith.constant 192 : i32
    %add3A_2202 = vector.broadcast %add3A_2201 : i32 to vector<16xi32>
    %add3A_2203 = arith.addi %iota3A_2200, %add3A_2202 : vector<16xi32>
    %get3A_2204 = arith.constant 192 : index
    %get3A_2205 = tpu.vector_load %arg10[%get3A_2204] {strides = array<i32>} : memref<1600xi32, #tpu.memory_space<vmem>>, vector<16xi32>,
    %gather3A_2206 = tpu.vector_load_idx %arg11[%add3A_2203, %get3A_2205] : memref<1600x16xf32, #tpu.memory_space<vmem>>[vector<16xi32>, vector<16xi32>], vector<16xf32>,
    %get3A_2207 = arith.constant 0 : index
    %get3A_2208 = tpu.vector_load %arg13[%get3A_2207] {strides = array<i32>} : memref<16xf32, #tpu.memory_space<vmem>>, vector<16xf32>,
    %sub3A_2209 = arith.subf %gather3A_2199, %gather3A_2206 : vector<16xf32>
    %add3A_2210 = arith.addf %get3A_2208, %sub3A_2209 : vector<16xf32>
    %swap3A_2211 = arith.constant 0 : index
    %swap3A_2212 = tpu.vector_load %arg13[%swap3A_2211] {strides = array<i32>} : memref<16xf32, #tpu.memory_space<vmem>>, vector<16xf32>,
    tpu.vector_store %arg13[%swap3A_2211], %add3A_2210 {strides = array<i32>} : memref<16xf32, #tpu.memory_space<vmem>>, vector<16xf32>,
    %get3A_2213 = arith.constant 208 : index
    %get3A_2214 = tpu.vector_load %arg7[%get3A_2213] {strides = array<i32>} : memref<1600xi32, #tpu.memory_space<vmem>>, vector<16xi32>,
    %gather3A_2215 = tpu.vector_load_idx %arg12[%get3A_2214] : memref<1000xf32, #tpu.memory_space<vmem>>[vector<16xi32>], vector<16xf32>,
    %iota3A_2216 = tpu.iota {dimensions = array<i32: 0>} : vector<16xi32>
    %add3A_2217 = arith.constant 208 : i32
    %add3A_2218 = vector.broadcast %add3A_2217 : i32 to vector<16xi32>
    %add3A_2219 = arith.addi %iota3A_2216, %add3A_2218 : vector<16xi32>
    %get3A_2220 = arith.constant 208 : index
    %get3A_2221 = tpu.vector_load %arg10[%get3A_2220] {strides = array<i32>} : memref<1600xi32, #tpu.memory_space<vmem>>, vector<16xi32>,
    %gather3A_2222 = tpu.vector_load_idx %arg11[%add3A_2219, %get3A_2221] : memref<1600x16xf32, #tpu.memory_space<vmem>>[vector<16xi32>, vector<16xi32>], vector<16xf32>,
    %get3A_2223 = arith.constant 0 : index
    %get3A_2224 = tpu.vector_load %arg13[%get3A_2223] {strides = array<i32>} : memref<16xf32, #tpu.memory_space<vmem>>, vector<16xf32>,
    %sub3A_2225 = arith.subf %gather3A_2215, %gather3A_2222 : vector<16xf32>
    %add3A_2226 = arith.addf %get3A_2224, %sub3A_2225 : vector<16xf32>
    %swap3A_2227 = arith.constant 0 : index
    %swap3A_2228 = tpu.vector_load %arg13[%swap3A_2227] {strides = array<i32>} : memref<16xf32, #tpu.memory_space<vmem>>, vector<16xf32>,
    tpu.vector_store %arg13[%swap3A_2227], %add3A_2226 {strides = array<i32>} : memref<16xf32, #tpu.memory_space<vmem>>, vector<16xf32>,
    %get3A_2229 = arith.constant 224 : index
    %get3A_2230 = tpu.vector_load %arg7[%get3A_2229] {strides = array<i32>} : memref<1600xi32, #tpu.memory_space<vmem>>, vector<16xi32>,
    %gather3A_2231 = tpu.vector_load_idx %arg12[%get3A_2230] : memref<1000xf32, #tpu.memory_space<vmem>>[vector<16xi32>], vector<16xf32>,
    %iota3A_2232 = tpu.iota {dimensions = array<i32: 0>} : vector<16xi32>
    %add3A_2233 = arith.constant 224 : i32
    %add3A_2234 = vector.broadcast %add3A_2233 : i32 to vector<16xi32>
    %add3A_2235 = arith.addi %iota3A_2232, %add3A_2234 : vector<16xi32>
    %get3A_2236 = arith.constant 224 : index
    %get3A_2237 = tpu.vector_load %arg10[%get3A_2236] {strides = array<i32>} : memref<1600xi32, #tpu.memory_space<vmem>>, vector<16xi32>,
    %gather3A_2238 = tpu.vector_load_idx %arg11[%add3A_2235, %get3A_2237] : memref<1600x16xf32, #tpu.memory_space<vmem>>[vector<16xi32>, vector<16xi32>], vector<16xf32>,
    %get3A_2239 = arith.constant 0 : index
    %get3A_2240 = tpu.vector_load %arg13[%get3A_2239] {strides = array<i32>} : memref<16xf32, #tpu.memory_space<vmem>>, vector<16xf32>,
    %sub3A_2241 = arith.subf %gather3A_2231, %gather3A_2238 : vector<16xf32>
    %add3A_2242 = arith.addf %get3A_2240, %sub3A_2241 : vector<16xf32>
    %swap3A_2243 = arith.constant 0 : index
    %swap3A_2244 = tpu.vector_load %arg13[%swap3A_2243] {strides = array<i32>} : memref<16xf32, #tpu.memory_space<vmem>>, vector<16xf32>,
    tpu.vector_store %arg13[%swap3A_2243], %add3A_2242 {strides = array<i32>} : memref<16xf32, #tpu.memory_space<vmem>>, vector<16xf32>,
    %get3A_2245 = arith.constant 240 : index
    %get3A_2246 = tpu.vector_load %arg7[%get3A_2245] {strides = array<i32>} : memref<1600xi32, #tpu.memory_space<vmem>>, vector<16xi32>,
    %gather3A_2247 = tpu.vector_load_idx %arg12[%get3A_2246] : memref<1000xf32, #tpu.memory_space<vmem>>[vector<16xi32>], vector<16xf32>,
    %iota3A_2248 = tpu.iota {dimensions = array<i32: 0>} : vector<16xi32>
    %add3A_2249 = arith.constant 240 : i32
    %add3A_2250 = vector.broadcast %add3A_2249 : i32 to vector<16xi32>
    %add3A_2251 = arith.addi %iota3A_2248, %add3A_2250 : vector<16xi32>
    %get3A_2252 = arith.constant 240 : index
    %get3A_2253 = tpu.vector_load %arg10[%get3A_2252] {strides = array<i32>} : memref<1600xi32, #tpu.memory_space<vmem>>, vector<16xi32>,
    %gather3A_2254 = tpu.vector_load_idx %arg11[%add3A_2251, %get3A_2253] : memref<1600x16xf32, #tpu.memory_space<vmem>>[vector<16xi32>, vector<16xi32>], vector<16xf32>,
    %get3A_2255 = arith.constant 0 : index
    %get3A_2256 = tpu.vector_load %arg13[%get3A_2255] {strides = array<i32>} : memref<16xf32, #tpu.memory_space<vmem>>, vector<16xf32>,
    %sub3A_2257 = arith.subf %gather3A_2247, %gather3A_2254 : vector<16xf32>
    %add3A_2258 = arith.addf %get3A_2256, %sub3A_2257 : vector<16xf32>
    %swap3A_2259 = arith.constant 0 : index
    %swap3A_2260 = tpu.vector_load %arg13[%swap3A_2259] {strides = array<i32>} : memref<16xf32, #tpu.memory_space<vmem>>, vector<16xf32>,
    tpu.vector_store %arg13[%swap3A_2259], %add3A_2258 {strides = array<i32>} : memref<16xf32, #tpu.memory_space<vmem>>, vector<16xf32>,
    %get3A_2261 = arith.constant 256 : index
    %get3A_2262 = tpu.vector_load %arg7[%get3A_2261] {strides = array<i32>} : memref<1600xi32, #tpu.memory_space<vmem>>, vector<16xi32>,
    %gather3A_2263 = tpu.vector_load_idx %arg12[%get3A_2262] : memref<1000xf32, #tpu.memory_space<vmem>>[vector<16xi32>], vector<16xf32>,
    %iota3A_2264 = tpu.iota {dimensions = array<i32: 0>} : vector<16xi32>
    %add3A_2265 = arith.constant 256 : i32
    %add3A_2266 = vector.broadcast %add3A_2265 : i32 to vector<16xi32>
    %add3A_2267 = arith.addi %iota3A_2264, %add3A_2266 : vector<16xi32>
    %get3A_2268 = arith.constant 256 : index
    %get3A_2269 = tpu.vector_load %arg10[%get3A_2268] {strides = array<i32>} : memref<1600xi32, #tpu.memory_space<vmem>>, vector<16xi32>,
    %gather3A_2270 = tpu.vector_load_idx %arg11[%add3A_2267, %get3A_2269] : memref<1600x16xf32, #tpu.memory_space<vmem>>[vector<16xi32>, vector<16xi32>], vector<16xf32>,
    %get3A_2271 = arith.constant 0 : index
    %get3A_2272 = tpu.vector_load %arg13[%get3A_2271] {strides = array<i32>} : memref<16xf32, #tpu.memory_space<vmem>>, vector<16xf32>,
    %sub3A_2273 = arith.subf %gather3A_2263, %gather3A_2270 : vector<16xf32>
    %add3A_2274 = arith.addf %get3A_2272, %sub3A_2273 : vector<16xf32>
    %swap3A_2275 = arith.constant 0 : index
    %swap3A_2276 = tpu.vector_load %arg13[%swap3A_2275] {strides = array<i32>} : memref<16xf32, #tpu.memory_space<vmem>>, vector<16xf32>,
    tpu.vector_store %arg13[%swap3A_2275], %add3A_2274 {strides = array<i32>} : memref<16xf32, #tpu.memory_space<vmem>>, vector<16xf32>,
    %get3A_2277 = arith.constant 272 : index
    %get3A_2278 = tpu.vector_load %arg7[%get3A_2277] {strides = array<i32>} : memref<1600xi32, #tpu.memory_space<vmem>>, vector<16xi32>,
    %gather3A_2279 = tpu.vector_load_idx %arg12[%get3A_2278] : memref<1000xf32, #tpu.memory_space<vmem>>[vector<16xi32>], vector<16xf32>,
    %iota3A_2280 = tpu.iota {dimensions = array<i32: 0>} : vector<16xi32>
    %add3A_2281 = arith.constant 272 : i32
    %add3A_2282 = vector.broadcast %add3A_2281 : i32 to vector<16xi32>
    %add3A_2283 = arith.addi %iota3A_2280, %add3A_2282 : vector<16xi32>
    %get3A_2284 = arith.constant 272 : index
    %get3A_2285 = tpu.vector_load %arg10[%get3A_2284] {strides = array<i32>} : memref<1600xi32, #tpu.memory_space<vmem>>, vector<16xi32>,
    %gather3A_2286 = tpu.vector_load_idx %arg11[%add3A_2283, %get3A_2285] : memref<1600x16xf32, #tpu.memory_space<vmem>>[vector<16xi32>, vector<16xi32>], vector<16xf32>,
    %get3A_2287 = arith.constant 0 : index
    %get3A_2288 = tpu.vector_load %arg13[%get3A_2287] {strides = array<i32>} : memref<16xf32, #tpu.memory_space<vmem>>, vector<16xf32>,
    %sub3A_2289 = arith.subf %gather3A_2279, %gather3A_2286 : vector<16xf32>
    %add3A_2290 = arith.addf %get3A_2288, %sub3A_2289 : vector<16xf32>
    %swap3A_2291 = arith.constant 0 : index
    %swap3A_2292 = tpu.vector_load %arg13[%swap3A_2291] {strides = array<i32>} : memref<16xf32, #tpu.memory_space<vmem>>, vector<16xf32>,
    tpu.vector_store %arg13[%swap3A_2291], %add3A_2290 {strides = array<i32>} : memref<16xf32, #tpu.memory_space<vmem>>, vector<16xf32>,
    %get3A_2293 = arith.constant 288 : index
    %get3A_2294 = tpu.vector_load %arg7[%get3A_2293] {strides = array<i32>} : memref<1600xi32, #tpu.memory_space<vmem>>, vector<16xi32>,
    %gather3A_2295 = tpu.vector_load_idx %arg12[%get3A_2294] : memref<1000xf32, #tpu.memory_space<vmem>>[vector<16xi32>], vector<16xf32>,
    %iota3A_2296 = tpu.iota {dimensions = array<i32: 0>} : vector<16xi32>
    %add3A_2297 = arith.constant 288 : i32
    %add3A_2298 = vector.broadcast %add3A_2297 : i32 to vector<16xi32>
    %add3A_2299 = arith.addi %iota3A_2296, %add3A_2298 : vector<16xi32>
    %get3A_2300 = arith.constant 288 : index
    %get3A_2301 = tpu.vector_load %arg10[%get3A_2300] {strides = array<i32>} : memref<1600xi32, #tpu.memory_space<vmem>>, vector<16xi32>,
    %gather3A_2302 = tpu.vector_load_idx %arg11[%add3A_2299, %get3A_2301] : memref<1600x16xf32, #tpu.memory_space<vmem>>[vector<16xi32>, vector<16xi32>], vector<16xf32>,
    %get3A_2303 = arith.constant 0 : index
    %get3A_2304 = tpu.vector_load %arg13[%get3A_2303] {strides = array<i32>} : memref<16xf32, #tpu.memory_space<vmem>>, vector<16xf32>,
    %sub3A_2305 = arith.subf %gather3A_2295, %gather3A_2302 : vector<16xf32>
    %add3A_2306 = arith.addf %get3A_2304, %sub3A_2305 : vector<16xf32>
    %swap3A_2307 = arith.constant 0 : index
    %swap3A_2308 = tpu.vector_load %arg13[%swap3A_2307] {strides = array<i32>} : memref<16xf32, #tpu.memory_space<vmem>>, vector<16xf32>,
    tpu.vector_store %arg13[%swap3A_2307], %add3A_2306 {strides = array<i32>} : memref<16xf32, #tpu.memory_space<vmem>>, vector<16xf32>,
    %get3A_2309 = arith.constant 304 : index
    %get3A_2310 = tpu.vector_load %arg7[%get3A_2309] {strides = array<i32>} : memref<1600xi32, #tpu.memory_space<vmem>>, vector<16xi32>,
    %gather3A_2311 = tpu.vector_load_idx %arg12[%get3A_2310] : memref<1000xf32, #tpu.memory_space<vmem>>[vector<16xi32>], vector<16xf32>,
    %iota3A_2312 = tpu.iota {dimensions = array<i32: 0>} : vector<16xi32>
    %add3A_2313 = arith.constant 304 : i32
    %add3A_2314 = vector.broadcast %add3A_2313 : i32 to vector<16xi32>
    %add3A_2315 = arith.addi %iota3A_2312, %add3A_2314 : vector<16xi32>
    %get3A_2316 = arith.constant 304 : index
    %get3A_2317 = tpu.vector_load %arg10[%get3A_2316] {strides = array<i32>} : memref<1600xi32, #tpu.memory_space<vmem>>, vector<16xi32>,
    %gather3A_2318 = tpu.vector_load_idx %arg11[%add3A_2315, %get3A_2317] : memref<1600x16xf32, #tpu.memory_space<vmem>>[vector<16xi32>, vector<16xi32>], vector<16xf32>,
    %get3A_2319 = arith.constant 0 : index
    %get3A_2320 = tpu.vector_load %arg13[%get3A_2319] {strides = array<i32>} : memref<16xf32, #tpu.memory_space<vmem>>, vector<16xf32>,
    %sub3A_2321 = arith.subf %gather3A_2311, %gather3A_2318 : vector<16xf32>
    %add3A_2322 = arith.addf %get3A_2320, %sub3A_2321 : vector<16xf32>
    %swap3A_2323 = arith.constant 0 : index
    %swap3A_2324 = tpu.vector_load %arg13[%swap3A_2323] {strides = array<i32>} : memref<16xf32, #tpu.memory_space<vmem>>, vector<16xf32>,
    tpu.vector_store %arg13[%swap3A_2323], %add3A_2322 {strides = array<i32>} : memref<16xf32, #tpu.memory_space<vmem>>, vector<16xf32>,
    %get3A_2325 = arith.constant 320 : index
    %get3A_2326 = tpu.vector_load %arg7[%get3A_2325] {strides = array<i32>} : memref<1600xi32, #tpu.memory_space<vmem>>, vector<16xi32>,
    %gather3A_2327 = tpu.vector_load_idx %arg12[%get3A_2326] : memref<1000xf32, #tpu.memory_space<vmem>>[vector<16xi32>], vector<16xf32>,
    %iota3A_2328 = tpu.iota {dimensions = array<i32: 0>} : vector<16xi32>
    %add3A_2329 = arith.constant 320 : i32
    %add3A_2330 = vector.broadcast %add3A_2329 : i32 to vector<16xi32>
    %add3A_2331 = arith.addi %iota3A_2328, %add3A_2330 : vector<16xi32>
    %get3A_2332 = arith.constant 320 : index
    %get3A_2333 = tpu.vector_load %arg10[%get3A_2332] {strides = array<i32>} : memref<1600xi32, #tpu.memory_space<vmem>>, vector<16xi32>,
    %gather3A_2334 = tpu.vector_load_idx %arg11[%add3A_2331, %get3A_2333] : memref<1600x16xf32, #tpu.memory_space<vmem>>[vector<16xi32>, vector<16xi32>], vector<16xf32>,
    %get3A_2335 = arith.constant 0 : index
    %get3A_2336 = tpu.vector_load %arg13[%get3A_2335] {strides = array<i32>} : memref<16xf32, #tpu.memory_space<vmem>>, vector<16xf32>,
    %sub3A_2337 = arith.subf %gather3A_2327, %gather3A_2334 : vector<16xf32>
    %add3A_2338 = arith.addf %get3A_2336, %sub3A_2337 : vector<16xf32>
    %swap3A_2339 = arith.constant 0 : index
    %swap3A_2340 = tpu.vector_load %arg13[%swap3A_2339] {strides = array<i32>} : memref<16xf32, #tpu.memory_space<vmem>>, vector<16xf32>,
    tpu.vector_store %arg13[%swap3A_2339], %add3A_2338 {strides = array<i32>} : memref<16xf32, #tpu.memory_space<vmem>>, vector<16xf32>,
    %get3A_2341 = arith.constant 336 : index
    %get3A_2342 = tpu.vector_load %arg7[%get3A_2341] {strides = array<i32>} : memref<1600xi32, #tpu.memory_space<vmem>>, vector<16xi32>,
    %gather3A_2343 = tpu.vector_load_idx %arg12[%get3A_2342] : memref<1000xf32, #tpu.memory_space<vmem>>[vector<16xi32>], vector<16xf32>,
    %iota3A_2344 = tpu.iota {dimensions = array<i32: 0>} : vector<16xi32>
    %add3A_2345 = arith.constant 336 : i32
    %add3A_2346 = vector.broadcast %add3A_2345 : i32 to vector<16xi32>
    %add3A_2347 = arith.addi %iota3A_2344, %add3A_2346 : vector<16xi32>
    %get3A_2348 = arith.constant 336 : index
    %get3A_2349 = tpu.vector_load %arg10[%get3A_2348] {strides = array<i32>} : memref<1600xi32, #tpu.memory_space<vmem>>, vector<16xi32>,
    %gather3A_2350 = tpu.vector_load_idx %arg11[%add3A_2347, %get3A_2349] : memref<1600x16xf32, #tpu.memory_space<vmem>>[vector<16xi32>, vector<16xi32>], vector<16xf32>,
    %get3A_2351 = arith.constant 0 : index
    %get3A_2352 = tpu.vector_load %arg13[%get3A_2351] {strides = array<i32>} : memref<16xf32, #tpu.memory_space<vmem>>, vector<16xf32>,
    %sub3A_2353 = arith.subf %gather3A_2343, %gather3A_2350 : vector<16xf32>
    %add3A_2354 = arith.addf %get3A_2352, %sub3A_2353 : vector<16xf32>
    %swap3A_2355 = arith.constant 0 : index
    %swap3A_2356 = tpu.vector_load %arg13[%swap3A_2355] {strides = array<i32>} : memref<16xf32, #tpu.memory_space<vmem>>, vector<16xf32>,
    tpu.vector_store %arg13[%swap3A_2355], %add3A_2354 {strides = array<i32>} : memref<16xf32, #tpu.memory_space<vmem>>, vector<16xf32>,
    %get3A_2357 = arith.constant 352 : index
    %get3A_2358 = tpu.vector_load %arg7[%get3A_2357] {strides = array<i32>} : memref<1600xi32, #tpu.memory_space<vmem>>, vector<16xi32>,
    %gather3A_2359 = tpu.vector_load_idx %arg12[%get3A_2358] : memref<1000xf32, #tpu.memory_space<vmem>>[vector<16xi32>], vector<16xf32>,
    %iota3A_2360 = tpu.iota {dimensions = array<i32: 0>} : vector<16xi32>
    %add3A_2361 = arith.constant 352 : i32
    %add3A_2362 = vector.broadcast %add3A_2361 : i32 to vector<16xi32>
    %add3A_2363 = arith.addi %iota3A_2360, %add3A_2362 : vector<16xi32>
    %get3A_2364 = arith.constant 352 : index
    %get3A_2365 = tpu.vector_load %arg10[%get3A_2364] {strides = array<i32>} : memref<1600xi32, #tpu.memory_space<vmem>>, vector<16xi32>,
    %gather3A_2366 = tpu.vector_load_idx %arg11[%add3A_2363, %get3A_2365] : memref<1600x16xf32, #tpu.memory_space<vmem>>[vector<16xi32>, vector<16xi32>], vector<16xf32>,
    %get3A_2367 = arith.constant 0 : index
    %get3A_2368 = tpu.vector_load %arg13[%get3A_2367] {strides = array<i32>} : memref<16xf32, #tpu.memory_space<vmem>>, vector<16xf32>,
    %sub3A_2369 = arith.subf %gather3A_2359, %gather3A_2366 : vector<16xf32>
    %add3A_2370 = arith.addf %get3A_2368, %sub3A_2369 : vector<16xf32>
    %swap3A_2371 = arith.constant 0 : index
    %swap3A_2372 = tpu.vector_load %arg13[%swap3A_2371] {strides = array<i32>} : memref<16xf32, #tpu.memory_space<vmem>>, vector<16xf32>,
    tpu.vector_store %arg13[%swap3A_2371], %add3A_2370 {strides = array<i32>} : memref<16xf32, #tpu.memory_space<vmem>>, vector<16xf32>,
    %get3A_2373 = arith.constant 368 : index
    %get3A_2374 = tpu.vector_load %arg7[%get3A_2373] {strides = array<i32>} : memref<1600xi32, #tpu.memory_space<vmem>>, vector<16xi32>,
    %gather3A_2375 = tpu.vector_load_idx %arg12[%get3A_2374] : memref<1000xf32, #tpu.memory_space<vmem>>[vector<16xi32>], vector<16xf32>,
    %iota3A_2376 = tpu.iota {dimensions = array<i32: 0>} : vector<16xi32>
    %add3A_2377 = arith.constant 368 : i32
    %add3A_2378 = vector.broadcast %add3A_2377 : i32 to vector<16xi32>
    %add3A_2379 = arith.addi %iota3A_2376, %add3A_2378 : vector<16xi32>
    %get3A_2380 = arith.constant 368 : index
    %get3A_2381 = tpu.vector_load %arg10[%get3A_2380] {strides = array<i32>} : memref<1600xi32, #tpu.memory_space<vmem>>, vector<16xi32>,
    %gather3A_2382 = tpu.vector_load_idx %arg11[%add3A_2379, %get3A_2381] : memref<1600x16xf32, #tpu.memory_space<vmem>>[vector<16xi32>, vector<16xi32>], vector<16xf32>,
    %get3A_2383 = arith.constant 0 : index
    %get3A_2384 = tpu.vector_load %arg13[%get3A_2383] {strides = array<i32>} : memref<16xf32, #tpu.memory_space<vmem>>, vector<16xf32>,
    %sub3A_2385 = arith.subf %gather3A_2375, %gather3A_2382 : vector<16xf32>
    %add3A_2386 = arith.addf %get3A_2384, %sub3A_2385 : vector<16xf32>
    %swap3A_2387 = arith.constant 0 : index
    %swap3A_2388 = tpu.vector_load %arg13[%swap3A_2387] {strides = array<i32>} : memref<16xf32, #tpu.memory_space<vmem>>, vector<16xf32>,
    tpu.vector_store %arg13[%swap3A_2387], %add3A_2386 {strides = array<i32>} : memref<16xf32, #tpu.memory_space<vmem>>, vector<16xf32>,
    %get3A_2389 = arith.constant 384 : index
    %get3A_2390 = tpu.vector_load %arg7[%get3A_2389] {strides = array<i32>} : memref<1600xi32, #tpu.memory_space<vmem>>, vector<16xi32>,
    %gather3A_2391 = tpu.vector_load_idx %arg12[%get3A_2390] : memref<1000xf32, #tpu.memory_space<vmem>>[vector<16xi32>], vector<16xf32>,
    %iota3A_2392 = tpu.iota {dimensions = array<i32: 0>} : vector<16xi32>
    %add3A_2393 = arith.constant 384 : i32
    %add3A_2394 = vector.broadcast %add3A_2393 : i32 to vector<16xi32>
    %add3A_2395 = arith.addi %iota3A_2392, %add3A_2394 : vector<16xi32>
    %get3A_2396 = arith.constant 384 : index
    %get3A_2397 = tpu.vector_load %arg10[%get3A_2396] {strides = array<i32>} : memref<1600xi32, #tpu.memory_space<vmem>>, vector<16xi32>,
    %gather3A_2398 = tpu.vector_load_idx %arg11[%add3A_2395, %get3A_2397] : memref<1600x16xf32, #tpu.memory_space<vmem>>[vector<16xi32>, vector<16xi32>], vector<16xf32>,
    %get3A_2399 = arith.constant 0 : index
    %get3A_2400 = tpu.vector_load %arg13[%get3A_2399] {strides = array<i32>} : memref<16xf32, #tpu.memory_space<vmem>>, vector<16xf32>,
    %sub3A_2401 = arith.subf %gather3A_2391, %gather3A_2398 : vector<16xf32>
    %add3A_2402 = arith.addf %get3A_2400, %sub3A_2401 : vector<16xf32>
    %swap3A_2403 = arith.constant 0 : index
    %swap3A_2404 = tpu.vector_load %arg13[%swap3A_2403] {strides = array<i32>} : memref<16xf32, #tpu.memory_space<vmem>>, vector<16xf32>,
    tpu.vector_store %arg13[%swap3A_2403], %add3A_2402 {strides = array<i32>} : memref<16xf32, #tpu.memory_space<vmem>>, vector<16xf32>,
    %get3A_2405 = arith.constant 400 : index
    %get3A_2406 = tpu.vector_load %arg7[%get3A_2405] {strides = array<i32>} : memref<1600xi32, #tpu.memory_space<vmem>>, vector<16xi32>,
    %gather3A_2407 = tpu.vector_load_idx %arg12[%get3A_2406] : memref<1000xf32, #tpu.memory_space<vmem>>[vector<16xi32>], vector<16xf32>,
    %iota3A_2408 = tpu.iota {dimensions = array<i32: 0>} : vector<16xi32>
    %add3A_2409 = arith.constant 400 : i32
    %add3A_2410 = vector.broadcast %add3A_2409 : i32 to vector<16xi32>
    %add3A_2411 = arith.addi %iota3A_2408, %add3A_2410 : vector<16xi32>
    %get3A_2412 = arith.constant 400 : index
    %get3A_2413 = tpu.vector_load %arg10[%get3A_2412] {strides = array<i32>} : memref<1600xi32, #tpu.memory_space<vmem>>, vector<16xi32>,
    %gather3A_2414 = tpu.vector_load_idx %arg11[%add3A_2411, %get3A_2413] : memref<1600x16xf32, #tpu.memory_space<vmem>>[vector<16xi32>, vector<16xi32>], vector<16xf32>,
    %get3A_2415 = arith.constant 0 : index
    %get3A_2416 = tpu.vector_load %arg13[%get3A_2415] {strides = array<i32>} : memref<16xf32, #tpu.memory_space<vmem>>, vector<16xf32>,
    %sub3A_2417 = arith.subf %gather3A_2407, %gather3A_2414 : vector<16xf32>
    %add3A_2418 = arith.addf %get3A_2416, %sub3A_2417 : vector<16xf32>
    %swap3A_2419 = arith.constant 0 : index
    %swap3A_2420 = tpu.vector_load %arg13[%swap3A_2419] {strides = array<i32>} : memref<16xf32, #tpu.memory_space<vmem>>, vector<16xf32>,
    tpu.vector_store %arg13[%swap3A_2419], %add3A_2418 {strides = array<i32>} : memref<16xf32, #tpu.memory_space<vmem>>, vector<16xf32>,
    %get3A_2421 = arith.constant 416 : index
    %get3A_2422 = tpu.vector_load %arg7[%get3A_2421] {strides = array<i32>} : memref<1600xi32, #tpu.memory_space<vmem>>, vector<16xi32>,
    %gather3A_2423 = tpu.vector_load_idx %arg12[%get3A_2422] : memref<1000xf32, #tpu.memory_space<vmem>>[vector<16xi32>], vector<16xf32>,
    %iota3A_2424 = tpu.iota {dimensions = array<i32: 0>} : vector<16xi32>
    %add3A_2425 = arith.constant 416 : i32
    %add3A_2426 = vector.broadcast %add3A_2425 : i32 to vector<16xi32>
    %add3A_2427 = arith.addi %iota3A_2424, %add3A_2426 : vector<16xi32>
    %get3A_2428 = arith.constant 416 : index
    %get3A_2429 = tpu.vector_load %arg10[%get3A_2428] {strides = array<i32>} : memref<1600xi32, #tpu.memory_space<vmem>>, vector<16xi32>,
    %gather3A_2430 = tpu.vector_load_idx %arg11[%add3A_2427, %get3A_2429] : memref<1600x16xf32, #tpu.memory_space<vmem>>[vector<16xi32>, vector<16xi32>], vector<16xf32>,
    %get3A_2431 = arith.constant 0 : index
    %get3A_2432 = tpu.vector_load %arg13[%get3A_2431] {strides = array<i32>} : memref<16xf32, #tpu.memory_space<vmem>>, vector<16xf32>,
    %sub3A_2433 = arith.subf %gather3A_2423, %gather3A_2430 : vector<16xf32>
    %add3A_2434 = arith.addf %get3A_2432, %sub3A_2433 : vector<16xf32>
    %swap3A_2435 = arith.constant 0 : index
    %swap3A_2436 = tpu.vector_load %arg13[%swap3A_2435] {strides = array<i32>} : memref<16xf32, #tpu.memory_space<vmem>>, vector<16xf32>,
    tpu.vector_store %arg13[%swap3A_2435], %add3A_2434 {strides = array<i32>} : memref<16xf32, #tpu.memory_space<vmem>>, vector<16xf32>,
    %get3A_2437 = arith.constant 432 : index
    %get3A_2438 = tpu.vector_load %arg7[%get3A_2437] {strides = array<i32>} : memref<1600xi32, #tpu.memory_space<vmem>>, vector<16xi32>,
    %gather3A_2439 = tpu.vector_load_idx %arg12[%get3A_2438] : memref<1000xf32, #tpu.memory_space<vmem>>[vector<16xi32>], vector<16xf32>,
    %iota3A_2440 = tpu.iota {dimensions = array<i32: 0>} : vector<16xi32>
    %add3A_2441 = arith.constant 432 : i32
    %add3A_2442 = vector.broadcast %add3A_2441 : i32 to vector<16xi32>
    %add3A_2443 = arith.addi %iota3A_2440, %add3A_2442 : vector<16xi32>
    %get3A_2444 = arith.constant 432 : index
    %get3A_2445 = tpu.vector_load %arg10[%get3A_2444] {strides = array<i32>} : memref<1600xi32, #tpu.memory_space<vmem>>, vector<16xi32>,
    %gather3A_2446 = tpu.vector_load_idx %arg11[%add3A_2443, %get3A_2445] : memref<1600x16xf32, #tpu.memory_space<vmem>>[vector<16xi32>, vector<16xi32>], vector<16xf32>,
    %get3A_2447 = arith.constant 0 : index
    %get3A_2448 = tpu.vector_load %arg13[%get3A_2447] {strides = array<i32>} : memref<16xf32, #tpu.memory_space<vmem>>, vector<16xf32>,
    %sub3A_2449 = arith.subf %gather3A_2439, %gather3A_2446 : vector<16xf32>
    %add3A_2450 = arith.addf %get3A_2448, %sub3A_2449 : vector<16xf32>
    %swap3A_2451 = arith.constant 0 : index
    %swap3A_2452 = tpu.vector_load %arg13[%swap3A_2451] {strides = array<i32>} : memref<16xf32, #tpu.memory_space<vmem>>, vector<16xf32>,
    tpu.vector_store %arg13[%swap3A_2451], %add3A_2450 {strides = array<i32>} : memref<16xf32, #tpu.memory_space<vmem>>, vector<16xf32>,
    %get3A_2453 = arith.constant 448 : index
    %get3A_2454 = tpu.vector_load %arg7[%get3A_2453] {strides = array<i32>} : memref<1600xi32, #tpu.memory_space<vmem>>, vector<16xi32>,
    %gather3A_2455 = tpu.vector_load_idx %arg12[%get3A_2454] : memref<1000xf32, #tpu.memory_space<vmem>>[vector<16xi32>], vector<16xf32>,
    %iota3A_2456 = tpu.iota {dimensions = array<i32: 0>} : vector<16xi32>
    %add3A_2457 = arith.constant 448 : i32
    %add3A_2458 = vector.broadcast %add3A_2457 : i32 to vector<16xi32>
    %add3A_2459 = arith.addi %iota3A_2456, %add3A_2458 : vector<16xi32>
    %get3A_2460 = arith.constant 448 : index
    %get3A_2461 = tpu.vector_load %arg10[%get3A_2460] {strides = array<i32>} : memref<1600xi32, #tpu.memory_space<vmem>>, vector<16xi32>,
    %gather3A_2462 = tpu.vector_load_idx %arg11[%add3A_2459, %get3A_2461] : memref<1600x16xf32, #tpu.memory_space<vmem>>[vector<16xi32>, vector<16xi32>], vector<16xf32>,
    %get3A_2463 = arith.constant 0 : index
    %get3A_2464 = tpu.vector_load %arg13[%get3A_2463] {strides = array<i32>} : memref<16xf32, #tpu.memory_space<vmem>>, vector<16xf32>,
    %sub3A_2465 = arith.subf %gather3A_2455, %gather3A_2462 : vector<16xf32>
    %add3A_2466 = arith.addf %get3A_2464, %sub3A_2465 : vector<16xf32>
    %swap3A_2467 = arith.constant 0 : index
    %swap3A_2468 = tpu.vector_load %arg13[%swap3A_2467] {strides = array<i32>} : memref<16xf32, #tpu.memory_space<vmem>>, vector<16xf32>,
    tpu.vector_store %arg13[%swap3A_2467], %add3A_2466 {strides = array<i32>} : memref<16xf32, #tpu.memory_space<vmem>>, vector<16xf32>,
    %get3A_2469 = arith.constant 464 : index
    %get3A_2470 = tpu.vector_load %arg7[%get3A_2469] {strides = array<i32>} : memref<1600xi32, #tpu.memory_space<vmem>>, vector<16xi32>,
    %gather3A_2471 = tpu.vector_load_idx %arg12[%get3A_2470] : memref<1000xf32, #tpu.memory_space<vmem>>[vector<16xi32>], vector<16xf32>,
    %iota3A_2472 = tpu.iota {dimensions = array<i32: 0>} : vector<16xi32>
    %add3A_2473 = arith.constant 464 : i32
    %add3A_2474 = vector.broadcast %add3A_2473 : i32 to vector<16xi32>
    %add3A_2475 = arith.addi %iota3A_2472, %add3A_2474 : vector<16xi32>
    %get3A_2476 = arith.constant 464 : index
    %get3A_2477 = tpu.vector_load %arg10[%get3A_2476] {strides = array<i32>} : memref<1600xi32, #tpu.memory_space<vmem>>, vector<16xi32>,
    %gather3A_2478 = tpu.vector_load_idx %arg11[%add3A_2475, %get3A_2477] : memref<1600x16xf32, #tpu.memory_space<vmem>>[vector<16xi32>, vector<16xi32>], vector<16xf32>,
    %get3A_2479 = arith.constant 0 : index
    %get3A_2480 = tpu.vector_load %arg13[%get3A_2479] {strides = array<i32>} : memref<16xf32, #tpu.memory_space<vmem>>, vector<16xf32>,
    %sub3A_2481 = arith.subf %gather3A_2471, %gather3A_2478 : vector<16xf32>
    %add3A_2482 = arith.addf %get3A_2480, %sub3A_2481 : vector<16xf32>
    %swap3A_2483 = arith.constant 0 : index
    %swap3A_2484 = tpu.vector_load %arg13[%swap3A_2483] {strides = array<i32>} : memref<16xf32, #tpu.memory_space<vmem>>, vector<16xf32>,
    tpu.vector_store %arg13[%swap3A_2483], %add3A_2482 {strides = array<i32>} : memref<16xf32, #tpu.memory_space<vmem>>, vector<16xf32>,
    %get3A_2485 = arith.constant 480 : index
    %get3A_2486 = tpu.vector_load %arg7[%get3A_2485] {strides = array<i32>} : memref<1600xi32, #tpu.memory_space<vmem>>, vector<16xi32>,
    %gather3A_2487 = tpu.vector_load_idx %arg12[%get3A_2486] : memref<1000xf32, #tpu.memory_space<vmem>>[vector<16xi32>], vector<16xf32>,
    %iota3A_2488 = tpu.iota {dimensions = array<i32: 0>} : vector<16xi32>
    %add3A_2489 = arith.constant 480 : i32
    %add3A_2490 = vector.broadcast %add3A_2489 : i32 to vector<16xi32>
    %add3A_2491 = arith.addi %iota3A_2488, %add3A_2490 : vector<16xi32>
    %get3A_2492 = arith.constant 480 : index
    %get3A_2493 = tpu.vector_load %arg10[%get3A_2492] {strides = array<i32>} : memref<1600xi32, #tpu.memory_space<vmem>>, vector<16xi32>,
    %gather3A_2494 = tpu.vector_load_idx %arg11[%add3A_2491, %get3A_2493] : memref<1600x16xf32, #tpu.memory_space<vmem>>[vector<16xi32>, vector<16xi32>], vector<16xf32>,
    %get3A_2495 = arith.constant 0 : index
    %get3A_2496 = tpu.vector_load %arg13[%get3A_2495] {strides = array<i32>} : memref<16xf32, #tpu.memory_space<vmem>>, vector<16xf32>,
    %sub3A_2497 = arith.subf %gather3A_2487, %gather3A_2494 : vector<16xf32>
    %add3A_2498 = arith.addf %get3A_2496, %sub3A_2497 : vector<16xf32>
    %swap3A_2499 = arith.constant 0 : index
    %swap3A_2500 = tpu.vector_load %arg13[%swap3A_2499] {strides = array<i32>} : memref<16xf32, #tpu.memory_space<vmem>>, vector<16xf32>,
    tpu.vector_store %arg13[%swap3A_2499], %add3A_2498 {strides = array<i32>} : memref<16xf32, #tpu.memory_space<vmem>>, vector<16xf32>,
    %get3A_2501 = arith.constant 496 : index
    %get3A_2502 = tpu.vector_load %arg7[%get3A_2501] {strides = array<i32>} : memref<1600xi32, #tpu.memory_space<vmem>>, vector<16xi32>,
    %gather3A_2503 = tpu.vector_load_idx %arg12[%get3A_2502] : memref<1000xf32, #tpu.memory_space<vmem>>[vector<16xi32>], vector<16xf32>,
    %iota3A_2504 = tpu.iota {dimensions = array<i32: 0>} : vector<16xi32>
    %add3A_2505 = arith.constant 496 : i32
    %add3A_2506 = vector.broadcast %add3A_2505 : i32 to vector<16xi32>
    %add3A_2507 = arith.addi %iota3A_2504, %add3A_2506 : vector<16xi32>
    %get3A_2508 = arith.constant 496 : index
    %get3A_2509 = tpu.vector_load %arg10[%get3A_2508] {strides = array<i32>} : memref<1600xi32, #tpu.memory_space<vmem>>, vector<16xi32>,
    %gather3A_2510 = tpu.vector_load_idx %arg11[%add3A_2507, %get3A_2509] : memref<1600x16xf32, #tpu.memory_space<vmem>>[vector<16xi32>, vector<16xi32>], vector<16xf32>,
    %get3A_2511 = arith.constant 0 : index
    %get3A_2512 = tpu.vector_load %arg13[%get3A_2511] {strides = array<i32>} : memref<16xf32, #tpu.memory_space<vmem>>, vector<16xf32>,
    %sub3A_2513 = arith.subf %gather3A_2503, %gather3A_2510 : vector<16xf32>
    %add3A_2514 = arith.addf %get3A_2512, %sub3A_2513 : vector<16xf32>
    %swap3A_2515 = arith.constant 0 : index
    %swap3A_2516 = tpu.vector_load %arg13[%swap3A_2515] {strides = array<i32>} : memref<16xf32, #tpu.memory_space<vmem>>, vector<16xf32>,
    tpu.vector_store %arg13[%swap3A_2515], %add3A_2514 {strides = array<i32>} : memref<16xf32, #tpu.memory_space<vmem>>, vector<16xf32>,
    %get3A_2517 = arith.constant 512 : index
    %get3A_2518 = tpu.vector_load %arg7[%get3A_2517] {strides = array<i32>} : memref<1600xi32, #tpu.memory_space<vmem>>, vector<16xi32>,
    %gather3A_2519 = tpu.vector_load_idx %arg12[%get3A_2518] : memref<1000xf32, #tpu.memory_space<vmem>>[vector<16xi32>], vector<16xf32>,
    %iota3A_2520 = tpu.iota {dimensions = array<i32: 0>} : vector<16xi32>
    %add3A_2521 = arith.constant 512 : i32
    %add3A_2522 = vector.broadcast %add3A_2521 : i32 to vector<16xi32>
    %add3A_2523 = arith.addi %iota3A_2520, %add3A_2522 : vector<16xi32>
    %get3A_2524 = arith.constant 512 : index
    %get3A_2525 = tpu.vector_load %arg10[%get3A_2524] {strides = array<i32>} : memref<1600xi32, #tpu.memory_space<vmem>>, vector<16xi32>,
    %gather3A_2526 = tpu.vector_load_idx %arg11[%add3A_2523, %get3A_2525] : memref<1600x16xf32, #tpu.memory_space<vmem>>[vector<16xi32>, vector<16xi32>], vector<16xf32>,
    %get3A_2527 = arith.constant 0 : index
    %get3A_2528 = tpu.vector_load %arg13[%get3A_2527] {strides = array<i32>} : memref<16xf32, #tpu.memory_space<vmem>>, vector<16xf32>,
    %sub3A_2529 = arith.subf %gather3A_2519, %gather3A_2526 : vector<16xf32>
    %add3A_2530 = arith.addf %get3A_2528, %sub3A_2529 : vector<16xf32>
    %swap3A_2531 = arith.constant 0 : index
    %swap3A_2532 = tpu.vector_load %arg13[%swap3A_2531] {strides = array<i32>} : memref<16xf32, #tpu.memory_space<vmem>>, vector<16xf32>,
    tpu.vector_store %arg13[%swap3A_2531], %add3A_2530 {strides = array<i32>} : memref<16xf32, #tpu.memory_space<vmem>>, vector<16xf32>,
    %get3A_2533 = arith.constant 528 : index
    %get3A_2534 = tpu.vector_load %arg7[%get3A_2533] {strides = array<i32>} : memref<1600xi32, #tpu.memory_space<vmem>>, vector<16xi32>,
    %gather3A_2535 = tpu.vector_load_idx %arg12[%get3A_2534] : memref<1000xf32, #tpu.memory_space<vmem>>[vector<16xi32>], vector<16xf32>,
    %iota3A_2536 = tpu.iota {dimensions = array<i32: 0>} : vector<16xi32>
    %add3A_2537 = arith.constant 528 : i32
    %add3A_2538 = vector.broadcast %add3A_2537 : i32 to vector<16xi32>
    %add3A_2539 = arith.addi %iota3A_2536, %add3A_2538 : vector<16xi32>
    %get3A_2540 = arith.constant 528 : index
    %get3A_2541 = tpu.vector_load %arg10[%get3A_2540] {strides = array<i32>} : memref<1600xi32, #tpu.memory_space<vmem>>, vector<16xi32>,
    %gather3A_2542 = tpu.vector_load_idx %arg11[%add3A_2539, %get3A_2541] : memref<1600x16xf32, #tpu.memory_space<vmem>>[vector<16xi32>, vector<16xi32>], vector<16xf32>,
    %get3A_2543 = arith.constant 0 : index
    %get3A_2544 = tpu.vector_load %arg13[%get3A_2543] {strides = array<i32>} : memref<16xf32, #tpu.memory_space<vmem>>, vector<16xf32>,
    %sub3A_2545 = arith.subf %gather3A_2535, %gather3A_2542 : vector<16xf32>
    %add3A_2546 = arith.addf %get3A_2544, %sub3A_2545 : vector<16xf32>
    %swap3A_2547 = arith.constant 0 : index
    %swap3A_2548 = tpu.vector_load %arg13[%swap3A_2547] {strides = array<i32>} : memref<16xf32, #tpu.memory_space<vmem>>, vector<16xf32>,
    tpu.vector_store %arg13[%swap3A_2547], %add3A_2546 {strides = array<i32>} : memref<16xf32, #tpu.memory_space<vmem>>, vector<16xf32>,
    %get3A_2549 = arith.constant 544 : index
    %get3A_2550 = tpu.vector_load %arg7[%get3A_2549] {strides = array<i32>} : memref<1600xi32, #tpu.memory_space<vmem>>, vector<16xi32>,
    %gather3A_2551 = tpu.vector_load_idx %arg12[%get3A_2550] : memref<1000xf32, #tpu.memory_space<vmem>>[vector<16xi32>], vector<16xf32>,
    %iota3A_2552 = tpu.iota {dimensions = array<i32: 0>} : vector<16xi32>
    %add3A_2553 = arith.constant 544 : i32
    %add3A_2554 = vector.broadcast %add3A_2553 : i32 to vector<16xi32>
    %add3A_2555 = arith.addi %iota3A_2552, %add3A_2554 : vector<16xi32>
    %get3A_2556 = arith.constant 544 : index
    %get3A_2557 = tpu.vector_load %arg10[%get3A_2556] {strides = array<i32>} : memref<1600xi32, #tpu.memory_space<vmem>>, vector<16xi32>,
    %gather3A_2558 = tpu.vector_load_idx %arg11[%add3A_2555, %get3A_2557] : memref<1600x16xf32, #tpu.memory_space<vmem>>[vector<16xi32>, vector<16xi32>], vector<16xf32>,
    %get3A_2559 = arith.constant 0 : index
    %get3A_2560 = tpu.vector_load %arg13[%get3A_2559] {strides = array<i32>} : memref<16xf32, #tpu.memory_space<vmem>>, vector<16xf32>,
    %sub3A_2561 = arith.subf %gather3A_2551, %gather3A_2558 : vector<16xf32>
    %add3A_2562 = arith.addf %get3A_2560, %sub3A_2561 : vector<16xf32>
    %swap3A_2563 = arith.constant 0 : index
    %swap3A_2564 = tpu.vector_load %arg13[%swap3A_2563] {strides = array<i32>} : memref<16xf32, #tpu.memory_space<vmem>>, vector<16xf32>,
    tpu.vector_store %arg13[%swap3A_2563], %add3A_2562 {strides = array<i32>} : memref<16xf32, #tpu.memory_space<vmem>>, vector<16xf32>,
    %get3A_2565 = arith.constant 560 : index
    %get3A_2566 = tpu.vector_load %arg7[%get3A_2565] {strides = array<i32>} : memref<1600xi32, #tpu.memory_space<vmem>>, vector<16xi32>,
    %gather3A_2567 = tpu.vector_load_idx %arg12[%get3A_2566] : memref<1000xf32, #tpu.memory_space<vmem>>[vector<16xi32>], vector<16xf32>,
    %iota3A_2568 = tpu.iota {dimensions = array<i32: 0>} : vector<16xi32>
    %add3A_2569 = arith.constant 560 : i32
    %add3A_2570 = vector.broadcast %add3A_2569 : i32 to vector<16xi32>
    %add3A_2571 = arith.addi %iota3A_2568, %add3A_2570 : vector<16xi32>
    %get3A_2572 = arith.constant 560 : index
    %get3A_2573 = tpu.vector_load %arg10[%get3A_2572] {strides = array<i32>} : memref<1600xi32, #tpu.memory_space<vmem>>, vector<16xi32>,
    %gather3A_2574 = tpu.vector_load_idx %arg11[%add3A_2571, %get3A_2573] : memref<1600x16xf32, #tpu.memory_space<vmem>>[vector<16xi32>, vector<16xi32>], vector<16xf32>,
    %get3A_2575 = arith.constant 0 : index
    %get3A_2576 = tpu.vector_load %arg13[%get3A_2575] {strides = array<i32>} : memref<16xf32, #tpu.memory_space<vmem>>, vector<16xf32>,
    %sub3A_2577 = arith.subf %gather3A_2567, %gather3A_2574 : vector<16xf32>
    %add3A_2578 = arith.addf %get3A_2576, %sub3A_2577 : vector<16xf32>
    %swap3A_2579 = arith.constant 0 : index
    %swap3A_2580 = tpu.vector_load %arg13[%swap3A_2579] {strides = array<i32>} : memref<16xf32, #tpu.memory_space<vmem>>, vector<16xf32>,
    tpu.vector_store %arg13[%swap3A_2579], %add3A_2578 {strides = array<i32>} : memref<16xf32, #tpu.memory_space<vmem>>, vector<16xf32>,
    %get3A_2581 = arith.constant 576 : index
    %get3A_2582 = tpu.vector_load %arg7[%get3A_2581] {strides = array<i32>} : memref<1600xi32, #tpu.memory_space<vmem>>, vector<16xi32>,
    %gather3A_2583 = tpu.vector_load_idx %arg12[%get3A_2582] : memref<1000xf32, #tpu.memory_space<vmem>>[vector<16xi32>], vector<16xf32>,
    %iota3A_2584 = tpu.iota {dimensions = array<i32: 0>} : vector<16xi32>
    %add3A_2585 = arith.constant 576 : i32
    %add3A_2586 = vector.broadcast %add3A_2585 : i32 to vector<16xi32>
    %add3A_2587 = arith.addi %iota3A_2584, %add3A_2586 : vector<16xi32>
    %get3A_2588 = arith.constant 576 : index
    %get3A_2589 = tpu.vector_load %arg10[%get3A_2588] {strides = array<i32>} : memref<1600xi32, #tpu.memory_space<vmem>>, vector<16xi32>,
    %gather3A_2590 = tpu.vector_load_idx %arg11[%add3A_2587, %get3A_2589] : memref<1600x16xf32, #tpu.memory_space<vmem>>[vector<16xi32>, vector<16xi32>], vector<16xf32>,
    %get3A_2591 = arith.constant 0 : index
    %get3A_2592 = tpu.vector_load %arg13[%get3A_2591] {strides = array<i32>} : memref<16xf32, #tpu.memory_space<vmem>>, vector<16xf32>,
    %sub3A_2593 = arith.subf %gather3A_2583, %gather3A_2590 : vector<16xf32>
    %add3A_2594 = arith.addf %get3A_2592, %sub3A_2593 : vector<16xf32>
    %swap3A_2595 = arith.constant 0 : index
    %swap3A_2596 = tpu.vector_load %arg13[%swap3A_2595] {strides = array<i32>} : memref<16xf32, #tpu.memory_space<vmem>>, vector<16xf32>,
    tpu.vector_store %arg13[%swap3A_2595], %add3A_2594 {strides = array<i32>} : memref<16xf32, #tpu.memory_space<vmem>>, vector<16xf32>,
    %get3A_2597 = arith.constant 592 : index
    %get3A_2598 = tpu.vector_load %arg7[%get3A_2597] {strides = array<i32>} : memref<1600xi32, #tpu.memory_space<vmem>>, vector<16xi32>,
    %gather3A_2599 = tpu.vector_load_idx %arg12[%get3A_2598] : memref<1000xf32, #tpu.memory_space<vmem>>[vector<16xi32>], vector<16xf32>,
    %iota3A_2600 = tpu.iota {dimensions = array<i32: 0>} : vector<16xi32>
    %add3A_2601 = arith.constant 592 : i32
    %add3A_2602 = vector.broadcast %add3A_2601 : i32 to vector<16xi32>
    %add3A_2603 = arith.addi %iota3A_2600, %add3A_2602 : vector<16xi32>
    %get3A_2604 = arith.constant 592 : index
    %get3A_2605 = tpu.vector_load %arg10[%get3A_2604] {strides = array<i32>} : memref<1600xi32, #tpu.memory_space<vmem>>, vector<16xi32>,
    %gather3A_2606 = tpu.vector_load_idx %arg11[%add3A_2603, %get3A_2605] : memref<1600x16xf32, #tpu.memory_space<vmem>>[vector<16xi32>, vector<16xi32>], vector<16xf32>,
    %get3A_2607 = arith.constant 0 : index
    %get3A_2608 = tpu.vector_load %arg13[%get3A_2607] {strides = array<i32>} : memref<16xf32, #tpu.memory_space<vmem>>, vector<16xf32>,
    %sub3A_2609 = arith.subf %gather3A_2599, %gather3A_2606 : vector<16xf32>
    %add3A_2610 = arith.addf %get3A_2608, %sub3A_2609 : vector<16xf32>
    %swap3A_2611 = arith.constant 0 : index
    %swap3A_2612 = tpu.vector_load %arg13[%swap3A_2611] {strides = array<i32>} : memref<16xf32, #tpu.memory_space<vmem>>, vector<16xf32>,
    tpu.vector_store %arg13[%swap3A_2611], %add3A_2610 {strides = array<i32>} : memref<16xf32, #tpu.memory_space<vmem>>, vector<16xf32>,
    %get3A_2613 = arith.constant 608 : index
    %get3A_2614 = tpu.vector_load %arg7[%get3A_2613] {strides = array<i32>} : memref<1600xi32, #tpu.memory_space<vmem>>, vector<16xi32>,
    %gather3A_2615 = tpu.vector_load_idx %arg12[%get3A_2614] : memref<1000xf32, #tpu.memory_space<vmem>>[vector<16xi32>], vector<16xf32>,
    %iota3A_2616 = tpu.iota {dimensions = array<i32: 0>} : vector<16xi32>
    %add3A_2617 = arith.constant 608 : i32
    %add3A_2618 = vector.broadcast %add3A_2617 : i32 to vector<16xi32>
    %add3A_2619 = arith.addi %iota3A_2616, %add3A_2618 : vector<16xi32>
    %get3A_2620 = arith.constant 608 : index
    %get3A_2621 = tpu.vector_load %arg10[%get3A_2620] {strides = array<i32>} : memref<1600xi32, #tpu.memory_space<vmem>>, vector<16xi32>,
    %gather3A_2622 = tpu.vector_load_idx %arg11[%add3A_2619, %get3A_2621] : memref<1600x16xf32, #tpu.memory_space<vmem>>[vector<16xi32>, vector<16xi32>], vector<16xf32>,
    %get3A_2623 = arith.constant 0 : index
    %get3A_2624 = tpu.vector_load %arg13[%get3A_2623] {strides = array<i32>} : memref<16xf32, #tpu.memory_space<vmem>>, vector<16xf32>,
    %sub3A_2625 = arith.subf %gather3A_2615, %gather3A_2622 : vector<16xf32>
    %add3A_2626 = arith.addf %get3A_2624, %sub3A_2625 : vector<16xf32>
    %swap3A_2627 = arith.constant 0 : index
    %swap3A_2628 = tpu.vector_load %arg13[%swap3A_2627] {strides = array<i32>} : memref<16xf32, #tpu.memory_space<vmem>>, vector<16xf32>,
    tpu.vector_store %arg13[%swap3A_2627], %add3A_2626 {strides = array<i32>} : memref<16xf32, #tpu.memory_space<vmem>>, vector<16xf32>,
    %get3A_2629 = arith.constant 624 : index
    %get3A_2630 = tpu.vector_load %arg7[%get3A_2629] {strides = array<i32>} : memref<1600xi32, #tpu.memory_space<vmem>>, vector<16xi32>,
    %gather3A_2631 = tpu.vector_load_idx %arg12[%get3A_2630] : memref<1000xf32, #tpu.memory_space<vmem>>[vector<16xi32>], vector<16xf32>,
    %iota3A_2632 = tpu.iota {dimensions = array<i32: 0>} : vector<16xi32>
    %add3A_2633 = arith.constant 624 : i32
    %add3A_2634 = vector.broadcast %add3A_2633 : i32 to vector<16xi32>
    %add3A_2635 = arith.addi %iota3A_2632, %add3A_2634 : vector<16xi32>
    %get3A_2636 = arith.constant 624 : index
    %get3A_2637 = tpu.vector_load %arg10[%get3A_2636] {strides = array<i32>} : memref<1600xi32, #tpu.memory_space<vmem>>, vector<16xi32>,
    %gather3A_2638 = tpu.vector_load_idx %arg11[%add3A_2635, %get3A_2637] : memref<1600x16xf32, #tpu.memory_space<vmem>>[vector<16xi32>, vector<16xi32>], vector<16xf32>,
    %get3A_2639 = arith.constant 0 : index
    %get3A_2640 = tpu.vector_load %arg13[%get3A_2639] {strides = array<i32>} : memref<16xf32, #tpu.memory_space<vmem>>, vector<16xf32>,
    %sub3A_2641 = arith.subf %gather3A_2631, %gather3A_2638 : vector<16xf32>
    %add3A_2642 = arith.addf %get3A_2640, %sub3A_2641 : vector<16xf32>
    %swap3A_2643 = arith.constant 0 : index
    %swap3A_2644 = tpu.vector_load %arg13[%swap3A_2643] {strides = array<i32>} : memref<16xf32, #tpu.memory_space<vmem>>, vector<16xf32>,
    tpu.vector_store %arg13[%swap3A_2643], %add3A_2642 {strides = array<i32>} : memref<16xf32, #tpu.memory_space<vmem>>, vector<16xf32>,
    %get3A_2645 = arith.constant 640 : index
    %get3A_2646 = tpu.vector_load %arg7[%get3A_2645] {strides = array<i32>} : memref<1600xi32, #tpu.memory_space<vmem>>, vector<16xi32>,
    %gather3A_2647 = tpu.vector_load_idx %arg12[%get3A_2646] : memref<1000xf32, #tpu.memory_space<vmem>>[vector<16xi32>], vector<16xf32>,
    %iota3A_2648 = tpu.iota {dimensions = array<i32: 0>} : vector<16xi32>
    %add3A_2649 = arith.constant 640 : i32
    %add3A_2650 = vector.broadcast %add3A_2649 : i32 to vector<16xi32>
    %add3A_2651 = arith.addi %iota3A_2648, %add3A_2650 : vector<16xi32>
    %get3A_2652 = arith.constant 640 : index
    %get3A_2653 = tpu.vector_load %arg10[%get3A_2652] {strides = array<i32>} : memref<1600xi32, #tpu.memory_space<vmem>>, vector<16xi32>,
    %gather3A_2654 = tpu.vector_load_idx %arg11[%add3A_2651, %get3A_2653] : memref<1600x16xf32, #tpu.memory_space<vmem>>[vector<16xi32>, vector<16xi32>], vector<16xf32>,
    %get3A_2655 = arith.constant 0 : index
    %get3A_2656 = tpu.vector_load %arg13[%get3A_2655] {strides = array<i32>} : memref<16xf32, #tpu.memory_space<vmem>>, vector<16xf32>,
    %sub3A_2657 = arith.subf %gather3A_2647, %gather3A_2654 : vector<16xf32>
    %add3A_2658 = arith.addf %get3A_2656, %sub3A_2657 : vector<16xf32>
    %swap3A_2659 = arith.constant 0 : index
    %swap3A_2660 = tpu.vector_load %arg13[%swap3A_2659] {strides = array<i32>} : memref<16xf32, #tpu.memory_space<vmem>>, vector<16xf32>,
    tpu.vector_store %arg13[%swap3A_2659], %add3A_2658 {strides = array<i32>} : memref<16xf32, #tpu.memory_space<vmem>>, vector<16xf32>,
    %get3A_2661 = arith.constant 656 : index
    %get3A_2662 = tpu.vector_load %arg7[%get3A_2661] {strides = array<i32>} : memref<1600xi32, #tpu.memory_space<vmem>>, vector<16xi32>,
    %gather3A_2663 = tpu.vector_load_idx %arg12[%get3A_2662] : memref<1000xf32, #tpu.memory_space<vmem>>[vector<16xi32>], vector<16xf32>,
    %iota3A_2664 = tpu.iota {dimensions = array<i32: 0>} : vector<16xi32>
    %add3A_2665 = arith.constant 656 : i32
    %add3A_2666 = vector.broadcast %add3A_2665 : i32 to vector<16xi32>
    %add3A_2667 = arith.addi %iota3A_2664, %add3A_2666 : vector<16xi32>
    %get3A_2668 = arith.constant 656 : index
    %get3A_2669 = tpu.vector_load %arg10[%get3A_2668] {strides = array<i32>} : memref<1600xi32, #tpu.memory_space<vmem>>, vector<16xi32>,
    %gather3A_2670 = tpu.vector_load_idx %arg11[%add3A_2667, %get3A_2669] : memref<1600x16xf32, #tpu.memory_space<vmem>>[vector<16xi32>, vector<16xi32>], vector<16xf32>,
    %get3A_2671 = arith.constant 0 : index
    %get3A_2672 = tpu.vector_load %arg13[%get3A_2671] {strides = array<i32>} : memref<16xf32, #tpu.memory_space<vmem>>, vector<16xf32>,
    %sub3A_2673 = arith.subf %gather3A_2663, %gather3A_2670 : vector<16xf32>
    %add3A_2674 = arith.addf %get3A_2672, %sub3A_2673 : vector<16xf32>
    %swap3A_2675 = arith.constant 0 : index
    %swap3A_2676 = tpu.vector_load %arg13[%swap3A_2675] {strides = array<i32>} : memref<16xf32, #tpu.memory_space<vmem>>, vector<16xf32>,
    tpu.vector_store %arg13[%swap3A_2675], %add3A_2674 {strides = array<i32>} : memref<16xf32, #tpu.memory_space<vmem>>, vector<16xf32>,
    %get3A_2677 = arith.constant 672 : index
    %get3A_2678 = tpu.vector_load %arg7[%get3A_2677] {strides = array<i32>} : memref<1600xi32, #tpu.memory_space<vmem>>, vector<16xi32>,
    %gather3A_2679 = tpu.vector_load_idx %arg12[%get3A_2678] : memref<1000xf32, #tpu.memory_space<vmem>>[vector<16xi32>], vector<16xf32>,
    %iota3A_2680 = tpu.iota {dimensions = array<i32: 0>} : vector<16xi32>
    %add3A_2681 = arith.constant 672 : i32
    %add3A_2682 = vector.broadcast %add3A_2681 : i32 to vector<16xi32>
    %add3A_2683 = arith.addi %iota3A_2680, %add3A_2682 : vector<16xi32>
    %get3A_2684 = arith.constant 672 : index
    %get3A_2685 = tpu.vector_load %arg10[%get3A_2684] {strides = array<i32>} : memref<1600xi32, #tpu.memory_space<vmem>>, vector<16xi32>,
    %gather3A_2686 = tpu.vector_load_idx %arg11[%add3A_2683, %get3A_2685] : memref<1600x16xf32, #tpu.memory_space<vmem>>[vector<16xi32>, vector<16xi32>], vector<16xf32>,
    %get3A_2687 = arith.constant 0 : index
    %get3A_2688 = tpu.vector_load %arg13[%get3A_2687] {strides = array<i32>} : memref<16xf32, #tpu.memory_space<vmem>>, vector<16xf32>,
    %sub3A_2689 = arith.subf %gather3A_2679, %gather3A_2686 : vector<16xf32>
    %add3A_2690 = arith.addf %get3A_2688, %sub3A_2689 : vector<16xf32>
    %swap3A_2691 = arith.constant 0 : index
    %swap3A_2692 = tpu.vector_load %arg13[%swap3A_2691] {strides = array<i32>} : memref<16xf32, #tpu.memory_space<vmem>>, vector<16xf32>,
    tpu.vector_store %arg13[%swap3A_2691], %add3A_2690 {strides = array<i32>} : memref<16xf32, #tpu.memory_space<vmem>>, vector<16xf32>,
    %get3A_2693 = arith.constant 688 : index
    %get3A_2694 = tpu.vector_load %arg7[%get3A_2693] {strides = array<i32>} : memref<1600xi32, #tpu.memory_space<vmem>>, vector<16xi32>,
    %gather3A_2695 = tpu.vector_load_idx %arg12[%get3A_2694] : memref<1000xf32, #tpu.memory_space<vmem>>[vector<16xi32>], vector<16xf32>,
    %iota3A_2696 = tpu.iota {dimensions = array<i32: 0>} : vector<16xi32>
    %add3A_2697 = arith.constant 688 : i32
    %add3A_2698 = vector.broadcast %add3A_2697 : i32 to vector<16xi32>
    %add3A_2699 = arith.addi %iota3A_2696, %add3A_2698 : vector<16xi32>
    %get3A_2700 = arith.constant 688 : index
    %get3A_2701 = tpu.vector_load %arg10[%get3A_2700] {strides = array<i32>} : memref<1600xi32, #tpu.memory_space<vmem>>, vector<16xi32>,
    %gather3A_2702 = tpu.vector_load_idx %arg11[%add3A_2699, %get3A_2701] : memref<1600x16xf32, #tpu.memory_space<vmem>>[vector<16xi32>, vector<16xi32>], vector<16xf32>,
    %get3A_2703 = arith.constant 0 : index
    %get3A_2704 = tpu.vector_load %arg13[%get3A_2703] {strides = array<i32>} : memref<16xf32, #tpu.memory_space<vmem>>, vector<16xf32>,
    %sub3A_2705 = arith.subf %gather3A_2695, %gather3A_2702 : vector<16xf32>
    %add3A_2706 = arith.addf %get3A_2704, %sub3A_2705 : vector<16xf32>
    %swap3A_2707 = arith.constant 0 : index
    %swap3A_2708 = tpu.vector_load %arg13[%swap3A_2707] {strides = array<i32>} : memref<16xf32, #tpu.memory_space<vmem>>, vector<16xf32>,
    tpu.vector_store %arg13[%swap3A_2707], %add3A_2706 {strides = array<i32>} : memref<16xf32, #tpu.memory_space<vmem>>, vector<16xf32>,
    %get3A_2709 = arith.constant 704 : index
    %get3A_2710 = tpu.vector_load %arg7[%get3A_2709] {strides = array<i32>} : memref<1600xi32, #tpu.memory_space<vmem>>, vector<16xi32>,
    %gather3A_2711 = tpu.vector_load_idx %arg12[%get3A_2710] : memref<1000xf32, #tpu.memory_space<vmem>>[vector<16xi32>], vector<16xf32>,
    %iota3A_2712 = tpu.iota {dimensions = array<i32: 0>} : vector<16xi32>
    %add3A_2713 = arith.constant 704 : i32
    %add3A_2714 = vector.broadcast %add3A_2713 : i32 to vector<16xi32>
    %add3A_2715 = arith.addi %iota3A_2712, %add3A_2714 : vector<16xi32>
    %get3A_2716 = arith.constant 704 : index
    %get3A_2717 = tpu.vector_load %arg10[%get3A_2716] {strides = array<i32>} : memref<1600xi32, #tpu.memory_space<vmem>>, vector<16xi32>,
    %gather3A_2718 = tpu.vector_load_idx %arg11[%add3A_2715, %get3A_2717] : memref<1600x16xf32, #tpu.memory_space<vmem>>[vector<16xi32>, vector<16xi32>], vector<16xf32>,
    %get3A_2719 = arith.constant 0 : index
    %get3A_2720 = tpu.vector_load %arg13[%get3A_2719] {strides = array<i32>} : memref<16xf32, #tpu.memory_space<vmem>>, vector<16xf32>,
    %sub3A_2721 = arith.subf %gather3A_2711, %gather3A_2718 : vector<16xf32>
    %add3A_2722 = arith.addf %get3A_2720, %sub3A_2721 : vector<16xf32>
    %swap3A_2723 = arith.constant 0 : index
    %swap3A_2724 = tpu.vector_load %arg13[%swap3A_2723] {strides = array<i32>} : memref<16xf32, #tpu.memory_space<vmem>>, vector<16xf32>,
    tpu.vector_store %arg13[%swap3A_2723], %add3A_2722 {strides = array<i32>} : memref<16xf32, #tpu.memory_space<vmem>>, vector<16xf32>,
    %get3A_2725 = arith.constant 720 : index
    %get3A_2726 = tpu.vector_load %arg7[%get3A_2725] {strides = array<i32>} : memref<1600xi32, #tpu.memory_space<vmem>>, vector<16xi32>,
    %gather3A_2727 = tpu.vector_load_idx %arg12[%get3A_2726] : memref<1000xf32, #tpu.memory_space<vmem>>[vector<16xi32>], vector<16xf32>,
    %iota3A_2728 = tpu.iota {dimensions = array<i32: 0>} : vector<16xi32>
    %add3A_2729 = arith.constant 720 : i32
    %add3A_2730 = vector.broadcast %add3A_2729 : i32 to vector<16xi32>
    %add3A_2731 = arith.addi %iota3A_2728, %add3A_2730 : vector<16xi32>
    %get3A_2732 = arith.constant 720 : index
    %get3A_2733 = tpu.vector_load %arg10[%get3A_2732] {strides = array<i32>} : memref<1600xi32, #tpu.memory_space<vmem>>, vector<16xi32>,
    %gather3A_2734 = tpu.vector_load_idx %arg11[%add3A_2731, %get3A_2733] : memref<1600x16xf32, #tpu.memory_space<vmem>>[vector<16xi32>, vector<16xi32>], vector<16xf32>,
    %get3A_2735 = arith.constant 0 : index
    %get3A_2736 = tpu.vector_load %arg13[%get3A_2735] {strides = array<i32>} : memref<16xf32, #tpu.memory_space<vmem>>, vector<16xf32>,
    %sub3A_2737 = arith.subf %gather3A_2727, %gather3A_2734 : vector<16xf32>
    %add3A_2738 = arith.addf %get3A_2736, %sub3A_2737 : vector<16xf32>
    %swap3A_2739 = arith.constant 0 : index
    %swap3A_2740 = tpu.vector_load %arg13[%swap3A_2739] {strides = array<i32>} : memref<16xf32, #tpu.memory_space<vmem>>, vector<16xf32>,
    tpu.vector_store %arg13[%swap3A_2739], %add3A_2738 {strides = array<i32>} : memref<16xf32, #tpu.memory_space<vmem>>, vector<16xf32>,
    %get3A_2741 = arith.constant 736 : index
    %get3A_2742 = tpu.vector_load %arg7[%get3A_2741] {strides = array<i32>} : memref<1600xi32, #tpu.memory_space<vmem>>, vector<16xi32>,
    %gather3A_2743 = tpu.vector_load_idx %arg12[%get3A_2742] : memref<1000xf32, #tpu.memory_space<vmem>>[vector<16xi32>], vector<16xf32>,
    %iota3A_2744 = tpu.iota {dimensions = array<i32: 0>} : vector<16xi32>
    %add3A_2745 = arith.constant 736 : i32
    %add3A_2746 = vector.broadcast %add3A_2745 : i32 to vector<16xi32>
    %add3A_2747 = arith.addi %iota3A_2744, %add3A_2746 : vector<16xi32>
    %get3A_2748 = arith.constant 736 : index
    %get3A_2749 = tpu.vector_load %arg10[%get3A_2748] {strides = array<i32>} : memref<1600xi32, #tpu.memory_space<vmem>>, vector<16xi32>,
    %gather3A_2750 = tpu.vector_load_idx %arg11[%add3A_2747, %get3A_2749] : memref<1600x16xf32, #tpu.memory_space<vmem>>[vector<16xi32>, vector<16xi32>], vector<16xf32>,
    %get3A_2751 = arith.constant 0 : index
    %get3A_2752 = tpu.vector_load %arg13[%get3A_2751] {strides = array<i32>} : memref<16xf32, #tpu.memory_space<vmem>>, vector<16xf32>,
    %sub3A_2753 = arith.subf %gather3A_2743, %gather3A_2750 : vector<16xf32>
    %add3A_2754 = arith.addf %get3A_2752, %sub3A_2753 : vector<16xf32>
    %swap3A_2755 = arith.constant 0 : index
    %swap3A_2756 = tpu.vector_load %arg13[%swap3A_2755] {strides = array<i32>} : memref<16xf32, #tpu.memory_space<vmem>>, vector<16xf32>,
    tpu.vector_store %arg13[%swap3A_2755], %add3A_2754 {strides = array<i32>} : memref<16xf32, #tpu.memory_space<vmem>>, vector<16xf32>,
    %get3A_2757 = arith.constant 752 : index
    %get3A_2758 = tpu.vector_load %arg7[%get3A_2757] {strides = array<i32>} : memref<1600xi32, #tpu.memory_space<vmem>>, vector<16xi32>,
    %gather3A_2759 = tpu.vector_load_idx %arg12[%get3A_2758] : memref<1000xf32, #tpu.memory_space<vmem>>[vector<16xi32>], vector<16xf32>,
    %iota3A_2760 = tpu.iota {dimensions = array<i32: 0>} : vector<16xi32>
    %add3A_2761 = arith.constant 752 : i32
    %add3A_2762 = vector.broadcast %add3A_2761 : i32 to vector<16xi32>
    %add3A_2763 = arith.addi %iota3A_2760, %add3A_2762 : vector<16xi32>
    %get3A_2764 = arith.constant 752 : index
    %get3A_2765 = tpu.vector_load %arg10[%get3A_2764] {strides = array<i32>} : memref<1600xi32, #tpu.memory_space<vmem>>, vector<16xi32>,
    %gather3A_2766 = tpu.vector_load_idx %arg11[%add3A_2763, %get3A_2765] : memref<1600x16xf32, #tpu.memory_space<vmem>>[vector<16xi32>, vector<16xi32>], vector<16xf32>,
    %get3A_2767 = arith.constant 0 : index
    %get3A_2768 = tpu.vector_load %arg13[%get3A_2767] {strides = array<i32>} : memref<16xf32, #tpu.memory_space<vmem>>, vector<16xf32>,
    %sub3A_2769 = arith.subf %gather3A_2759, %gather3A_2766 : vector<16xf32>
    %add3A_2770 = arith.addf %get3A_2768, %sub3A_2769 : vector<16xf32>
    %swap3A_2771 = arith.constant 0 : index
    %swap3A_2772 = tpu.vector_load %arg13[%swap3A_2771] {strides = array<i32>} : memref<16xf32, #tpu.memory_space<vmem>>, vector<16xf32>,
    tpu.vector_store %arg13[%swap3A_2771], %add3A_2770 {strides = array<i32>} : memref<16xf32, #tpu.memory_space<vmem>>, vector<16xf32>,
    %get3A_2773 = arith.constant 768 : index
    %get3A_2774 = tpu.vector_load %arg7[%get3A_2773] {strides = array<i32>} : memref<1600xi32, #tpu.memory_space<vmem>>, vector<16xi32>,
    %gather3A_2775 = tpu.vector_load_idx %arg12[%get3A_2774] : memref<1000xf32, #tpu.memory_space<vmem>>[vector<16xi32>], vector<16xf32>,
    %iota3A_2776 = tpu.iota {dimensions = array<i32: 0>} : vector<16xi32>
    %add3A_2777 = arith.constant 768 : i32
    %add3A_2778 = vector.broadcast %add3A_2777 : i32 to vector<16xi32>
    %add3A_2779 = arith.addi %iota3A_2776, %add3A_2778 : vector<16xi32>
    %get3A_2780 = arith.constant 768 : index
    %get3A_2781 = tpu.vector_load %arg10[%get3A_2780] {strides = array<i32>} : memref<1600xi32, #tpu.memory_space<vmem>>, vector<16xi32>,
    %gather3A_2782 = tpu.vector_load_idx %arg11[%add3A_2779, %get3A_2781] : memref<1600x16xf32, #tpu.memory_space<vmem>>[vector<16xi32>, vector<16xi32>], vector<16xf32>,
    %get3A_2783 = arith.constant 0 : index
    %get3A_2784 = tpu.vector_load %arg13[%get3A_2783] {strides = array<i32>} : memref<16xf32, #tpu.memory_space<vmem>>, vector<16xf32>,
    %sub3A_2785 = arith.subf %gather3A_2775, %gather3A_2782 : vector<16xf32>
    %add3A_2786 = arith.addf %get3A_2784, %sub3A_2785 : vector<16xf32>
    %swap3A_2787 = arith.constant 0 : index
    %swap3A_2788 = tpu.vector_load %arg13[%swap3A_2787] {strides = array<i32>} : memref<16xf32, #tpu.memory_space<vmem>>, vector<16xf32>,
    tpu.vector_store %arg13[%swap3A_2787], %add3A_2786 {strides = array<i32>} : memref<16xf32, #tpu.memory_space<vmem>>, vector<16xf32>,
    %get3A_2789 = arith.constant 784 : index
    %get3A_2790 = tpu.vector_load %arg7[%get3A_2789] {strides = array<i32>} : memref<1600xi32, #tpu.memory_space<vmem>>, vector<16xi32>,
    %gather3A_2791 = tpu.vector_load_idx %arg12[%get3A_2790] : memref<1000xf32, #tpu.memory_space<vmem>>[vector<16xi32>], vector<16xf32>,
    %iota3A_2792 = tpu.iota {dimensions = array<i32: 0>} : vector<16xi32>
    %add3A_2793 = arith.constant 784 : i32
    %add3A_2794 = vector.broadcast %add3A_2793 : i32 to vector<16xi32>
    %add3A_2795 = arith.addi %iota3A_2792, %add3A_2794 : vector<16xi32>
    %get3A_2796 = arith.constant 784 : index
    %get3A_2797 = tpu.vector_load %arg10[%get3A_2796] {strides = array<i32>} : memref<1600xi32, #tpu.memory_space<vmem>>, vector<16xi32>,
    %gather3A_2798 = tpu.vector_load_idx %arg11[%add3A_2795, %get3A_2797] : memref<1600x16xf32, #tpu.memory_space<vmem>>[vector<16xi32>, vector<16xi32>], vector<16xf32>,
    %get3A_2799 = arith.constant 0 : index
    %get3A_2800 = tpu.vector_load %arg13[%get3A_2799] {strides = array<i32>} : memref<16xf32, #tpu.memory_space<vmem>>, vector<16xf32>,
    %sub3A_2801 = arith.subf %gather3A_2791, %gather3A_2798 : vector<16xf32>
    %add3A_2802 = arith.addf %get3A_2800, %sub3A_2801 : vector<16xf32>
    %swap3A_2803 = arith.constant 0 : index
    %swap3A_2804 = tpu.vector_load %arg13[%swap3A_2803] {strides = array<i32>} : memref<16xf32, #tpu.memory_space<vmem>>, vector<16xf32>,
    tpu.vector_store %arg13[%swap3A_2803], %add3A_2802 {strides = array<i32>} : memref<16xf32, #tpu.memory_space<vmem>>, vector<16xf32>,
    %get3A_2805 = arith.constant 800 : index
    %get3A_2806 = tpu.vector_load %arg7[%get3A_2805] {strides = array<i32>} : memref<1600xi32, #tpu.memory_space<vmem>>, vector<16xi32>,
    %gather3A_2807 = tpu.vector_load_idx %arg12[%get3A_2806] : memref<1000xf32, #tpu.memory_space<vmem>>[vector<16xi32>], vector<16xf32>,
    %iota3A_2808 = tpu.iota {dimensions = array<i32: 0>} : vector<16xi32>
    %add3A_2809 = arith.constant 800 : i32
    %add3A_2810 = vector.broadcast %add3A_2809 : i32 to vector<16xi32>
    %add3A_2811 = arith.addi %iota3A_2808, %add3A_2810 : vector<16xi32>
    %get3A_2812 = arith.constant 800 : index
    %get3A_2813 = tpu.vector_load %arg10[%get3A_2812] {strides = array<i32>} : memref<1600xi32, #tpu.memory_space<vmem>>, vector<16xi32>,
    %gather3A_2814 = tpu.vector_load_idx %arg11[%add3A_2811, %get3A_2813] : memref<1600x16xf32, #tpu.memory_space<vmem>>[vector<16xi32>, vector<16xi32>], vector<16xf32>,
    %get3A_2815 = arith.constant 0 : index
    %get3A_2816 = tpu.vector_load %arg13[%get3A_2815] {strides = array<i32>} : memref<16xf32, #tpu.memory_space<vmem>>, vector<16xf32>,
    %sub3A_2817 = arith.subf %gather3A_2807, %gather3A_2814 : vector<16xf32>
    %add3A_2818 = arith.addf %get3A_2816, %sub3A_2817 : vector<16xf32>
    %swap3A_2819 = arith.constant 0 : index
    %swap3A_2820 = tpu.vector_load %arg13[%swap3A_2819] {strides = array<i32>} : memref<16xf32, #tpu.memory_space<vmem>>, vector<16xf32>,
    tpu.vector_store %arg13[%swap3A_2819], %add3A_2818 {strides = array<i32>} : memref<16xf32, #tpu.memory_space<vmem>>, vector<16xf32>,
    %get3A_2821 = arith.constant 816 : index
    %get3A_2822 = tpu.vector_load %arg7[%get3A_2821] {strides = array<i32>} : memref<1600xi32, #tpu.memory_space<vmem>>, vector<16xi32>,
    %gather3A_2823 = tpu.vector_load_idx %arg12[%get3A_2822] : memref<1000xf32, #tpu.memory_space<vmem>>[vector<16xi32>], vector<16xf32>,
    %iota3A_2824 = tpu.iota {dimensions = array<i32: 0>} : vector<16xi32>
    %add3A_2825 = arith.constant 816 : i32
    %add3A_2826 = vector.broadcast %add3A_2825 : i32 to vector<16xi32>
    %add3A_2827 = arith.addi %iota3A_2824, %add3A_2826 : vector<16xi32>
    %get3A_2828 = arith.constant 816 : index
    %get3A_2829 = tpu.vector_load %arg10[%get3A_2828] {strides = array<i32>} : memref<1600xi32, #tpu.memory_space<vmem>>, vector<16xi32>,
    %gather3A_2830 = tpu.vector_load_idx %arg11[%add3A_2827, %get3A_2829] : memref<1600x16xf32, #tpu.memory_space<vmem>>[vector<16xi32>, vector<16xi32>], vector<16xf32>,
    %get3A_2831 = arith.constant 0 : index
    %get3A_2832 = tpu.vector_load %arg13[%get3A_2831] {strides = array<i32>} : memref<16xf32, #tpu.memory_space<vmem>>, vector<16xf32>,
    %sub3A_2833 = arith.subf %gather3A_2823, %gather3A_2830 : vector<16xf32>
    %add3A_2834 = arith.addf %get3A_2832, %sub3A_2833 : vector<16xf32>
    %swap3A_2835 = arith.constant 0 : index
    %swap3A_2836 = tpu.vector_load %arg13[%swap3A_2835] {strides = array<i32>} : memref<16xf32, #tpu.memory_space<vmem>>, vector<16xf32>,
    tpu.vector_store %arg13[%swap3A_2835], %add3A_2834 {strides = array<i32>} : memref<16xf32, #tpu.memory_space<vmem>>, vector<16xf32>,
    %get3A_2837 = arith.constant 832 : index
    %get3A_2838 = tpu.vector_load %arg7[%get3A_2837] {strides = array<i32>} : memref<1600xi32, #tpu.memory_space<vmem>>, vector<16xi32>,
    %gather3A_2839 = tpu.vector_load_idx %arg12[%get3A_2838] : memref<1000xf32, #tpu.memory_space<vmem>>[vector<16xi32>], vector<16xf32>,
    %iota3A_2840 = tpu.iota {dimensions = array<i32: 0>} : vector<16xi32>
    %add3A_2841 = arith.constant 832 : i32
    %add3A_2842 = vector.broadcast %add3A_2841 : i32 to vector<16xi32>
    %add3A_2843 = arith.addi %iota3A_2840, %add3A_2842 : vector<16xi32>
    %get3A_2844 = arith.constant 832 : index
    %get3A_2845 = tpu.vector_load %arg10[%get3A_2844] {strides = array<i32>} : memref<1600xi32, #tpu.memory_space<vmem>>, vector<16xi32>,
    %gather3A_2846 = tpu.vector_load_idx %arg11[%add3A_2843, %get3A_2845] : memref<1600x16xf32, #tpu.memory_space<vmem>>[vector<16xi32>, vector<16xi32>], vector<16xf32>,
    %get3A_2847 = arith.constant 0 : index
    %get3A_2848 = tpu.vector_load %arg13[%get3A_2847] {strides = array<i32>} : memref<16xf32, #tpu.memory_space<vmem>>, vector<16xf32>,
    %sub3A_2849 = arith.subf %gather3A_2839, %gather3A_2846 : vector<16xf32>
    %add3A_2850 = arith.addf %get3A_2848, %sub3A_2849 : vector<16xf32>
    %swap3A_2851 = arith.constant 0 : index
    %swap3A_2852 = tpu.vector_load %arg13[%swap3A_2851] {strides = array<i32>} : memref<16xf32, #tpu.memory_space<vmem>>, vector<16xf32>,
    tpu.vector_store %arg13[%swap3A_2851], %add3A_2850 {strides = array<i32>} : memref<16xf32, #tpu.memory_space<vmem>>, vector<16xf32>,
    %get3A_2853 = arith.constant 848 : index
    %get3A_2854 = tpu.vector_load %arg7[%get3A_2853] {strides = array<i32>} : memref<1600xi32, #tpu.memory_space<vmem>>, vector<16xi32>,
    %gather3A_2855 = tpu.vector_load_idx %arg12[%get3A_2854] : memref<1000xf32, #tpu.memory_space<vmem>>[vector<16xi32>], vector<16xf32>,
    %iota3A_2856 = tpu.iota {dimensions = array<i32: 0>} : vector<16xi32>
    %add3A_2857 = arith.constant 848 : i32
    %add3A_2858 = vector.broadcast %add3A_2857 : i32 to vector<16xi32>
    %add3A_2859 = arith.addi %iota3A_2856, %add3A_2858 : vector<16xi32>
    %get3A_2860 = arith.constant 848 : index
    %get3A_2861 = tpu.vector_load %arg10[%get3A_2860] {strides = array<i32>} : memref<1600xi32, #tpu.memory_space<vmem>>, vector<16xi32>,
    %gather3A_2862 = tpu.vector_load_idx %arg11[%add3A_2859, %get3A_2861] : memref<1600x16xf32, #tpu.memory_space<vmem>>[vector<16xi32>, vector<16xi32>], vector<16xf32>,
    %get3A_2863 = arith.constant 0 : index
    %get3A_2864 = tpu.vector_load %arg13[%get3A_2863] {strides = array<i32>} : memref<16xf32, #tpu.memory_space<vmem>>, vector<16xf32>,
    %sub3A_2865 = arith.subf %gather3A_2855, %gather3A_2862 : vector<16xf32>
    %add3A_2866 = arith.addf %get3A_2864, %sub3A_2865 : vector<16xf32>
    %swap3A_2867 = arith.constant 0 : index
    %swap3A_2868 = tpu.vector_load %arg13[%swap3A_2867] {strides = array<i32>} : memref<16xf32, #tpu.memory_space<vmem>>, vector<16xf32>,
    tpu.vector_store %arg13[%swap3A_2867], %add3A_2866 {strides = array<i32>} : memref<16xf32, #tpu.memory_space<vmem>>, vector<16xf32>,
    %get3A_2869 = arith.constant 864 : index
    %get3A_2870 = tpu.vector_load %arg7[%get3A_2869] {strides = array<i32>} : memref<1600xi32, #tpu.memory_space<vmem>>, vector<16xi32>,
    %gather3A_2871 = tpu.vector_load_idx %arg12[%get3A_2870] : memref<1000xf32, #tpu.memory_space<vmem>>[vector<16xi32>], vector<16xf32>,
    %iota3A_2872 = tpu.iota {dimensions = array<i32: 0>} : vector<16xi32>
    %add3A_2873 = arith.constant 864 : i32
    %add3A_2874 = vector.broadcast %add3A_2873 : i32 to vector<16xi32>
    %add3A_2875 = arith.addi %iota3A_2872, %add3A_2874 : vector<16xi32>
    %get3A_2876 = arith.constant 864 : index
    %get3A_2877 = tpu.vector_load %arg10[%get3A_2876] {strides = array<i32>} : memref<1600xi32, #tpu.memory_space<vmem>>, vector<16xi32>,
    %gather3A_2878 = tpu.vector_load_idx %arg11[%add3A_2875, %get3A_2877] : memref<1600x16xf32, #tpu.memory_space<vmem>>[vector<16xi32>, vector<16xi32>], vector<16xf32>,
    %get3A_2879 = arith.constant 0 : index
    %get3A_2880 = tpu.vector_load %arg13[%get3A_2879] {strides = array<i32>} : memref<16xf32, #tpu.memory_space<vmem>>, vector<16xf32>,
    %sub3A_2881 = arith.subf %gather3A_2871, %gather3A_2878 : vector<16xf32>
    %add3A_2882 = arith.addf %get3A_2880, %sub3A_2881 : vector<16xf32>
    %swap3A_2883 = arith.constant 0 : index
    %swap3A_2884 = tpu.vector_load %arg13[%swap3A_2883] {strides = array<i32>} : memref<16xf32, #tpu.memory_space<vmem>>, vector<16xf32>,
    tpu.vector_store %arg13[%swap3A_2883], %add3A_2882 {strides = array<i32>} : memref<16xf32, #tpu.memory_space<vmem>>, vector<16xf32>,
    %get3A_2885 = arith.constant 880 : index
    %get3A_2886 = tpu.vector_load %arg7[%get3A_2885] {strides = array<i32>} : memref<1600xi32, #tpu.memory_space<vmem>>, vector<16xi32>,
    %gather3A_2887 = tpu.vector_load_idx %arg12[%get3A_2886] : memref<1000xf32, #tpu.memory_space<vmem>>[vector<16xi32>], vector<16xf32>,
    %iota3A_2888 = tpu.iota {dimensions = array<i32: 0>} : vector<16xi32>
    %add3A_2889 = arith.constant 880 : i32
    %add3A_2890 = vector.broadcast %add3A_2889 : i32 to vector<16xi32>
    %add3A_2891 = arith.addi %iota3A_2888, %add3A_2890 : vector<16xi32>
    %get3A_2892 = arith.constant 880 : index
    %get3A_2893 = tpu.vector_load %arg10[%get3A_2892] {strides = array<i32>} : memref<1600xi32, #tpu.memory_space<vmem>>, vector<16xi32>,
    %gather3A_2894 = tpu.vector_load_idx %arg11[%add3A_2891, %get3A_2893] : memref<1600x16xf32, #tpu.memory_space<vmem>>[vector<16xi32>, vector<16xi32>], vector<16xf32>,
    %get3A_2895 = arith.constant 0 : index
    %get3A_2896 = tpu.vector_load %arg13[%get3A_2895] {strides = array<i32>} : memref<16xf32, #tpu.memory_space<vmem>>, vector<16xf32>,
    %sub3A_2897 = arith.subf %gather3A_2887, %gather3A_2894 : vector<16xf32>
    %add3A_2898 = arith.addf %get3A_2896, %sub3A_2897 : vector<16xf32>
    %swap3A_2899 = arith.constant 0 : index
    %swap3A_2900 = tpu.vector_load %arg13[%swap3A_2899] {strides = array<i32>} : memref<16xf32, #tpu.memory_space<vmem>>, vector<16xf32>,
    tpu.vector_store %arg13[%swap3A_2899], %add3A_2898 {strides = array<i32>} : memref<16xf32, #tpu.memory_space<vmem>>, vector<16xf32>,
    %get3A_2901 = arith.constant 896 : index
    %get3A_2902 = tpu.vector_load %arg7[%get3A_2901] {strides = array<i32>} : memref<1600xi32, #tpu.memory_space<vmem>>, vector<16xi32>,
    %gather3A_2903 = tpu.vector_load_idx %arg12[%get3A_2902] : memref<1000xf32, #tpu.memory_space<vmem>>[vector<16xi32>], vector<16xf32>,
    %iota3A_2904 = tpu.iota {dimensions = array<i32: 0>} : vector<16xi32>
    %add3A_2905 = arith.constant 896 : i32
    %add3A_2906 = vector.broadcast %add3A_2905 : i32 to vector<16xi32>
    %add3A_2907 = arith.addi %iota3A_2904, %add3A_2906 : vector<16xi32>
    %get3A_2908 = arith.constant 896 : index
    %get3A_2909 = tpu.vector_load %arg10[%get3A_2908] {strides = array<i32>} : memref<1600xi32, #tpu.memory_space<vmem>>, vector<16xi32>,
    %gather3A_2910 = tpu.vector_load_idx %arg11[%add3A_2907, %get3A_2909] : memref<1600x16xf32, #tpu.memory_space<vmem>>[vector<16xi32>, vector<16xi32>], vector<16xf32>,
    %get3A_2911 = arith.constant 0 : index
    %get3A_2912 = tpu.vector_load %arg13[%get3A_2911] {strides = array<i32>} : memref<16xf32, #tpu.memory_space<vmem>>, vector<16xf32>,
    %sub3A_2913 = arith.subf %gather3A_2903, %gather3A_2910 : vector<16xf32>
    %add3A_2914 = arith.addf %get3A_2912, %sub3A_2913 : vector<16xf32>
    %swap3A_2915 = arith.constant 0 : index
    %swap3A_2916 = tpu.vector_load %arg13[%swap3A_2915] {strides = array<i32>} : memref<16xf32, #tpu.memory_space<vmem>>, vector<16xf32>,
    tpu.vector_store %arg13[%swap3A_2915], %add3A_2914 {strides = array<i32>} : memref<16xf32, #tpu.memory_space<vmem>>, vector<16xf32>,
    %get3A_2917 = arith.constant 912 : index
    %get3A_2918 = tpu.vector_load %arg7[%get3A_2917] {strides = array<i32>} : memref<1600xi32, #tpu.memory_space<vmem>>, vector<16xi32>,
    %gather3A_2919 = tpu.vector_load_idx %arg12[%get3A_2918] : memref<1000xf32, #tpu.memory_space<vmem>>[vector<16xi32>], vector<16xf32>,
    %iota3A_2920 = tpu.iota {dimensions = array<i32: 0>} : vector<16xi32>
    %add3A_2921 = arith.constant 912 : i32
    %add3A_2922 = vector.broadcast %add3A_2921 : i32 to vector<16xi32>
    %add3A_2923 = arith.addi %iota3A_2920, %add3A_2922 : vector<16xi32>
    %get3A_2924 = arith.constant 912 : index
    %get3A_2925 = tpu.vector_load %arg10[%get3A_2924] {strides = array<i32>} : memref<1600xi32, #tpu.memory_space<vmem>>, vector<16xi32>,
    %gather3A_2926 = tpu.vector_load_idx %arg11[%add3A_2923, %get3A_2925] : memref<1600x16xf32, #tpu.memory_space<vmem>>[vector<16xi32>, vector<16xi32>], vector<16xf32>,
    %get3A_2927 = arith.constant 0 : index
    %get3A_2928 = tpu.vector_load %arg13[%get3A_2927] {strides = array<i32>} : memref<16xf32, #tpu.memory_space<vmem>>, vector<16xf32>,
    %sub3A_2929 = arith.subf %gather3A_2919, %gather3A_2926 : vector<16xf32>
    %add3A_2930 = arith.addf %get3A_2928, %sub3A_2929 : vector<16xf32>
    %swap3A_2931 = arith.constant 0 : index
    %swap3A_2932 = tpu.vector_load %arg13[%swap3A_2931] {strides = array<i32>} : memref<16xf32, #tpu.memory_space<vmem>>, vector<16xf32>,
    tpu.vector_store %arg13[%swap3A_2931], %add3A_2930 {strides = array<i32>} : memref<16xf32, #tpu.memory_space<vmem>>, vector<16xf32>,
    %get3A_2933 = arith.constant 928 : index
    %get3A_2934 = tpu.vector_load %arg7[%get3A_2933] {strides = array<i32>} : memref<1600xi32, #tpu.memory_space<vmem>>, vector<16xi32>,
    %gather3A_2935 = tpu.vector_load_idx %arg12[%get3A_2934] : memref<1000xf32, #tpu.memory_space<vmem>>[vector<16xi32>], vector<16xf32>,
    %iota3A_2936 = tpu.iota {dimensions = array<i32: 0>} : vector<16xi32>
    %add3A_2937 = arith.constant 928 : i32
    %add3A_2938 = vector.broadcast %add3A_2937 : i32 to vector<16xi32>
    %add3A_2939 = arith.addi %iota3A_2936, %add3A_2938 : vector<16xi32>
    %get3A_2940 = arith.constant 928 : index
    %get3A_2941 = tpu.vector_load %arg10[%get3A_2940] {strides = array<i32>} : memref<1600xi32, #tpu.memory_space<vmem>>, vector<16xi32>,
    %gather3A_2942 = tpu.vector_load_idx %arg11[%add3A_2939, %get3A_2941] : memref<1600x16xf32, #tpu.memory_space<vmem>>[vector<16xi32>, vector<16xi32>], vector<16xf32>,
    %get3A_2943 = arith.constant 0 : index
    %get3A_2944 = tpu.vector_load %arg13[%get3A_2943] {strides = array<i32>} : memref<16xf32, #tpu.memory_space<vmem>>, vector<16xf32>,
    %sub3A_2945 = arith.subf %gather3A_2935, %gather3A_2942 : vector<16xf32>
    %add3A_2946 = arith.addf %get3A_2944, %sub3A_2945 : vector<16xf32>
    %swap3A_2947 = arith.constant 0 : index
    %swap3A_2948 = tpu.vector_load %arg13[%swap3A_2947] {strides = array<i32>} : memref<16xf32, #tpu.memory_space<vmem>>, vector<16xf32>,
    tpu.vector_store %arg13[%swap3A_2947], %add3A_2946 {strides = array<i32>} : memref<16xf32, #tpu.memory_space<vmem>>, vector<16xf32>,
    %get3A_2949 = arith.constant 944 : index
    %get3A_2950 = tpu.vector_load %arg7[%get3A_2949] {strides = array<i32>} : memref<1600xi32, #tpu.memory_space<vmem>>, vector<16xi32>,
    %gather3A_2951 = tpu.vector_load_idx %arg12[%get3A_2950] : memref<1000xf32, #tpu.memory_space<vmem>>[vector<16xi32>], vector<16xf32>,
    %iota3A_2952 = tpu.iota {dimensions = array<i32: 0>} : vector<16xi32>
    %add3A_2953 = arith.constant 944 : i32
    %add3A_2954 = vector.broadcast %add3A_2953 : i32 to vector<16xi32>
    %add3A_2955 = arith.addi %iota3A_2952, %add3A_2954 : vector<16xi32>
    %get3A_2956 = arith.constant 944 : index
    %get3A_2957 = tpu.vector_load %arg10[%get3A_2956] {strides = array<i32>} : memref<1600xi32, #tpu.memory_space<vmem>>, vector<16xi32>,
    %gather3A_2958 = tpu.vector_load_idx %arg11[%add3A_2955, %get3A_2957] : memref<1600x16xf32, #tpu.memory_space<vmem>>[vector<16xi32>, vector<16xi32>], vector<16xf32>,
    %get3A_2959 = arith.constant 0 : index
    %get3A_2960 = tpu.vector_load %arg13[%get3A_2959] {strides = array<i32>} : memref<16xf32, #tpu.memory_space<vmem>>, vector<16xf32>,
    %sub3A_2961 = arith.subf %gather3A_2951, %gather3A_2958 : vector<16xf32>
    %add3A_2962 = arith.addf %get3A_2960, %sub3A_2961 : vector<16xf32>
    %swap3A_2963 = arith.constant 0 : index
    %swap3A_2964 = tpu.vector_load %arg13[%swap3A_2963] {strides = array<i32>} : memref<16xf32, #tpu.memory_space<vmem>>, vector<16xf32>,
    tpu.vector_store %arg13[%swap3A_2963], %add3A_2962 {strides = array<i32>} : memref<16xf32, #tpu.memory_space<vmem>>, vector<16xf32>,
    %get3A_2965 = arith.constant 960 : index
    %get3A_2966 = tpu.vector_load %arg7[%get3A_2965] {strides = array<i32>} : memref<1600xi32, #tpu.memory_space<vmem>>, vector<16xi32>,
    %gather3A_2967 = tpu.vector_load_idx %arg12[%get3A_2966] : memref<1000xf32, #tpu.memory_space<vmem>>[vector<16xi32>], vector<16xf32>,
    %iota3A_2968 = tpu.iota {dimensions = array<i32: 0>} : vector<16xi32>
    %add3A_2969 = arith.constant 960 : i32
    %add3A_2970 = vector.broadcast %add3A_2969 : i32 to vector<16xi32>
    %add3A_2971 = arith.addi %iota3A_2968, %add3A_2970 : vector<16xi32>
    %get3A_2972 = arith.constant 960 : index
    %get3A_2973 = tpu.vector_load %arg10[%get3A_2972] {strides = array<i32>} : memref<1600xi32, #tpu.memory_space<vmem>>, vector<16xi32>,
    %gather3A_2974 = tpu.vector_load_idx %arg11[%add3A_2971, %get3A_2973] : memref<1600x16xf32, #tpu.memory_space<vmem>>[vector<16xi32>, vector<16xi32>], vector<16xf32>,
    %get3A_2975 = arith.constant 0 : index
    %get3A_2976 = tpu.vector_load %arg13[%get3A_2975] {strides = array<i32>} : memref<16xf32, #tpu.memory_space<vmem>>, vector<16xf32>,
    %sub3A_2977 = arith.subf %gather3A_2967, %gather3A_2974 : vector<16xf32>
    %add3A_2978 = arith.addf %get3A_2976, %sub3A_2977 : vector<16xf32>
    %swap3A_2979 = arith.constant 0 : index
    %swap3A_2980 = tpu.vector_load %arg13[%swap3A_2979] {strides = array<i32>} : memref<16xf32, #tpu.memory_space<vmem>>, vector<16xf32>,
    tpu.vector_store %arg13[%swap3A_2979], %add3A_2978 {strides = array<i32>} : memref<16xf32, #tpu.memory_space<vmem>>, vector<16xf32>,
    %get3A_2981 = arith.constant 976 : index
    %get3A_2982 = tpu.vector_load %arg7[%get3A_2981] {strides = array<i32>} : memref<1600xi32, #tpu.memory_space<vmem>>, vector<16xi32>,
    %gather3A_2983 = tpu.vector_load_idx %arg12[%get3A_2982] : memref<1000xf32, #tpu.memory_space<vmem>>[vector<16xi32>], vector<16xf32>,
    %iota3A_2984 = tpu.iota {dimensions = array<i32: 0>} : vector<16xi32>
    %add3A_2985 = arith.constant 976 : i32
    %add3A_2986 = vector.broadcast %add3A_2985 : i32 to vector<16xi32>
    %add3A_2987 = arith.addi %iota3A_2984, %add3A_2986 : vector<16xi32>
    %get3A_2988 = arith.constant 976 : index
    %get3A_2989 = tpu.vector_load %arg10[%get3A_2988] {strides = array<i32>} : memref<1600xi32, #tpu.memory_space<vmem>>, vector<16xi32>,
    %gather3A_2990 = tpu.vector_load_idx %arg11[%add3A_2987, %get3A_2989] : memref<1600x16xf32, #tpu.memory_space<vmem>>[vector<16xi32>, vector<16xi32>], vector<16xf32>,
    %get3A_2991 = arith.constant 0 : index
    %get3A_2992 = tpu.vector_load %arg13[%get3A_2991] {strides = array<i32>} : memref<16xf32, #tpu.memory_space<vmem>>, vector<16xf32>,
    %sub3A_2993 = arith.subf %gather3A_2983, %gather3A_2990 : vector<16xf32>
    %add3A_2994 = arith.addf %get3A_2992, %sub3A_2993 : vector<16xf32>
    %swap3A_2995 = arith.constant 0 : index
    %swap3A_2996 = tpu.vector_load %arg13[%swap3A_2995] {strides = array<i32>} : memref<16xf32, #tpu.memory_space<vmem>>, vector<16xf32>,
    tpu.vector_store %arg13[%swap3A_2995], %add3A_2994 {strides = array<i32>} : memref<16xf32, #tpu.memory_space<vmem>>, vector<16xf32>,
    %get3A_2997 = arith.constant 992 : index
    %get3A_2998 = tpu.vector_load %arg7[%get3A_2997] {strides = array<i32>} : memref<1600xi32, #tpu.memory_space<vmem>>, vector<16xi32>,
    %gather3A_2999 = tpu.vector_load_idx %arg12[%get3A_2998] : memref<1000xf32, #tpu.memory_space<vmem>>[vector<16xi32>], vector<16xf32>,
    %iota3A_3000 = tpu.iota {dimensions = array<i32: 0>} : vector<16xi32>
    %add3A_3001 = arith.constant 992 : i32
    %add3A_3002 = vector.broadcast %add3A_3001 : i32 to vector<16xi32>
    %add3A_3003 = arith.addi %iota3A_3000, %add3A_3002 : vector<16xi32>
    %get3A_3004 = arith.constant 992 : index
    %get3A_3005 = tpu.vector_load %arg10[%get3A_3004] {strides = array<i32>} : memref<1600xi32, #tpu.memory_space<vmem>>, vector<16xi32>,
    %gather3A_3006 = tpu.vector_load_idx %arg11[%add3A_3003, %get3A_3005] : memref<1600x16xf32, #tpu.memory_space<vmem>>[vector<16xi32>, vector<16xi32>], vector<16xf32>,
    %get3A_3007 = arith.constant 0 : index
    %get3A_3008 = tpu.vector_load %arg13[%get3A_3007] {strides = array<i32>} : memref<16xf32, #tpu.memory_space<vmem>>, vector<16xf32>,
    %sub3A_3009 = arith.subf %gather3A_2999, %gather3A_3006 : vector<16xf32>
    %add3A_3010 = arith.addf %get3A_3008, %sub3A_3009 : vector<16xf32>
    %swap3A_3011 = arith.constant 0 : index
    %swap3A_3012 = tpu.vector_load %arg13[%swap3A_3011] {strides = array<i32>} : memref<16xf32, #tpu.memory_space<vmem>>, vector<16xf32>,
    tpu.vector_store %arg13[%swap3A_3011], %add3A_3010 {strides = array<i32>} : memref<16xf32, #tpu.memory_space<vmem>>, vector<16xf32>,
    %get3A_3013 = arith.constant 1008 : index
    %get3A_3014 = tpu.vector_load %arg7[%get3A_3013] {strides = array<i32>} : memref<1600xi32, #tpu.memory_space<vmem>>, vector<16xi32>,
    %gather3A_3015 = tpu.vector_load_idx %arg12[%get3A_3014] : memref<1000xf32, #tpu.memory_space<vmem>>[vector<16xi32>], vector<16xf32>,
    %iota3A_3016 = tpu.iota {dimensions = array<i32: 0>} : vector<16xi32>
    %add3A_3017 = arith.constant 1008 : i32
    %add3A_3018 = vector.broadcast %add3A_3017 : i32 to vector<16xi32>
    %add3A_3019 = arith.addi %iota3A_3016, %add3A_3018 : vector<16xi32>
    %get3A_3020 = arith.constant 1008 : index
    %get3A_3021 = tpu.vector_load %arg10[%get3A_3020] {strides = array<i32>} : memref<1600xi32, #tpu.memory_space<vmem>>, vector<16xi32>,
    %gather3A_3022 = tpu.vector_load_idx %arg11[%add3A_3019, %get3A_3021] : memref<1600x16xf32, #tpu.memory_space<vmem>>[vector<16xi32>, vector<16xi32>], vector<16xf32>,
    %get3A_3023 = arith.constant 0 : index
    %get3A_3024 = tpu.vector_load %arg13[%get3A_3023] {strides = array<i32>} : memref<16xf32, #tpu.memory_space<vmem>>, vector<16xf32>,
    %sub3A_3025 = arith.subf %gather3A_3015, %gather3A_3022 : vector<16xf32>
    %add3A_3026 = arith.addf %get3A_3024, %sub3A_3025 : vector<16xf32>
    %swap3A_3027 = arith.constant 0 : index
    %swap3A_3028 = tpu.vector_load %arg13[%swap3A_3027] {strides = array<i32>} : memref<16xf32, #tpu.memory_space<vmem>>, vector<16xf32>,
    tpu.vector_store %arg13[%swap3A_3027], %add3A_3026 {strides = array<i32>} : memref<16xf32, #tpu.memory_space<vmem>>, vector<16xf32>,
    %get3A_3029 = arith.constant 1024 : index
    %get3A_3030 = tpu.vector_load %arg7[%get3A_3029] {strides = array<i32>} : memref<1600xi32, #tpu.memory_space<vmem>>, vector<16xi32>,
    %gather3A_3031 = tpu.vector_load_idx %arg12[%get3A_3030] : memref<1000xf32, #tpu.memory_space<vmem>>[vector<16xi32>], vector<16xf32>,
    %iota3A_3032 = tpu.iota {dimensions = array<i32: 0>} : vector<16xi32>
    %add3A_3033 = arith.constant 1024 : i32
    %add3A_3034 = vector.broadcast %add3A_3033 : i32 to vector<16xi32>
    %add3A_3035 = arith.addi %iota3A_3032, %add3A_3034 : vector<16xi32>
    %get3A_3036 = arith.constant 1024 : index
    %get3A_3037 = tpu.vector_load %arg10[%get3A_3036] {strides = array<i32>} : memref<1600xi32, #tpu.memory_space<vmem>>, vector<16xi32>,
    %gather3A_3038 = tpu.vector_load_idx %arg11[%add3A_3035, %get3A_3037] : memref<1600x16xf32, #tpu.memory_space<vmem>>[vector<16xi32>, vector<16xi32>], vector<16xf32>,
    %get3A_3039 = arith.constant 0 : index
    %get3A_3040 = tpu.vector_load %arg13[%get3A_3039] {strides = array<i32>} : memref<16xf32, #tpu.memory_space<vmem>>, vector<16xf32>,
    %sub3A_3041 = arith.subf %gather3A_3031, %gather3A_3038 : vector<16xf32>
    %add3A_3042 = arith.addf %get3A_3040, %sub3A_3041 : vector<16xf32>
    %swap3A_3043 = arith.constant 0 : index
    %swap3A_3044 = tpu.vector_load %arg13[%swap3A_3043] {strides = array<i32>} : memref<16xf32, #tpu.memory_space<vmem>>, vector<16xf32>,
    tpu.vector_store %arg13[%swap3A_3043], %add3A_3042 {strides = array<i32>} : memref<16xf32, #tpu.memory_space<vmem>>, vector<16xf32>,
    %get3A_3045 = arith.constant 1040 : index
    %get3A_3046 = tpu.vector_load %arg7[%get3A_3045] {strides = array<i32>} : memref<1600xi32, #tpu.memory_space<vmem>>, vector<16xi32>,
    %gather3A_3047 = tpu.vector_load_idx %arg12[%get3A_3046] : memref<1000xf32, #tpu.memory_space<vmem>>[vector<16xi32>], vector<16xf32>,
    %iota3A_3048 = tpu.iota {dimensions = array<i32: 0>} : vector<16xi32>
    %add3A_3049 = arith.constant 1040 : i32
    %add3A_3050 = vector.broadcast %add3A_3049 : i32 to vector<16xi32>
    %add3A_3051 = arith.addi %iota3A_3048, %add3A_3050 : vector<16xi32>
    %get3A_3052 = arith.constant 1040 : index
    %get3A_3053 = tpu.vector_load %arg10[%get3A_3052] {strides = array<i32>} : memref<1600xi32, #tpu.memory_space<vmem>>, vector<16xi32>,
    %gather3A_3054 = tpu.vector_load_idx %arg11[%add3A_3051, %get3A_3053] : memref<1600x16xf32, #tpu.memory_space<vmem>>[vector<16xi32>, vector<16xi32>], vector<16xf32>,
    %get3A_3055 = arith.constant 0 : index
    %get3A_3056 = tpu.vector_load %arg13[%get3A_3055] {strides = array<i32>} : memref<16xf32, #tpu.memory_space<vmem>>, vector<16xf32>,
    %sub3A_3057 = arith.subf %gather3A_3047, %gather3A_3054 : vector<16xf32>
    %add3A_3058 = arith.addf %get3A_3056, %sub3A_3057 : vector<16xf32>
    %swap3A_3059 = arith.constant 0 : index
    %swap3A_3060 = tpu.vector_load %arg13[%swap3A_3059] {strides = array<i32>} : memref<16xf32, #tpu.memory_space<vmem>>, vector<16xf32>,
    tpu.vector_store %arg13[%swap3A_3059], %add3A_3058 {strides = array<i32>} : memref<16xf32, #tpu.memory_space<vmem>>, vector<16xf32>,
    %get3A_3061 = arith.constant 1056 : index
    %get3A_3062 = tpu.vector_load %arg7[%get3A_3061] {strides = array<i32>} : memref<1600xi32, #tpu.memory_space<vmem>>, vector<16xi32>,
    %gather3A_3063 = tpu.vector_load_idx %arg12[%get3A_3062] : memref<1000xf32, #tpu.memory_space<vmem>>[vector<16xi32>], vector<16xf32>,
    %iota3A_3064 = tpu.iota {dimensions = array<i32: 0>} : vector<16xi32>
    %add3A_3065 = arith.constant 1056 : i32
    %add3A_3066 = vector.broadcast %add3A_3065 : i32 to vector<16xi32>
    %add3A_3067 = arith.addi %iota3A_3064, %add3A_3066 : vector<16xi32>
    %get3A_3068 = arith.constant 1056 : index
    %get3A_3069 = tpu.vector_load %arg10[%get3A_3068] {strides = array<i32>} : memref<1600xi32, #tpu.memory_space<vmem>>, vector<16xi32>,
    %gather3A_3070 = tpu.vector_load_idx %arg11[%add3A_3067, %get3A_3069] : memref<1600x16xf32, #tpu.memory_space<vmem>>[vector<16xi32>, vector<16xi32>], vector<16xf32>,
    %get3A_3071 = arith.constant 0 : index
    %get3A_3072 = tpu.vector_load %arg13[%get3A_3071] {strides = array<i32>} : memref<16xf32, #tpu.memory_space<vmem>>, vector<16xf32>,
    %sub3A_3073 = arith.subf %gather3A_3063, %gather3A_3070 : vector<16xf32>
    %add3A_3074 = arith.addf %get3A_3072, %sub3A_3073 : vector<16xf32>
    %swap3A_3075 = arith.constant 0 : index
    %swap3A_3076 = tpu.vector_load %arg13[%swap3A_3075] {strides = array<i32>} : memref<16xf32, #tpu.memory_space<vmem>>, vector<16xf32>,
    tpu.vector_store %arg13[%swap3A_3075], %add3A_3074 {strides = array<i32>} : memref<16xf32, #tpu.memory_space<vmem>>, vector<16xf32>,
    %get3A_3077 = arith.constant 1072 : index
    %get3A_3078 = tpu.vector_load %arg7[%get3A_3077] {strides = array<i32>} : memref<1600xi32, #tpu.memory_space<vmem>>, vector<16xi32>,
    %gather3A_3079 = tpu.vector_load_idx %arg12[%get3A_3078] : memref<1000xf32, #tpu.memory_space<vmem>>[vector<16xi32>], vector<16xf32>,
    %iota3A_3080 = tpu.iota {dimensions = array<i32: 0>} : vector<16xi32>
    %add3A_3081 = arith.constant 1072 : i32
    %add3A_3082 = vector.broadcast %add3A_3081 : i32 to vector<16xi32>
    %add3A_3083 = arith.addi %iota3A_3080, %add3A_3082 : vector<16xi32>
    %get3A_3084 = arith.constant 1072 : index
    %get3A_3085 = tpu.vector_load %arg10[%get3A_3084] {strides = array<i32>} : memref<1600xi32, #tpu.memory_space<vmem>>, vector<16xi32>,
    %gather3A_3086 = tpu.vector_load_idx %arg11[%add3A_3083, %get3A_3085] : memref<1600x16xf32, #tpu.memory_space<vmem>>[vector<16xi32>, vector<16xi32>], vector<16xf32>,
    %get3A_3087 = arith.constant 0 : index
    %get3A_3088 = tpu.vector_load %arg13[%get3A_3087] {strides = array<i32>} : memref<16xf32, #tpu.memory_space<vmem>>, vector<16xf32>,
    %sub3A_3089 = arith.subf %gather3A_3079, %gather3A_3086 : vector<16xf32>
    %add3A_3090 = arith.addf %get3A_3088, %sub3A_3089 : vector<16xf32>
    %swap3A_3091 = arith.constant 0 : index
    %swap3A_3092 = tpu.vector_load %arg13[%swap3A_3091] {strides = array<i32>} : memref<16xf32, #tpu.memory_space<vmem>>, vector<16xf32>,
    tpu.vector_store %arg13[%swap3A_3091], %add3A_3090 {strides = array<i32>} : memref<16xf32, #tpu.memory_space<vmem>>, vector<16xf32>,
    %get3A_3093 = arith.constant 1088 : index
    %get3A_3094 = tpu.vector_load %arg7[%get3A_3093] {strides = array<i32>} : memref<1600xi32, #tpu.memory_space<vmem>>, vector<16xi32>,
    %gather3A_3095 = tpu.vector_load_idx %arg12[%get3A_3094] : memref<1000xf32, #tpu.memory_space<vmem>>[vector<16xi32>], vector<16xf32>,
    %iota3A_3096 = tpu.iota {dimensions = array<i32: 0>} : vector<16xi32>
    %add3A_3097 = arith.constant 1088 : i32
    %add3A_3098 = vector.broadcast %add3A_3097 : i32 to vector<16xi32>
    %add3A_3099 = arith.addi %iota3A_3096, %add3A_3098 : vector<16xi32>
    %get3A_3100 = arith.constant 1088 : index
    %get3A_3101 = tpu.vector_load %arg10[%get3A_3100] {strides = array<i32>} : memref<1600xi32, #tpu.memory_space<vmem>>, vector<16xi32>,
    %gather3A_3102 = tpu.vector_load_idx %arg11[%add3A_3099, %get3A_3101] : memref<1600x16xf32, #tpu.memory_space<vmem>>[vector<16xi32>, vector<16xi32>], vector<16xf32>,
    %get3A_3103 = arith.constant 0 : index
    %get3A_3104 = tpu.vector_load %arg13[%get3A_3103] {strides = array<i32>} : memref<16xf32, #tpu.memory_space<vmem>>, vector<16xf32>,
    %sub3A_3105 = arith.subf %gather3A_3095, %gather3A_3102 : vector<16xf32>
    %add3A_3106 = arith.addf %get3A_3104, %sub3A_3105 : vector<16xf32>
    %swap3A_3107 = arith.constant 0 : index
    %swap3A_3108 = tpu.vector_load %arg13[%swap3A_3107] {strides = array<i32>} : memref<16xf32, #tpu.memory_space<vmem>>, vector<16xf32>,
    tpu.vector_store %arg13[%swap3A_3107], %add3A_3106 {strides = array<i32>} : memref<16xf32, #tpu.memory_space<vmem>>, vector<16xf32>,
    %get3A_3109 = arith.constant 1104 : index
    %get3A_3110 = tpu.vector_load %arg7[%get3A_3109] {strides = array<i32>} : memref<1600xi32, #tpu.memory_space<vmem>>, vector<16xi32>,
    %gather3A_3111 = tpu.vector_load_idx %arg12[%get3A_3110] : memref<1000xf32, #tpu.memory_space<vmem>>[vector<16xi32>], vector<16xf32>,
    %iota3A_3112 = tpu.iota {dimensions = array<i32: 0>} : vector<16xi32>
    %add3A_3113 = arith.constant 1104 : i32
    %add3A_3114 = vector.broadcast %add3A_3113 : i32 to vector<16xi32>
    %add3A_3115 = arith.addi %iota3A_3112, %add3A_3114 : vector<16xi32>
    %get3A_3116 = arith.constant 1104 : index
    %get3A_3117 = tpu.vector_load %arg10[%get3A_3116] {strides = array<i32>} : memref<1600xi32, #tpu.memory_space<vmem>>, vector<16xi32>,
    %gather3A_3118 = tpu.vector_load_idx %arg11[%add3A_3115, %get3A_3117] : memref<1600x16xf32, #tpu.memory_space<vmem>>[vector<16xi32>, vector<16xi32>], vector<16xf32>,
    %get3A_3119 = arith.constant 0 : index
    %get3A_3120 = tpu.vector_load %arg13[%get3A_3119] {strides = array<i32>} : memref<16xf32, #tpu.memory_space<vmem>>, vector<16xf32>,
    %sub3A_3121 = arith.subf %gather3A_3111, %gather3A_3118 : vector<16xf32>
    %add3A_3122 = arith.addf %get3A_3120, %sub3A_3121 : vector<16xf32>
    %swap3A_3123 = arith.constant 0 : index
    %swap3A_3124 = tpu.vector_load %arg13[%swap3A_3123] {strides = array<i32>} : memref<16xf32, #tpu.memory_space<vmem>>, vector<16xf32>,
    tpu.vector_store %arg13[%swap3A_3123], %add3A_3122 {strides = array<i32>} : memref<16xf32, #tpu.memory_space<vmem>>, vector<16xf32>,
    %get3A_3125 = arith.constant 1120 : index
    %get3A_3126 = tpu.vector_load %arg7[%get3A_3125] {strides = array<i32>} : memref<1600xi32, #tpu.memory_space<vmem>>, vector<16xi32>,
    %gather3A_3127 = tpu.vector_load_idx %arg12[%get3A_3126] : memref<1000xf32, #tpu.memory_space<vmem>>[vector<16xi32>], vector<16xf32>,
    %iota3A_3128 = tpu.iota {dimensions = array<i32: 0>} : vector<16xi32>
    %add3A_3129 = arith.constant 1120 : i32
    %add3A_3130 = vector.broadcast %add3A_3129 : i32 to vector<16xi32>
    %add3A_3131 = arith.addi %iota3A_3128, %add3A_3130 : vector<16xi32>
    %get3A_3132 = arith.constant 1120 : index
    %get3A_3133 = tpu.vector_load %arg10[%get3A_3132] {strides = array<i32>} : memref<1600xi32, #tpu.memory_space<vmem>>, vector<16xi32>,
    %gather3A_3134 = tpu.vector_load_idx %arg11[%add3A_3131, %get3A_3133] : memref<1600x16xf32, #tpu.memory_space<vmem>>[vector<16xi32>, vector<16xi32>], vector<16xf32>,
    %get3A_3135 = arith.constant 0 : index
    %get3A_3136 = tpu.vector_load %arg13[%get3A_3135] {strides = array<i32>} : memref<16xf32, #tpu.memory_space<vmem>>, vector<16xf32>,
    %sub3A_3137 = arith.subf %gather3A_3127, %gather3A_3134 : vector<16xf32>
    %add3A_3138 = arith.addf %get3A_3136, %sub3A_3137 : vector<16xf32>
    %swap3A_3139 = arith.constant 0 : index
    %swap3A_3140 = tpu.vector_load %arg13[%swap3A_3139] {strides = array<i32>} : memref<16xf32, #tpu.memory_space<vmem>>, vector<16xf32>,
    tpu.vector_store %arg13[%swap3A_3139], %add3A_3138 {strides = array<i32>} : memref<16xf32, #tpu.memory_space<vmem>>, vector<16xf32>,
    %get3A_3141 = arith.constant 1136 : index
    %get3A_3142 = tpu.vector_load %arg7[%get3A_3141] {strides = array<i32>} : memref<1600xi32, #tpu.memory_space<vmem>>, vector<16xi32>,
    %gather3A_3143 = tpu.vector_load_idx %arg12[%get3A_3142] : memref<1000xf32, #tpu.memory_space<vmem>>[vector<16xi32>], vector<16xf32>,
    %iota3A_3144 = tpu.iota {dimensions = array<i32: 0>} : vector<16xi32>
    %add3A_3145 = arith.constant 1136 : i32
    %add3A_3146 = vector.broadcast %add3A_3145 : i32 to vector<16xi32>
    %add3A_3147 = arith.addi %iota3A_3144, %add3A_3146 : vector<16xi32>
    %get3A_3148 = arith.constant 1136 : index
    %get3A_3149 = tpu.vector_load %arg10[%get3A_3148] {strides = array<i32>} : memref<1600xi32, #tpu.memory_space<vmem>>, vector<16xi32>,
    %gather3A_3150 = tpu.vector_load_idx %arg11[%add3A_3147, %get3A_3149] : memref<1600x16xf32, #tpu.memory_space<vmem>>[vector<16xi32>, vector<16xi32>], vector<16xf32>,
    %get3A_3151 = arith.constant 0 : index
    %get3A_3152 = tpu.vector_load %arg13[%get3A_3151] {strides = array<i32>} : memref<16xf32, #tpu.memory_space<vmem>>, vector<16xf32>,
    %sub3A_3153 = arith.subf %gather3A_3143, %gather3A_3150 : vector<16xf32>
    %add3A_3154 = arith.addf %get3A_3152, %sub3A_3153 : vector<16xf32>
    %swap3A_3155 = arith.constant 0 : index
    %swap3A_3156 = tpu.vector_load %arg13[%swap3A_3155] {strides = array<i32>} : memref<16xf32, #tpu.memory_space<vmem>>, vector<16xf32>,
    tpu.vector_store %arg13[%swap3A_3155], %add3A_3154 {strides = array<i32>} : memref<16xf32, #tpu.memory_space<vmem>>, vector<16xf32>,
    %get3A_3157 = arith.constant 1152 : index
    %get3A_3158 = tpu.vector_load %arg7[%get3A_3157] {strides = array<i32>} : memref<1600xi32, #tpu.memory_space<vmem>>, vector<16xi32>,
    %gather3A_3159 = tpu.vector_load_idx %arg12[%get3A_3158] : memref<1000xf32, #tpu.memory_space<vmem>>[vector<16xi32>], vector<16xf32>,
    %iota3A_3160 = tpu.iota {dimensions = array<i32: 0>} : vector<16xi32>
    %add3A_3161 = arith.constant 1152 : i32
    %add3A_3162 = vector.broadcast %add3A_3161 : i32 to vector<16xi32>
    %add3A_3163 = arith.addi %iota3A_3160, %add3A_3162 : vector<16xi32>
    %get3A_3164 = arith.constant 1152 : index
    %get3A_3165 = tpu.vector_load %arg10[%get3A_3164] {strides = array<i32>} : memref<1600xi32, #tpu.memory_space<vmem>>, vector<16xi32>,
    %gather3A_3166 = tpu.vector_load_idx %arg11[%add3A_3163, %get3A_3165] : memref<1600x16xf32, #tpu.memory_space<vmem>>[vector<16xi32>, vector<16xi32>], vector<16xf32>,
    %get3A_3167 = arith.constant 0 : index
    %get3A_3168 = tpu.vector_load %arg13[%get3A_3167] {strides = array<i32>} : memref<16xf32, #tpu.memory_space<vmem>>, vector<16xf32>,
    %sub3A_3169 = arith.subf %gather3A_3159, %gather3A_3166 : vector<16xf32>
    %add3A_3170 = arith.addf %get3A_3168, %sub3A_3169 : vector<16xf32>
    %swap3A_3171 = arith.constant 0 : index
    %swap3A_3172 = tpu.vector_load %arg13[%swap3A_3171] {strides = array<i32>} : memref<16xf32, #tpu.memory_space<vmem>>, vector<16xf32>,
    tpu.vector_store %arg13[%swap3A_3171], %add3A_3170 {strides = array<i32>} : memref<16xf32, #tpu.memory_space<vmem>>, vector<16xf32>,
    %get3A_3173 = arith.constant 1168 : index
    %get3A_3174 = tpu.vector_load %arg7[%get3A_3173] {strides = array<i32>} : memref<1600xi32, #tpu.memory_space<vmem>>, vector<16xi32>,
    %gather3A_3175 = tpu.vector_load_idx %arg12[%get3A_3174] : memref<1000xf32, #tpu.memory_space<vmem>>[vector<16xi32>], vector<16xf32>,
    %iota3A_3176 = tpu.iota {dimensions = array<i32: 0>} : vector<16xi32>
    %add3A_3177 = arith.constant 1168 : i32
    %add3A_3178 = vector.broadcast %add3A_3177 : i32 to vector<16xi32>
    %add3A_3179 = arith.addi %iota3A_3176, %add3A_3178 : vector<16xi32>
    %get3A_3180 = arith.constant 1168 : index
    %get3A_3181 = tpu.vector_load %arg10[%get3A_3180] {strides = array<i32>} : memref<1600xi32, #tpu.memory_space<vmem>>, vector<16xi32>,
    %gather3A_3182 = tpu.vector_load_idx %arg11[%add3A_3179, %get3A_3181] : memref<1600x16xf32, #tpu.memory_space<vmem>>[vector<16xi32>, vector<16xi32>], vector<16xf32>,
    %get3A_3183 = arith.constant 0 : index
    %get3A_3184 = tpu.vector_load %arg13[%get3A_3183] {strides = array<i32>} : memref<16xf32, #tpu.memory_space<vmem>>, vector<16xf32>,
    %sub3A_3185 = arith.subf %gather3A_3175, %gather3A_3182 : vector<16xf32>
    %add3A_3186 = arith.addf %get3A_3184, %sub3A_3185 : vector<16xf32>
    %swap3A_3187 = arith.constant 0 : index
    %swap3A_3188 = tpu.vector_load %arg13[%swap3A_3187] {strides = array<i32>} : memref<16xf32, #tpu.memory_space<vmem>>, vector<16xf32>,
    tpu.vector_store %arg13[%swap3A_3187], %add3A_3186 {strides = array<i32>} : memref<16xf32, #tpu.memory_space<vmem>>, vector<16xf32>,
    %get3A_3189 = arith.constant 1184 : index
    %get3A_3190 = tpu.vector_load %arg7[%get3A_3189] {strides = array<i32>} : memref<1600xi32, #tpu.memory_space<vmem>>, vector<16xi32>,
    %gather3A_3191 = tpu.vector_load_idx %arg12[%get3A_3190] : memref<1000xf32, #tpu.memory_space<vmem>>[vector<16xi32>], vector<16xf32>,
    %iota3A_3192 = tpu.iota {dimensions = array<i32: 0>} : vector<16xi32>
    %add3A_3193 = arith.constant 1184 : i32
    %add3A_3194 = vector.broadcast %add3A_3193 : i32 to vector<16xi32>
    %add3A_3195 = arith.addi %iota3A_3192, %add3A_3194 : vector<16xi32>
    %get3A_3196 = arith.constant 1184 : index
    %get3A_3197 = tpu.vector_load %arg10[%get3A_3196] {strides = array<i32>} : memref<1600xi32, #tpu.memory_space<vmem>>, vector<16xi32>,
    %gather3A_3198 = tpu.vector_load_idx %arg11[%add3A_3195, %get3A_3197] : memref<1600x16xf32, #tpu.memory_space<vmem>>[vector<16xi32>, vector<16xi32>], vector<16xf32>,
    %get3A_3199 = arith.constant 0 : index
    %get3A_3200 = tpu.vector_load %arg13[%get3A_3199] {strides = array<i32>} : memref<16xf32, #tpu.memory_space<vmem>>, vector<16xf32>,
    %sub3A_3201 = arith.subf %gather3A_3191, %gather3A_3198 : vector<16xf32>
    %add3A_3202 = arith.addf %get3A_3200, %sub3A_3201 : vector<16xf32>
    %swap3A_3203 = arith.constant 0 : index
    %swap3A_3204 = tpu.vector_load %arg13[%swap3A_3203] {strides = array<i32>} : memref<16xf32, #tpu.memory_space<vmem>>, vector<16xf32>,
    tpu.vector_store %arg13[%swap3A_3203], %add3A_3202 {strides = array<i32>} : memref<16xf32, #tpu.memory_space<vmem>>, vector<16xf32>,
    %get3A_3205 = arith.constant 1200 : index
    %get3A_3206 = tpu.vector_load %arg7[%get3A_3205] {strides = array<i32>} : memref<1600xi32, #tpu.memory_space<vmem>>, vector<16xi32>,
    %gather3A_3207 = tpu.vector_load_idx %arg12[%get3A_3206] : memref<1000xf32, #tpu.memory_space<vmem>>[vector<16xi32>], vector<16xf32>,
    %iota3A_3208 = tpu.iota {dimensions = array<i32: 0>} : vector<16xi32>
    %add3A_3209 = arith.constant 1200 : i32
    %add3A_3210 = vector.broadcast %add3A_3209 : i32 to vector<16xi32>
    %add3A_3211 = arith.addi %iota3A_3208, %add3A_3210 : vector<16xi32>
    %get3A_3212 = arith.constant 1200 : index
    %get3A_3213 = tpu.vector_load %arg10[%get3A_3212] {strides = array<i32>} : memref<1600xi32, #tpu.memory_space<vmem>>, vector<16xi32>,
    %gather3A_3214 = tpu.vector_load_idx %arg11[%add3A_3211, %get3A_3213] : memref<1600x16xf32, #tpu.memory_space<vmem>>[vector<16xi32>, vector<16xi32>], vector<16xf32>,
    %get3A_3215 = arith.constant 0 : index
    %get3A_3216 = tpu.vector_load %arg13[%get3A_3215] {strides = array<i32>} : memref<16xf32, #tpu.memory_space<vmem>>, vector<16xf32>,
    %sub3A_3217 = arith.subf %gather3A_3207, %gather3A_3214 : vector<16xf32>
    %add3A_3218 = arith.addf %get3A_3216, %sub3A_3217 : vector<16xf32>
    %swap3A_3219 = arith.constant 0 : index
    %swap3A_3220 = tpu.vector_load %arg13[%swap3A_3219] {strides = array<i32>} : memref<16xf32, #tpu.memory_space<vmem>>, vector<16xf32>,
    tpu.vector_store %arg13[%swap3A_3219], %add3A_3218 {strides = array<i32>} : memref<16xf32, #tpu.memory_space<vmem>>, vector<16xf32>,
    %get3A_3221 = arith.constant 1216 : index
    %get3A_3222 = tpu.vector_load %arg7[%get3A_3221] {strides = array<i32>} : memref<1600xi32, #tpu.memory_space<vmem>>, vector<16xi32>,
    %gather3A_3223 = tpu.vector_load_idx %arg12[%get3A_3222] : memref<1000xf32, #tpu.memory_space<vmem>>[vector<16xi32>], vector<16xf32>,
    %iota3A_3224 = tpu.iota {dimensions = array<i32: 0>} : vector<16xi32>
    %add3A_3225 = arith.constant 1216 : i32
    %add3A_3226 = vector.broadcast %add3A_3225 : i32 to vector<16xi32>
    %add3A_3227 = arith.addi %iota3A_3224, %add3A_3226 : vector<16xi32>
    %get3A_3228 = arith.constant 1216 : index
    %get3A_3229 = tpu.vector_load %arg10[%get3A_3228] {strides = array<i32>} : memref<1600xi32, #tpu.memory_space<vmem>>, vector<16xi32>,
    %gather3A_3230 = tpu.vector_load_idx %arg11[%add3A_3227, %get3A_3229] : memref<1600x16xf32, #tpu.memory_space<vmem>>[vector<16xi32>, vector<16xi32>], vector<16xf32>,
    %get3A_3231 = arith.constant 0 : index
    %get3A_3232 = tpu.vector_load %arg13[%get3A_3231] {strides = array<i32>} : memref<16xf32, #tpu.memory_space<vmem>>, vector<16xf32>,
    %sub3A_3233 = arith.subf %gather3A_3223, %gather3A_3230 : vector<16xf32>
    %add3A_3234 = arith.addf %get3A_3232, %sub3A_3233 : vector<16xf32>
    %swap3A_3235 = arith.constant 0 : index
    %swap3A_3236 = tpu.vector_load %arg13[%swap3A_3235] {strides = array<i32>} : memref<16xf32, #tpu.memory_space<vmem>>, vector<16xf32>,
    tpu.vector_store %arg13[%swap3A_3235], %add3A_3234 {strides = array<i32>} : memref<16xf32, #tpu.memory_space<vmem>>, vector<16xf32>,
    %get3A_3237 = arith.constant 1232 : index
    %get3A_3238 = tpu.vector_load %arg7[%get3A_3237] {strides = array<i32>} : memref<1600xi32, #tpu.memory_space<vmem>>, vector<16xi32>,
    %gather3A_3239 = tpu.vector_load_idx %arg12[%get3A_3238] : memref<1000xf32, #tpu.memory_space<vmem>>[vector<16xi32>], vector<16xf32>,
    %iota3A_3240 = tpu.iota {dimensions = array<i32: 0>} : vector<16xi32>
    %add3A_3241 = arith.constant 1232 : i32
    %add3A_3242 = vector.broadcast %add3A_3241 : i32 to vector<16xi32>
    %add3A_3243 = arith.addi %iota3A_3240, %add3A_3242 : vector<16xi32>
    %get3A_3244 = arith.constant 1232 : index
    %get3A_3245 = tpu.vector_load %arg10[%get3A_3244] {strides = array<i32>} : memref<1600xi32, #tpu.memory_space<vmem>>, vector<16xi32>,
    %gather3A_3246 = tpu.vector_load_idx %arg11[%add3A_3243, %get3A_3245] : memref<1600x16xf32, #tpu.memory_space<vmem>>[vector<16xi32>, vector<16xi32>], vector<16xf32>,
    %get3A_3247 = arith.constant 0 : index
    %get3A_3248 = tpu.vector_load %arg13[%get3A_3247] {strides = array<i32>} : memref<16xf32, #tpu.memory_space<vmem>>, vector<16xf32>,
    %sub3A_3249 = arith.subf %gather3A_3239, %gather3A_3246 : vector<16xf32>
    %add3A_3250 = arith.addf %get3A_3248, %sub3A_3249 : vector<16xf32>
    %swap3A_3251 = arith.constant 0 : index
    %swap3A_3252 = tpu.vector_load %arg13[%swap3A_3251] {strides = array<i32>} : memref<16xf32, #tpu.memory_space<vmem>>, vector<16xf32>,
    tpu.vector_store %arg13[%swap3A_3251], %add3A_3250 {strides = array<i32>} : memref<16xf32, #tpu.memory_space<vmem>>, vector<16xf32>,
    %get3A_3253 = arith.constant 1248 : index
    %get3A_3254 = tpu.vector_load %arg7[%get3A_3253] {strides = array<i32>} : memref<1600xi32, #tpu.memory_space<vmem>>, vector<16xi32>,
    %gather3A_3255 = tpu.vector_load_idx %arg12[%get3A_3254] : memref<1000xf32, #tpu.memory_space<vmem>>[vector<16xi32>], vector<16xf32>,
    %iota3A_3256 = tpu.iota {dimensions = array<i32: 0>} : vector<16xi32>
    %add3A_3257 = arith.constant 1248 : i32
    %add3A_3258 = vector.broadcast %add3A_3257 : i32 to vector<16xi32>
    %add3A_3259 = arith.addi %iota3A_3256, %add3A_3258 : vector<16xi32>
    %get3A_3260 = arith.constant 1248 : index
    %get3A_3261 = tpu.vector_load %arg10[%get3A_3260] {strides = array<i32>} : memref<1600xi32, #tpu.memory_space<vmem>>, vector<16xi32>,
    %gather3A_3262 = tpu.vector_load_idx %arg11[%add3A_3259, %get3A_3261] : memref<1600x16xf32, #tpu.memory_space<vmem>>[vector<16xi32>, vector<16xi32>], vector<16xf32>,
    %get3A_3263 = arith.constant 0 : index
    %get3A_3264 = tpu.vector_load %arg13[%get3A_3263] {strides = array<i32>} : memref<16xf32, #tpu.memory_space<vmem>>, vector<16xf32>,
    %sub3A_3265 = arith.subf %gather3A_3255, %gather3A_3262 : vector<16xf32>
    %add3A_3266 = arith.addf %get3A_3264, %sub3A_3265 : vector<16xf32>
    %swap3A_3267 = arith.constant 0 : index
    %swap3A_3268 = tpu.vector_load %arg13[%swap3A_3267] {strides = array<i32>} : memref<16xf32, #tpu.memory_space<vmem>>, vector<16xf32>,
    tpu.vector_store %arg13[%swap3A_3267], %add3A_3266 {strides = array<i32>} : memref<16xf32, #tpu.memory_space<vmem>>, vector<16xf32>,
    %get3A_3269 = arith.constant 1264 : index
    %get3A_3270 = tpu.vector_load %arg7[%get3A_3269] {strides = array<i32>} : memref<1600xi32, #tpu.memory_space<vmem>>, vector<16xi32>,
    %gather3A_3271 = tpu.vector_load_idx %arg12[%get3A_3270] : memref<1000xf32, #tpu.memory_space<vmem>>[vector<16xi32>], vector<16xf32>,
    %iota3A_3272 = tpu.iota {dimensions = array<i32: 0>} : vector<16xi32>
    %add3A_3273 = arith.constant 1264 : i32
    %add3A_3274 = vector.broadcast %add3A_3273 : i32 to vector<16xi32>
    %add3A_3275 = arith.addi %iota3A_3272, %add3A_3274 : vector<16xi32>
    %get3A_3276 = arith.constant 1264 : index
    %get3A_3277 = tpu.vector_load %arg10[%get3A_3276] {strides = array<i32>} : memref<1600xi32, #tpu.memory_space<vmem>>, vector<16xi32>,
    %gather3A_3278 = tpu.vector_load_idx %arg11[%add3A_3275, %get3A_3277] : memref<1600x16xf32, #tpu.memory_space<vmem>>[vector<16xi32>, vector<16xi32>], vector<16xf32>,
    %get3A_3279 = arith.constant 0 : index
    %get3A_3280 = tpu.vector_load %arg13[%get3A_3279] {strides = array<i32>} : memref<16xf32, #tpu.memory_space<vmem>>, vector<16xf32>,
    %sub3A_3281 = arith.subf %gather3A_3271, %gather3A_3278 : vector<16xf32>
    %add3A_3282 = arith.addf %get3A_3280, %sub3A_3281 : vector<16xf32>
    %swap3A_3283 = arith.constant 0 : index
    %swap3A_3284 = tpu.vector_load %arg13[%swap3A_3283] {strides = array<i32>} : memref<16xf32, #tpu.memory_space<vmem>>, vector<16xf32>,
    tpu.vector_store %arg13[%swap3A_3283], %add3A_3282 {strides = array<i32>} : memref<16xf32, #tpu.memory_space<vmem>>, vector<16xf32>,
    %get3A_3285 = arith.constant 1280 : index
    %get3A_3286 = tpu.vector_load %arg7[%get3A_3285] {strides = array<i32>} : memref<1600xi32, #tpu.memory_space<vmem>>, vector<16xi32>,
    %gather3A_3287 = tpu.vector_load_idx %arg12[%get3A_3286] : memref<1000xf32, #tpu.memory_space<vmem>>[vector<16xi32>], vector<16xf32>,
    %iota3A_3288 = tpu.iota {dimensions = array<i32: 0>} : vector<16xi32>
    %add3A_3289 = arith.constant 1280 : i32
    %add3A_3290 = vector.broadcast %add3A_3289 : i32 to vector<16xi32>
    %add3A_3291 = arith.addi %iota3A_3288, %add3A_3290 : vector<16xi32>
    %get3A_3292 = arith.constant 1280 : index
    %get3A_3293 = tpu.vector_load %arg10[%get3A_3292] {strides = array<i32>} : memref<1600xi32, #tpu.memory_space<vmem>>, vector<16xi32>,
    %gather3A_3294 = tpu.vector_load_idx %arg11[%add3A_3291, %get3A_3293] : memref<1600x16xf32, #tpu.memory_space<vmem>>[vector<16xi32>, vector<16xi32>], vector<16xf32>,
    %get3A_3295 = arith.constant 0 : index
    %get3A_3296 = tpu.vector_load %arg13[%get3A_3295] {strides = array<i32>} : memref<16xf32, #tpu.memory_space<vmem>>, vector<16xf32>,
    %sub3A_3297 = arith.subf %gather3A_3287, %gather3A_3294 : vector<16xf32>
    %add3A_3298 = arith.addf %get3A_3296, %sub3A_3297 : vector<16xf32>
    %swap3A_3299 = arith.constant 0 : index
    %swap3A_3300 = tpu.vector_load %arg13[%swap3A_3299] {strides = array<i32>} : memref<16xf32, #tpu.memory_space<vmem>>, vector<16xf32>,
    tpu.vector_store %arg13[%swap3A_3299], %add3A_3298 {strides = array<i32>} : memref<16xf32, #tpu.memory_space<vmem>>, vector<16xf32>,
    %get3A_3301 = arith.constant 1296 : index
    %get3A_3302 = tpu.vector_load %arg7[%get3A_3301] {strides = array<i32>} : memref<1600xi32, #tpu.memory_space<vmem>>, vector<16xi32>,
    %gather3A_3303 = tpu.vector_load_idx %arg12[%get3A_3302] : memref<1000xf32, #tpu.memory_space<vmem>>[vector<16xi32>], vector<16xf32>,
    %iota3A_3304 = tpu.iota {dimensions = array<i32: 0>} : vector<16xi32>
    %add3A_3305 = arith.constant 1296 : i32
    %add3A_3306 = vector.broadcast %add3A_3305 : i32 to vector<16xi32>
    %add3A_3307 = arith.addi %iota3A_3304, %add3A_3306 : vector<16xi32>
    %get3A_3308 = arith.constant 1296 : index
    %get3A_3309 = tpu.vector_load %arg10[%get3A_3308] {strides = array<i32>} : memref<1600xi32, #tpu.memory_space<vmem>>, vector<16xi32>,
    %gather3A_3310 = tpu.vector_load_idx %arg11[%add3A_3307, %get3A_3309] : memref<1600x16xf32, #tpu.memory_space<vmem>>[vector<16xi32>, vector<16xi32>], vector<16xf32>,
    %get3A_3311 = arith.constant 0 : index
    %get3A_3312 = tpu.vector_load %arg13[%get3A_3311] {strides = array<i32>} : memref<16xf32, #tpu.memory_space<vmem>>, vector<16xf32>,
    %sub3A_3313 = arith.subf %gather3A_3303, %gather3A_3310 : vector<16xf32>
    %add3A_3314 = arith.addf %get3A_3312, %sub3A_3313 : vector<16xf32>
    %swap3A_3315 = arith.constant 0 : index
    %swap3A_3316 = tpu.vector_load %arg13[%swap3A_3315] {strides = array<i32>} : memref<16xf32, #tpu.memory_space<vmem>>, vector<16xf32>,
    tpu.vector_store %arg13[%swap3A_3315], %add3A_3314 {strides = array<i32>} : memref<16xf32, #tpu.memory_space<vmem>>, vector<16xf32>,
    %get3A_3317 = arith.constant 1312 : index
    %get3A_3318 = tpu.vector_load %arg7[%get3A_3317] {strides = array<i32>} : memref<1600xi32, #tpu.memory_space<vmem>>, vector<16xi32>,
    %gather3A_3319 = tpu.vector_load_idx %arg12[%get3A_3318] : memref<1000xf32, #tpu.memory_space<vmem>>[vector<16xi32>], vector<16xf32>,
    %iota3A_3320 = tpu.iota {dimensions = array<i32: 0>} : vector<16xi32>
    %add3A_3321 = arith.constant 1312 : i32
    %add3A_3322 = vector.broadcast %add3A_3321 : i32 to vector<16xi32>
    %add3A_3323 = arith.addi %iota3A_3320, %add3A_3322 : vector<16xi32>
    %get3A_3324 = arith.constant 1312 : index
    %get3A_3325 = tpu.vector_load %arg10[%get3A_3324] {strides = array<i32>} : memref<1600xi32, #tpu.memory_space<vmem>>, vector<16xi32>,
    %gather3A_3326 = tpu.vector_load_idx %arg11[%add3A_3323, %get3A_3325] : memref<1600x16xf32, #tpu.memory_space<vmem>>[vector<16xi32>, vector<16xi32>], vector<16xf32>,
    %get3A_3327 = arith.constant 0 : index
    %get3A_3328 = tpu.vector_load %arg13[%get3A_3327] {strides = array<i32>} : memref<16xf32, #tpu.memory_space<vmem>>, vector<16xf32>,
    %sub3A_3329 = arith.subf %gather3A_3319, %gather3A_3326 : vector<16xf32>
    %add3A_3330 = arith.addf %get3A_3328, %sub3A_3329 : vector<16xf32>
    %swap3A_3331 = arith.constant 0 : index
    %swap3A_3332 = tpu.vector_load %arg13[%swap3A_3331] {strides = array<i32>} : memref<16xf32, #tpu.memory_space<vmem>>, vector<16xf32>,
    tpu.vector_store %arg13[%swap3A_3331], %add3A_3330 {strides = array<i32>} : memref<16xf32, #tpu.memory_space<vmem>>, vector<16xf32>,
    %get3A_3333 = arith.constant 1328 : index
    %get3A_3334 = tpu.vector_load %arg7[%get3A_3333] {strides = array<i32>} : memref<1600xi32, #tpu.memory_space<vmem>>, vector<16xi32>,
    %gather3A_3335 = tpu.vector_load_idx %arg12[%get3A_3334] : memref<1000xf32, #tpu.memory_space<vmem>>[vector<16xi32>], vector<16xf32>,
    %iota3A_3336 = tpu.iota {dimensions = array<i32: 0>} : vector<16xi32>
    %add3A_3337 = arith.constant 1328 : i32
    %add3A_3338 = vector.broadcast %add3A_3337 : i32 to vector<16xi32>
    %add3A_3339 = arith.addi %iota3A_3336, %add3A_3338 : vector<16xi32>
    %get3A_3340 = arith.constant 1328 : index
    %get3A_3341 = tpu.vector_load %arg10[%get3A_3340] {strides = array<i32>} : memref<1600xi32, #tpu.memory_space<vmem>>, vector<16xi32>,
    %gather3A_3342 = tpu.vector_load_idx %arg11[%add3A_3339, %get3A_3341] : memref<1600x16xf32, #tpu.memory_space<vmem>>[vector<16xi32>, vector<16xi32>], vector<16xf32>,
    %get3A_3343 = arith.constant 0 : index
    %get3A_3344 = tpu.vector_load %arg13[%get3A_3343] {strides = array<i32>} : memref<16xf32, #tpu.memory_space<vmem>>, vector<16xf32>,
    %sub3A_3345 = arith.subf %gather3A_3335, %gather3A_3342 : vector<16xf32>
    %add3A_3346 = arith.addf %get3A_3344, %sub3A_3345 : vector<16xf32>
    %swap3A_3347 = arith.constant 0 : index
    %swap3A_3348 = tpu.vector_load %arg13[%swap3A_3347] {strides = array<i32>} : memref<16xf32, #tpu.memory_space<vmem>>, vector<16xf32>,
    tpu.vector_store %arg13[%swap3A_3347], %add3A_3346 {strides = array<i32>} : memref<16xf32, #tpu.memory_space<vmem>>, vector<16xf32>,
    %get3A_3349 = arith.constant 1344 : index
    %get3A_3350 = tpu.vector_load %arg7[%get3A_3349] {strides = array<i32>} : memref<1600xi32, #tpu.memory_space<vmem>>, vector<16xi32>,
    %gather3A_3351 = tpu.vector_load_idx %arg12[%get3A_3350] : memref<1000xf32, #tpu.memory_space<vmem>>[vector<16xi32>], vector<16xf32>,
    %iota3A_3352 = tpu.iota {dimensions = array<i32: 0>} : vector<16xi32>
    %add3A_3353 = arith.constant 1344 : i32
    %add3A_3354 = vector.broadcast %add3A_3353 : i32 to vector<16xi32>
    %add3A_3355 = arith.addi %iota3A_3352, %add3A_3354 : vector<16xi32>
    %get3A_3356 = arith.constant 1344 : index
    %get3A_3357 = tpu.vector_load %arg10[%get3A_3356] {strides = array<i32>} : memref<1600xi32, #tpu.memory_space<vmem>>, vector<16xi32>,
    %gather3A_3358 = tpu.vector_load_idx %arg11[%add3A_3355, %get3A_3357] : memref<1600x16xf32, #tpu.memory_space<vmem>>[vector<16xi32>, vector<16xi32>], vector<16xf32>,
    %get3A_3359 = arith.constant 0 : index
    %get3A_3360 = tpu.vector_load %arg13[%get3A_3359] {strides = array<i32>} : memref<16xf32, #tpu.memory_space<vmem>>, vector<16xf32>,
    %sub3A_3361 = arith.subf %gather3A_3351, %gather3A_3358 : vector<16xf32>
    %add3A_3362 = arith.addf %get3A_3360, %sub3A_3361 : vector<16xf32>
    %swap3A_3363 = arith.constant 0 : index
    %swap3A_3364 = tpu.vector_load %arg13[%swap3A_3363] {strides = array<i32>} : memref<16xf32, #tpu.memory_space<vmem>>, vector<16xf32>,
    tpu.vector_store %arg13[%swap3A_3363], %add3A_3362 {strides = array<i32>} : memref<16xf32, #tpu.memory_space<vmem>>, vector<16xf32>,
    %get3A_3365 = arith.constant 1360 : index
    %get3A_3366 = tpu.vector_load %arg7[%get3A_3365] {strides = array<i32>} : memref<1600xi32, #tpu.memory_space<vmem>>, vector<16xi32>,
    %gather3A_3367 = tpu.vector_load_idx %arg12[%get3A_3366] : memref<1000xf32, #tpu.memory_space<vmem>>[vector<16xi32>], vector<16xf32>,
    %iota3A_3368 = tpu.iota {dimensions = array<i32: 0>} : vector<16xi32>
    %add3A_3369 = arith.constant 1360 : i32
    %add3A_3370 = vector.broadcast %add3A_3369 : i32 to vector<16xi32>
    %add3A_3371 = arith.addi %iota3A_3368, %add3A_3370 : vector<16xi32>
    %get3A_3372 = arith.constant 1360 : index
    %get3A_3373 = tpu.vector_load %arg10[%get3A_3372] {strides = array<i32>} : memref<1600xi32, #tpu.memory_space<vmem>>, vector<16xi32>,
    %gather3A_3374 = tpu.vector_load_idx %arg11[%add3A_3371, %get3A_3373] : memref<1600x16xf32, #tpu.memory_space<vmem>>[vector<16xi32>, vector<16xi32>], vector<16xf32>,
    %get3A_3375 = arith.constant 0 : index
    %get3A_3376 = tpu.vector_load %arg13[%get3A_3375] {strides = array<i32>} : memref<16xf32, #tpu.memory_space<vmem>>, vector<16xf32>,
    %sub3A_3377 = arith.subf %gather3A_3367, %gather3A_3374 : vector<16xf32>
    %add3A_3378 = arith.addf %get3A_3376, %sub3A_3377 : vector<16xf32>
    %swap3A_3379 = arith.constant 0 : index
    %swap3A_3380 = tpu.vector_load %arg13[%swap3A_3379] {strides = array<i32>} : memref<16xf32, #tpu.memory_space<vmem>>, vector<16xf32>,
    tpu.vector_store %arg13[%swap3A_3379], %add3A_3378 {strides = array<i32>} : memref<16xf32, #tpu.memory_space<vmem>>, vector<16xf32>,
    %get3A_3381 = arith.constant 1376 : index
    %get3A_3382 = tpu.vector_load %arg7[%get3A_3381] {strides = array<i32>} : memref<1600xi32, #tpu.memory_space<vmem>>, vector<16xi32>,
    %gather3A_3383 = tpu.vector_load_idx %arg12[%get3A_3382] : memref<1000xf32, #tpu.memory_space<vmem>>[vector<16xi32>], vector<16xf32>,
    %iota3A_3384 = tpu.iota {dimensions = array<i32: 0>} : vector<16xi32>
    %add3A_3385 = arith.constant 1376 : i32
    %add3A_3386 = vector.broadcast %add3A_3385 : i32 to vector<16xi32>
    %add3A_3387 = arith.addi %iota3A_3384, %add3A_3386 : vector<16xi32>
    %get3A_3388 = arith.constant 1376 : index
    %get3A_3389 = tpu.vector_load %arg10[%get3A_3388] {strides = array<i32>} : memref<1600xi32, #tpu.memory_space<vmem>>, vector<16xi32>,
    %gather3A_3390 = tpu.vector_load_idx %arg11[%add3A_3387, %get3A_3389] : memref<1600x16xf32, #tpu.memory_space<vmem>>[vector<16xi32>, vector<16xi32>], vector<16xf32>,
    %get3A_3391 = arith.constant 0 : index
    %get3A_3392 = tpu.vector_load %arg13[%get3A_3391] {strides = array<i32>} : memref<16xf32, #tpu.memory_space<vmem>>, vector<16xf32>,
    %sub3A_3393 = arith.subf %gather3A_3383, %gather3A_3390 : vector<16xf32>
    %add3A_3394 = arith.addf %get3A_3392, %sub3A_3393 : vector<16xf32>
    %swap3A_3395 = arith.constant 0 : index
    %swap3A_3396 = tpu.vector_load %arg13[%swap3A_3395] {strides = array<i32>} : memref<16xf32, #tpu.memory_space<vmem>>, vector<16xf32>,
    tpu.vector_store %arg13[%swap3A_3395], %add3A_3394 {strides = array<i32>} : memref<16xf32, #tpu.memory_space<vmem>>, vector<16xf32>,
    %get3A_3397 = arith.constant 1392 : index
    %get3A_3398 = tpu.vector_load %arg7[%get3A_3397] {strides = array<i32>} : memref<1600xi32, #tpu.memory_space<vmem>>, vector<16xi32>,
    %gather3A_3399 = tpu.vector_load_idx %arg12[%get3A_3398] : memref<1000xf32, #tpu.memory_space<vmem>>[vector<16xi32>], vector<16xf32>,
    %iota3A_3400 = tpu.iota {dimensions = array<i32: 0>} : vector<16xi32>
    %add3A_3401 = arith.constant 1392 : i32
    %add3A_3402 = vector.broadcast %add3A_3401 : i32 to vector<16xi32>
    %add3A_3403 = arith.addi %iota3A_3400, %add3A_3402 : vector<16xi32>
    %get3A_3404 = arith.constant 1392 : index
    %get3A_3405 = tpu.vector_load %arg10[%get3A_3404] {strides = array<i32>} : memref<1600xi32, #tpu.memory_space<vmem>>, vector<16xi32>,
    %gather3A_3406 = tpu.vector_load_idx %arg11[%add3A_3403, %get3A_3405] : memref<1600x16xf32, #tpu.memory_space<vmem>>[vector<16xi32>, vector<16xi32>], vector<16xf32>,
    %get3A_3407 = arith.constant 0 : index
    %get3A_3408 = tpu.vector_load %arg13[%get3A_3407] {strides = array<i32>} : memref<16xf32, #tpu.memory_space<vmem>>, vector<16xf32>,
    %sub3A_3409 = arith.subf %gather3A_3399, %gather3A_3406 : vector<16xf32>
    %add3A_3410 = arith.addf %get3A_3408, %sub3A_3409 : vector<16xf32>
    %swap3A_3411 = arith.constant 0 : index
    %swap3A_3412 = tpu.vector_load %arg13[%swap3A_3411] {strides = array<i32>} : memref<16xf32, #tpu.memory_space<vmem>>, vector<16xf32>,
    tpu.vector_store %arg13[%swap3A_3411], %add3A_3410 {strides = array<i32>} : memref<16xf32, #tpu.memory_space<vmem>>, vector<16xf32>,
    %get3A_3413 = arith.constant 1408 : index
    %get3A_3414 = tpu.vector_load %arg7[%get3A_3413] {strides = array<i32>} : memref<1600xi32, #tpu.memory_space<vmem>>, vector<16xi32>,
    %gather3A_3415 = tpu.vector_load_idx %arg12[%get3A_3414] : memref<1000xf32, #tpu.memory_space<vmem>>[vector<16xi32>], vector<16xf32>,
    %iota3A_3416 = tpu.iota {dimensions = array<i32: 0>} : vector<16xi32>
    %add3A_3417 = arith.constant 1408 : i32
    %add3A_3418 = vector.broadcast %add3A_3417 : i32 to vector<16xi32>
    %add3A_3419 = arith.addi %iota3A_3416, %add3A_3418 : vector<16xi32>
    %get3A_3420 = arith.constant 1408 : index
    %get3A_3421 = tpu.vector_load %arg10[%get3A_3420] {strides = array<i32>} : memref<1600xi32, #tpu.memory_space<vmem>>, vector<16xi32>,
    %gather3A_3422 = tpu.vector_load_idx %arg11[%add3A_3419, %get3A_3421] : memref<1600x16xf32, #tpu.memory_space<vmem>>[vector<16xi32>, vector<16xi32>], vector<16xf32>,
    %get3A_3423 = arith.constant 0 : index
    %get3A_3424 = tpu.vector_load %arg13[%get3A_3423] {strides = array<i32>} : memref<16xf32, #tpu.memory_space<vmem>>, vector<16xf32>,
    %sub3A_3425 = arith.subf %gather3A_3415, %gather3A_3422 : vector<16xf32>
    %add3A_3426 = arith.addf %get3A_3424, %sub3A_3425 : vector<16xf32>
    %swap3A_3427 = arith.constant 0 : index
    %swap3A_3428 = tpu.vector_load %arg13[%swap3A_3427] {strides = array<i32>} : memref<16xf32, #tpu.memory_space<vmem>>, vector<16xf32>,
    tpu.vector_store %arg13[%swap3A_3427], %add3A_3426 {strides = array<i32>} : memref<16xf32, #tpu.memory_space<vmem>>, vector<16xf32>,
    %get3A_3429 = arith.constant 1424 : index
    %get3A_3430 = tpu.vector_load %arg7[%get3A_3429] {strides = array<i32>} : memref<1600xi32, #tpu.memory_space<vmem>>, vector<16xi32>,
    %gather3A_3431 = tpu.vector_load_idx %arg12[%get3A_3430] : memref<1000xf32, #tpu.memory_space<vmem>>[vector<16xi32>], vector<16xf32>,
    %iota3A_3432 = tpu.iota {dimensions = array<i32: 0>} : vector<16xi32>
    %add3A_3433 = arith.constant 1424 : i32
    %add3A_3434 = vector.broadcast %add3A_3433 : i32 to vector<16xi32>
    %add3A_3435 = arith.addi %iota3A_3432, %add3A_3434 : vector<16xi32>
    %get3A_3436 = arith.constant 1424 : index
    %get3A_3437 = tpu.vector_load %arg10[%get3A_3436] {strides = array<i32>} : memref<1600xi32, #tpu.memory_space<vmem>>, vector<16xi32>,
    %gather3A_3438 = tpu.vector_load_idx %arg11[%add3A_3435, %get3A_3437] : memref<1600x16xf32, #tpu.memory_space<vmem>>[vector<16xi32>, vector<16xi32>], vector<16xf32>,
    %get3A_3439 = arith.constant 0 : index
    %get3A_3440 = tpu.vector_load %arg13[%get3A_3439] {strides = array<i32>} : memref<16xf32, #tpu.memory_space<vmem>>, vector<16xf32>,
    %sub3A_3441 = arith.subf %gather3A_3431, %gather3A_3438 : vector<16xf32>
    %add3A_3442 = arith.addf %get3A_3440, %sub3A_3441 : vector<16xf32>
    %swap3A_3443 = arith.constant 0 : index
    %swap3A_3444 = tpu.vector_load %arg13[%swap3A_3443] {strides = array<i32>} : memref<16xf32, #tpu.memory_space<vmem>>, vector<16xf32>,
    tpu.vector_store %arg13[%swap3A_3443], %add3A_3442 {strides = array<i32>} : memref<16xf32, #tpu.memory_space<vmem>>, vector<16xf32>,
    %get3A_3445 = arith.constant 1440 : index
    %get3A_3446 = tpu.vector_load %arg7[%get3A_3445] {strides = array<i32>} : memref<1600xi32, #tpu.memory_space<vmem>>, vector<16xi32>,
    %gather3A_3447 = tpu.vector_load_idx %arg12[%get3A_3446] : memref<1000xf32, #tpu.memory_space<vmem>>[vector<16xi32>], vector<16xf32>,
    %iota3A_3448 = tpu.iota {dimensions = array<i32: 0>} : vector<16xi32>
    %add3A_3449 = arith.constant 1440 : i32
    %add3A_3450 = vector.broadcast %add3A_3449 : i32 to vector<16xi32>
    %add3A_3451 = arith.addi %iota3A_3448, %add3A_3450 : vector<16xi32>
    %get3A_3452 = arith.constant 1440 : index
    %get3A_3453 = tpu.vector_load %arg10[%get3A_3452] {strides = array<i32>} : memref<1600xi32, #tpu.memory_space<vmem>>, vector<16xi32>,
    %gather3A_3454 = tpu.vector_load_idx %arg11[%add3A_3451, %get3A_3453] : memref<1600x16xf32, #tpu.memory_space<vmem>>[vector<16xi32>, vector<16xi32>], vector<16xf32>,
    %get3A_3455 = arith.constant 0 : index
    %get3A_3456 = tpu.vector_load %arg13[%get3A_3455] {strides = array<i32>} : memref<16xf32, #tpu.memory_space<vmem>>, vector<16xf32>,
    %sub3A_3457 = arith.subf %gather3A_3447, %gather3A_3454 : vector<16xf32>
    %add3A_3458 = arith.addf %get3A_3456, %sub3A_3457 : vector<16xf32>
    %swap3A_3459 = arith.constant 0 : index
    %swap3A_3460 = tpu.vector_load %arg13[%swap3A_3459] {strides = array<i32>} : memref<16xf32, #tpu.memory_space<vmem>>, vector<16xf32>,
    tpu.vector_store %arg13[%swap3A_3459], %add3A_3458 {strides = array<i32>} : memref<16xf32, #tpu.memory_space<vmem>>, vector<16xf32>,
    %get3A_3461 = arith.constant 1456 : index
    %get3A_3462 = tpu.vector_load %arg7[%get3A_3461] {strides = array<i32>} : memref<1600xi32, #tpu.memory_space<vmem>>, vector<16xi32>,
    %gather3A_3463 = tpu.vector_load_idx %arg12[%get3A_3462] : memref<1000xf32, #tpu.memory_space<vmem>>[vector<16xi32>], vector<16xf32>,
    %iota3A_3464 = tpu.iota {dimensions = array<i32: 0>} : vector<16xi32>
    %add3A_3465 = arith.constant 1456 : i32
    %add3A_3466 = vector.broadcast %add3A_3465 : i32 to vector<16xi32>
    %add3A_3467 = arith.addi %iota3A_3464, %add3A_3466 : vector<16xi32>
    %get3A_3468 = arith.constant 1456 : index
    %get3A_3469 = tpu.vector_load %arg10[%get3A_3468] {strides = array<i32>} : memref<1600xi32, #tpu.memory_space<vmem>>, vector<16xi32>,
    %gather3A_3470 = tpu.vector_load_idx %arg11[%add3A_3467, %get3A_3469] : memref<1600x16xf32, #tpu.memory_space<vmem>>[vector<16xi32>, vector<16xi32>], vector<16xf32>,
    %get3A_3471 = arith.constant 0 : index
    %get3A_3472 = tpu.vector_load %arg13[%get3A_3471] {strides = array<i32>} : memref<16xf32, #tpu.memory_space<vmem>>, vector<16xf32>,
    %sub3A_3473 = arith.subf %gather3A_3463, %gather3A_3470 : vector<16xf32>
    %add3A_3474 = arith.addf %get3A_3472, %sub3A_3473 : vector<16xf32>
    %swap3A_3475 = arith.constant 0 : index
    %swap3A_3476 = tpu.vector_load %arg13[%swap3A_3475] {strides = array<i32>} : memref<16xf32, #tpu.memory_space<vmem>>, vector<16xf32>,
    tpu.vector_store %arg13[%swap3A_3475], %add3A_3474 {strides = array<i32>} : memref<16xf32, #tpu.memory_space<vmem>>, vector<16xf32>,
    %get3A_3477 = arith.constant 1472 : index
    %get3A_3478 = tpu.vector_load %arg7[%get3A_3477] {strides = array<i32>} : memref<1600xi32, #tpu.memory_space<vmem>>, vector<16xi32>,
    %gather3A_3479 = tpu.vector_load_idx %arg12[%get3A_3478] : memref<1000xf32, #tpu.memory_space<vmem>>[vector<16xi32>], vector<16xf32>,
    %iota3A_3480 = tpu.iota {dimensions = array<i32: 0>} : vector<16xi32>
    %add3A_3481 = arith.constant 1472 : i32
    %add3A_3482 = vector.broadcast %add3A_3481 : i32 to vector<16xi32>
    %add3A_3483 = arith.addi %iota3A_3480, %add3A_3482 : vector<16xi32>
    %get3A_3484 = arith.constant 1472 : index
    %get3A_3485 = tpu.vector_load %arg10[%get3A_3484] {strides = array<i32>} : memref<1600xi32, #tpu.memory_space<vmem>>, vector<16xi32>,
    %gather3A_3486 = tpu.vector_load_idx %arg11[%add3A_3483, %get3A_3485] : memref<1600x16xf32, #tpu.memory_space<vmem>>[vector<16xi32>, vector<16xi32>], vector<16xf32>,
    %get3A_3487 = arith.constant 0 : index
    %get3A_3488 = tpu.vector_load %arg13[%get3A_3487] {strides = array<i32>} : memref<16xf32, #tpu.memory_space<vmem>>, vector<16xf32>,
    %sub3A_3489 = arith.subf %gather3A_3479, %gather3A_3486 : vector<16xf32>
    %add3A_3490 = arith.addf %get3A_3488, %sub3A_3489 : vector<16xf32>
    %swap3A_3491 = arith.constant 0 : index
    %swap3A_3492 = tpu.vector_load %arg13[%swap3A_3491] {strides = array<i32>} : memref<16xf32, #tpu.memory_space<vmem>>, vector<16xf32>,
    tpu.vector_store %arg13[%swap3A_3491], %add3A_3490 {strides = array<i32>} : memref<16xf32, #tpu.memory_space<vmem>>, vector<16xf32>,
    %get3A_3493 = arith.constant 1488 : index
    %get3A_3494 = tpu.vector_load %arg7[%get3A_3493] {strides = array<i32>} : memref<1600xi32, #tpu.memory_space<vmem>>, vector<16xi32>,
    %gather3A_3495 = tpu.vector_load_idx %arg12[%get3A_3494] : memref<1000xf32, #tpu.memory_space<vmem>>[vector<16xi32>], vector<16xf32>,
    %iota3A_3496 = tpu.iota {dimensions = array<i32: 0>} : vector<16xi32>
    %add3A_3497 = arith.constant 1488 : i32
    %add3A_3498 = vector.broadcast %add3A_3497 : i32 to vector<16xi32>
    %add3A_3499 = arith.addi %iota3A_3496, %add3A_3498 : vector<16xi32>
    %get3A_3500 = arith.constant 1488 : index
    %get3A_3501 = tpu.vector_load %arg10[%get3A_3500] {strides = array<i32>} : memref<1600xi32, #tpu.memory_space<vmem>>, vector<16xi32>,
    %gather3A_3502 = tpu.vector_load_idx %arg11[%add3A_3499, %get3A_3501] : memref<1600x16xf32, #tpu.memory_space<vmem>>[vector<16xi32>, vector<16xi32>], vector<16xf32>,
    %get3A_3503 = arith.constant 0 : index
    %get3A_3504 = tpu.vector_load %arg13[%get3A_3503] {strides = array<i32>} : memref<16xf32, #tpu.memory_space<vmem>>, vector<16xf32>,
    %sub3A_3505 = arith.subf %gather3A_3495, %gather3A_3502 : vector<16xf32>
    %add3A_3506 = arith.addf %get3A_3504, %sub3A_3505 : vector<16xf32>
    %swap3A_3507 = arith.constant 0 : index
    %swap3A_3508 = tpu.vector_load %arg13[%swap3A_3507] {strides = array<i32>} : memref<16xf32, #tpu.memory_space<vmem>>, vector<16xf32>,
    tpu.vector_store %arg13[%swap3A_3507], %add3A_3506 {strides = array<i32>} : memref<16xf32, #tpu.memory_space<vmem>>, vector<16xf32>,
    %get3A_3509 = arith.constant 1504 : index
    %get3A_3510 = tpu.vector_load %arg7[%get3A_3509] {strides = array<i32>} : memref<1600xi32, #tpu.memory_space<vmem>>, vector<16xi32>,
    %gather3A_3511 = tpu.vector_load_idx %arg12[%get3A_3510] : memref<1000xf32, #tpu.memory_space<vmem>>[vector<16xi32>], vector<16xf32>,
    %iota3A_3512 = tpu.iota {dimensions = array<i32: 0>} : vector<16xi32>
    %add3A_3513 = arith.constant 1504 : i32
    %add3A_3514 = vector.broadcast %add3A_3513 : i32 to vector<16xi32>
    %add3A_3515 = arith.addi %iota3A_3512, %add3A_3514 : vector<16xi32>
    %get3A_3516 = arith.constant 1504 : index
    %get3A_3517 = tpu.vector_load %arg10[%get3A_3516] {strides = array<i32>} : memref<1600xi32, #tpu.memory_space<vmem>>, vector<16xi32>,
    %gather3A_3518 = tpu.vector_load_idx %arg11[%add3A_3515, %get3A_3517] : memref<1600x16xf32, #tpu.memory_space<vmem>>[vector<16xi32>, vector<16xi32>], vector<16xf32>,
    %get3A_3519 = arith.constant 0 : index
    %get3A_3520 = tpu.vector_load %arg13[%get3A_3519] {strides = array<i32>} : memref<16xf32, #tpu.memory_space<vmem>>, vector<16xf32>,
    %sub3A_3521 = arith.subf %gather3A_3511, %gather3A_3518 : vector<16xf32>
    %add3A_3522 = arith.addf %get3A_3520, %sub3A_3521 : vector<16xf32>
    %swap3A_3523 = arith.constant 0 : index
    %swap3A_3524 = tpu.vector_load %arg13[%swap3A_3523] {strides = array<i32>} : memref<16xf32, #tpu.memory_space<vmem>>, vector<16xf32>,
    tpu.vector_store %arg13[%swap3A_3523], %add3A_3522 {strides = array<i32>} : memref<16xf32, #tpu.memory_space<vmem>>, vector<16xf32>,
    %get3A_3525 = arith.constant 1520 : index
    %get3A_3526 = tpu.vector_load %arg7[%get3A_3525] {strides = array<i32>} : memref<1600xi32, #tpu.memory_space<vmem>>, vector<16xi32>,
    %gather3A_3527 = tpu.vector_load_idx %arg12[%get3A_3526] : memref<1000xf32, #tpu.memory_space<vmem>>[vector<16xi32>], vector<16xf32>,
    %iota3A_3528 = tpu.iota {dimensions = array<i32: 0>} : vector<16xi32>
    %add3A_3529 = arith.constant 1520 : i32
    %add3A_3530 = vector.broadcast %add3A_3529 : i32 to vector<16xi32>
    %add3A_3531 = arith.addi %iota3A_3528, %add3A_3530 : vector<16xi32>
    %get3A_3532 = arith.constant 1520 : index
    %get3A_3533 = tpu.vector_load %arg10[%get3A_3532] {strides = array<i32>} : memref<1600xi32, #tpu.memory_space<vmem>>, vector<16xi32>,
    %gather3A_3534 = tpu.vector_load_idx %arg11[%add3A_3531, %get3A_3533] : memref<1600x16xf32, #tpu.memory_space<vmem>>[vector<16xi32>, vector<16xi32>], vector<16xf32>,
    %get3A_3535 = arith.constant 0 : index
    %get3A_3536 = tpu.vector_load %arg13[%get3A_3535] {strides = array<i32>} : memref<16xf32, #tpu.memory_space<vmem>>, vector<16xf32>,
    %sub3A_3537 = arith.subf %gather3A_3527, %gather3A_3534 : vector<16xf32>
    %add3A_3538 = arith.addf %get3A_3536, %sub3A_3537 : vector<16xf32>
    %swap3A_3539 = arith.constant 0 : index
    %swap3A_3540 = tpu.vector_load %arg13[%swap3A_3539] {strides = array<i32>} : memref<16xf32, #tpu.memory_space<vmem>>, vector<16xf32>,
    tpu.vector_store %arg13[%swap3A_3539], %add3A_3538 {strides = array<i32>} : memref<16xf32, #tpu.memory_space<vmem>>, vector<16xf32>,
    %get3A_3541 = arith.constant 1536 : index
    %get3A_3542 = tpu.vector_load %arg7[%get3A_3541] {strides = array<i32>} : memref<1600xi32, #tpu.memory_space<vmem>>, vector<16xi32>,
    %gather3A_3543 = tpu.vector_load_idx %arg12[%get3A_3542] : memref<1000xf32, #tpu.memory_space<vmem>>[vector<16xi32>], vector<16xf32>,
    %iota3A_3544 = tpu.iota {dimensions = array<i32: 0>} : vector<16xi32>
    %add3A_3545 = arith.constant 1536 : i32
    %add3A_3546 = vector.broadcast %add3A_3545 : i32 to vector<16xi32>
    %add3A_3547 = arith.addi %iota3A_3544, %add3A_3546 : vector<16xi32>
    %get3A_3548 = arith.constant 1536 : index
    %get3A_3549 = tpu.vector_load %arg10[%get3A_3548] {strides = array<i32>} : memref<1600xi32, #tpu.memory_space<vmem>>, vector<16xi32>,
    %gather3A_3550 = tpu.vector_load_idx %arg11[%add3A_3547, %get3A_3549] : memref<1600x16xf32, #tpu.memory_space<vmem>>[vector<16xi32>, vector<16xi32>], vector<16xf32>,
    %get3A_3551 = arith.constant 0 : index
    %get3A_3552 = tpu.vector_load %arg13[%get3A_3551] {strides = array<i32>} : memref<16xf32, #tpu.memory_space<vmem>>, vector<16xf32>,
    %sub3A_3553 = arith.subf %gather3A_3543, %gather3A_3550 : vector<16xf32>
    %add3A_3554 = arith.addf %get3A_3552, %sub3A_3553 : vector<16xf32>
    %swap3A_3555 = arith.constant 0 : index
    %swap3A_3556 = tpu.vector_load %arg13[%swap3A_3555] {strides = array<i32>} : memref<16xf32, #tpu.memory_space<vmem>>, vector<16xf32>,
    tpu.vector_store %arg13[%swap3A_3555], %add3A_3554 {strides = array<i32>} : memref<16xf32, #tpu.memory_space<vmem>>, vector<16xf32>,
    %get3A_3557 = arith.constant 1552 : index
    %get3A_3558 = tpu.vector_load %arg7[%get3A_3557] {strides = array<i32>} : memref<1600xi32, #tpu.memory_space<vmem>>, vector<16xi32>,
    %gather3A_3559 = tpu.vector_load_idx %arg12[%get3A_3558] : memref<1000xf32, #tpu.memory_space<vmem>>[vector<16xi32>], vector<16xf32>,
    %iota3A_3560 = tpu.iota {dimensions = array<i32: 0>} : vector<16xi32>
    %add3A_3561 = arith.constant 1552 : i32
    %add3A_3562 = vector.broadcast %add3A_3561 : i32 to vector<16xi32>
    %add3A_3563 = arith.addi %iota3A_3560, %add3A_3562 : vector<16xi32>
    %get3A_3564 = arith.constant 1552 : index
    %get3A_3565 = tpu.vector_load %arg10[%get3A_3564] {strides = array<i32>} : memref<1600xi32, #tpu.memory_space<vmem>>, vector<16xi32>,
    %gather3A_3566 = tpu.vector_load_idx %arg11[%add3A_3563, %get3A_3565] : memref<1600x16xf32, #tpu.memory_space<vmem>>[vector<16xi32>, vector<16xi32>], vector<16xf32>,
    %get3A_3567 = arith.constant 0 : index
    %get3A_3568 = tpu.vector_load %arg13[%get3A_3567] {strides = array<i32>} : memref<16xf32, #tpu.memory_space<vmem>>, vector<16xf32>,
    %sub3A_3569 = arith.subf %gather3A_3559, %gather3A_3566 : vector<16xf32>
    %add3A_3570 = arith.addf %get3A_3568, %sub3A_3569 : vector<16xf32>
    %swap3A_3571 = arith.constant 0 : index
    %swap3A_3572 = tpu.vector_load %arg13[%swap3A_3571] {strides = array<i32>} : memref<16xf32, #tpu.memory_space<vmem>>, vector<16xf32>,
    tpu.vector_store %arg13[%swap3A_3571], %add3A_3570 {strides = array<i32>} : memref<16xf32, #tpu.memory_space<vmem>>, vector<16xf32>,
    %get3A_3573 = arith.constant 1568 : index
    %get3A_3574 = tpu.vector_load %arg7[%get3A_3573] {strides = array<i32>} : memref<1600xi32, #tpu.memory_space<vmem>>, vector<16xi32>,
    %gather3A_3575 = tpu.vector_load_idx %arg12[%get3A_3574] : memref<1000xf32, #tpu.memory_space<vmem>>[vector<16xi32>], vector<16xf32>,
    %iota3A_3576 = tpu.iota {dimensions = array<i32: 0>} : vector<16xi32>
    %add3A_3577 = arith.constant 1568 : i32
    %add3A_3578 = vector.broadcast %add3A_3577 : i32 to vector<16xi32>
    %add3A_3579 = arith.addi %iota3A_3576, %add3A_3578 : vector<16xi32>
    %get3A_3580 = arith.constant 1568 : index
    %get3A_3581 = tpu.vector_load %arg10[%get3A_3580] {strides = array<i32>} : memref<1600xi32, #tpu.memory_space<vmem>>, vector<16xi32>,
    %gather3A_3582 = tpu.vector_load_idx %arg11[%add3A_3579, %get3A_3581] : memref<1600x16xf32, #tpu.memory_space<vmem>>[vector<16xi32>, vector<16xi32>], vector<16xf32>,
    %get3A_3583 = arith.constant 0 : index
    %get3A_3584 = tpu.vector_load %arg13[%get3A_3583] {strides = array<i32>} : memref<16xf32, #tpu.memory_space<vmem>>, vector<16xf32>,
    %sub3A_3585 = arith.subf %gather3A_3575, %gather3A_3582 : vector<16xf32>
    %add3A_3586 = arith.addf %get3A_3584, %sub3A_3585 : vector<16xf32>
    %swap3A_3587 = arith.constant 0 : index
    %swap3A_3588 = tpu.vector_load %arg13[%swap3A_3587] {strides = array<i32>} : memref<16xf32, #tpu.memory_space<vmem>>, vector<16xf32>,
    tpu.vector_store %arg13[%swap3A_3587], %add3A_3586 {strides = array<i32>} : memref<16xf32, #tpu.memory_space<vmem>>, vector<16xf32>,
    %get3A_3589 = arith.constant 1584 : index
    %get3A_3590 = tpu.vector_load %arg7[%get3A_3589] {strides = array<i32>} : memref<1600xi32, #tpu.memory_space<vmem>>, vector<16xi32>,
    %gather3A_3591 = tpu.vector_load_idx %arg12[%get3A_3590] : memref<1000xf32, #tpu.memory_space<vmem>>[vector<16xi32>], vector<16xf32>,
    %iota3A_3592 = tpu.iota {dimensions = array<i32: 0>} : vector<16xi32>
    %add3A_3593 = arith.constant 1584 : i32
    %add3A_3594 = vector.broadcast %add3A_3593 : i32 to vector<16xi32>
    %add3A_3595 = arith.addi %iota3A_3592, %add3A_3594 : vector<16xi32>
    %get3A_3596 = arith.constant 1584 : index
    %get3A_3597 = tpu.vector_load %arg10[%get3A_3596] {strides = array<i32>} : memref<1600xi32, #tpu.memory_space<vmem>>, vector<16xi32>,
    %gather3A_3598 = tpu.vector_load_idx %arg11[%add3A_3595, %get3A_3597] : memref<1600x16xf32, #tpu.memory_space<vmem>>[vector<16xi32>, vector<16xi32>], vector<16xf32>,
    %get3A_3599 = arith.constant 0 : index
    %get3A_3600 = tpu.vector_load %arg13[%get3A_3599] {strides = array<i32>} : memref<16xf32, #tpu.memory_space<vmem>>, vector<16xf32>,
    %sub3A_3601 = arith.subf %gather3A_3591, %gather3A_3598 : vector<16xf32>
    %add3A_3602 = arith.addf %get3A_3600, %sub3A_3601 : vector<16xf32>
    %swap3A_3603 = arith.constant 0 : index
    %swap3A_3604 = tpu.vector_load %arg13[%swap3A_3603] {strides = array<i32>} : memref<16xf32, #tpu.memory_space<vmem>>, vector<16xf32>,
    tpu.vector_store %arg13[%swap3A_3603], %add3A_3602 {strides = array<i32>} : memref<16xf32, #tpu.memory_space<vmem>>, vector<16xf32>,
    %mul3A_3605 = arith.constant 16 : i32
    %mul3A_3606 = arith.muli %add3A, %mul3A_3605 : i32
    "tpu.region"() ({
      %run_scoped3A = tpu.sem_alloc : memref<!tpu.dma_semaphore, #tpu.memory_space<semaphore_mem>>
      %dma_start3A_3607 = tpu.memref_slice %arg6[%mul3A_3606] : memref<512xf32, #tpu.memory_space<hbm>> -> memref<16xf32, #tpu.memory_space<hbm>>
      %dma_start3A_3608 = tpu.memref_slice %arg6[%mul3A_3606] : memref<512xf32, #tpu.memory_space<hbm>> -> memref<16xf32, #tpu.memory_space<hbm>>
      tpu.enqueue_dma source(%arg13 : memref<16xf32, #tpu.memory_space<vmem>>) target(%dma_start3A_3608 : memref<16xf32, #tpu.memory_space<hbm>>) target_semaphore(%run_scoped3A : memref<!tpu.dma_semaphore, #tpu.memory_space<semaphore_mem>>)
      %dma_wait3A_3609 = tpu.memref_slice %arg6[%mul3A_3606] : memref<512xf32, #tpu.memory_space<hbm>> -> memref<16xf32, #tpu.memory_space<hbm>>
      %dma_wait3A_3610 = tpu.memref_slice %arg6[%mul3A_3606] : memref<512xf32, #tpu.memory_space<hbm>> -> memref<16xf32, #tpu.memory_space<hbm>>
      tpu.wait_dma2 semaphore(%run_scoped3A : memref<!tpu.dma_semaphore, #tpu.memory_space<semaphore_mem>>) src(%arg13 : memref<16xf32, #tpu.memory_space<vmem>>) dst(%dma_wait3A_3610 : memref<16xf32, #tpu.memory_space<hbm>>)
      tpu.yield
    }) : () -> ()
    return
  }
}

module attributes {stable_mosaic.version = 14 : i64} {
  func.func @_lse_body(%arg0: memref<1000x1000xf32, #tpu.memory_space<vmem>>, %arg1: memref<1000x1xf32, #tpu.memory_space<vmem>>) attributes {dimension_semantics = [], scalar_prefetch = 0 : i64, scratch_operands = 0 : i64, tpu.core_type = #tpu.core_type<tc>} {
    %get3A = arith.constant 0 : index
    %get3A_0 = arith.constant 0 : index
    %get3A_1 = vector.load %arg0[%get3A, %get3A_0] : memref<1000x1000xf32, #tpu.memory_space<vmem>>, vector<1000x1000xf32>
    %reduce_max3A = arith.constant dense<0xFF800000> : vector<1000xf32>
    %reduce_max3A_2 = vector.multi_reduction <maximumf>, %get3A_1, %reduce_max3A [1] : vector<1000x1000xf32> to vector<1000xf32>
    %broadcast_in_dim3A = vector.shape_cast %reduce_max3A_2 : vector<1000xf32> to vector<1000x1xf32>
    %sub3A = vector.broadcast %broadcast_in_dim3A : vector<1000x1xf32> to vector<1000x1000xf32>
    %sub3A_3 = arith.subf %get3A_1, %sub3A : vector<1000x1000xf32>
    %exp3A = math.exp %sub3A_3 : vector<1000x1000xf32>
    %reduce_sum3A = arith.constant dense<0.000000e+00> : vector<1000xf32>
    %reduce_sum3A_4 = vector.multi_reduction <add>, %exp3A, %reduce_sum3A [1] : vector<1000x1000xf32> to vector<1000xf32>
    %broadcast_in_dim3A_5 = vector.shape_cast %reduce_sum3A_4 : vector<1000xf32> to vector<1000x1xf32>
    %log3A = math.log %broadcast_in_dim3A_5 : vector<1000x1xf32>
    %add3A = arith.addf %log3A, %broadcast_in_dim3A : vector<1000x1xf32>
    %swap3A = arith.constant 0 : index
    %swap3A_6 = arith.constant 0 : index
    %swap3A_7 = vector.load %arg1[%swap3A, %swap3A_6] : memref<1000x1xf32, #tpu.memory_space<vmem>>, vector<1000x1xf32>
    tpu.vector_store %arg1[%swap3A, %swap3A_6], %add3A {strides = array<i32>} : memref<1000x1xf32, #tpu.memory_space<vmem>>, vector<1000x1xf32>,
    return
  }
}

module attributes {stable_mosaic.version = 14 : i64} {
  func.func @_mm_body(%arg0: i32, %arg1: memref<2x1x1024xi32, #tpu.memory_space<vmem>>, %arg2: memref<1000x1000xbf16, #tpu.memory_space<vmem>>, %arg3: memref<2x1000x1024xf32, #tpu.memory_space<vmem>>) attributes {dimension_semantics = [#tpu.dimension_semantics<arbitrary>], iteration_bounds = array<i64: 25>, scalar_prefetch = 0 : i64, scratch_operands = 0 : i64, tpu.core_type = #tpu.core_type<tc>, window_params = [{transform_indices = @transform_0, window_bounds = array<i64: 2, 1, 1024>}, {pipeline_mode = #tpu.pipeline_mode<synchronous>, transform_indices = @transform_1, window_bounds = array<i64: 1000, 1000>}, {transform_indices = @transform_2, window_bounds = array<i64: 2, 1000, 1024>}]} {
    %get3A = arith.constant 0 : index
    %get3A_0 = arith.constant 0 : index
    %get3A_1 = arith.constant 0 : index
    %get3A_2 = vector.load %arg1[%get3A, %get3A_0, %get3A_1] : memref<2x1x1024xi32, #tpu.memory_space<vmem>>, vector<1x1x1024xi32>
    %get3A_3 = vector.shape_cast %get3A_2 : vector<1x1x1024xi32> to vector<1024xi32>
    %iota3A = tpu.iota {dimensions = array<i32: 0>} : vector<1000x1024xi32>
    %broadcast_in_dim3A = vector.shape_cast %get3A_3 : vector<1024xi32> to vector<1x1024xi32>
    %eq3A = vector.broadcast %broadcast_in_dim3A : vector<1x1024xi32> to vector<1000x1024xi32>
    %eq3A_4 = arith.cmpi eq, %iota3A, %eq3A : vector<1000x1024xi32>
    %convert_element_type3A = arith.extui %eq3A_4 : vector<1000x1024xi1> to vector<1000x1024xi32>
    %convert_element_type3A_5 = arith.sitofp %convert_element_type3A : vector<1000x1024xi32> to vector<1000x1024xf32>
    %convert_element_type3A_6 = arith.truncf %convert_element_type3A_5 : vector<1000x1024xf32> to vector<1000x1024xbf16>
    %get3A_7 = arith.constant 0 : index
    %get3A_8 = arith.constant 0 : index
    %get3A_9 = vector.load %arg2[%get3A_7, %get3A_8] : memref<1000x1000xbf16, #tpu.memory_space<vmem>>, vector<1000x1000xbf16>
    %dot_general3A = arith.constant dense<0.000000e+00> : vector<1000x1024xf32>
    %dot_general3A_10 = tpu.matmul %get3A_9, %convert_element_type3A_6, %dot_general3A {dimension_numbers = #tpu.dot_dimension_numbers<[1], [0], [0], [1], [0, 0, 1, 1], [], []>, transpose_lhs_hint = false} : vector<1000x1000xbf16>, vector<1000x1024xbf16>, vector<1000x1024xf32> -> vector<1000x1024xf32>
    %swap3A = arith.constant 0 : index
    %swap3A_11 = arith.constant 0 : index
    %swap3A_12 = arith.constant 0 : index
    %swap3A_13 = vector.load %arg3[%swap3A, %swap3A_11, %swap3A_12] : memref<2x1000x1024xf32, #tpu.memory_space<vmem>>, vector<1x1000x1024xf32>
    %swap3A_14 = vector.shape_cast %swap3A_13 : vector<1x1000x1024xf32> to vector<1000x1024xf32>
    %swap3A_15 = vector.shape_cast %dot_general3A_10 : vector<1000x1024xf32> to vector<1x1000x1024xf32>
    tpu.vector_store %arg3[%swap3A, %swap3A_11, %swap3A_12], %swap3A_15 {strides = array<i32>} : memref<2x1000x1024xf32, #tpu.memory_space<vmem>>, vector<1x1000x1024xf32>,
    %get3A_16 = arith.constant 1 : index
    %get3A_17 = arith.constant 0 : index
    %get3A_18 = arith.constant 0 : index
    %get3A_19 = vector.load %arg1[%get3A_16, %get3A_17, %get3A_18] : memref<2x1x1024xi32, #tpu.memory_space<vmem>>, vector<1x1x1024xi32>
    %get3A_20 = vector.shape_cast %get3A_19 : vector<1x1x1024xi32> to vector<1024xi32>
    %iota3A_21 = tpu.iota {dimensions = array<i32: 0>} : vector<1000x1024xi32>
    %broadcast_in_dim3A_22 = vector.shape_cast %get3A_20 : vector<1024xi32> to vector<1x1024xi32>
    %eq3A_23 = vector.broadcast %broadcast_in_dim3A_22 : vector<1x1024xi32> to vector<1000x1024xi32>
    %eq3A_24 = arith.cmpi eq, %iota3A_21, %eq3A_23 : vector<1000x1024xi32>
    %convert_element_type3A_25 = arith.extui %eq3A_24 : vector<1000x1024xi1> to vector<1000x1024xi32>
    %convert_element_type3A_26 = arith.sitofp %convert_element_type3A_25 : vector<1000x1024xi32> to vector<1000x1024xf32>
    %convert_element_type3A_27 = arith.truncf %convert_element_type3A_26 : vector<1000x1024xf32> to vector<1000x1024xbf16>
    %get3A_28 = arith.constant 0 : index
    %get3A_29 = arith.constant 0 : index
    %get3A_30 = vector.load %arg2[%get3A_28, %get3A_29] : memref<1000x1000xbf16, #tpu.memory_space<vmem>>, vector<1000x1000xbf16>
    %dot_general3A_31 = arith.constant dense<0.000000e+00> : vector<1000x1024xf32>
    %dot_general3A_32 = tpu.matmul %get3A_30, %convert_element_type3A_27, %dot_general3A_31 {dimension_numbers = #tpu.dot_dimension_numbers<[1], [0], [0], [1], [0, 0, 1, 1], [], []>, transpose_lhs_hint = false} : vector<1000x1000xbf16>, vector<1000x1024xbf16>, vector<1000x1024xf32> -> vector<1000x1024xf32>
    %swap3A_33 = arith.constant 1 : index
    %swap3A_34 = arith.constant 0 : index
    %swap3A_35 = arith.constant 0 : index
    %swap3A_36 = vector.load %arg3[%swap3A_33, %swap3A_34, %swap3A_35] : memref<2x1000x1024xf32, #tpu.memory_space<vmem>>, vector<1x1000x1024xf32>
    %swap3A_37 = vector.shape_cast %swap3A_36 : vector<1x1000x1024xf32> to vector<1000x1024xf32>
    %swap3A_38 = vector.shape_cast %dot_general3A_32 : vector<1000x1024xf32> to vector<1x1000x1024xf32>
    tpu.vector_store %arg3[%swap3A_33, %swap3A_34, %swap3A_35], %swap3A_38 {strides = array<i32>} : memref<2x1000x1024xf32, #tpu.memory_space<vmem>>, vector<1x1000x1024xf32>,
    return
  }
  func.func @transform_0(%arg0: i32) -> (i32, i32, i32) {
    %c0_i32 = arith.constant 0 : i32
    %c0_i32_0 = arith.constant 0 : i32
    %c0_i32_1 = arith.constant 0 : i32
    return %arg0, %c0_i32, %c0_i32_0 : i32, i32, i32
  }
  func.func @transform_1(%arg0: i32) -> (i32, i32) {
    %c0_i32 = arith.constant 0 : i32
    %c0_i32_0 = arith.constant 0 : i32
    %c0_i32_1 = arith.constant 0 : i32
    return %c0_i32, %c0_i32_0 : i32, i32
  }
  func.func @transform_2(%arg0: i32) -> (i32, i32, i32) {
    %c0_i32 = arith.constant 0 : i32
    %c0_i32_0 = arith.constant 0 : i32
    %c0_i32_1 = arith.constant 0 : i32
    return %arg0, %c0_i32, %c0_i32_0 : i32, i32, i32
  }
}

module attributes {stable_mosaic.version = 14 : i64} {
  func.func @_loss_body(%arg0: memref<512xf32, #tpu.memory_space<vmem>>, %arg1: memref<1x1xf32, #tpu.memory_space<vmem>>) attributes {dimension_semantics = [], scalar_prefetch = 0 : i64, scratch_operands = 0 : i64, tpu.core_type = #tpu.core_type<tc>} {
    %get3A = arith.constant 0 : index
    %get3A_0 = vector.load %arg0[%get3A] : memref<512xf32, #tpu.memory_space<vmem>>, vector<512xf32>
    %reduce_sum3A = vector.shape_cast %get3A_0 : vector<512xf32> to vector<1x512xf32>
    %reduce_sum3A_1 = arith.constant dense<0.000000e+00> : vector<1xf32>
    %reduce_sum3A_2 = vector.multi_reduction <add>, %reduce_sum3A, %reduce_sum3A_1 [1] : vector<1x512xf32> to vector<1xf32>
    %reduce_sum3A_3 = vector.shape_cast %reduce_sum3A_2 : vector<1xf32> to vector<1x1xf32>
    %reduce_sum3A_4 = vector.extract %reduce_sum3A_3[0, 0] : f32 from vector<1x1xf32>
    %reshape3A = vector.broadcast %reduce_sum3A_4 : f32 to vector<1x1xf32>
    %mul3A = arith.constant 1.95312496E-5 : f32
    %mul3A_5 = vector.broadcast %mul3A : f32 to vector<1x1xf32>
    %mul3A_6 = arith.mulf %reshape3A, %mul3A_5 : vector<1x1xf32>
    %swap3A = arith.constant 0 : index
    %swap3A_7 = arith.constant 0 : index
    %swap3A_8 = vector.load %arg1[%swap3A, %swap3A_7] : memref<1x1xf32, #tpu.memory_space<vmem>>, vector<1x1xf32>
    tpu.vector_store %arg1[%swap3A, %swap3A_7], %mul3A_6 {strides = array<i32>} : memref<1x1xf32, #tpu.memory_space<vmem>>, vector<1x1xf32>,
    return
  }
}

</mosaic_0001>

<sc_bundles>
// kernel: kernel.6.cloned.1.call-start
scs
__scs_entry_jumppad:
0x0: {  	(pc) =	sbr.rel $0x88, $3  }
0x1: {  	(tag) =	ssettag $0x0;
	lr =	simm.s32 $0x1  }
0x2: {  	[smem:$0x3F9E] =	sst lr;
	_ =	strace $0xD0000000  }
0x3: {  	_ = 	snop  }
0x4: {  	_ = 	snop  }
0x5: {  	_ = 	snop  }
0x6: {  	_ = 	snop  }
0x7: {  	_ = 	snop  }
__scs_overlays_trampoline_lowered:
0x8: {  	[smem:$0x3FAD] =	sst s0  }
0x9: {  	[smem:$0x3FAE] =	sst s1  }
0xa: {  	[smem:$0x3FAF] =	sst s2  }
0xb: {  	[smem:$0x3FB0] =	sst s3  }
0xc: {  	[smem:$0x3FB1] =	sst s4  }
0xd: {  	[smem:$0x3FB2] =	sst s5  }
0xe: {  	[smem:$0x3FB3] =	sst s6  }
0xf: {  	[smem:$0x3FB4] =	sst s7  }
0x10: {  	[smem:$0x3FB5] =	sst s8  }
0x11: {  	[smem:$0x3FB6] =	sst s9;
	s0 =	simm.s32 @!p0 $0x0  }
0x12: {  	s1 =	sld [smem:$0x3F9C];
	s0 =	simm.s32 @p0 $0x1  }
0x13: {  	[smem:$0x3FB7] =	sst s0;
	s0 =	simm.s32 @!p1 $0x0  }
0x14: {  	s2 =	sld [smem:$0x3F9B];
	s0 =	simm.s32 @p1 $0x1  }
0x15: {  	[smem:$0x3FB8] =	sst s0;
	s0 =	simm.s32 @!p2 $0x0  }
0x16: {  	s3 =	sld [smem:$0x3FDB];
	s0 =	simm.s32 @p2 $0x1  }
0x17: {  	s4 =	simm.s32 $0x1BF5;
	[smem:$0x3FBA] =	sst s0  }
0x18: {  	s0 =	sld [smem:$0x3F9D];
	_ =	swait.ge [sflag:s4], $0x0  }
0x19: {  	s7 =	sld [smem:$0x3F9E]  }
0x1a: {  	s8 =	sadd.s32 $0xFFFFE003, lr  }
0x1b: {  	s9 =	sadd.s32 $0xFFFFFEF7, lr;
	s5 =	simm.s32 $0xFFFFFFFF;
	p2 =	slt.u32 s8, $0xFFFFF086  }
0x1c: {  	p1 =	slt.u32 s9, $0xF7A;
	s5 =	simm.s32 @!p2 $0x0  }
0x1d: {  	s5 =	simm.s32 @p1 $0x1;
	p0 =	seq.s32 s7, s2  }
0x1e: {  	s7 =	smul.u32 @!p0 $0xF7A, s2;
	p2 =	seq.s32 @!p0 s5, $0x0  }
0x1f: {  	s9 =	smul.u32 $0xF7A, s1;
	s8 =	simm.s32 @!p0 $0x1BF5;
	p2 =	por !p2, p0  }
0x20: {  	[sflag:s8] =	ssyncset.s32 @!p0 $0xFFFFF086;
	s6 =	sadd.s32 @!p0 s3, s7;
	s7 =	simm.s32 @!p0 $0x108  }
0x21: {  	s3 =	sadd.s32 s3, s9;
	s6 =	sadd.s32 @!p0 $0x88, s6;
	s7 =	simm.s32 @p2 $0x1082  }
0x22: {  	[simem:s7], [sflag:s8] =	dma.local @!p0 [hbm:s6], $0xF7A  }
0x23: {  	s9 =	sor.u32 $0xD0000000, s2;
	s6 =	simm.s32 $0x108;
	_ =	swait.ge @!p0 [sflag:s8], $0x0  }
0x24: {  	s3 =	sadd.s32 $0x88, s3;
	s6 =	simm.s32 @!p1 $0x1082;
	[sflag:s4] =	ssyncset.s32 $0xFFFFF086  }
0x25: {  	[simem:s6], [sflag:s4] =	dma.local [hbm:s3], $0xF7A  }
0x26: {  	[smem:$0x3F9E] =	sst s1;
	(tag) =	ssettag s2;
	_ =	strace s9  }
0x27: {  	s1 =	sld [smem:$0x3FAE]  }
0x28: {  	s2 =	sld [smem:$0x3FAF]  }
0x29: {  	s4 =	sld [smem:$0x3FB1]  }
0x2a: {  	p0 =	seq.s32 s5, $0x0;
	s5 =	sld [smem:$0x3FB2]  }
0x2b: {  	s6 =	sld [smem:$0x3FB3]  }
0x2c: {  	s7 =	sld [smem:$0x3FB4]  }
0x2d: {  	s3 =	simm.s32 $0x108;
	s8 =	sld [smem:$0x3FB5]  }
0x2e: {  	s3 =	simm.s32 @!p0 $0x1082;
	s9 =	sld [smem:$0x3FB6]  }
0x2f: {  	lr =	sadd.s32 s0, s3;
	s0 =	sld [smem:$0x3FAD]  }
0x30: {  	s3 =	sld [smem:$0x3FB0]  }
0x31: {  	[smem:$0x3FB9] =	sst s10  }
0x32: {  	s10 =	sld [smem:$0x3FB7];
	_ =	sdelay $0x3  }
0x33: {  	p0 =	seq.s32 s10, $0x1;
	s10 =	sld [smem:$0x3FB9];
	_ =	sdelay $0x3  }
0x34: {  	[smem:$0x3FB9] =	sst s10  }
0x35: {  	s10 =	sld [smem:$0x3FB8];
	_ =	sdelay $0x3  }
0x36: {  	p1 =	seq.s32 s10, $0x1;
	s10 =	sld [smem:$0x3FB9];
	_ =	sdelay $0x3  }
0x37: {  	[smem:$0x3FB9] =	sst s10  }
0x38: {  	s10 =	sld [smem:$0x3FBA]  }
0x39: {  	_ = 	snop;
	(pc) =	sbr.ind lr, $3  }
0x3a: {  	_ = 	snop  }
0x3b: {  	_ = 	snop  }
0x3c: {  	p2 =	seq.s32 s10, $0x1;
	s10 =	sld [smem:$0x3FB9]  }
0x3d: {  	_ =	shalt  }
0x3e: {  	_ =	shalt  }
0x3f: {  	_ =	shalt  }
0x40: {  	_ =	shalt  }
0x41: {  	_ =	shalt  }
0x42: {  	_ =	shalt  }
0x43: {  	_ =	shalt  }
0x44: {  	_ =	shalt  }
0x45: {  	_ =	shalt  }
0x46: {  	_ =	shalt  }
0x47: {  	_ =	shalt  }
0x48: {  	_ =	shalt  }
0x49: {  	_ =	shalt  }
0x4a: {  	_ =	shalt  }
0x4b: {  	_ =	shalt  }
0x4c: {  	_ =	shalt  }
0x4d: {  	_ =	shalt  }
0x4e: {  	_ =	shalt  }
0x4f: {  	_ =	shalt  }
0x50: {  	_ =	shalt  }
0x51: {  	_ =	shalt  }
0x52: {  	_ =	shalt  }
0x53: {  	_ =	shalt  }
0x54: {  	_ =	shalt  }
0x55: {  	_ =	shalt  }
0x56: {  	_ =	shalt  }
0x57: {  	_ =	shalt  }
0x58: {  	_ =	shalt  }
0x59: {  	_ =	shalt  }
0x5a: {  	_ =	shalt  }
0x5b: {  	_ =	shalt  }
0x5c: {  	_ =	shalt  }
0x5d: {  	_ =	shalt  }
0x5e: {  	_ =	shalt  }
0x5f: {  	_ =	shalt  }
0x60: {  	_ =	shalt  }
0x61: {  	_ =	shalt  }
0x62: {  	_ =	shalt  }
0x63: {  	_ =	shalt  }
0x64: {  	_ =	shalt  }
0x65: {  	_ =	shalt  }
0x66: {  	_ =	shalt  }
0x67: {  	_ =	shalt  }
0x68: {  	_ =	shalt  }
0x69: {  	_ =	shalt  }
0x6a: {  	_ =	shalt  }
0x6b: {  	_ =	shalt  }
0x6c: {  	_ =	shalt  }
0x6d: {  	_ =	shalt  }
0x6e: {  	_ =	shalt  }
0x6f: {  	_ =	shalt  }
0x70: {  	_ =	shalt  }
0x71: {  	_ =	shalt  }
0x72: {  	_ =	shalt  }
0x73: {  	_ =	shalt  }
0x74: {  	_ =	shalt  }
0x75: {  	_ =	shalt  }
0x76: {  	_ =	shalt  }
0x77: {  	_ =	shalt  }
0x78: {  	_ =	shalt  }
0x79: {  	_ =	shalt  }
0x7a: {  	_ =	shalt  }
0x7b: {  	_ =	shalt  }
0x7c: {  	_ =	shalt  }
0x7d: {  	_ =	shalt  }
0x7e: {  	_ =	shalt  }
0x7f: {  	_ =	shalt  }
0x80: {  	_ =	shalt  }
0x81: {  	_ =	shalt  }
0x82: {  	_ =	shalt  }
0x83: {  	_ =	shalt  }
0x84: {  	_ =	shalt  }
0x85: {  	_ =	shalt  }
0x86: {  	_ =	shalt  }
0x87: {  	_ =	shalt  }
.Lfunc_end0:
.L_simem_size_0:
called_computation_lowered:
.L_overlay_start_0:
0x88: {  	s2 =	sld [smem:$0x3FD9]  }
0x89: {  	s3 =	sld [smem:$0x3FFE];
	_ =	sdelay $0x1  }
0x8a: {  	s1 =	srdreg.scid  }
0x8b: {  	s0 =	sand.u32 $0x1, s1  }
0x8c: {  	s16 =	sshll.u32 s0, $0xA;
	s2 =	sadd.s32 s3, s2  }
0x8d: {  	s2 =	sadd.s32 s2, s16  }
0x8e: {  	[smem:$0x3FC5] =	sst s2  }
0x8f: {  	_ = 	snop  }
0x90: {  	(tm) =	ssettm $0x1  }
0x91: {  	s17 =	sld [smem:$0x3FFB];
	_ =	sdelay $0x3  }
0x92: {  	_ =	strace s17  }
0x93: {  	s2 =	sld [smem:$0x3FFC];
	_ =	sdelay $0x3  }
0x94: {  	_ =	strace s2  }
0x95: {  	s2 =	sld [smem:$0x3FFD];
	_ =	sdelay $0x3  }
0x96: {  	_ =	strace s2  }
0x97: {  	_ =	strace $0x8FFFFFFF  }
0x98: {  	s18 =	sld [smem:$0x3FDB];
	_ =	sdelay $0x1  }
0x99: {  	s19 =	simm.s32 $_scs_section_size  }
0x9a: {  	s4 =	simm.s32 $_size__tile_overlayer_lowered;
	s5 =	simm.s32 $_tile_overlayer_lowered  }
0x9b: {  	s22 =	simm.s32 $0x1BFF;
	s21 =	sshll.u32 s5, $0x1;
	s2 =	sadd.s32 s19, s18  }
0x9c: {  	s6 =	simm.s32 $0x0;
	s20 =	sshll.u32 s4, $0x1;
	s4 =	sadd.s32 s21, s2  }
0x9d: {  	[timem:s6], [sflag:s22] =	dma.local [hbm:s4], s20  }
0x9e: {  	_ =	swait.ge [sflag:s22], s20  }
0x9f: {  	s3 =	ssub.s32 $0x0, s20;
	[sflag:s22] =	ssyncset.done $0x0  }
0xa0: {  	[sflag:s22] =	ssyncadd.s32 s3;
	_ =	sdelay $0x1  }
0xa1: {  	s23 =	simm.s32 $0x1B8B  }
0xa2: {  	_ =	swait.ge [sflag:s23], $0x1  }
0xa3: {  	[sflag:s23] =	ssyncset.done $0x0  }
0xa4: {  	s25 =	simm.s32 $0x1B8E;
	s24 =	sld [smem:$0x3FFE];
	[sflag:s23] =	ssyncadd.s32 $0xFFFFFFFF  }
0xa5: {  	s26 =	simm.s32 $execute0_lowered;
	[smem:$0x3FD2] =	sst s25  }
0xa6: {  	s4 =	sshll.u32 s26, $0x1;
	_ =	strace $0x80000046;
	[dreg:$0x1] =	wrdreg $0xFFFFFFFF  }
0xa7: {  	s28 =	simm.s32 $_size_execute0_lowered;
	s2 =	sadd.s32 s2, s4;
	[dreg:$0x0] =	wrdreg $0x0  }
0xa8: {  	s4 =	sshll.u32 s28, $0x1;
	[dreg:$0x2] =	wrdreg s2  }
0xa9: {  	[dreg:$0x3] =	wrdreg s4  }
0xaa: {  	[dreg:$0x4] =	wrdreg $0xC0  }
0xab: {  	_ =	task [dreg:s6], $0x5FFFF  }
0xac: {  	[dreg:$0x1] =	wrdreg $0xFFFFFFFF  }
0xad: {  	[dreg:$0x0] =	wrdreg $0x60  }
0xae: {  	[dreg:$0x2] =	wrdreg s24  }
0xaf: {  	[dreg:$0x3] =	wrdreg $0x9  }
0xb0: {  	_ =	task.clear_ibuf [dreg:s6], $0x4FFFF;
	_ =	strace $0x90000046  }
0xb1: {  	s29 =	simm.s32 $0x9;
	_ =	strace $0x80000048  }
0xb2: {  	_ =	swait.ge [sflag:s29], $0x1  }
0xb3: {  	[sflag:s29] =	ssyncadd.s32 $0xFFFFFFFF  }
0xb4: {  	_ =	strace $0x90000048  }
0xb5: {  	_ =	sfence  }
0xb6: {  	s30 =	sld [smem:$0x0];
	_ =	sdelay $0x2  }
0xb7: {  	s31 =	sshll.u32 s1, $0xD;
	s1 =	sshrl.u32 s1, $0x2  }
0xb8: {  	s3 =	sand.u32 $0x4000, s31;
	s1 =	sadd.s32 s1, s30  }
0xb9: {  	s0 =	sor.u32 s3, s0;
	s1 =	sshll.u32 s1, $0x11  }
0xba: {  	s0 =	sor.u32 s1, s0  }
0xbb: {  	s0 =	sadd.s32 $0x8F2B, s0  }
0xbc: {  	[sflag:s0] =	ssyncadd.remote.s32 $0x1  }
0xbd: {  	_ =	sfence.sel $0xFFFF  }
0xbe: {  	[dreg:$0x0] =	wrdreg $0xFFFFFFFF;
	(pc) =	sbr.abs _section_cstart, $3  }
0xbf: {  	[dreg:$0x1] =	wrdreg $0xFFFFFFFF  }
0xc0: {  	_ =	task.clear_ibuf [dreg:s6], $0x2FFFF;
	_ =	strace $0x9FFFFFFF  }
0xc1: {  	(tm) =	ssettm $0x7FFFFFFF  }
tec
execute0_lowered:
.L_overlay_start_1:
0x0: {  	(tag) =	ssettag $0x1  }
0x1: {  	v0 =	vlaneseq.u32  }
0x2: {  	v0 =	vmul.u32 $0x10, v0;
	_ =	sdelay $0x1  }
0x3: {  	s1 =	srdreg.scid;
	s0 =	stileid.u32;
	v1 =	vor.u32 $0x100, v0;
	v10 =	vor.u32 $0x900, v0;
	v11 =	vor.u32 $0xA00, v0  }
0x4: {  	s4 =	rddreg [dreg:$0x0];
	s21 =	simm.s32 $0x640;
	s22 =	simm.s32 $0xC80;
	v12 =	vor.u32 $0xB00, v0;
	v13 =	vor.u32 $0xC00, v0;
	v14 =	vor.u32 $0xD00, v0  }
0x5: {  	s23 =	simm.s32 $0xD00;
	s24 =	simm.s32 $0x2100;
	s25 =	simm.s32 $0xD80;
	v15 =	vor.u32 $0xE00, v0;
	v16 =	vor.u32 $0xF00, v0;
	v17 =	vor.u32 $0x1000, v0  }
0x6: {  	s26 =	simm.s32 $0x2900;
	s1 =	sand.u32 $0x1, s1;
	s3 =	sshll.u32 s0, $0x1;
	v20 =	vor.u32 $0x1300, v0;
	v21 =	vor.u32 $0x1400, v0;
	[tilespmem:$0x1FF80] =	vst v1;
	v1 =	vor.u32 $0x200, v0  }
0x7: {  	s12 =	simm.s32 $0x3900;
	s13 =	simm.s32 $0xF00;
	s5 =	sor.u32 s1, s3;
	v22 =	vor.u32 $0x1500, v0;
	v23 =	vor.u32 $0x1600, v0;
	[tilespmem:$0x1FF90] =	vst v1;
	v1 =	vor.u32 $0x300, v0  }
0x8: {  	s2 =	simm.s32 $0x0;
	s14 =	simm.s32 $0x4100;
	s6 =	smul.u32 $0xC8, s5;
	v24 =	vor.u32 $0x1700, v0;
	v25 =	vor.u32 $0x1800, v0;
	[tilespmem:$0x1FFA0] =	vst v1;
	v1 =	vor.u32 $0x400, v0  }
0x9: {  	s8 =	simm.s32 $0x1900;
	[smem:$0x7FF] =	sst s2;
	s7 =	sadd.s32 $0x22600, s4;
	v26 =	vor.u32 $0x1900, v0;
	v27 =	vor.u32 $0x1A00, v0;
	[tilespmem:$0x1FFB0] =	vst v1;
	v1 =	vor.u32 $0x500, v0  }
0xa: {  	s3 =	sadd.s32 $0x800, s4;
	s5 =	sshll.u32 s5, $0x1;
	v28 =	vor.u32 $0x1B00, v0;
	v29 =	vor.u32 $0x1C00, v0;
	v30 =	vor.u32 $0x1D00, v0;
	s6 =	sadd.s32 s6, s4;
	[tilespmem:$0x1FFC0] =	vst v1  }
0xb: {  	v31 =	vor.u32 $0x1E00, v0;
	v32 =	vor.u32 $0x1F00, v0;
	v33 =	vor.u32 $0x2000, v0;
	s18 =	sadd.s32 $0x1F200, s6;
	_ =	strace $0x80000047;
	[dreg:$0x2] =	wrdreg s7  }
0xc: {  	v34 =	vor.u32 $0x2100, v0;
	v35 =	vor.u32 $0x2200, v0;
	v36 =	vor.u32 $0x2300, v0;
	s4 =	sadd.s32 s5, s4;
	s19 =	sadd.s32 $0x20C00, s6;
	[dreg:$0x3] =	wrdreg s18  }
0xd: {  	s15 =	simm.s32 $0xF80;
	v37 =	vor.u32 $0x2400, v0;
	v38 =	vor.u32 $0x2500, v0;
	v39 =	vor.u32 $0x2600, v0;
	s4 =	sadd.s32 $0x22800, s4;
	[dreg:$0x4] =	wrdreg s19  }
0xe: {  	s16 =	simm.s32 $0x4900;
	s17 =	simm.s32 $0x1000;
	v40 =	vor.u32 $0x2700, v0;
	v41 =	vor.u32 $0x2800, v0;
	v42 =	vor.u32 $0x2900, v0;
	[dreg:$0x5] =	wrdreg s4  }
0xf: {  	s28 =	simm.s32 $0x40;
	s29 =	simm.s32 $0x1280;
	v43 =	vor.u32 $0x2A00, v0;
	v44 =	vor.u32 $0x2B00, v0;
	v45 =	vor.u32 $0x2C00, v0;
	[dreg:$0x6] =	wrdreg s21  }
0x10: {  	s30 =	simm.s32 $0x7900;
	s1 =	ssub.s32 $0x2, s1;
	v46 =	vor.u32 $0x2D00, v0;
	v47 =	vor.u32 $0x2E00, v0;
	v48 =	vor.u32 $0x2F00, v0;
	[dreg:$0x7] =	wrdreg s22  }
0x11: {  	s31 =	simm.s32 $0x1;
	s20 =	sshrl.u32 s1, $0x1;
	v49 =	vor.u32 $0x3000, v0;
	v50 =	vor.u32 $0x3100, v0;
	v51 =	vor.u32 $0x3200, v0;
	[dreg:$0x8] =	wrdreg s23  }
0x12: {  	v52 =	vor.u32 $0x3300, v0;
	v53 =	vor.u32 $0x3400, v0;
	v54 =	vor.u32 $0x3500, v0;
	s1 =	ssub.s32 s1, s20;
	s20 =	simm.s32 $0x5900;
	[dreg:$0x9] =	wrdreg s24  }
0x13: {  	v55 =	vor.u32 $0x3600, v0;
	v56 =	vor.u32 $0x3700, v0;
	v57 =	vor.u32 $0x3800, v0;
	s5 =	simm.s32 $0x2;
	s6 =	simm.s32 $0x7D00;
	[dreg:$0xa] =	wrdreg s25  }
0x14: {  	v58 =	vor.u32 $0x3900, v0;
	v59 =	vor.u32 $0x3A00, v0;
	v1 =	vor.u32 $0x600, v0;
	s4 =	smax.u32 s1, $0x1;
	s7 =	simm.s32 $0x80;
	[dreg:$0xb] =	wrdreg s26  }
0x15: {  	v18 =	vor.u32 $0x1100, v0;
	v60 =	vor.u32 $0x3B00, v0;
	[tilespmem:$0x1FFD0] =	vst v1;
	v1 =	vor.u32 $0x700, v0;
	s18 =	simm.s32 $0x5100;
	s19 =	simm.s32 $0x1080;
	s21 =	simm.s32 $0x1100  }
0x16: {  	v61 =	vor.u32 $0x3C00, v0;
	s22 =	simm.s32 $0x6100;
	s23 =	simm.s32 $0x1180;
	s24 =	simm.s32 $0x6900;
	[tilespmem:$0x1FFE0] =	vst v1;
	v1 =	vor.u32 $0x800, v0  }
0x17: {  	v19 =	vor.u32 $0x1200, v0;
	v62 =	vor.u32 $0x3D00, v0;
	v63 =	vor.u32 $0x3E00, v0;
	s25 =	simm.s32 $0x1200;
	s26 =	simm.s32 $0x7100;
	s1 =	simm.s32 $0x80E8;
	[tilespmem:$0x1FFF0] =	vst v1  }
.LBB2_1:
0x18: {  	s0 =	rddreg [dreg:$0x3]  }
0x19: {  	[tilespmem:s2], [sflag:$0x2] =	stream.linear.gather [hbm4b:s0+s2], $0x640, $0x38;
	[tilespmem:$0x80F8] =	vst v63  }
0x1a: {  	_ =	swait.ge [sflag:s5], $0x640  }
0x1b: {  	s10 =	rddreg [dreg:$0x4];
	[sflag:s5] =	ssyncset.done $0x0  }
0x1c: {  	s9 =	rddreg [dreg:$0x6];
	[sflag:s5] =	ssyncadd.s32 $0xFFFFF9C0  }
0x1d: {  	[tilespmem:s9], [sflag:$0x2] =	stream.linear.gather [hbm4b:s10+s2], $0x640, $0x38;
	[tilespmem:$0x80F8] =	vst v63  }
0x1e: {  	_ =	swait.ge [sflag:s5], $0x640  }
0x1f: {  	[sflag:s5] =	ssyncset.done $0x0  }
0x20: {  	s11 =	rddreg [dreg:$0x2];
	[sflag:s5] =	ssyncadd.s32 $0xFFFFF9C0  }
0x21: {  	[tilespmem:s6], [sflag:$0x2] =	stream.linear.gather [hbm4b:s11+s2], $0x3E8, $0x38;
	[tilespmem:$0x80F8] =	vst v63  }
0x22: {  	_ =	swait.ge [sflag:s5], $0x3E8  }
0x23: {  	[sflag:s5] =	ssyncset.done $0x0  }
0x24: {  	[sflag:s5] =	ssyncadd.s32 $0xFFFFFC18  }
0x25: {  	v1 =	vld [tilespmem:$0x0]  }
0x26: {  	v2 =	vld [tilespmem:$0x640]  }
0x27: {  	v3 =	vld [tilespmem:$0x10]  }
0x28: {  	v4 =	vld [tilespmem:$0x650]  }
0x29: {  	v5 =	vld [tilespmem:$0x20]  }
0x2a: {  	v6 =	vld [tilespmem:$0x660];
	v1 =	vmul.u32 $0x3E8, v1  }
0x2b: {  	v7 =	vld [tilespmem:$0x30]  }
0x2c: {  	v9 =	vld [tilespmem:$0x40];
	v1 =	vadd.s32 v2, v1;
	v2 =	vmul.u32 $0x3E8, v3  }
0x2d: {  	v3 =	vld [tilespmem:$0x670];
	v8 =	vshrl.u32 v1, $0x4  }
0x2e: {  	v1 =	vand.u32 $0xF, v1;
	[tilespmem:$0xC80] =	vst v8;
	v2 =	vadd.s32 v4, v2;
	v4 =	vmul.u32 $0x3E8, v5;
	v5 =	vld [tilespmem:$0x680]  }
0x2f: {  	[tilespmem:$0x12C0] =	vst v1;
	v8 =	vld [tilespmem:$0x50];
	v1 =	vshrl.u32 v2, $0x4  }
0x30: {  	[tilespmem:$0xC90] =	vst v1;
	v1 =	vand.u32 $0xF, v2;
	v2 =	vadd.s32 v6, v4;
	v4 =	vmul.u32 $0x3E8, v7;
	v6 =	vld [tilespmem:$0x690]  }
0x31: {  	v7 =	vld [tilespmem:$0x60];
	[tilespmem:$0x12D0] =	vst v1;
	v1 =	vshrl.u32 v2, $0x4  }
0x32: {  	[tilespmem:$0xCA0] =	vst v1;
	v1 =	vand.u32 $0xF, v2;
	v2 =	vadd.s32 v3, v4;
	v3 =	vmul.u32 $0x3E8, v9;
	v4 =	vld [tilespmem:$0x6A0]  }
0x33: {  	v9 =	vld [tilespmem:$0x70];
	[tilespmem:$0x12E0] =	vst v1;
	v1 =	vshrl.u32 v2, $0x4  }
0x34: {  	[tilespmem:$0xCB0] =	vst v1;
	v1 =	vand.u32 $0xF, v2;
	v2 =	vadd.s32 v5, v3;
	v3 =	vmul.u32 $0x3E8, v8;
	v5 =	vld [tilespmem:$0x6B0]  }
0x35: {  	v8 =	vld [tilespmem:$0x80];
	[tilespmem:$0x12F0] =	vst v1;
	v1 =	vshrl.u32 v2, $0x4  }
0x36: {  	[tilespmem:$0xCC0] =	vst v1;
	v1 =	vand.u32 $0xF, v2;
	v2 =	vadd.s32 v6, v3;
	v3 =	vmul.u32 $0x3E8, v7;
	v6 =	vld [tilespmem:$0x6C0]  }
0x37: {  	v7 =	vld [tilespmem:$0x90];
	[tilespmem:$0x1300] =	vst v1;
	v1 =	vshrl.u32 v2, $0x4  }
0x38: {  	[tilespmem:$0xCD0] =	vst v1;
	v1 =	vand.u32 $0xF, v2;
	v2 =	vadd.s32 v4, v3;
	v3 =	vmul.u32 $0x3E8, v9;
	v4 =	vld [tilespmem:$0x6D0]  }
0x39: {  	v9 =	vld [tilespmem:$0xA0];
	[tilespmem:$0x1310] =	vst v1;
	v1 =	vshrl.u32 v2, $0x4  }
0x3a: {  	[tilespmem:$0xCE0] =	vst v1;
	v1 =	vand.u32 $0xF, v2;
	v2 =	vadd.s32 v5, v3;
	v3 =	vmul.u32 $0x3E8, v8;
	v5 =	vld [tilespmem:$0x6E0]  }
0x3b: {  	v8 =	vld [tilespmem:$0xB0];
	[tilespmem:$0x1320] =	vst v1;
	v1 =	vshrl.u32 v2, $0x4  }
0x3c: {  	[tilespmem:$0xCF0] =	vst v1;
	v1 =	vand.u32 $0xF, v2;
	v2 =	vadd.s32 v6, v3;
	v3 =	vmul.u32 $0x3E8, v7;
	v6 =	vld [tilespmem:$0x6F0]  }
0x3d: {  	v7 =	vld [tilespmem:$0xC0];
	[tilespmem:$0x1330] =	vst v1;
	v1 =	vshrl.u32 v2, $0x4  }
0x3e: {  	[tilespmem:$0xD00] =	vst v1;
	v1 =	vand.u32 $0xF, v2;
	v2 =	vadd.s32 v4, v3;
	v3 =	vmul.u32 $0x3E8, v9;
	v4 =	vld [tilespmem:$0x700]  }
0x3f: {  	v9 =	vld [tilespmem:$0xD0];
	[tilespmem:$0x1340] =	vst v1;
	v1 =	vshrl.u32 v2, $0x4  }
0x40: {  	[tilespmem:$0xD10] =	vst v1;
	v1 =	vand.u32 $0xF, v2;
	v2 =	vadd.s32 v5, v3;
	v3 =	vmul.u32 $0x3E8, v8;
	v5 =	vld [tilespmem:$0x710]  }
0x41: {  	v8 =	vld [tilespmem:$0xE0];
	[tilespmem:$0x1350] =	vst v1;
	v1 =	vshrl.u32 v2, $0x4  }
0x42: {  	[tilespmem:$0xD20] =	vst v1;
	v1 =	vand.u32 $0xF, v2;
	v2 =	vadd.s32 v6, v3;
	v3 =	vmul.u32 $0x3E8, v7;
	v6 =	vld [tilespmem:$0x720]  }
0x43: {  	v7 =	vld [tilespmem:$0xF0];
	[tilespmem:$0x1360] =	vst v1;
	v1 =	vshrl.u32 v2, $0x4  }
0x44: {  	[tilespmem:$0xD30] =	vst v1;
	v1 =	vand.u32 $0xF, v2;
	v2 =	vadd.s32 v4, v3;
	v3 =	vmul.u32 $0x3E8, v9;
	v4 =	vld [tilespmem:$0x730]  }
0x45: {  	v9 =	vld [tilespmem:$0x100];
	[tilespmem:$0x1370] =	vst v1;
	v1 =	vshrl.u32 v2, $0x4  }
0x46: {  	[tilespmem:$0xD40] =	vst v1;
	v1 =	vand.u32 $0xF, v2;
	v2 =	vadd.s32 v5, v3;
	v3 =	vmul.u32 $0x3E8, v8;
	v5 =	vld [tilespmem:$0x740]  }
0x47: {  	v8 =	vld [tilespmem:$0x110];
	[tilespmem:$0x1380] =	vst v1;
	v1 =	vshrl.u32 v2, $0x4  }
0x48: {  	[tilespmem:$0xD50] =	vst v1;
	v1 =	vand.u32 $0xF, v2;
	v2 =	vadd.s32 v6, v3;
	v3 =	vmul.u32 $0x3E8, v7;
	v6 =	vld [tilespmem:$0x750]  }
0x49: {  	v7 =	vld [tilespmem:$0x120];
	[tilespmem:$0x1390] =	vst v1;
	v1 =	vshrl.u32 v2, $0x4  }
0x4a: {  	[tilespmem:$0xD60] =	vst v1;
	v1 =	vand.u32 $0xF, v2;
	v2 =	vadd.s32 v4, v3;
	v3 =	vmul.u32 $0x3E8, v9;
	v4 =	vld [tilespmem:$0x760]  }
0x4b: {  	v9 =	vld [tilespmem:$0x130];
	[tilespmem:$0x13A0] =	vst v1;
	v1 =	vshrl.u32 v2, $0x4  }
0x4c: {  	[tilespmem:$0xD70] =	vst v1;
	v1 =	vand.u32 $0xF, v2;
	v2 =	vadd.s32 v5, v3;
	v3 =	vmul.u32 $0x3E8, v8;
	v5 =	vld [tilespmem:$0x770]  }
0x4d: {  	v8 =	vld [tilespmem:$0x140];
	[tilespmem:$0x13B0] =	vst v1;
	v1 =	vshrl.u32 v2, $0x4  }
0x4e: {  	[tilespmem:$0xD80] =	vst v1;
	v1 =	vand.u32 $0xF, v2;
	v2 =	vadd.s32 v6, v3;
	v3 =	vmul.u32 $0x3E8, v7;
	v6 =	vld [tilespmem:$0x780]  }
0x4f: {  	v7 =	vld [tilespmem:$0x150];
	[tilespmem:$0x13C0] =	vst v1;
	v1 =	vshrl.u32 v2, $0x4  }
0x50: {  	[tilespmem:$0xD90] =	vst v1;
	v1 =	vand.u32 $0xF, v2;
	v2 =	vadd.s32 v4, v3;
	v3 =	vmul.u32 $0x3E8, v9;
	v4 =	vld [tilespmem:$0x790]  }
0x51: {  	v9 =	vld [tilespmem:$0x160];
	[tilespmem:$0x13D0] =	vst v1;
	v1 =	vshrl.u32 v2, $0x4  }
0x52: {  	[tilespmem:$0xDA0] =	vst v1;
	v1 =	vand.u32 $0xF, v2;
	v2 =	vadd.s32 v5, v3;
	v3 =	vmul.u32 $0x3E8, v8;
	v5 =	vld [tilespmem:$0x7A0]  }
0x53: {  	v8 =	vld [tilespmem:$0x170];
	[tilespmem:$0x13E0] =	vst v1;
	v1 =	vshrl.u32 v2, $0x4  }
0x54: {  	[tilespmem:$0xDB0] =	vst v1;
	v1 =	vand.u32 $0xF, v2;
	v2 =	vadd.s32 v6, v3;
	v3 =	vmul.u32 $0x3E8, v7;
	v6 =	vld [tilespmem:$0x7B0]  }
0x55: {  	v7 =	vld [tilespmem:$0x180];
	[tilespmem:$0x13F0] =	vst v1;
	v1 =	vshrl.u32 v2, $0x4  }
0x56: {  	[tilespmem:$0xDC0] =	vst v1;
	v1 =	vand.u32 $0xF, v2;
	v2 =	vadd.s32 v4, v3;
	v3 =	vmul.u32 $0x3E8, v9;
	v4 =	vld [tilespmem:$0x7C0]  }
0x57: {  	v9 =	vld [tilespmem:$0x190];
	[tilespmem:$0x1400] =	vst v1;
	v1 =	vshrl.u32 v2, $0x4  }
0x58: {  	[tilespmem:$0xDD0] =	vst v1;
	v1 =	vand.u32 $0xF, v2;
	v2 =	vadd.s32 v5, v3;
	v3 =	vmul.u32 $0x3E8, v8;
	v5 =	vld [tilespmem:$0x7D0]  }
0x59: {  	v8 =	vld [tilespmem:$0x1A0];
	[tilespmem:$0x1410] =	vst v1;
	v1 =	vshrl.u32 v2, $0x4  }
0x5a: {  	[tilespmem:$0xDE0] =	vst v1;
	v1 =	vand.u32 $0xF, v2;
	v2 =	vadd.s32 v6, v3;
	v3 =	vmul.u32 $0x3E8, v7;
	v6 =	vld [tilespmem:$0x7E0]  }
0x5b: {  	v7 =	vld [tilespmem:$0x1B0];
	[tilespmem:$0x1420] =	vst v1;
	v1 =	vshrl.u32 v2, $0x4  }
0x5c: {  	[tilespmem:$0xDF0] =	vst v1;
	v1 =	vand.u32 $0xF, v2;
	v2 =	vadd.s32 v4, v3;
	v3 =	vmul.u32 $0x3E8, v9;
	v4 =	vld [tilespmem:$0x7F0]  }
0x5d: {  	v9 =	vld [tilespmem:$0x1C0];
	[tilespmem:$0x1430] =	vst v1;
	v1 =	vshrl.u32 v2, $0x4  }
0x5e: {  	[tilespmem:$0xE00] =	vst v1;
	v1 =	vand.u32 $0xF, v2;
	v2 =	vadd.s32 v5, v3;
	v3 =	vmul.u32 $0x3E8, v8;
	v5 =	vld [tilespmem:$0x800]  }
0x5f: {  	v8 =	vld [tilespmem:$0x1D0];
	[tilespmem:$0x1440] =	vst v1;
	v1 =	vshrl.u32 v2, $0x4  }
0x60: {  	[tilespmem:$0xE10] =	vst v1;
	v1 =	vand.u32 $0xF, v2;
	v2 =	vadd.s32 v6, v3;
	v3 =	vmul.u32 $0x3E8, v7;
	v6 =	vld [tilespmem:$0x810]  }
0x61: {  	v7 =	vld [tilespmem:$0x1E0];
	[tilespmem:$0x1450] =	vst v1;
	v1 =	vshrl.u32 v2, $0x4  }
0x62: {  	[tilespmem:$0xE20] =	vst v1;
	v1 =	vand.u32 $0xF, v2;
	v2 =	vadd.s32 v4, v3;
	v3 =	vmul.u32 $0x3E8, v9;
	v4 =	vld [tilespmem:$0x820]  }
0x63: {  	v9 =	vld [tilespmem:$0x1F0];
	[tilespmem:$0x1460] =	vst v1;
	v1 =	vshrl.u32 v2, $0x4  }
0x64: {  	[tilespmem:$0xE30] =	vst v1;
	v1 =	vand.u32 $0xF, v2;
	v2 =	vadd.s32 v5, v3;
	v3 =	vmul.u32 $0x3E8, v8;
	v5 =	vld [tilespmem:$0x830]  }
0x65: {  	v8 =	vld [tilespmem:$0x200];
	[tilespmem:$0x1470] =	vst v1;
	v1 =	vshrl.u32 v2, $0x4  }
0x66: {  	[tilespmem:$0xE40] =	vst v1;
	v1 =	vand.u32 $0xF, v2;
	v2 =	vadd.s32 v6, v3;
	v3 =	vmul.u32 $0x3E8, v7;
	v6 =	vld [tilespmem:$0x840]  }
0x67: {  	v7 =	vld [tilespmem:$0x210];
	[tilespmem:$0x1480] =	vst v1;
	v1 =	vshrl.u32 v2, $0x4  }
0x68: {  	[tilespmem:$0xE50] =	vst v1;
	v1 =	vand.u32 $0xF, v2;
	v2 =	vadd.s32 v4, v3;
	v3 =	vmul.u32 $0x3E8, v9;
	v4 =	vld [tilespmem:$0x850]  }
0x69: {  	v9 =	vld [tilespmem:$0x220];
	[tilespmem:$0x1490] =	vst v1;
	v1 =	vshrl.u32 v2, $0x4  }
0x6a: {  	[tilespmem:$0xE60] =	vst v1;
	v1 =	vand.u32 $0xF, v2;
	v2 =	vadd.s32 v5, v3;
	v3 =	vmul.u32 $0x3E8, v8;
	v5 =	vld [tilespmem:$0x860]  }
0x6b: {  	v8 =	vld [tilespmem:$0x230];
	[tilespmem:$0x14A0] =	vst v1;
	v1 =	vshrl.u32 v2, $0x4  }
0x6c: {  	[tilespmem:$0xE70] =	vst v1;
	v1 =	vand.u32 $0xF, v2;
	v2 =	vadd.s32 v6, v3;
	v3 =	vmul.u32 $0x3E8, v7;
	v6 =	vld [tilespmem:$0x870]  }
0x6d: {  	v7 =	vld [tilespmem:$0x240];
	[tilespmem:$0x14B0] =	vst v1;
	v1 =	vshrl.u32 v2, $0x4  }
0x6e: {  	[tilespmem:$0xE80] =	vst v1;
	v1 =	vand.u32 $0xF, v2;
	v2 =	vadd.s32 v4, v3;
	v3 =	vmul.u32 $0x3E8, v9;
	v4 =	vld [tilespmem:$0x880]  }
0x6f: {  	v9 =	vld [tilespmem:$0x250];
	[tilespmem:$0x14C0] =	vst v1;
	v1 =	vshrl.u32 v2, $0x4  }
0x70: {  	[tilespmem:$0xE90] =	vst v1;
	v1 =	vand.u32 $0xF, v2;
	v2 =	vadd.s32 v5, v3;
	v3 =	vmul.u32 $0x3E8, v8;
	v5 =	vld [tilespmem:$0x890]  }
0x71: {  	v8 =	vld [tilespmem:$0x260];
	[tilespmem:$0x14D0] =	vst v1;
	v1 =	vshrl.u32 v2, $0x4  }
0x72: {  	[tilespmem:$0xEA0] =	vst v1;
	v1 =	vand.u32 $0xF, v2;
	v2 =	vadd.s32 v6, v3;
	v3 =	vmul.u32 $0x3E8, v7;
	v6 =	vld [tilespmem:$0x8A0]  }
0x73: {  	v7 =	vld [tilespmem:$0x270];
	[tilespmem:$0x14E0] =	vst v1;
	v1 =	vshrl.u32 v2, $0x4  }
0x74: {  	[tilespmem:$0xEB0] =	vst v1;
	v1 =	vand.u32 $0xF, v2;
	v2 =	vadd.s32 v4, v3;
	v3 =	vmul.u32 $0x3E8, v9;
	v4 =	vld [tilespmem:$0x8B0]  }
0x75: {  	v9 =	vld [tilespmem:$0x280];
	[tilespmem:$0x14F0] =	vst v1;
	v1 =	vshrl.u32 v2, $0x4  }
0x76: {  	[tilespmem:$0xEC0] =	vst v1;
	v1 =	vand.u32 $0xF, v2;
	v2 =	vadd.s32 v5, v3;
	v3 =	vmul.u32 $0x3E8, v8;
	v5 =	vld [tilespmem:$0x8C0]  }
0x77: {  	v8 =	vld [tilespmem:$0x290];
	[tilespmem:$0x1500] =	vst v1;
	v1 =	vshrl.u32 v2, $0x4  }
0x78: {  	[tilespmem:$0xED0] =	vst v1;
	v1 =	vand.u32 $0xF, v2;
	v2 =	vadd.s32 v6, v3;
	v3 =	vmul.u32 $0x3E8, v7;
	v6 =	vld [tilespmem:$0x8D0]  }
0x79: {  	v7 =	vld [tilespmem:$0x2A0];
	[tilespmem:$0x1510] =	vst v1;
	v1 =	vshrl.u32 v2, $0x4  }
0x7a: {  	[tilespmem:$0xEE0] =	vst v1;
	v1 =	vand.u32 $0xF, v2;
	v2 =	vadd.s32 v4, v3;
	v3 =	vmul.u32 $0x3E8, v9;
	v4 =	vld [tilespmem:$0x8E0]  }
0x7b: {  	v9 =	vld [tilespmem:$0x2B0];
	[tilespmem:$0x1520] =	vst v1;
	v1 =	vshrl.u32 v2, $0x4  }
0x7c: {  	[tilespmem:$0xEF0] =	vst v1;
	v1 =	vand.u32 $0xF, v2;
	v2 =	vadd.s32 v5, v3;
	v3 =	vmul.u32 $0x3E8, v8;
	v5 =	vld [tilespmem:$0x8F0]  }
0x7d: {  	v8 =	vld [tilespmem:$0x2C0];
	[tilespmem:$0x1530] =	vst v1;
	v1 =	vshrl.u32 v2, $0x4  }
0x7e: {  	[tilespmem:$0xF00] =	vst v1;
	v1 =	vand.u32 $0xF, v2;
	v2 =	vadd.s32 v6, v3;
	v3 =	vmul.u32 $0x3E8, v7;
	v6 =	vld [tilespmem:$0x900]  }
0x7f: {  	v7 =	vld [tilespmem:$0x2D0];
	[tilespmem:$0x1540] =	vst v1;
	v1 =	vshrl.u32 v2, $0x4  }
0x80: {  	[tilespmem:$0xF10] =	vst v1;
	v1 =	vand.u32 $0xF, v2;
	v2 =	vadd.s32 v4, v3;
	v3 =	vmul.u32 $0x3E8, v9;
	v4 =	vld [tilespmem:$0x910]  }
0x81: {  	v9 =	vld [tilespmem:$0x2E0];
	[tilespmem:$0x1550] =	vst v1;
	v1 =	vshrl.u32 v2, $0x4  }
0x82: {  	[tilespmem:$0xF20] =	vst v1;
	v1 =	vand.u32 $0xF, v2;
	v2 =	vadd.s32 v5, v3;
	v3 =	vmul.u32 $0x3E8, v8;
	v5 =	vld [tilespmem:$0x920]  }
0x83: {  	v8 =	vld [tilespmem:$0x2F0];
	[tilespmem:$0x1560] =	vst v1;
	v1 =	vshrl.u32 v2, $0x4  }
0x84: {  	[tilespmem:$0xF30] =	vst v1;
	v1 =	vand.u32 $0xF, v2;
	v2 =	vadd.s32 v6, v3;
	v3 =	vmul.u32 $0x3E8, v7;
	v6 =	vld [tilespmem:$0x930]  }
0x85: {  	v7 =	vld [tilespmem:$0x300];
	[tilespmem:$0x1570] =	vst v1;
	v1 =	vshrl.u32 v2, $0x4  }
0x86: {  	[tilespmem:$0xF40] =	vst v1;
	v1 =	vand.u32 $0xF, v2;
	v2 =	vadd.s32 v4, v3;
	v3 =	vmul.u32 $0x3E8, v9;
	v4 =	vld [tilespmem:$0x940]  }
0x87: {  	v9 =	vld [tilespmem:$0x310];
	[tilespmem:$0x1580] =	vst v1;
	v1 =	vshrl.u32 v2, $0x4  }
0x88: {  	[tilespmem:$0xF50] =	vst v1;
	v1 =	vand.u32 $0xF, v2;
	v2 =	vadd.s32 v5, v3;
	v3 =	vmul.u32 $0x3E8, v8;
	v5 =	vld [tilespmem:$0x950]  }
0x89: {  	v8 =	vld [tilespmem:$0x320];
	[tilespmem:$0x1590] =	vst v1;
	v1 =	vshrl.u32 v2, $0x4  }
0x8a: {  	[tilespmem:$0xF60] =	vst v1;
	v1 =	vand.u32 $0xF, v2;
	v2 =	vadd.s32 v6, v3;
	v3 =	vmul.u32 $0x3E8, v7;
	v6 =	vld [tilespmem:$0x960]  }
0x8b: {  	v7 =	vld [tilespmem:$0x330];
	[tilespmem:$0x15A0] =	vst v1;
	v1 =	vshrl.u32 v2, $0x4  }
0x8c: {  	[tilespmem:$0xF70] =	vst v1;
	v1 =	vand.u32 $0xF, v2;
	v2 =	vadd.s32 v4, v3;
	v3 =	vmul.u32 $0x3E8, v9;
	v4 =	vld [tilespmem:$0x970]  }
0x8d: {  	v9 =	vld [tilespmem:$0x340];
	[tilespmem:$0x15B0] =	vst v1;
	v1 =	vshrl.u32 v2, $0x4  }
0x8e: {  	[tilespmem:$0xF80] =	vst v1;
	v1 =	vand.u32 $0xF, v2;
	v2 =	vadd.s32 v5, v3;
	v3 =	vmul.u32 $0x3E8, v8;
	v5 =	vld [tilespmem:$0x980]  }
0x8f: {  	v8 =	vld [tilespmem:$0x350];
	[tilespmem:$0x15C0] =	vst v1;
	v1 =	vshrl.u32 v2, $0x4  }
0x90: {  	[tilespmem:$0xF90] =	vst v1;
	v1 =	vand.u32 $0xF, v2;
	v2 =	vadd.s32 v6, v3;
	v3 =	vmul.u32 $0x3E8, v7;
	v6 =	vld [tilespmem:$0x990]  }
0x91: {  	v7 =	vld [tilespmem:$0x360];
	[tilespmem:$0x15D0] =	vst v1;
	v1 =	vshrl.u32 v2, $0x4  }
0x92: {  	[tilespmem:$0xFA0] =	vst v1;
	v1 =	vand.u32 $0xF, v2;
	v2 =	vadd.s32 v4, v3;
	v3 =	vmul.u32 $0x3E8, v9;
	v4 =	vld [tilespmem:$0x9A0]  }
0x93: {  	v9 =	vld [tilespmem:$0x370];
	[tilespmem:$0x15E0] =	vst v1;
	v1 =	vshrl.u32 v2, $0x4  }
0x94: {  	[tilespmem:$0xFB0] =	vst v1;
	v1 =	vand.u32 $0xF, v2;
	v2 =	vadd.s32 v5, v3;
	v3 =	vmul.u32 $0x3E8, v8;
	v5 =	vld [tilespmem:$0x9B0]  }
0x95: {  	v8 =	vld [tilespmem:$0x380];
	[tilespmem:$0x15F0] =	vst v1;
	v1 =	vshrl.u32 v2, $0x4  }
0x96: {  	[tilespmem:$0xFC0] =	vst v1;
	v1 =	vand.u32 $0xF, v2;
	v2 =	vadd.s32 v6, v3;
	v3 =	vmul.u32 $0x3E8, v7;
	v6 =	vld [tilespmem:$0x9C0]  }
0x97: {  	v7 =	vld [tilespmem:$0x390];
	[tilespmem:$0x1600] =	vst v1;
	v1 =	vshrl.u32 v2, $0x4  }
0x98: {  	[tilespmem:$0xFD0] =	vst v1;
	v1 =	vand.u32 $0xF, v2;
	v2 =	vadd.s32 v4, v3;
	v3 =	vmul.u32 $0x3E8, v9;
	v4 =	vld [tilespmem:$0x9D0]  }
0x99: {  	v9 =	vld [tilespmem:$0x3A0];
	[tilespmem:$0x1610] =	vst v1;
	v1 =	vshrl.u32 v2, $0x4  }
0x9a: {  	[tilespmem:$0xFE0] =	vst v1;
	v1 =	vand.u32 $0xF, v2;
	v2 =	vadd.s32 v5, v3;
	v3 =	vmul.u32 $0x3E8, v8;
	v5 =	vld [tilespmem:$0x9E0]  }
0x9b: {  	v8 =	vld [tilespmem:$0x3B0];
	[tilespmem:$0x1620] =	vst v1;
	v1 =	vshrl.u32 v2, $0x4  }
0x9c: {  	[tilespmem:$0xFF0] =	vst v1;
	v1 =	vand.u32 $0xF, v2;
	v2 =	vadd.s32 v6, v3;
	v3 =	vmul.u32 $0x3E8, v7;
	v6 =	vld [tilespmem:$0x9F0]  }
0x9d: {  	v7 =	vld [tilespmem:$0x3C0];
	[tilespmem:$0x1630] =	vst v1;
	v1 =	vshrl.u32 v2, $0x4  }
0x9e: {  	[tilespmem:$0x1000] =	vst v1;
	v1 =	vand.u32 $0xF, v2;
	v2 =	vadd.s32 v4, v3;
	v3 =	vmul.u32 $0x3E8, v9;
	v4 =	vld [tilespmem:$0xA00]  }
0x9f: {  	v9 =	vld [tilespmem:$0x3D0];
	[tilespmem:$0x1640] =	vst v1;
	v1 =	vshrl.u32 v2, $0x4  }
0xa0: {  	[tilespmem:$0x1010] =	vst v1;
	v1 =	vand.u32 $0xF, v2;
	v2 =	vadd.s32 v5, v3;
	v3 =	vmul.u32 $0x3E8, v8;
	v5 =	vld [tilespmem:$0xA10]  }
0xa1: {  	v8 =	vld [tilespmem:$0x3E0];
	[tilespmem:$0x1650] =	vst v1;
	v1 =	vshrl.u32 v2, $0x4  }
0xa2: {  	[tilespmem:$0x1020] =	vst v1;
	v1 =	vand.u32 $0xF, v2;
	v2 =	vadd.s32 v6, v3;
	v3 =	vmul.u32 $0x3E8, v7;
	v6 =	vld [tilespmem:$0xA20]  }
0xa3: {  	v7 =	vld [tilespmem:$0x3F0];
	[tilespmem:$0x1660] =	vst v1;
	v1 =	vshrl.u32 v2, $0x4  }
0xa4: {  	[tilespmem:$0x1030] =	vst v1;
	v1 =	vand.u32 $0xF, v2;
	v2 =	vadd.s32 v4, v3;
	v3 =	vmul.u32 $0x3E8, v9;
	v4 =	vld [tilespmem:$0xA30]  }
0xa5: {  	v9 =	vld [tilespmem:$0x400];
	[tilespmem:$0x1670] =	vst v1;
	v1 =	vshrl.u32 v2, $0x4  }
0xa6: {  	[tilespmem:$0x1040] =	vst v1;
	v1 =	vand.u32 $0xF, v2;
	v2 =	vadd.s32 v5, v3;
	v3 =	vmul.u32 $0x3E8, v8;
	v5 =	vld [tilespmem:$0xA40]  }
0xa7: {  	v8 =	vld [tilespmem:$0x410];
	[tilespmem:$0x1680] =	vst v1;
	v1 =	vshrl.u32 v2, $0x4  }
0xa8: {  	[tilespmem:$0x1050] =	vst v1;
	v1 =	vand.u32 $0xF, v2;
	v2 =	vadd.s32 v6, v3;
	v3 =	vmul.u32 $0x3E8, v7;
	v6 =	vld [tilespmem:$0xA50]  }
0xa9: {  	v7 =	vld [tilespmem:$0x420];
	[tilespmem:$0x1690] =	vst v1;
	v1 =	vshrl.u32 v2, $0x4  }
0xaa: {  	[tilespmem:$0x1060] =	vst v1;
	v1 =	vand.u32 $0xF, v2;
	v2 =	vadd.s32 v4, v3;
	v3 =	vmul.u32 $0x3E8, v9;
	v4 =	vld [tilespmem:$0xA60]  }
0xab: {  	v9 =	vld [tilespmem:$0x430];
	[tilespmem:$0x16A0] =	vst v1;
	v1 =	vshrl.u32 v2, $0x4  }
0xac: {  	[tilespmem:$0x1070] =	vst v1;
	v1 =	vand.u32 $0xF, v2;
	v2 =	vadd.s32 v5, v3;
	v3 =	vmul.u32 $0x3E8, v8;
	v5 =	vld [tilespmem:$0xA70]  }
0xad: {  	v8 =	vld [tilespmem:$0x440];
	[tilespmem:$0x16B0] =	vst v1;
	v1 =	vshrl.u32 v2, $0x4  }
0xae: {  	[tilespmem:$0x1080] =	vst v1;
	v1 =	vand.u32 $0xF, v2;
	v2 =	vadd.s32 v6, v3;
	v3 =	vmul.u32 $0x3E8, v7;
	v6 =	vld [tilespmem:$0xA80]  }
0xaf: {  	v7 =	vld [tilespmem:$0x450];
	[tilespmem:$0x16C0] =	vst v1;
	v1 =	vshrl.u32 v2, $0x4  }
0xb0: {  	[tilespmem:$0x1090] =	vst v1;
	v1 =	vand.u32 $0xF, v2;
	v2 =	vadd.s32 v4, v3;
	v3 =	vmul.u32 $0x3E8, v9;
	v4 =	vld [tilespmem:$0xA90]  }
0xb1: {  	v9 =	vld [tilespmem:$0x460];
	[tilespmem:$0x16D0] =	vst v1;
	v1 =	vshrl.u32 v2, $0x4  }
0xb2: {  	[tilespmem:$0x10A0] =	vst v1;
	v1 =	vand.u32 $0xF, v2;
	v2 =	vadd.s32 v5, v3;
	v3 =	vmul.u32 $0x3E8, v8;
	v5 =	vld [tilespmem:$0xAA0]  }
0xb3: {  	v8 =	vld [tilespmem:$0x470];
	[tilespmem:$0x16E0] =	vst v1;
	v1 =	vshrl.u32 v2, $0x4  }
0xb4: {  	[tilespmem:$0x10B0] =	vst v1;
	v1 =	vand.u32 $0xF, v2;
	v2 =	vadd.s32 v6, v3;
	v3 =	vmul.u32 $0x3E8, v7;
	v6 =	vld [tilespmem:$0xAB0]  }
0xb5: {  	v7 =	vld [tilespmem:$0x480];
	[tilespmem:$0x16F0] =	vst v1;
	v1 =	vshrl.u32 v2, $0x4  }
0xb6: {  	[tilespmem:$0x10C0] =	vst v1;
	v1 =	vand.u32 $0xF, v2;
	v2 =	vadd.s32 v4, v3;
	v3 =	vmul.u32 $0x3E8, v9;
	v4 =	vld [tilespmem:$0xAC0]  }
0xb7: {  	v9 =	vld [tilespmem:$0x490];
	[tilespmem:$0x1700] =	vst v1;
	v1 =	vshrl.u32 v2, $0x4  }
0xb8: {  	[tilespmem:$0x10D0] =	vst v1;
	v1 =	vand.u32 $0xF, v2;
	v2 =	vadd.s32 v5, v3;
	v3 =	vmul.u32 $0x3E8, v8;
	v5 =	vld [tilespmem:$0xAD0]  }
0xb9: {  	v8 =	vld [tilespmem:$0x4A0];
	[tilespmem:$0x1710] =	vst v1;
	v1 =	vshrl.u32 v2, $0x4  }
0xba: {  	[tilespmem:$0x10E0] =	vst v1;
	v1 =	vand.u32 $0xF, v2;
	v2 =	vadd.s32 v6, v3;
	v3 =	vmul.u32 $0x3E8, v7;
	v6 =	vld [tilespmem:$0xAE0]  }
0xbb: {  	v7 =	vld [tilespmem:$0x4B0];
	[tilespmem:$0x1720] =	vst v1;
	v1 =	vshrl.u32 v2, $0x4  }
0xbc: {  	[tilespmem:$0x10F0] =	vst v1;
	v1 =	vand.u32 $0xF, v2;
	v2 =	vadd.s32 v4, v3;
	v3 =	vmul.u32 $0x3E8, v9;
	v4 =	vld [tilespmem:$0xAF0]  }
0xbd: {  	v9 =	vld [tilespmem:$0x4C0];
	[tilespmem:$0x1730] =	vst v1;
	v1 =	vshrl.u32 v2, $0x4  }
0xbe: {  	[tilespmem:$0x1100] =	vst v1;
	v1 =	vand.u32 $0xF, v2;
	v2 =	vadd.s32 v5, v3;
	v3 =	vmul.u32 $0x3E8, v8;
	v5 =	vld [tilespmem:$0xB00]  }
0xbf: {  	v8 =	vld [tilespmem:$0x4D0];
	[tilespmem:$0x1740] =	vst v1;
	v1 =	vshrl.u32 v2, $0x4  }
0xc0: {  	[tilespmem:$0x1110] =	vst v1;
	v1 =	vand.u32 $0xF, v2;
	v2 =	vadd.s32 v6, v3;
	v3 =	vmul.u32 $0x3E8, v7;
	v6 =	vld [tilespmem:$0xB10]  }
0xc1: {  	v7 =	vld [tilespmem:$0x4E0];
	[tilespmem:$0x1750] =	vst v1;
	v1 =	vshrl.u32 v2, $0x4  }
0xc2: {  	[tilespmem:$0x1120] =	vst v1;
	v1 =	vand.u32 $0xF, v2;
	v2 =	vadd.s32 v4, v3;
	v3 =	vmul.u32 $0x3E8, v9;
	v4 =	vld [tilespmem:$0xB20]  }
0xc3: {  	v9 =	vld [tilespmem:$0x4F0];
	[tilespmem:$0x1760] =	vst v1;
	v1 =	vshrl.u32 v2, $0x4  }
0xc4: {  	[tilespmem:$0x1130] =	vst v1;
	v1 =	vand.u32 $0xF, v2;
	v2 =	vadd.s32 v5, v3;
	v3 =	vmul.u32 $0x3E8, v8;
	v5 =	vld [tilespmem:$0xB30]  }
0xc5: {  	v8 =	vld [tilespmem:$0x500];
	[tilespmem:$0x1770] =	vst v1;
	v1 =	vshrl.u32 v2, $0x4  }
0xc6: {  	[tilespmem:$0x1140] =	vst v1;
	v1 =	vand.u32 $0xF, v2;
	v2 =	vadd.s32 v6, v3;
	v3 =	vmul.u32 $0x3E8, v7;
	v6 =	vld [tilespmem:$0xB40]  }
0xc7: {  	v7 =	vld [tilespmem:$0x510];
	[tilespmem:$0x1780] =	vst v1;
	v1 =	vshrl.u32 v2, $0x4  }
0xc8: {  	[tilespmem:$0x1150] =	vst v1;
	v1 =	vand.u32 $0xF, v2;
	v2 =	vadd.s32 v4, v3;
	v3 =	vmul.u32 $0x3E8, v9;
	v4 =	vld [tilespmem:$0xB50]  }
0xc9: {  	v9 =	vld [tilespmem:$0x520];
	[tilespmem:$0x1790] =	vst v1;
	v1 =	vshrl.u32 v2, $0x4  }
0xca: {  	[tilespmem:$0x1160] =	vst v1;
	v1 =	vand.u32 $0xF, v2;
	v2 =	vadd.s32 v5, v3;
	v3 =	vmul.u32 $0x3E8, v8;
	v5 =	vld [tilespmem:$0xB60]  }
0xcb: {  	v8 =	vld [tilespmem:$0x530];
	[tilespmem:$0x17A0] =	vst v1;
	v1 =	vshrl.u32 v2, $0x4  }
0xcc: {  	[tilespmem:$0x1170] =	vst v1;
	v1 =	vand.u32 $0xF, v2;
	v2 =	vadd.s32 v6, v3;
	v3 =	vmul.u32 $0x3E8, v7;
	v6 =	vld [tilespmem:$0xB70]  }
0xcd: {  	v7 =	vld [tilespmem:$0x540];
	[tilespmem:$0x17B0] =	vst v1;
	v1 =	vshrl.u32 v2, $0x4  }
0xce: {  	[tilespmem:$0x1180] =	vst v1;
	v1 =	vand.u32 $0xF, v2;
	v2 =	vadd.s32 v4, v3;
	v3 =	vmul.u32 $0x3E8, v9;
	v4 =	vld [tilespmem:$0xB80]  }
0xcf: {  	v9 =	vld [tilespmem:$0x550];
	[tilespmem:$0x17C0] =	vst v1;
	v1 =	vshrl.u32 v2, $0x4  }
0xd0: {  	[tilespmem:$0x1190] =	vst v1;
	v1 =	vand.u32 $0xF, v2;
	v2 =	vadd.s32 v5, v3;
	v3 =	vmul.u32 $0x3E8, v8;
	v5 =	vld [tilespmem:$0xB90]  }
0xd1: {  	v8 =	vld [tilespmem:$0x560];
	[tilespmem:$0x17D0] =	vst v1;
	v1 =	vshrl.u32 v2, $0x4  }
0xd2: {  	[tilespmem:$0x11A0] =	vst v1;
	v1 =	vand.u32 $0xF, v2;
	v2 =	vadd.s32 v6, v3;
	v3 =	vmul.u32 $0x3E8, v7;
	v6 =	vld [tilespmem:$0xBA0]  }
0xd3: {  	v7 =	vld [tilespmem:$0x570];
	[tilespmem:$0x17E0] =	vst v1;
	v1 =	vshrl.u32 v2, $0x4  }
0xd4: {  	[tilespmem:$0x11B0] =	vst v1;
	v1 =	vand.u32 $0xF, v2;
	v2 =	vadd.s32 v4, v3;
	v3 =	vmul.u32 $0x3E8, v9;
	v4 =	vld [tilespmem:$0xBB0]  }
0xd5: {  	v9 =	vld [tilespmem:$0x580];
	[tilespmem:$0x17F0] =	vst v1;
	v1 =	vshrl.u32 v2, $0x4  }
0xd6: {  	[tilespmem:$0x11C0] =	vst v1;
	v1 =	vand.u32 $0xF, v2;
	v2 =	vadd.s32 v5, v3;
	v3 =	vmul.u32 $0x3E8, v8;
	v5 =	vld [tilespmem:$0xBC0]  }
0xd7: {  	v8 =	vld [tilespmem:$0x590];
	[tilespmem:$0x1800] =	vst v1;
	v1 =	vshrl.u32 v2, $0x4  }
0xd8: {  	[tilespmem:$0x11D0] =	vst v1;
	v1 =	vand.u32 $0xF, v2;
	v2 =	vadd.s32 v6, v3;
	v3 =	vmul.u32 $0x3E8, v7;
	v6 =	vld [tilespmem:$0xBD0]  }
0xd9: {  	v7 =	vld [tilespmem:$0x5A0];
	[tilespmem:$0x1810] =	vst v1;
	v1 =	vshrl.u32 v2, $0x4  }
0xda: {  	[tilespmem:$0x11E0] =	vst v1;
	v1 =	vand.u32 $0xF, v2;
	v2 =	vadd.s32 v4, v3;
	v3 =	vmul.u32 $0x3E8, v9;
	v4 =	vld [tilespmem:$0xBE0]  }
0xdb: {  	v9 =	vld [tilespmem:$0x5B0];
	[tilespmem:$0x1820] =	vst v1;
	v1 =	vshrl.u32 v2, $0x4  }
0xdc: {  	[tilespmem:$0x11F0] =	vst v1;
	v1 =	vand.u32 $0xF, v2;
	v2 =	vadd.s32 v5, v3;
	v3 =	vmul.u32 $0x3E8, v8;
	v5 =	vld [tilespmem:$0xBF0]  }
0xdd: {  	v8 =	vld [tilespmem:$0x5C0];
	[tilespmem:$0x1830] =	vst v1;
	v1 =	vshrl.u32 v2, $0x4  }
0xde: {  	[tilespmem:$0x1200] =	vst v1;
	v1 =	vand.u32 $0xF, v2;
	v2 =	vadd.s32 v6, v3;
	v3 =	vmul.u32 $0x3E8, v7;
	v6 =	vld [tilespmem:$0xC00]  }
0xdf: {  	v7 =	vld [tilespmem:$0x5D0];
	[tilespmem:$0x1840] =	vst v1;
	v1 =	vshrl.u32 v2, $0x4  }
0xe0: {  	[tilespmem:$0x1210] =	vst v1;
	v1 =	vand.u32 $0xF, v2;
	v2 =	vadd.s32 v4, v3;
	v3 =	vmul.u32 $0x3E8, v9;
	v4 =	vld [tilespmem:$0xC10]  }
0xe1: {  	v9 =	vld [tilespmem:$0x5E0];
	[tilespmem:$0x1850] =	vst v1;
	v1 =	vshrl.u32 v2, $0x4  }
0xe2: {  	[tilespmem:$0x1220] =	vst v1;
	v1 =	vand.u32 $0xF, v2;
	v2 =	vadd.s32 v5, v3;
	v3 =	vmul.u32 $0x3E8, v8;
	v5 =	vld [tilespmem:$0xC20]  }
0xe3: {  	v8 =	vld [tilespmem:$0x5F0];
	[tilespmem:$0x1860] =	vst v1;
	v1 =	vshrl.u32 v2, $0x4  }
0xe4: {  	[tilespmem:$0x1230] =	vst v1;
	v1 =	vand.u32 $0xF, v2;
	v2 =	vadd.s32 v6, v3;
	v3 =	vmul.u32 $0x3E8, v7;
	v6 =	vld [tilespmem:$0xC30]  }
0xe5: {  	v7 =	vld [tilespmem:$0x600];
	[tilespmem:$0x1870] =	vst v1;
	v1 =	vshrl.u32 v2, $0x4  }
0xe6: {  	[tilespmem:$0x1240] =	vst v1;
	v1 =	vand.u32 $0xF, v2;
	v2 =	vadd.s32 v4, v3;
	v3 =	vmul.u32 $0x3E8, v9;
	v4 =	vld [tilespmem:$0xC40]  }
0xe7: {  	v9 =	vld [tilespmem:$0x610];
	[tilespmem:$0x1880] =	vst v1;
	v1 =	vshrl.u32 v2, $0x4  }
0xe8: {  	[tilespmem:$0x1250] =	vst v1;
	v1 =	vand.u32 $0xF, v2;
	v2 =	vadd.s32 v5, v3;
	v3 =	vmul.u32 $0x3E8, v8  }
0xe9: {  	v5 =	vld [tilespmem:$0xC50];
	[tilespmem:$0x1890] =	vst v1;
	v1 =	vshrl.u32 v2, $0x4  }
0xea: {  	[tilespmem:$0x1260] =	vst v1;
	v1 =	vand.u32 $0xF, v2;
	v2 =	vadd.s32 v6, v3;
	v3 =	vmul.u32 $0x3E8, v7;
	v6 =	vld [tilespmem:$0x620]  }
0xeb: {  	v7 =	vld [tilespmem:$0xC60];
	[tilespmem:$0x18A0] =	vst v1;
	v1 =	vshrl.u32 v2, $0x4  }
0xec: {  	[tilespmem:$0x1270] =	vst v1;
	v1 =	vand.u32 $0xF, v2;
	v2 =	vadd.s32 v4, v3;
	v3 =	vmul.u32 $0x3E8, v9;
	v4 =	vld [tilespmem:$0x630]  }
0xed: {  	[tilespmem:$0x18B0] =	vst v1;
	v1 =	vshrl.u32 v2, $0x4  }
0xee: {  	[tilespmem:$0x1280] =	vst v1;
	v1 =	vand.u32 $0xF, v2;
	v2 =	vadd.s32 v5, v3;
	v3 =	vld [tilespmem:$0xC70]  }
0xef: {  	[tilespmem:$0x18C0] =	vst v1;
	v1 =	vshrl.u32 v2, $0x4;
	v5 =	vmul.u32 $0x3E8, v6  }
0xf0: {  	[tilespmem:$0x1290] =	vst v1;
	v1 =	vimm.f32 $0.0e+00  }
0xf1: {  	[tilespmem:$0x80E8] =	vst v1;
	v1 =	vand.u32 $0xF, v2;
	v2 =	vadd.s32 v7, v5;
	v4 =	vmul.u32 $0x3E8, v4  }
0xf2: {  	[tilespmem:$0x18D0] =	vst v1;
	v1 =	vshrl.u32 v2, $0x4  }
0xf3: {  	[tilespmem:$0x12A0] =	vst v1;
	v1 =	vand.u32 $0xF, v2;
	v2 =	vadd.s32 v3, v4  }
0xf4: {  	s9 =	rddreg [dreg:$0x7];
	[tilespmem:$0x18E0] =	vst v1;
	v1 =	vshrl.u32 v2, $0x4  }
0xf5: {  	s0 =	rddreg [dreg:$0x8];
	[tilespmem:$0x12B0] =	vst v1;
	v1 =	vand.u32 $0xF, v2  }
0xf6: {  	s10 =	rddreg [dreg:$0xa];
	[tilespmem:$0x18F0] =	vst v1  }
0xf7: {  	[tilespmem:s8], [sflag:$0x1] =	stream.indirect.gather [hbm4b:s3+s7], $0x10, s9, s7, $0xb8;
	[tilespmem:$0x80F8] =	vst v63  }
0xf8: {  	s9 =	rddreg [dreg:$0x9]  }
0xf9: {  	[tilespmem:s9], [sflag:$0x1] =	stream.indirect.gather [hbm4b:s3+s7], $0x10, s0, s7, $0xb8;
	[tilespmem:$0x80F8] =	vst v63  }
0xfa: {  	s11 =	rddreg [dreg:$0xb]  }
0xfb: {  	[tilespmem:s11], [sflag:$0x1] =	stream.indirect.gather [hbm4b:s3+s7], $0x10, s10, s7, $0xb8;
	[tilespmem:$0x80F8] =	vst v63  }
0xfc: {  	s10 =	simm.s32 $0xE00;
	s11 =	simm.s32 $0x3100  }
0xfd: {  	[tilespmem:s11], [sflag:$0x1] =	stream.indirect.gather [hbm4b:s3+s7], $0x10, s10, s7, $0xb8;
	[tilespmem:$0x80F8] =	vst v63  }
0xfe: {  	s10 =	simm.s32 $0xE80  }
0xff: {  	[tilespmem:s12], [sflag:$0x1] =	stream.indirect.gather [hbm4b:s3+s7], $0x10, s10, s7, $0xb8;
	[tilespmem:$0x80F8] =	vst v63  }
0x100: {  	_ = 	snop  }
0x101: {  	[tilespmem:s14], [sflag:$0x1] =	stream.indirect.gather [hbm4b:s3+s7], $0x10, s13, s7, $0xb8;
	[tilespmem:$0x80F8] =	vst v63  }
0x102: {  	_ = 	snop  }
0x103: {  	[tilespmem:s16], [sflag:$0x1] =	stream.indirect.gather [hbm4b:s3+s7], $0x10, s15, s7, $0xb8;
	[tilespmem:$0x80F8] =	vst v63  }
0x104: {  	_ = 	snop  }
0x105: {  	[tilespmem:s18], [sflag:$0x1] =	stream.indirect.gather [hbm4b:s3+s7], $0x10, s17, s7, $0xb8;
	[tilespmem:$0x80F8] =	vst v63  }
0x106: {  	_ = 	snop  }
0x107: {  	[tilespmem:s20], [sflag:$0x1] =	stream.indirect.gather [hbm4b:s3+s7], $0x10, s19, s7, $0xb8;
	[tilespmem:$0x80F8] =	vst v63  }
0x108: {  	_ = 	snop  }
0x109: {  	[tilespmem:s22], [sflag:$0x1] =	stream.indirect.gather [hbm4b:s3+s7], $0x10, s21, s7, $0xb8;
	[tilespmem:$0x80F8] =	vst v63  }
0x10a: {  	_ = 	snop  }
0x10b: {  	[tilespmem:s24], [sflag:$0x1] =	stream.indirect.gather [hbm4b:s3+s7], $0x10, s23, s7, $0xb8;
	[tilespmem:$0x80F8] =	vst v63  }
0x10c: {  	_ = 	snop  }
0x10d: {  	[tilespmem:s26], [sflag:$0x1] =	stream.indirect.gather [hbm4b:s3+s7], $0x10, s25, s7, $0xb8;
	[tilespmem:$0x80F8] =	vst v63  }
0x10e: {  	_ = 	snop  }
0x10f: {  	[tilespmem:s30], [sflag:$0x1] =	stream.indirect.gather [hbm4b:s3+s28], $0x10, s29, s28, $0xb8;
	[tilespmem:$0x80F8] =	vst v63  }
0x110: {  	_ =	swait.ge [sflag:s31], $0x800  }
0x111: {  	[sflag:s31] =	ssyncset.done $0x0  }
0x112: {  	[sflag:s31] =	ssyncadd.s32 $0xFFFFF800  }
0x113: {  	_ =	swait.ge [sflag:s31], $0x800  }
0x114: {  	[sflag:s31] =	ssyncset.done $0x0  }
0x115: {  	[sflag:s31] =	ssyncadd.s32 $0xFFFFF800  }
0x116: {  	_ =	swait.ge [sflag:s31], $0x800  }
0x117: {  	[sflag:s31] =	ssyncset.done $0x0  }
0x118: {  	[sflag:s31] =	ssyncadd.s32 $0xFFFFF800  }
0x119: {  	_ =	swait.ge [sflag:s31], $0x800  }
0x11a: {  	[sflag:s31] =	ssyncset.done $0x0  }
0x11b: {  	[sflag:s31] =	ssyncadd.s32 $0xFFFFF800  }
0x11c: {  	_ =	swait.ge [sflag:s31], $0x800  }
0x11d: {  	[sflag:s31] =	ssyncset.done $0x0  }
0x11e: {  	[sflag:s31] =	ssyncadd.s32 $0xFFFFF800  }
0x11f: {  	_ =	swait.ge [sflag:s31], $0x800  }
0x120: {  	[sflag:s31] =	ssyncset.done $0x0  }
0x121: {  	[sflag:s31] =	ssyncadd.s32 $0xFFFFF800  }
0x122: {  	_ =	swait.ge [sflag:s31], $0x800  }
0x123: {  	[sflag:s31] =	ssyncset.done $0x0  }
0x124: {  	[sflag:s31] =	ssyncadd.s32 $0xFFFFF800  }
0x125: {  	_ =	swait.ge [sflag:s31], $0x800  }
0x126: {  	[sflag:s31] =	ssyncset.done $0x0  }
0x127: {  	[sflag:s31] =	ssyncadd.s32 $0xFFFFF800  }
0x128: {  	_ =	swait.ge [sflag:s31], $0x800  }
0x129: {  	[sflag:s31] =	ssyncset.done $0x0  }
0x12a: {  	[sflag:s31] =	ssyncadd.s32 $0xFFFFF800  }
0x12b: {  	_ =	swait.ge [sflag:s31], $0x800  }
0x12c: {  	[sflag:s31] =	ssyncset.done $0x0  }
0x12d: {  	[sflag:s31] =	ssyncadd.s32 $0xFFFFF800  }
0x12e: {  	_ =	swait.ge [sflag:s31], $0x800  }
0x12f: {  	[sflag:s31] =	ssyncset.done $0x0  }
0x130: {  	[sflag:s31] =	ssyncadd.s32 $0xFFFFF800  }
0x131: {  	_ =	swait.ge [sflag:s31], $0x800  }
0x132: {  	[sflag:s31] =	ssyncset.done $0x0  }
0x133: {  	[sflag:s31] =	ssyncadd.s32 $0xFFFFF800  }
0x134: {  	_ =	swait.ge [sflag:s31], $0x400  }
0x135: {  	[sflag:s31] =	ssyncset.done $0x0  }
0x136: {  	[sflag:s31] =	ssyncadd.s32 $0xFFFFFC00  }
0x137: {  	v1 =	vld [tilespmem:$0x12C0]  }
0x138: {  	v2 =	vld [tilespmem:$0x0];
	_ =	sdelay $0x3  }
0x139: {  	v1 =	vadd.s32 v0, v1;
	_ =	sdelay $0x3  }
0x13a: {  	v2 =	vld.idx.msk [tilespmem:v2+s6+$0x0], $0xffff  }
0x13b: {  	v1 =	vld.idx.msk [tilespmem:v1+s8+$0x0], $0xffff;
	_ =	sdelay $0x1  }
0x13c: {  	v3 =	vld [tilespmem:$0x80E8];
	_ =	sdelay $0x2  }
0x13d: {  	v4 =	vld [tilespmem:$0x1FF80];
	v1 =	vsub.f32 v2, v1  }
0x13e: {  	v2 =	vld [tilespmem:$0x12D0]  }
0x13f: {  	v1 =	vadd.f32 v1, v3;
	v3 =	vld [tilespmem:$0x10];
	_ =	sdelay $0x3  }
0x140: {  	v2 =	vadd.s32 v4, v2;
	_ =	sdelay $0x2  }
0x141: {  	[tilespmem:$0x80E8] =	vst v1  }
0x142: {  	v3 =	vld.idx.msk [tilespmem:v3+s6+$0x0], $0xffff  }
0x143: {  	v2 =	vld.idx.msk [tilespmem:v2+s8+$0x0], $0xffff;
	_ =	sdelay $0x2  }
0x144: {  	v5 =	vld [tilespmem:$0x20]  }
0x145: {  	v4 =	vld [tilespmem:$0x12E0]  }
0x146: {  	v2 =	vsub.f32 v3, v2;
	v3 =	vld [tilespmem:$0x1FF90];
	_ =	sdelay $0x4  }
0x147: {  	v3 =	vadd.s32 v3, v4  }
0x148: {  	v1 =	vadd.f32 v2, v1;
	_ =	sdelay $0x1  }
0x149: {  	[tilespmem:$0x80E8] =	vst v1  }
0x14a: {  	v2 =	vld.idx.msk [tilespmem:v5+s6+$0x0], $0xffff  }
0x14b: {  	v3 =	vld.idx.msk [tilespmem:v3+s8+$0x0], $0xffff;
	_ =	sdelay $0x3  }
0x14c: {  	v4 =	vld [tilespmem:$0x12F0]  }
0x14d: {  	v2 =	vsub.f32 v2, v3;
	v3 =	vld [tilespmem:$0x1FFA0]  }
0x14e: {  	v5 =	vld [tilespmem:$0x30];
	_ =	sdelay $0x3  }
0x14f: {  	v3 =	vadd.s32 v3, v4  }
0x150: {  	v1 =	vadd.f32 v2, v1;
	_ =	sdelay $0x1  }
0x151: {  	[tilespmem:$0x80E8] =	vst v1  }
0x152: {  	v2 =	vld.idx.msk [tilespmem:v5+s6+$0x0], $0xffff  }
0x153: {  	v3 =	vld.idx.msk [tilespmem:v3+s8+$0x0], $0xffff;
	_ =	sdelay $0x3  }
0x154: {  	v4 =	vld [tilespmem:$0x1300]  }
0x155: {  	v2 =	vsub.f32 v2, v3;
	v3 =	vld [tilespmem:$0x1FFB0]  }
0x156: {  	v5 =	vld [tilespmem:$0x40];
	_ =	sdelay $0x3  }
0x157: {  	v3 =	vadd.s32 v3, v4  }
0x158: {  	v1 =	vadd.f32 v2, v1;
	_ =	sdelay $0x1  }
0x159: {  	[tilespmem:$0x80E8] =	vst v1  }
0x15a: {  	v2 =	vld.idx.msk [tilespmem:v5+s6+$0x0], $0xffff  }
0x15b: {  	v3 =	vld.idx.msk [tilespmem:v3+s8+$0x0], $0xffff;
	_ =	sdelay $0x3  }
0x15c: {  	v4 =	vld [tilespmem:$0x1310]  }
0x15d: {  	v2 =	vsub.f32 v2, v3;
	v3 =	vld [tilespmem:$0x1FFC0]  }
0x15e: {  	v5 =	vld [tilespmem:$0x50];
	_ =	sdelay $0x3  }
0x15f: {  	v3 =	vadd.s32 v3, v4  }
0x160: {  	v1 =	vadd.f32 v2, v1;
	_ =	sdelay $0x1  }
0x161: {  	[tilespmem:$0x80E8] =	vst v1  }
0x162: {  	v2 =	vld.idx.msk [tilespmem:v5+s6+$0x0], $0xffff  }
0x163: {  	v3 =	vld.idx.msk [tilespmem:v3+s8+$0x0], $0xffff;
	_ =	sdelay $0x3  }
0x164: {  	v4 =	vld [tilespmem:$0x1320]  }
0x165: {  	v2 =	vsub.f32 v2, v3;
	v3 =	vld [tilespmem:$0x1FFD0]  }
0x166: {  	v5 =	vld [tilespmem:$0x60];
	_ =	sdelay $0x3  }
0x167: {  	v3 =	vadd.s32 v3, v4  }
0x168: {  	v1 =	vadd.f32 v2, v1;
	_ =	sdelay $0x1  }
0x169: {  	[tilespmem:$0x80E8] =	vst v1  }
0x16a: {  	v2 =	vld.idx.msk [tilespmem:v5+s6+$0x0], $0xffff  }
0x16b: {  	v3 =	vld.idx.msk [tilespmem:v3+s8+$0x0], $0xffff;
	_ =	sdelay $0x3  }
0x16c: {  	v4 =	vld [tilespmem:$0x1330]  }
0x16d: {  	v2 =	vsub.f32 v2, v3;
	v3 =	vld [tilespmem:$0x1FFE0]  }
0x16e: {  	v5 =	vld [tilespmem:$0x70];
	_ =	sdelay $0x3  }
0x16f: {  	v3 =	vadd.s32 v3, v4  }
0x170: {  	v1 =	vadd.f32 v2, v1;
	_ =	sdelay $0x1  }
0x171: {  	[tilespmem:$0x80E8] =	vst v1  }
0x172: {  	v2 =	vld.idx.msk [tilespmem:v5+s6+$0x0], $0xffff  }
0x173: {  	v3 =	vld.idx.msk [tilespmem:v3+s8+$0x0], $0xffff;
	_ =	sdelay $0x3  }
0x174: {  	v4 =	vld [tilespmem:$0x1340]  }
0x175: {  	v2 =	vsub.f32 v2, v3;
	v3 =	vld [tilespmem:$0x1FFF0]  }
0x176: {  	v5 =	vld [tilespmem:$0x80];
	_ =	sdelay $0x3  }
0x177: {  	v3 =	vadd.s32 v3, v4  }
0x178: {  	v1 =	vadd.f32 v2, v1;
	_ =	sdelay $0x1  }
0x179: {  	[tilespmem:$0x80E8] =	vst v1  }
0x17a: {  	v2 =	vld.idx.msk [tilespmem:v5+s6+$0x0], $0xffff  }
0x17b: {  	v3 =	vld.idx.msk [tilespmem:v3+s8+$0x0], $0xffff  }
0x17c: {  	v4 =	vld [tilespmem:$0x1350]  }
0x17d: {  	v5 =	vld [tilespmem:$0x90];
	_ =	sdelay $0x2  }
0x17e: {  	v2 =	vsub.f32 v2, v3  }
0x17f: {  	v3 =	vadd.s32 v10, v4  }
0x180: {  	v1 =	vadd.f32 v2, v1;
	_ =	sdelay $0x1  }
0x181: {  	[tilespmem:$0x80E8] =	vst v1  }
0x182: {  	v2 =	vld.idx.msk [tilespmem:v5+s6+$0x0], $0xffff  }
0x183: {  	v3 =	vld.idx.msk [tilespmem:v3+s8+$0x0], $0xffff  }
0x184: {  	v4 =	vld [tilespmem:$0x1360]  }
0x185: {  	v5 =	vld [tilespmem:$0xA0];
	_ =	sdelay $0x2  }
0x186: {  	v2 =	vsub.f32 v2, v3  }
0x187: {  	v3 =	vadd.s32 v11, v4  }
0x188: {  	v1 =	vadd.f32 v2, v1;
	_ =	sdelay $0x1  }
0x189: {  	[tilespmem:$0x80E8] =	vst v1  }
0x18a: {  	v2 =	vld.idx.msk [tilespmem:v5+s6+$0x0], $0xffff  }
0x18b: {  	v3 =	vld.idx.msk [tilespmem:v3+s8+$0x0], $0xffff  }
0x18c: {  	v4 =	vld [tilespmem:$0x1370]  }
0x18d: {  	v5 =	vld [tilespmem:$0xB0];
	_ =	sdelay $0x2  }
0x18e: {  	v2 =	vsub.f32 v2, v3  }
0x18f: {  	v3 =	vadd.s32 v12, v4  }
0x190: {  	v1 =	vadd.f32 v2, v1;
	_ =	sdelay $0x1  }
0x191: {  	[tilespmem:$0x80E8] =	vst v1  }
0x192: {  	v2 =	vld.idx.msk [tilespmem:v5+s6+$0x0], $0xffff  }
0x193: {  	v3 =	vld.idx.msk [tilespmem:v3+s8+$0x0], $0xffff  }
0x194: {  	v4 =	vld [tilespmem:$0x1380]  }
0x195: {  	v5 =	vld [tilespmem:$0xC0];
	_ =	sdelay $0x2  }
0x196: {  	v2 =	vsub.f32 v2, v3  }
0x197: {  	v3 =	vadd.s32 v13, v4  }
0x198: {  	v1 =	vadd.f32 v2, v1;
	_ =	sdelay $0x1  }
0x199: {  	[tilespmem:$0x80E8] =	vst v1  }
0x19a: {  	v2 =	vld.idx.msk [tilespmem:v5+s6+$0x0], $0xffff  }
0x19b: {  	v3 =	vld.idx.msk [tilespmem:v3+s8+$0x0], $0xffff  }
0x19c: {  	v4 =	vld [tilespmem:$0x1390]  }
0x19d: {  	v5 =	vld [tilespmem:$0xD0];
	_ =	sdelay $0x2  }
0x19e: {  	v2 =	vsub.f32 v2, v3  }
0x19f: {  	v3 =	vadd.s32 v14, v4  }
0x1a0: {  	v1 =	vadd.f32 v2, v1;
	_ =	sdelay $0x1  }
0x1a1: {  	[tilespmem:$0x80E8] =	vst v1  }
0x1a2: {  	v2 =	vld.idx.msk [tilespmem:v5+s6+$0x0], $0xffff  }
0x1a3: {  	v3 =	vld.idx.msk [tilespmem:v3+s8+$0x0], $0xffff  }
0x1a4: {  	v4 =	vld [tilespmem:$0x13A0]  }
0x1a5: {  	v5 =	vld [tilespmem:$0xE0];
	_ =	sdelay $0x2  }
0x1a6: {  	v2 =	vsub.f32 v2, v3  }
0x1a7: {  	v3 =	vadd.s32 v15, v4  }
0x1a8: {  	v1 =	vadd.f32 v2, v1;
	_ =	sdelay $0x1  }
0x1a9: {  	[tilespmem:$0x80E8] =	vst v1  }
0x1aa: {  	v2 =	vld.idx.msk [tilespmem:v5+s6+$0x0], $0xffff  }
0x1ab: {  	v3 =	vld.idx.msk [tilespmem:v3+s8+$0x0], $0xffff  }
0x1ac: {  	v4 =	vld [tilespmem:$0x13B0]  }
0x1ad: {  	v5 =	vld [tilespmem:$0xF0];
	_ =	sdelay $0x2  }
0x1ae: {  	v2 =	vsub.f32 v2, v3  }
0x1af: {  	v3 =	vadd.s32 v16, v4  }
0x1b0: {  	v1 =	vadd.f32 v2, v1;
	_ =	sdelay $0x1  }
0x1b1: {  	[tilespmem:$0x80E8] =	vst v1  }
0x1b2: {  	v2 =	vld.idx.msk [tilespmem:v5+s6+$0x0], $0xffff  }
0x1b3: {  	v3 =	vld.idx.msk [tilespmem:v3+s8+$0x0], $0xffff  }
0x1b4: {  	v4 =	vld [tilespmem:$0x13C0]  }
0x1b5: {  	v5 =	vld [tilespmem:$0x100];
	_ =	sdelay $0x2  }
0x1b6: {  	v2 =	vsub.f32 v2, v3  }
0x1b7: {  	v3 =	vadd.s32 v17, v4  }
0x1b8: {  	v1 =	vadd.f32 v2, v1;
	_ =	sdelay $0x1  }
0x1b9: {  	[tilespmem:$0x80E8] =	vst v1  }
0x1ba: {  	v2 =	vld.idx.msk [tilespmem:v5+s6+$0x0], $0xffff  }
0x1bb: {  	v3 =	vld.idx.msk [tilespmem:v3+s8+$0x0], $0xffff  }
0x1bc: {  	v4 =	vld [tilespmem:$0x13D0]  }
0x1bd: {  	v5 =	vld [tilespmem:$0x110];
	_ =	sdelay $0x2  }
0x1be: {  	v2 =	vsub.f32 v2, v3  }
0x1bf: {  	v3 =	vadd.s32 v18, v4  }
0x1c0: {  	v1 =	vadd.f32 v2, v1;
	_ =	sdelay $0x1  }
0x1c1: {  	[tilespmem:$0x80E8] =	vst v1  }
0x1c2: {  	v2 =	vld.idx.msk [tilespmem:v5+s6+$0x0], $0xffff  }
0x1c3: {  	v3 =	vld.idx.msk [tilespmem:v3+s8+$0x0], $0xffff  }
0x1c4: {  	v4 =	vld [tilespmem:$0x13E0]  }
0x1c5: {  	v5 =	vld [tilespmem:$0x120];
	_ =	sdelay $0x2  }
0x1c6: {  	v2 =	vsub.f32 v2, v3  }
0x1c7: {  	v3 =	vadd.s32 v19, v4  }
0x1c8: {  	v1 =	vadd.f32 v2, v1;
	_ =	sdelay $0x1  }
0x1c9: {  	[tilespmem:$0x80E8] =	vst v1  }
0x1ca: {  	v2 =	vld.idx.msk [tilespmem:v5+s6+$0x0], $0xffff  }
0x1cb: {  	v3 =	vld.idx.msk [tilespmem:v3+s8+$0x0], $0xffff  }
0x1cc: {  	v4 =	vld [tilespmem:$0x13F0]  }
0x1cd: {  	v5 =	vld [tilespmem:$0x130];
	_ =	sdelay $0x2  }
0x1ce: {  	v2 =	vsub.f32 v2, v3  }
0x1cf: {  	v3 =	vadd.s32 v20, v4  }
0x1d0: {  	v1 =	vadd.f32 v2, v1;
	_ =	sdelay $0x1  }
0x1d1: {  	[tilespmem:$0x80E8] =	vst v1  }
0x1d2: {  	v2 =	vld.idx.msk [tilespmem:v5+s6+$0x0], $0xffff  }
0x1d3: {  	v3 =	vld.idx.msk [tilespmem:v3+s8+$0x0], $0xffff  }
0x1d4: {  	v4 =	vld [tilespmem:$0x1400]  }
0x1d5: {  	v5 =	vld [tilespmem:$0x140];
	_ =	sdelay $0x2  }
0x1d6: {  	v2 =	vsub.f32 v2, v3  }
0x1d7: {  	v3 =	vadd.s32 v21, v4  }
0x1d8: {  	v1 =	vadd.f32 v2, v1;
	_ =	sdelay $0x1  }
0x1d9: {  	[tilespmem:$0x80E8] =	vst v1  }
0x1da: {  	v2 =	vld.idx.msk [tilespmem:v5+s6+$0x0], $0xffff  }
0x1db: {  	v3 =	vld.idx.msk [tilespmem:v3+s8+$0x0], $0xffff  }
0x1dc: {  	v4 =	vld [tilespmem:$0x1410]  }
0x1dd: {  	v5 =	vld [tilespmem:$0x150];
	_ =	sdelay $0x2  }
0x1de: {  	v2 =	vsub.f32 v2, v3  }
0x1df: {  	v3 =	vadd.s32 v22, v4  }
0x1e0: {  	v1 =	vadd.f32 v2, v1;
	_ =	sdelay $0x1  }
0x1e1: {  	[tilespmem:$0x80E8] =	vst v1  }
0x1e2: {  	v2 =	vld.idx.msk [tilespmem:v5+s6+$0x0], $0xffff  }
0x1e3: {  	v3 =	vld.idx.msk [tilespmem:v3+s8+$0x0], $0xffff  }
0x1e4: {  	v4 =	vld [tilespmem:$0x1420]  }
0x1e5: {  	v5 =	vld [tilespmem:$0x160];
	_ =	sdelay $0x2  }
0x1e6: {  	v2 =	vsub.f32 v2, v3  }
0x1e7: {  	v3 =	vadd.s32 v23, v4  }
0x1e8: {  	v1 =	vadd.f32 v2, v1;
	_ =	sdelay $0x1  }
0x1e9: {  	[tilespmem:$0x80E8] =	vst v1  }
0x1ea: {  	v2 =	vld.idx.msk [tilespmem:v5+s6+$0x0], $0xffff  }
0x1eb: {  	v3 =	vld.idx.msk [tilespmem:v3+s8+$0x0], $0xffff  }
0x1ec: {  	v4 =	vld [tilespmem:$0x1430]  }
0x1ed: {  	v5 =	vld [tilespmem:$0x170];
	_ =	sdelay $0x2  }
0x1ee: {  	v2 =	vsub.f32 v2, v3  }
0x1ef: {  	v3 =	vadd.s32 v24, v4  }
0x1f0: {  	v1 =	vadd.f32 v2, v1;
	_ =	sdelay $0x1  }
0x1f1: {  	[tilespmem:$0x80E8] =	vst v1  }
0x1f2: {  	v2 =	vld.idx.msk [tilespmem:v5+s6+$0x0], $0xffff  }
0x1f3: {  	v3 =	vld.idx.msk [tilespmem:v3+s8+$0x0], $0xffff  }
0x1f4: {  	v4 =	vld [tilespmem:$0x1440]  }
0x1f5: {  	v5 =	vld [tilespmem:$0x180];
	_ =	sdelay $0x2  }
0x1f6: {  	v2 =	vsub.f32 v2, v3  }
0x1f7: {  	v3 =	vadd.s32 v25, v4  }
0x1f8: {  	v1 =	vadd.f32 v2, v1;
	_ =	sdelay $0x1  }
0x1f9: {  	[tilespmem:$0x80E8] =	vst v1  }
0x1fa: {  	v2 =	vld.idx.msk [tilespmem:v5+s6+$0x0], $0xffff  }
0x1fb: {  	v3 =	vld.idx.msk [tilespmem:v3+s8+$0x0], $0xffff  }
0x1fc: {  	v4 =	vld [tilespmem:$0x1450]  }
0x1fd: {  	v5 =	vld [tilespmem:$0x190];
	_ =	sdelay $0x2  }
0x1fe: {  	v2 =	vsub.f32 v2, v3  }
0x1ff: {  	v3 =	vadd.s32 v26, v4  }
0x200: {  	v1 =	vadd.f32 v2, v1;
	_ =	sdelay $0x1  }
0x201: {  	[tilespmem:$0x80E8] =	vst v1  }
0x202: {  	v2 =	vld.idx.msk [tilespmem:v5+s6+$0x0], $0xffff  }
0x203: {  	v3 =	vld.idx.msk [tilespmem:v3+s8+$0x0], $0xffff  }
0x204: {  	v4 =	vld [tilespmem:$0x1460]  }
0x205: {  	v5 =	vld [tilespmem:$0x1A0];
	_ =	sdelay $0x2  }
0x206: {  	v2 =	vsub.f32 v2, v3  }
0x207: {  	v3 =	vadd.s32 v27, v4  }
0x208: {  	v1 =	vadd.f32 v2, v1;
	_ =	sdelay $0x1  }
0x209: {  	[tilespmem:$0x80E8] =	vst v1  }
0x20a: {  	v2 =	vld.idx.msk [tilespmem:v5+s6+$0x0], $0xffff  }
0x20b: {  	v3 =	vld.idx.msk [tilespmem:v3+s8+$0x0], $0xffff  }
0x20c: {  	v4 =	vld [tilespmem:$0x1470]  }
0x20d: {  	v5 =	vld [tilespmem:$0x1B0];
	_ =	sdelay $0x2  }
0x20e: {  	v2 =	vsub.f32 v2, v3  }
0x20f: {  	v3 =	vadd.s32 v28, v4  }
0x210: {  	v1 =	vadd.f32 v2, v1;
	_ =	sdelay $0x1  }
0x211: {  	[tilespmem:$0x80E8] =	vst v1  }
0x212: {  	v2 =	vld.idx.msk [tilespmem:v5+s6+$0x0], $0xffff  }
0x213: {  	v3 =	vld.idx.msk [tilespmem:v3+s8+$0x0], $0xffff  }
0x214: {  	v4 =	vld [tilespmem:$0x1480]  }
0x215: {  	v5 =	vld [tilespmem:$0x1C0];
	_ =	sdelay $0x2  }
0x216: {  	v2 =	vsub.f32 v2, v3  }
0x217: {  	v3 =	vadd.s32 v29, v4  }
0x218: {  	v1 =	vadd.f32 v2, v1;
	_ =	sdelay $0x1  }
0x219: {  	[tilespmem:$0x80E8] =	vst v1  }
0x21a: {  	v2 =	vld.idx.msk [tilespmem:v5+s6+$0x0], $0xffff  }
0x21b: {  	v3 =	vld.idx.msk [tilespmem:v3+s8+$0x0], $0xffff  }
0x21c: {  	v4 =	vld [tilespmem:$0x1490]  }
0x21d: {  	v5 =	vld [tilespmem:$0x1D0];
	_ =	sdelay $0x2  }
0x21e: {  	v2 =	vsub.f32 v2, v3  }
0x21f: {  	v3 =	vadd.s32 v30, v4  }
0x220: {  	v1 =	vadd.f32 v2, v1;
	_ =	sdelay $0x1  }
0x221: {  	[tilespmem:$0x80E8] =	vst v1  }
0x222: {  	v2 =	vld.idx.msk [tilespmem:v5+s6+$0x0], $0xffff  }
0x223: {  	v3 =	vld.idx.msk [tilespmem:v3+s8+$0x0], $0xffff  }
0x224: {  	v4 =	vld [tilespmem:$0x14A0]  }
0x225: {  	v5 =	vld [tilespmem:$0x1E0];
	_ =	sdelay $0x2  }
0x226: {  	v2 =	vsub.f32 v2, v3  }
0x227: {  	v3 =	vadd.s32 v31, v4  }
0x228: {  	v1 =	vadd.f32 v2, v1;
	_ =	sdelay $0x1  }
0x229: {  	[tilespmem:$0x80E8] =	vst v1  }
0x22a: {  	v2 =	vld.idx.msk [tilespmem:v5+s6+$0x0], $0xffff  }
0x22b: {  	v3 =	vld.idx.msk [tilespmem:v3+s8+$0x0], $0xffff  }
0x22c: {  	v4 =	vld [tilespmem:$0x14B0]  }
0x22d: {  	v5 =	vld [tilespmem:$0x1F0];
	_ =	sdelay $0x2  }
0x22e: {  	v2 =	vsub.f32 v2, v3  }
0x22f: {  	v3 =	vadd.s32 v32, v4  }
0x230: {  	v1 =	vadd.f32 v2, v1;
	_ =	sdelay $0x1  }
0x231: {  	[tilespmem:$0x80E8] =	vst v1  }
0x232: {  	v2 =	vld.idx.msk [tilespmem:v5+s6+$0x0], $0xffff  }
0x233: {  	v3 =	vld.idx.msk [tilespmem:v3+s8+$0x0], $0xffff  }
0x234: {  	v4 =	vld [tilespmem:$0x14C0]  }
0x235: {  	v5 =	vld [tilespmem:$0x200];
	_ =	sdelay $0x2  }
0x236: {  	v2 =	vsub.f32 v2, v3  }
0x237: {  	v3 =	vadd.s32 v33, v4  }
0x238: {  	v1 =	vadd.f32 v2, v1;
	_ =	sdelay $0x1  }
0x239: {  	[tilespmem:$0x80E8] =	vst v1  }
0x23a: {  	v2 =	vld.idx.msk [tilespmem:v5+s6+$0x0], $0xffff  }
0x23b: {  	v3 =	vld.idx.msk [tilespmem:v3+s8+$0x0], $0xffff  }
0x23c: {  	v4 =	vld [tilespmem:$0x14D0]  }
0x23d: {  	v5 =	vld [tilespmem:$0x210];
	_ =	sdelay $0x2  }
0x23e: {  	v2 =	vsub.f32 v2, v3  }
0x23f: {  	v3 =	vadd.s32 v34, v4  }
0x240: {  	v1 =	vadd.f32 v2, v1;
	_ =	sdelay $0x1  }
0x241: {  	[tilespmem:$0x80E8] =	vst v1  }
0x242: {  	v2 =	vld.idx.msk [tilespmem:v5+s6+$0x0], $0xffff  }
0x243: {  	v3 =	vld.idx.msk [tilespmem:v3+s8+$0x0], $0xffff  }
0x244: {  	v4 =	vld [tilespmem:$0x14E0]  }
0x245: {  	v5 =	vld [tilespmem:$0x220];
	_ =	sdelay $0x2  }
0x246: {  	v2 =	vsub.f32 v2, v3  }
0x247: {  	v3 =	vadd.s32 v35, v4  }
0x248: {  	v1 =	vadd.f32 v2, v1;
	_ =	sdelay $0x1  }
0x249: {  	[tilespmem:$0x80E8] =	vst v1  }
0x24a: {  	v2 =	vld.idx.msk [tilespmem:v5+s6+$0x0], $0xffff  }
0x24b: {  	v3 =	vld.idx.msk [tilespmem:v3+s8+$0x0], $0xffff  }
0x24c: {  	v4 =	vld [tilespmem:$0x14F0]  }
0x24d: {  	v5 =	vld [tilespmem:$0x230];
	_ =	sdelay $0x2  }
0x24e: {  	v2 =	vsub.f32 v2, v3  }
0x24f: {  	v3 =	vadd.s32 v36, v4  }
0x250: {  	v1 =	vadd.f32 v2, v1;
	_ =	sdelay $0x1  }
0x251: {  	[tilespmem:$0x80E8] =	vst v1  }
0x252: {  	v2 =	vld.idx.msk [tilespmem:v5+s6+$0x0], $0xffff  }
0x253: {  	v3 =	vld.idx.msk [tilespmem:v3+s8+$0x0], $0xffff  }
0x254: {  	v4 =	vld [tilespmem:$0x1500]  }
0x255: {  	v5 =	vld [tilespmem:$0x240];
	_ =	sdelay $0x2  }
0x256: {  	v2 =	vsub.f32 v2, v3  }
0x257: {  	v3 =	vadd.s32 v37, v4  }
0x258: {  	v1 =	vadd.f32 v2, v1;
	_ =	sdelay $0x1  }
0x259: {  	[tilespmem:$0x80E8] =	vst v1  }
0x25a: {  	v2 =	vld.idx.msk [tilespmem:v5+s6+$0x0], $0xffff  }
0x25b: {  	v3 =	vld.idx.msk [tilespmem:v3+s8+$0x0], $0xffff  }
0x25c: {  	v4 =	vld [tilespmem:$0x1510]  }
0x25d: {  	v5 =	vld [tilespmem:$0x250];
	_ =	sdelay $0x2  }
0x25e: {  	v2 =	vsub.f32 v2, v3  }
0x25f: {  	v3 =	vadd.s32 v38, v4  }
0x260: {  	v1 =	vadd.f32 v2, v1;
	_ =	sdelay $0x1  }
0x261: {  	[tilespmem:$0x80E8] =	vst v1  }
0x262: {  	v2 =	vld.idx.msk [tilespmem:v5+s6+$0x0], $0xffff  }
0x263: {  	v3 =	vld.idx.msk [tilespmem:v3+s8+$0x0], $0xffff  }
0x264: {  	v4 =	vld [tilespmem:$0x1520]  }
0x265: {  	v5 =	vld [tilespmem:$0x260];
	_ =	sdelay $0x2  }
0x266: {  	v2 =	vsub.f32 v2, v3  }
0x267: {  	v3 =	vadd.s32 v39, v4  }
0x268: {  	v1 =	vadd.f32 v2, v1;
	_ =	sdelay $0x1  }
0x269: {  	[tilespmem:$0x80E8] =	vst v1  }
0x26a: {  	v2 =	vld.idx.msk [tilespmem:v5+s6+$0x0], $0xffff  }
0x26b: {  	v3 =	vld.idx.msk [tilespmem:v3+s8+$0x0], $0xffff  }
0x26c: {  	v4 =	vld [tilespmem:$0x1530]  }
0x26d: {  	v5 =	vld [tilespmem:$0x270];
	_ =	sdelay $0x2  }
0x26e: {  	v2 =	vsub.f32 v2, v3  }
0x26f: {  	v3 =	vadd.s32 v40, v4  }
0x270: {  	v1 =	vadd.f32 v2, v1;
	_ =	sdelay $0x1  }
0x271: {  	[tilespmem:$0x80E8] =	vst v1  }
0x272: {  	v2 =	vld.idx.msk [tilespmem:v5+s6+$0x0], $0xffff  }
0x273: {  	v3 =	vld.idx.msk [tilespmem:v3+s8+$0x0], $0xffff  }
0x274: {  	v4 =	vld [tilespmem:$0x1540]  }
0x275: {  	v5 =	vld [tilespmem:$0x280];
	_ =	sdelay $0x2  }
0x276: {  	v2 =	vsub.f32 v2, v3  }
0x277: {  	v3 =	vadd.s32 v41, v4  }
0x278: {  	v1 =	vadd.f32 v2, v1;
	_ =	sdelay $0x1  }
0x279: {  	[tilespmem:$0x80E8] =	vst v1  }
0x27a: {  	v2 =	vld.idx.msk [tilespmem:v5+s6+$0x0], $0xffff  }
0x27b: {  	v3 =	vld.idx.msk [tilespmem:v3+s8+$0x0], $0xffff  }
0x27c: {  	v4 =	vld [tilespmem:$0x1550]  }
0x27d: {  	v5 =	vld [tilespmem:$0x290];
	_ =	sdelay $0x2  }
0x27e: {  	v2 =	vsub.f32 v2, v3  }
0x27f: {  	v3 =	vadd.s32 v42, v4  }
0x280: {  	v1 =	vadd.f32 v2, v1;
	_ =	sdelay $0x1  }
0x281: {  	[tilespmem:$0x80E8] =	vst v1  }
0x282: {  	v2 =	vld.idx.msk [tilespmem:v5+s6+$0x0], $0xffff  }
0x283: {  	v3 =	vld.idx.msk [tilespmem:v3+s8+$0x0], $0xffff  }
0x284: {  	v4 =	vld [tilespmem:$0x1560]  }
0x285: {  	v5 =	vld [tilespmem:$0x2A0];
	_ =	sdelay $0x2  }
0x286: {  	v2 =	vsub.f32 v2, v3  }
0x287: {  	v3 =	vadd.s32 v43, v4  }
0x288: {  	v1 =	vadd.f32 v2, v1;
	_ =	sdelay $0x1  }
0x289: {  	[tilespmem:$0x80E8] =	vst v1  }
0x28a: {  	v2 =	vld.idx.msk [tilespmem:v5+s6+$0x0], $0xffff  }
0x28b: {  	v3 =	vld.idx.msk [tilespmem:v3+s8+$0x0], $0xffff  }
0x28c: {  	v4 =	vld [tilespmem:$0x1570]  }
0x28d: {  	v5 =	vld [tilespmem:$0x2B0];
	_ =	sdelay $0x2  }
0x28e: {  	v2 =	vsub.f32 v2, v3  }
0x28f: {  	v3 =	vadd.s32 v44, v4  }
0x290: {  	v1 =	vadd.f32 v2, v1;
	_ =	sdelay $0x1  }
0x291: {  	[tilespmem:$0x80E8] =	vst v1  }
0x292: {  	v2 =	vld.idx.msk [tilespmem:v5+s6+$0x0], $0xffff  }
0x293: {  	v3 =	vld.idx.msk [tilespmem:v3+s8+$0x0], $0xffff  }
0x294: {  	v4 =	vld [tilespmem:$0x1580]  }
0x295: {  	v5 =	vld [tilespmem:$0x2C0];
	_ =	sdelay $0x2  }
0x296: {  	v2 =	vsub.f32 v2, v3  }
0x297: {  	v3 =	vadd.s32 v45, v4  }
0x298: {  	v1 =	vadd.f32 v2, v1;
	_ =	sdelay $0x1  }
0x299: {  	[tilespmem:$0x80E8] =	vst v1  }
0x29a: {  	v2 =	vld.idx.msk [tilespmem:v5+s6+$0x0], $0xffff  }
0x29b: {  	v3 =	vld.idx.msk [tilespmem:v3+s8+$0x0], $0xffff  }
0x29c: {  	v4 =	vld [tilespmem:$0x1590]  }
0x29d: {  	v5 =	vld [tilespmem:$0x2D0];
	_ =	sdelay $0x2  }
0x29e: {  	v2 =	vsub.f32 v2, v3  }
0x29f: {  	v3 =	vadd.s32 v46, v4  }
0x2a0: {  	v1 =	vadd.f32 v2, v1;
	_ =	sdelay $0x1  }
0x2a1: {  	[tilespmem:$0x80E8] =	vst v1  }
0x2a2: {  	v2 =	vld.idx.msk [tilespmem:v5+s6+$0x0], $0xffff  }
0x2a3: {  	v3 =	vld.idx.msk [tilespmem:v3+s8+$0x0], $0xffff  }
0x2a4: {  	v4 =	vld [tilespmem:$0x15A0]  }
0x2a5: {  	v5 =	vld [tilespmem:$0x2E0];
	_ =	sdelay $0x2  }
0x2a6: {  	v2 =	vsub.f32 v2, v3  }
0x2a7: {  	v3 =	vadd.s32 v47, v4  }
0x2a8: {  	v1 =	vadd.f32 v2, v1;
	_ =	sdelay $0x1  }
0x2a9: {  	[tilespmem:$0x80E8] =	vst v1  }
0x2aa: {  	v2 =	vld.idx.msk [tilespmem:v5+s6+$0x0], $0xffff  }
0x2ab: {  	v3 =	vld.idx.msk [tilespmem:v3+s8+$0x0], $0xffff  }
0x2ac: {  	v4 =	vld [tilespmem:$0x15B0]  }
0x2ad: {  	v5 =	vld [tilespmem:$0x2F0];
	_ =	sdelay $0x2  }
0x2ae: {  	v2 =	vsub.f32 v2, v3  }
0x2af: {  	v3 =	vadd.s32 v48, v4  }
0x2b0: {  	v1 =	vadd.f32 v2, v1;
	_ =	sdelay $0x1  }
0x2b1: {  	[tilespmem:$0x80E8] =	vst v1  }
0x2b2: {  	v2 =	vld.idx.msk [tilespmem:v5+s6+$0x0], $0xffff  }
0x2b3: {  	v3 =	vld.idx.msk [tilespmem:v3+s8+$0x0], $0xffff  }
0x2b4: {  	v4 =	vld [tilespmem:$0x15C0]  }
0x2b5: {  	v5 =	vld [tilespmem:$0x300];
	_ =	sdelay $0x2  }
0x2b6: {  	v2 =	vsub.f32 v2, v3  }
0x2b7: {  	v3 =	vadd.s32 v49, v4  }
0x2b8: {  	v1 =	vadd.f32 v2, v1;
	_ =	sdelay $0x1  }
0x2b9: {  	[tilespmem:$0x80E8] =	vst v1  }
0x2ba: {  	v2 =	vld.idx.msk [tilespmem:v5+s6+$0x0], $0xffff  }
0x2bb: {  	v3 =	vld.idx.msk [tilespmem:v3+s8+$0x0], $0xffff  }
0x2bc: {  	v4 =	vld [tilespmem:$0x15D0]  }
0x2bd: {  	v5 =	vld [tilespmem:$0x310];
	_ =	sdelay $0x2  }
0x2be: {  	v2 =	vsub.f32 v2, v3  }
0x2bf: {  	v3 =	vadd.s32 v50, v4  }
0x2c0: {  	v1 =	vadd.f32 v2, v1;
	_ =	sdelay $0x1  }
0x2c1: {  	[tilespmem:$0x80E8] =	vst v1  }
0x2c2: {  	v2 =	vld.idx.msk [tilespmem:v5+s6+$0x0], $0xffff  }
0x2c3: {  	v3 =	vld.idx.msk [tilespmem:v3+s8+$0x0], $0xffff  }
0x2c4: {  	v4 =	vld [tilespmem:$0x15E0]  }
0x2c5: {  	v5 =	vld [tilespmem:$0x320];
	_ =	sdelay $0x2  }
0x2c6: {  	v2 =	vsub.f32 v2, v3  }
0x2c7: {  	v3 =	vadd.s32 v51, v4  }
0x2c8: {  	v1 =	vadd.f32 v2, v1;
	_ =	sdelay $0x1  }
0x2c9: {  	[tilespmem:$0x80E8] =	vst v1  }
0x2ca: {  	v2 =	vld.idx.msk [tilespmem:v5+s6+$0x0], $0xffff  }
0x2cb: {  	v3 =	vld.idx.msk [tilespmem:v3+s8+$0x0], $0xffff  }
0x2cc: {  	v4 =	vld [tilespmem:$0x15F0]  }
0x2cd: {  	v5 =	vld [tilespmem:$0x330];
	_ =	sdelay $0x2  }
0x2ce: {  	v2 =	vsub.f32 v2, v3  }
0x2cf: {  	v3 =	vadd.s32 v52, v4  }
0x2d0: {  	v1 =	vadd.f32 v2, v1;
	_ =	sdelay $0x1  }
0x2d1: {  	[tilespmem:$0x80E8] =	vst v1  }
0x2d2: {  	v2 =	vld.idx.msk [tilespmem:v5+s6+$0x0], $0xffff  }
0x2d3: {  	v3 =	vld.idx.msk [tilespmem:v3+s8+$0x0], $0xffff  }
0x2d4: {  	v4 =	vld [tilespmem:$0x1600]  }
0x2d5: {  	v5 =	vld [tilespmem:$0x340];
	_ =	sdelay $0x2  }
0x2d6: {  	v2 =	vsub.f32 v2, v3  }
0x2d7: {  	v3 =	vadd.s32 v53, v4  }
0x2d8: {  	v1 =	vadd.f32 v2, v1;
	_ =	sdelay $0x1  }
0x2d9: {  	[tilespmem:$0x80E8] =	vst v1  }
0x2da: {  	v2 =	vld.idx.msk [tilespmem:v5+s6+$0x0], $0xffff  }
0x2db: {  	v3 =	vld.idx.msk [tilespmem:v3+s8+$0x0], $0xffff  }
0x2dc: {  	v4 =	vld [tilespmem:$0x1610]  }
0x2dd: {  	v5 =	vld [tilespmem:$0x350];
	_ =	sdelay $0x2  }
0x2de: {  	v2 =	vsub.f32 v2, v3  }
0x2df: {  	v3 =	vadd.s32 v54, v4  }
0x2e0: {  	v1 =	vadd.f32 v2, v1;
	_ =	sdelay $0x1  }
0x2e1: {  	[tilespmem:$0x80E8] =	vst v1  }
0x2e2: {  	v2 =	vld.idx.msk [tilespmem:v5+s6+$0x0], $0xffff  }
0x2e3: {  	v3 =	vld.idx.msk [tilespmem:v3+s8+$0x0], $0xffff  }
0x2e4: {  	v4 =	vld [tilespmem:$0x1620]  }
0x2e5: {  	v5 =	vld [tilespmem:$0x360];
	_ =	sdelay $0x2  }
0x2e6: {  	v2 =	vsub.f32 v2, v3  }
0x2e7: {  	v3 =	vadd.s32 v55, v4  }
0x2e8: {  	v1 =	vadd.f32 v2, v1;
	_ =	sdelay $0x1  }
0x2e9: {  	[tilespmem:$0x80E8] =	vst v1  }
0x2ea: {  	v2 =	vld.idx.msk [tilespmem:v5+s6+$0x0], $0xffff  }
0x2eb: {  	v3 =	vld.idx.msk [tilespmem:v3+s8+$0x0], $0xffff  }
0x2ec: {  	v4 =	vld [tilespmem:$0x1630]  }
0x2ed: {  	v5 =	vld [tilespmem:$0x370];
	_ =	sdelay $0x2  }
0x2ee: {  	v2 =	vsub.f32 v2, v3  }
0x2ef: {  	v3 =	vadd.s32 v56, v4  }
0x2f0: {  	v1 =	vadd.f32 v2, v1;
	_ =	sdelay $0x1  }
0x2f1: {  	[tilespmem:$0x80E8] =	vst v1  }
0x2f2: {  	v2 =	vld.idx.msk [tilespmem:v5+s6+$0x0], $0xffff  }
0x2f3: {  	v3 =	vld.idx.msk [tilespmem:v3+s8+$0x0], $0xffff  }
0x2f4: {  	v4 =	vld [tilespmem:$0x1640]  }
0x2f5: {  	v5 =	vld [tilespmem:$0x380];
	_ =	sdelay $0x2  }
0x2f6: {  	v2 =	vsub.f32 v2, v3  }
0x2f7: {  	v3 =	vadd.s32 v57, v4  }
0x2f8: {  	v1 =	vadd.f32 v2, v1;
	_ =	sdelay $0x1  }
0x2f9: {  	[tilespmem:$0x80E8] =	vst v1  }
0x2fa: {  	v2 =	vld.idx.msk [tilespmem:v5+s6+$0x0], $0xffff  }
0x2fb: {  	v3 =	vld.idx.msk [tilespmem:v3+s8+$0x0], $0xffff  }
0x2fc: {  	v4 =	vld [tilespmem:$0x1650]  }
0x2fd: {  	v5 =	vld [tilespmem:$0x390];
	_ =	sdelay $0x2  }
0x2fe: {  	v2 =	vsub.f32 v2, v3  }
0x2ff: {  	v3 =	vadd.s32 v58, v4  }
0x300: {  	v1 =	vadd.f32 v2, v1;
	_ =	sdelay $0x1  }
0x301: {  	[tilespmem:$0x80E8] =	vst v1  }
0x302: {  	v2 =	vld.idx.msk [tilespmem:v5+s6+$0x0], $0xffff  }
0x303: {  	v3 =	vld.idx.msk [tilespmem:v3+s8+$0x0], $0xffff  }
0x304: {  	v4 =	vld [tilespmem:$0x1660]  }
0x305: {  	v5 =	vld [tilespmem:$0x3A0];
	_ =	sdelay $0x2  }
0x306: {  	v2 =	vsub.f32 v2, v3  }
0x307: {  	v3 =	vadd.s32 v59, v4  }
0x308: {  	v1 =	vadd.f32 v2, v1;
	_ =	sdelay $0x1  }
0x309: {  	[tilespmem:$0x80E8] =	vst v1  }
0x30a: {  	v2 =	vld.idx.msk [tilespmem:v5+s6+$0x0], $0xffff  }
0x30b: {  	v3 =	vld.idx.msk [tilespmem:v3+s8+$0x0], $0xffff  }
0x30c: {  	v4 =	vld [tilespmem:$0x1670]  }
0x30d: {  	v5 =	vld [tilespmem:$0x3B0];
	_ =	sdelay $0x2  }
0x30e: {  	v2 =	vsub.f32 v2, v3  }
0x30f: {  	v3 =	vadd.s32 v60, v4  }
0x310: {  	v1 =	vadd.f32 v2, v1;
	_ =	sdelay $0x1  }
0x311: {  	[tilespmem:$0x80E8] =	vst v1  }
0x312: {  	v2 =	vld.idx.msk [tilespmem:v5+s6+$0x0], $0xffff  }
0x313: {  	v3 =	vld.idx.msk [tilespmem:v3+s8+$0x0], $0xffff  }
0x314: {  	v4 =	vld [tilespmem:$0x1680]  }
0x315: {  	v5 =	vld [tilespmem:$0x3C0];
	_ =	sdelay $0x2  }
0x316: {  	v2 =	vsub.f32 v2, v3  }
0x317: {  	v3 =	vadd.s32 v61, v4  }
0x318: {  	v1 =	vadd.f32 v2, v1;
	_ =	sdelay $0x1  }
0x319: {  	[tilespmem:$0x80E8] =	vst v1  }
0x31a: {  	v2 =	vld.idx.msk [tilespmem:v5+s6+$0x0], $0xffff  }
0x31b: {  	v3 =	vld.idx.msk [tilespmem:v3+s8+$0x0], $0xffff  }
0x31c: {  	v4 =	vld [tilespmem:$0x1690]  }
0x31d: {  	v5 =	vld [tilespmem:$0x3D0];
	_ =	sdelay $0x2  }
0x31e: {  	v2 =	vsub.f32 v2, v3  }
0x31f: {  	v3 =	vadd.s32 v62, v4  }
0x320: {  	v1 =	vadd.f32 v2, v1;
	_ =	sdelay $0x1  }
0x321: {  	[tilespmem:$0x80E8] =	vst v1  }
0x322: {  	v2 =	vld.idx.msk [tilespmem:v5+s6+$0x0], $0xffff  }
0x323: {  	v3 =	vld.idx.msk [tilespmem:v3+s8+$0x0], $0xffff  }
0x324: {  	v4 =	vld [tilespmem:$0x16A0]  }
0x325: {  	v5 =	vld [tilespmem:$0x3E0];
	_ =	sdelay $0x2  }
0x326: {  	v2 =	vsub.f32 v2, v3  }
0x327: {  	v3 =	vadd.s32 v63, v4  }
0x328: {  	v1 =	vadd.f32 v2, v1;
	_ =	sdelay $0x1  }
0x329: {  	[tilespmem:$0x80E8] =	vst v1  }
0x32a: {  	v2 =	vld.idx.msk [tilespmem:v5+s6+$0x0], $0xffff  }
0x32b: {  	v3 =	vld.idx.msk [tilespmem:v3+s8+$0x0], $0xffff  }
0x32c: {  	v4 =	vld [tilespmem:$0x16B0]  }
0x32d: {  	v5 =	vld [tilespmem:$0x3F0];
	_ =	sdelay $0x2  }
0x32e: {  	v2 =	vsub.f32 v2, v3;
	v3 =	vor.u32 $0x3F00, v0  }
0x32f: {  	v3 =	vadd.s32 v3, v4  }
0x330: {  	v1 =	vadd.f32 v2, v1;
	_ =	sdelay $0x1  }
0x331: {  	[tilespmem:$0x80E8] =	vst v1  }
0x332: {  	v2 =	vld.idx.msk [tilespmem:v5+s6+$0x0], $0xffff  }
0x333: {  	v3 =	vld.idx.msk [tilespmem:v3+s8+$0x0], $0xffff  }
0x334: {  	v4 =	vld [tilespmem:$0x16C0]  }
0x335: {  	v5 =	vld [tilespmem:$0x400];
	_ =	sdelay $0x2  }
0x336: {  	v2 =	vsub.f32 v2, v3;
	v3 =	vor.u32 $0x4000, v0  }
0x337: {  	v3 =	vadd.s32 v3, v4  }
0x338: {  	v1 =	vadd.f32 v2, v1;
	_ =	sdelay $0x1  }
0x339: {  	[tilespmem:$0x80E8] =	vst v1  }
0x33a: {  	v2 =	vld.idx.msk [tilespmem:v5+s6+$0x0], $0xffff  }
0x33b: {  	v3 =	vld.idx.msk [tilespmem:v3+s8+$0x0], $0xffff  }
0x33c: {  	v4 =	vld [tilespmem:$0x16D0]  }
0x33d: {  	v5 =	vld [tilespmem:$0x410];
	_ =	sdelay $0x2  }
0x33e: {  	v2 =	vsub.f32 v2, v3;
	v3 =	vor.u32 $0x4100, v0  }
0x33f: {  	v3 =	vadd.s32 v3, v4  }
0x340: {  	v1 =	vadd.f32 v2, v1;
	_ =	sdelay $0x1  }
0x341: {  	[tilespmem:$0x80E8] =	vst v1  }
0x342: {  	v2 =	vld.idx.msk [tilespmem:v5+s6+$0x0], $0xffff  }
0x343: {  	v3 =	vld.idx.msk [tilespmem:v3+s8+$0x0], $0xffff  }
0x344: {  	v4 =	vld [tilespmem:$0x16E0]  }
0x345: {  	v5 =	vld [tilespmem:$0x420];
	_ =	sdelay $0x2  }
0x346: {  	v2 =	vsub.f32 v2, v3;
	v3 =	vor.u32 $0x4200, v0  }
0x347: {  	v3 =	vadd.s32 v3, v4  }
0x348: {  	v1 =	vadd.f32 v2, v1;
	_ =	sdelay $0x1  }
0x349: {  	[tilespmem:$0x80E8] =	vst v1  }
0x34a: {  	v2 =	vld.idx.msk [tilespmem:v5+s6+$0x0], $0xffff  }
0x34b: {  	v3 =	vld.idx.msk [tilespmem:v3+s8+$0x0], $0xffff  }
0x34c: {  	v4 =	vld [tilespmem:$0x16F0]  }
0x34d: {  	v5 =	vld [tilespmem:$0x430];
	_ =	sdelay $0x2  }
0x34e: {  	v2 =	vsub.f32 v2, v3;
	v3 =	vor.u32 $0x4300, v0  }
0x34f: {  	v3 =	vadd.s32 v3, v4  }
0x350: {  	v1 =	vadd.f32 v2, v1;
	_ =	sdelay $0x1  }
0x351: {  	[tilespmem:$0x80E8] =	vst v1  }
0x352: {  	v2 =	vld.idx.msk [tilespmem:v5+s6+$0x0], $0xffff  }
0x353: {  	v3 =	vld.idx.msk [tilespmem:v3+s8+$0x0], $0xffff  }
0x354: {  	v4 =	vld [tilespmem:$0x1700]  }
0x355: {  	v5 =	vld [tilespmem:$0x440];
	_ =	sdelay $0x2  }
0x356: {  	v2 =	vsub.f32 v2, v3;
	v3 =	vor.u32 $0x4400, v0  }
0x357: {  	v3 =	vadd.s32 v3, v4  }
0x358: {  	v1 =	vadd.f32 v2, v1;
	_ =	sdelay $0x1  }
0x359: {  	[tilespmem:$0x80E8] =	vst v1  }
0x35a: {  	v2 =	vld.idx.msk [tilespmem:v5+s6+$0x0], $0xffff  }
0x35b: {  	v3 =	vld.idx.msk [tilespmem:v3+s8+$0x0], $0xffff  }
0x35c: {  	v4 =	vld [tilespmem:$0x1710]  }
0x35d: {  	v5 =	vld [tilespmem:$0x450];
	_ =	sdelay $0x2  }
0x35e: {  	v2 =	vsub.f32 v2, v3;
	v3 =	vor.u32 $0x4500, v0  }
0x35f: {  	v3 =	vadd.s32 v3, v4  }
0x360: {  	v1 =	vadd.f32 v2, v1;
	_ =	sdelay $0x1  }
0x361: {  	[tilespmem:$0x80E8] =	vst v1  }
0x362: {  	v2 =	vld.idx.msk [tilespmem:v5+s6+$0x0], $0xffff  }
0x363: {  	v3 =	vld.idx.msk [tilespmem:v3+s8+$0x0], $0xffff  }
0x364: {  	v4 =	vld [tilespmem:$0x1720]  }
0x365: {  	v5 =	vld [tilespmem:$0x460];
	_ =	sdelay $0x2  }
0x366: {  	v2 =	vsub.f32 v2, v3;
	v3 =	vor.u32 $0x4600, v0  }
0x367: {  	v3 =	vadd.s32 v3, v4  }
0x368: {  	v1 =	vadd.f32 v2, v1;
	_ =	sdelay $0x1  }
0x369: {  	[tilespmem:$0x80E8] =	vst v1  }
0x36a: {  	v2 =	vld.idx.msk [tilespmem:v5+s6+$0x0], $0xffff  }
0x36b: {  	v3 =	vld.idx.msk [tilespmem:v3+s8+$0x0], $0xffff  }
0x36c: {  	v4 =	vld [tilespmem:$0x1730]  }
0x36d: {  	v5 =	vld [tilespmem:$0x470];
	_ =	sdelay $0x2  }
0x36e: {  	v2 =	vsub.f32 v2, v3;
	v3 =	vor.u32 $0x4700, v0  }
0x36f: {  	v3 =	vadd.s32 v3, v4  }
0x370: {  	v1 =	vadd.f32 v2, v1;
	_ =	sdelay $0x1  }
0x371: {  	[tilespmem:$0x80E8] =	vst v1  }
0x372: {  	v2 =	vld.idx.msk [tilespmem:v5+s6+$0x0], $0xffff  }
0x373: {  	v3 =	vld.idx.msk [tilespmem:v3+s8+$0x0], $0xffff  }
0x374: {  	v4 =	vld [tilespmem:$0x1740]  }
0x375: {  	v5 =	vld [tilespmem:$0x480];
	_ =	sdelay $0x2  }
0x376: {  	v2 =	vsub.f32 v2, v3;
	v3 =	vor.u32 $0x4800, v0  }
0x377: {  	v3 =	vadd.s32 v3, v4  }
0x378: {  	v1 =	vadd.f32 v2, v1;
	_ =	sdelay $0x1  }
0x379: {  	[tilespmem:$0x80E8] =	vst v1  }
0x37a: {  	v2 =	vld.idx.msk [tilespmem:v5+s6+$0x0], $0xffff  }
0x37b: {  	v3 =	vld.idx.msk [tilespmem:v3+s8+$0x0], $0xffff  }
0x37c: {  	v4 =	vld [tilespmem:$0x1750]  }
0x37d: {  	v5 =	vld [tilespmem:$0x490];
	_ =	sdelay $0x2  }
0x37e: {  	v2 =	vsub.f32 v2, v3;
	v3 =	vor.u32 $0x4900, v0  }
0x37f: {  	v3 =	vadd.s32 v3, v4  }
0x380: {  	v1 =	vadd.f32 v2, v1;
	_ =	sdelay $0x1  }
0x381: {  	[tilespmem:$0x80E8] =	vst v1  }
0x382: {  	v2 =	vld.idx.msk [tilespmem:v5+s6+$0x0], $0xffff  }
0x383: {  	v3 =	vld.idx.msk [tilespmem:v3+s8+$0x0], $0xffff  }
0x384: {  	v4 =	vld [tilespmem:$0x1760]  }
0x385: {  	v5 =	vld [tilespmem:$0x4A0];
	_ =	sdelay $0x2  }
0x386: {  	v2 =	vsub.f32 v2, v3;
	v3 =	vor.u32 $0x4A00, v0  }
0x387: {  	v3 =	vadd.s32 v3, v4  }
0x388: {  	v1 =	vadd.f32 v2, v1;
	_ =	sdelay $0x1  }
0x389: {  	[tilespmem:$0x80E8] =	vst v1  }
0x38a: {  	v2 =	vld.idx.msk [tilespmem:v5+s6+$0x0], $0xffff  }
0x38b: {  	v3 =	vld.idx.msk [tilespmem:v3+s8+$0x0], $0xffff  }
0x38c: {  	v4 =	vld [tilespmem:$0x1770]  }
0x38d: {  	v5 =	vld [tilespmem:$0x4B0];
	_ =	sdelay $0x2  }
0x38e: {  	v2 =	vsub.f32 v2, v3;
	v3 =	vor.u32 $0x4B00, v0  }
0x38f: {  	v3 =	vadd.s32 v3, v4  }
0x390: {  	v1 =	vadd.f32 v2, v1;
	_ =	sdelay $0x1  }
0x391: {  	[tilespmem:$0x80E8] =	vst v1  }
0x392: {  	v2 =	vld.idx.msk [tilespmem:v5+s6+$0x0], $0xffff  }
0x393: {  	v3 =	vld.idx.msk [tilespmem:v3+s8+$0x0], $0xffff  }
0x394: {  	v4 =	vld [tilespmem:$0x1780]  }
0x395: {  	v5 =	vld [tilespmem:$0x4C0];
	_ =	sdelay $0x2  }
0x396: {  	v2 =	vsub.f32 v2, v3;
	v3 =	vor.u32 $0x4C00, v0  }
0x397: {  	v3 =	vadd.s32 v3, v4  }
0x398: {  	v1 =	vadd.f32 v2, v1;
	_ =	sdelay $0x1  }
0x399: {  	[tilespmem:$0x80E8] =	vst v1  }
0x39a: {  	v2 =	vld.idx.msk [tilespmem:v5+s6+$0x0], $0xffff  }
0x39b: {  	v3 =	vld.idx.msk [tilespmem:v3+s8+$0x0], $0xffff  }
0x39c: {  	v4 =	vld [tilespmem:$0x1790]  }
0x39d: {  	v5 =	vld [tilespmem:$0x4D0];
	_ =	sdelay $0x2  }
0x39e: {  	v2 =	vsub.f32 v2, v3;
	v3 =	vor.u32 $0x4D00, v0  }
0x39f: {  	v3 =	vadd.s32 v3, v4  }
0x3a0: {  	v1 =	vadd.f32 v2, v1;
	_ =	sdelay $0x1  }
0x3a1: {  	[tilespmem:$0x80E8] =	vst v1  }
0x3a2: {  	v2 =	vld.idx.msk [tilespmem:v5+s6+$0x0], $0xffff  }
0x3a3: {  	v3 =	vld.idx.msk [tilespmem:v3+s8+$0x0], $0xffff  }
0x3a4: {  	v4 =	vld [tilespmem:$0x17A0]  }
0x3a5: {  	v5 =	vld [tilespmem:$0x4E0];
	_ =	sdelay $0x2  }
0x3a6: {  	v2 =	vsub.f32 v2, v3;
	v3 =	vor.u32 $0x4E00, v0  }
0x3a7: {  	v3 =	vadd.s32 v3, v4  }
0x3a8: {  	v1 =	vadd.f32 v2, v1;
	_ =	sdelay $0x1  }
0x3a9: {  	[tilespmem:$0x80E8] =	vst v1  }
0x3aa: {  	v2 =	vld.idx.msk [tilespmem:v5+s6+$0x0], $0xffff  }
0x3ab: {  	v3 =	vld.idx.msk [tilespmem:v3+s8+$0x0], $0xffff  }
0x3ac: {  	v4 =	vld [tilespmem:$0x17B0]  }
0x3ad: {  	v5 =	vld [tilespmem:$0x4F0];
	_ =	sdelay $0x2  }
0x3ae: {  	v2 =	vsub.f32 v2, v3;
	v3 =	vor.u32 $0x4F00, v0  }
0x3af: {  	v3 =	vadd.s32 v3, v4  }
0x3b0: {  	v1 =	vadd.f32 v2, v1;
	_ =	sdelay $0x1  }
0x3b1: {  	[tilespmem:$0x80E8] =	vst v1  }
0x3b2: {  	v2 =	vld.idx.msk [tilespmem:v5+s6+$0x0], $0xffff  }
0x3b3: {  	v3 =	vld.idx.msk [tilespmem:v3+s8+$0x0], $0xffff  }
0x3b4: {  	v4 =	vld [tilespmem:$0x17C0]  }
0x3b5: {  	v5 =	vld [tilespmem:$0x500];
	_ =	sdelay $0x2  }
0x3b6: {  	v2 =	vsub.f32 v2, v3;
	v3 =	vor.u32 $0x5000, v0  }
0x3b7: {  	v3 =	vadd.s32 v3, v4  }
0x3b8: {  	v1 =	vadd.f32 v2, v1;
	_ =	sdelay $0x1  }
0x3b9: {  	[tilespmem:$0x80E8] =	vst v1  }
0x3ba: {  	v2 =	vld.idx.msk [tilespmem:v5+s6+$0x0], $0xffff  }
0x3bb: {  	v3 =	vld.idx.msk [tilespmem:v3+s8+$0x0], $0xffff  }
0x3bc: {  	v4 =	vld [tilespmem:$0x17D0]  }
0x3bd: {  	v5 =	vld [tilespmem:$0x510];
	_ =	sdelay $0x2  }
0x3be: {  	v2 =	vsub.f32 v2, v3;
	v3 =	vor.u32 $0x5100, v0  }
0x3bf: {  	v3 =	vadd.s32 v3, v4  }
0x3c0: {  	v1 =	vadd.f32 v2, v1;
	_ =	sdelay $0x1  }
0x3c1: {  	[tilespmem:$0x80E8] =	vst v1  }
0x3c2: {  	v2 =	vld.idx.msk [tilespmem:v5+s6+$0x0], $0xffff  }
0x3c3: {  	v3 =	vld.idx.msk [tilespmem:v3+s8+$0x0], $0xffff  }
0x3c4: {  	v4 =	vld [tilespmem:$0x17E0]  }
0x3c5: {  	v5 =	vld [tilespmem:$0x520];
	_ =	sdelay $0x2  }
0x3c6: {  	v2 =	vsub.f32 v2, v3;
	v3 =	vor.u32 $0x5200, v0  }
0x3c7: {  	v3 =	vadd.s32 v3, v4  }
0x3c8: {  	v1 =	vadd.f32 v2, v1;
	_ =	sdelay $0x1  }
0x3c9: {  	[tilespmem:$0x80E8] =	vst v1  }
0x3ca: {  	v2 =	vld.idx.msk [tilespmem:v5+s6+$0x0], $0xffff  }
0x3cb: {  	v3 =	vld.idx.msk [tilespmem:v3+s8+$0x0], $0xffff  }
0x3cc: {  	v4 =	vld [tilespmem:$0x17F0]  }
0x3cd: {  	v5 =	vld [tilespmem:$0x530];
	_ =	sdelay $0x2  }
0x3ce: {  	v2 =	vsub.f32 v2, v3;
	v3 =	vor.u32 $0x5300, v0  }
0x3cf: {  	v3 =	vadd.s32 v3, v4  }
0x3d0: {  	v1 =	vadd.f32 v2, v1;
	_ =	sdelay $0x1  }
0x3d1: {  	[tilespmem:$0x80E8] =	vst v1  }
0x3d2: {  	v2 =	vld.idx.msk [tilespmem:v5+s6+$0x0], $0xffff  }
0x3d3: {  	v3 =	vld.idx.msk [tilespmem:v3+s8+$0x0], $0xffff  }
0x3d4: {  	v4 =	vld [tilespmem:$0x1800]  }
0x3d5: {  	v5 =	vld [tilespmem:$0x540];
	_ =	sdelay $0x2  }
0x3d6: {  	v2 =	vsub.f32 v2, v3;
	v3 =	vor.u32 $0x5400, v0  }
0x3d7: {  	v3 =	vadd.s32 v3, v4  }
0x3d8: {  	v1 =	vadd.f32 v2, v1;
	_ =	sdelay $0x1  }
0x3d9: {  	[tilespmem:$0x80E8] =	vst v1  }
0x3da: {  	v2 =	vld.idx.msk [tilespmem:v5+s6+$0x0], $0xffff  }
0x3db: {  	v3 =	vld.idx.msk [tilespmem:v3+s8+$0x0], $0xffff  }
0x3dc: {  	v4 =	vld [tilespmem:$0x1810]  }
0x3dd: {  	v5 =	vld [tilespmem:$0x550];
	_ =	sdelay $0x2  }
0x3de: {  	v2 =	vsub.f32 v2, v3;
	v3 =	vor.u32 $0x5500, v0  }
0x3df: {  	v3 =	vadd.s32 v3, v4  }
0x3e0: {  	v1 =	vadd.f32 v2, v1;
	_ =	sdelay $0x1  }
0x3e1: {  	[tilespmem:$0x80E8] =	vst v1  }
0x3e2: {  	v2 =	vld.idx.msk [tilespmem:v5+s6+$0x0], $0xffff  }
0x3e3: {  	v3 =	vld.idx.msk [tilespmem:v3+s8+$0x0], $0xffff  }
0x3e4: {  	v4 =	vld [tilespmem:$0x1820]  }
0x3e5: {  	v5 =	vld [tilespmem:$0x560];
	_ =	sdelay $0x2  }
0x3e6: {  	v2 =	vsub.f32 v2, v3;
	v3 =	vor.u32 $0x5600, v0  }
0x3e7: {  	v3 =	vadd.s32 v3, v4  }
0x3e8: {  	v1 =	vadd.f32 v2, v1;
	_ =	sdelay $0x1  }
0x3e9: {  	[tilespmem:$0x80E8] =	vst v1  }
0x3ea: {  	v2 =	vld.idx.msk [tilespmem:v5+s6+$0x0], $0xffff  }
0x3eb: {  	v3 =	vld.idx.msk [tilespmem:v3+s8+$0x0], $0xffff  }
0x3ec: {  	v4 =	vld [tilespmem:$0x1830]  }
0x3ed: {  	v5 =	vld [tilespmem:$0x570];
	_ =	sdelay $0x2  }
0x3ee: {  	v2 =	vsub.f32 v2, v3;
	v3 =	vor.u32 $0x5700, v0  }
0x3ef: {  	v3 =	vadd.s32 v3, v4  }
0x3f0: {  	v1 =	vadd.f32 v2, v1;
	_ =	sdelay $0x1  }
0x3f1: {  	[tilespmem:$0x80E8] =	vst v1  }
0x3f2: {  	v2 =	vld.idx.msk [tilespmem:v5+s6+$0x0], $0xffff  }
0x3f3: {  	v3 =	vld.idx.msk [tilespmem:v3+s8+$0x0], $0xffff  }
0x3f4: {  	v4 =	vld [tilespmem:$0x1840]  }
0x3f5: {  	v5 =	vld [tilespmem:$0x580];
	_ =	sdelay $0x2  }
0x3f6: {  	v2 =	vsub.f32 v2, v3;
	v3 =	vor.u32 $0x5800, v0  }
0x3f7: {  	v3 =	vadd.s32 v3, v4  }
0x3f8: {  	v1 =	vadd.f32 v2, v1;
	_ =	sdelay $0x1  }
0x3f9: {  	[tilespmem:$0x80E8] =	vst v1  }
0x3fa: {  	v2 =	vld.idx.msk [tilespmem:v5+s6+$0x0], $0xffff  }
0x3fb: {  	v3 =	vld.idx.msk [tilespmem:v3+s8+$0x0], $0xffff  }
0x3fc: {  	v4 =	vld [tilespmem:$0x1850]  }
0x3fd: {  	v5 =	vld [tilespmem:$0x590];
	_ =	sdelay $0x2  }
0x3fe: {  	v2 =	vsub.f32 v2, v3;
	v3 =	vor.u32 $0x5900, v0  }
0x3ff: {  	v3 =	vadd.s32 v3, v4  }
0x400: {  	v1 =	vadd.f32 v2, v1;
	_ =	sdelay $0x1  }
0x401: {  	[tilespmem:$0x80E8] =	vst v1  }
0x402: {  	v2 =	vld.idx.msk [tilespmem:v5+s6+$0x0], $0xffff  }
0x403: {  	v3 =	vld.idx.msk [tilespmem:v3+s8+$0x0], $0xffff  }
0x404: {  	v4 =	vld [tilespmem:$0x1860]  }
0x405: {  	v5 =	vld [tilespmem:$0x5A0];
	_ =	sdelay $0x2  }
0x406: {  	v2 =	vsub.f32 v2, v3;
	v3 =	vor.u32 $0x5A00, v0  }
0x407: {  	v3 =	vadd.s32 v3, v4  }
0x408: {  	v1 =	vadd.f32 v2, v1;
	_ =	sdelay $0x1  }
0x409: {  	[tilespmem:$0x80E8] =	vst v1  }
0x40a: {  	v2 =	vld.idx.msk [tilespmem:v5+s6+$0x0], $0xffff  }
0x40b: {  	v3 =	vld.idx.msk [tilespmem:v3+s8+$0x0], $0xffff  }
0x40c: {  	v4 =	vld [tilespmem:$0x1870]  }
0x40d: {  	v5 =	vld [tilespmem:$0x5B0];
	_ =	sdelay $0x2  }
0x40e: {  	v2 =	vsub.f32 v2, v3;
	v3 =	vor.u32 $0x5B00, v0  }
0x40f: {  	v3 =	vadd.s32 v3, v4  }
0x410: {  	v1 =	vadd.f32 v2, v1;
	_ =	sdelay $0x1  }
0x411: {  	[tilespmem:$0x80E8] =	vst v1  }
0x412: {  	v2 =	vld.idx.msk [tilespmem:v5+s6+$0x0], $0xffff  }
0x413: {  	v3 =	vld.idx.msk [tilespmem:v3+s8+$0x0], $0xffff  }
0x414: {  	v4 =	vld [tilespmem:$0x1880]  }
0x415: {  	v5 =	vld [tilespmem:$0x5C0];
	_ =	sdelay $0x2  }
0x416: {  	v2 =	vsub.f32 v2, v3;
	v3 =	vor.u32 $0x5C00, v0  }
0x417: {  	v3 =	vadd.s32 v3, v4  }
0x418: {  	v1 =	vadd.f32 v2, v1;
	_ =	sdelay $0x1  }
0x419: {  	[tilespmem:$0x80E8] =	vst v1  }
0x41a: {  	v2 =	vld.idx.msk [tilespmem:v5+s6+$0x0], $0xffff  }
0x41b: {  	v3 =	vld.idx.msk [tilespmem:v3+s8+$0x0], $0xffff  }
0x41c: {  	v4 =	vld [tilespmem:$0x1890]  }
0x41d: {  	v5 =	vld [tilespmem:$0x5D0];
	_ =	sdelay $0x2  }
0x41e: {  	v2 =	vsub.f32 v2, v3;
	v3 =	vor.u32 $0x5D00, v0  }
0x41f: {  	v3 =	vadd.s32 v3, v4  }
0x420: {  	v1 =	vadd.f32 v2, v1;
	_ =	sdelay $0x1  }
0x421: {  	[tilespmem:$0x80E8] =	vst v1  }
0x422: {  	v2 =	vld.idx.msk [tilespmem:v5+s6+$0x0], $0xffff  }
0x423: {  	v3 =	vld.idx.msk [tilespmem:v3+s8+$0x0], $0xffff  }
0x424: {  	v4 =	vld [tilespmem:$0x18A0]  }
0x425: {  	v5 =	vld [tilespmem:$0x5E0];
	_ =	sdelay $0x2  }
0x426: {  	v2 =	vsub.f32 v2, v3;
	v3 =	vor.u32 $0x5E00, v0  }
0x427: {  	v3 =	vadd.s32 v3, v4  }
0x428: {  	v1 =	vadd.f32 v2, v1;
	_ =	sdelay $0x1  }
0x429: {  	[tilespmem:$0x80E8] =	vst v1  }
0x42a: {  	v2 =	vld.idx.msk [tilespmem:v5+s6+$0x0], $0xffff  }
0x42b: {  	v3 =	vld.idx.msk [tilespmem:v3+s8+$0x0], $0xffff  }
0x42c: {  	v4 =	vld [tilespmem:$0x18B0]  }
0x42d: {  	v5 =	vld [tilespmem:$0x5F0];
	_ =	sdelay $0x2  }
0x42e: {  	v2 =	vsub.f32 v2, v3;
	v3 =	vor.u32 $0x5F00, v0  }
0x42f: {  	v3 =	vadd.s32 v3, v4  }
0x430: {  	v1 =	vadd.f32 v2, v1;
	_ =	sdelay $0x1  }
0x431: {  	[tilespmem:$0x80E8] =	vst v1  }
0x432: {  	v2 =	vld.idx.msk [tilespmem:v5+s6+$0x0], $0xffff  }
0x433: {  	v3 =	vld.idx.msk [tilespmem:v3+s8+$0x0], $0xffff  }
0x434: {  	v4 =	vld [tilespmem:$0x18C0]  }
0x435: {  	v5 =	vld [tilespmem:$0x600];
	_ =	sdelay $0x2  }
0x436: {  	v2 =	vsub.f32 v2, v3;
	v3 =	vor.u32 $0x6000, v0  }
0x437: {  	v3 =	vadd.s32 v3, v4  }
0x438: {  	v1 =	vadd.f32 v2, v1;
	_ =	sdelay $0x1  }
0x439: {  	[tilespmem:$0x80E8] =	vst v1  }
0x43a: {  	v2 =	vld.idx.msk [tilespmem:v5+s6+$0x0], $0xffff  }
0x43b: {  	v3 =	vld.idx.msk [tilespmem:v3+s8+$0x0], $0xffff  }
0x43c: {  	v4 =	vld [tilespmem:$0x18D0]  }
0x43d: {  	v5 =	vld [tilespmem:$0x610];
	_ =	sdelay $0x2  }
0x43e: {  	v2 =	vsub.f32 v2, v3;
	v3 =	vor.u32 $0x6100, v0  }
0x43f: {  	v3 =	vadd.s32 v3, v4  }
0x440: {  	v1 =	vadd.f32 v2, v1;
	_ =	sdelay $0x1  }
0x441: {  	[tilespmem:$0x80E8] =	vst v1  }
0x442: {  	v2 =	vld.idx.msk [tilespmem:v5+s6+$0x0], $0xffff  }
0x443: {  	v3 =	vld.idx.msk [tilespmem:v3+s8+$0x0], $0xffff  }
0x444: {  	v4 =	vld [tilespmem:$0x18E0]  }
0x445: {  	v5 =	vld [tilespmem:$0x620];
	_ =	sdelay $0x2  }
0x446: {  	v2 =	vsub.f32 v2, v3;
	v3 =	vor.u32 $0x6200, v0  }
0x447: {  	v3 =	vadd.s32 v3, v4  }
0x448: {  	v1 =	vadd.f32 v2, v1;
	_ =	sdelay $0x1  }
0x449: {  	[tilespmem:$0x80E8] =	vst v1  }
0x44a: {  	v2 =	vld.idx.msk [tilespmem:v5+s6+$0x0], $0xffff  }
0x44b: {  	v3 =	vld.idx.msk [tilespmem:v3+s8+$0x0], $0xffff  }
0x44c: {  	v4 =	vld [tilespmem:$0x18F0]  }
0x44d: {  	v5 =	vld [tilespmem:$0x630];
	_ =	sdelay $0x2  }
0x44e: {  	v2 =	vsub.f32 v2, v3;
	v3 =	vor.u32 $0x6300, v0  }
0x44f: {  	v3 =	vadd.s32 v3, v4  }
0x450: {  	v1 =	vadd.f32 v2, v1;
	_ =	sdelay $0x1  }
0x451: {  	[tilespmem:$0x80E8] =	vst v1  }
0x452: {  	v2 =	vld.idx.msk [tilespmem:v5+s6+$0x0], $0xffff  }
0x453: {  	v3 =	vld.idx.msk [tilespmem:v3+s8+$0x0], $0xffff;
	_ =	sdelay $0x4  }
0x454: {  	v2 =	vsub.f32 v2, v3;
	_ =	sdelay $0x1  }
0x455: {  	v1 =	vadd.f32 v2, v1  }
0x456: {  	p0 =	sne.s32 s4, $0x1  }
.Ltmp0:
0x457: {  	s11 =	rddreg [dreg:$0x5];
	[tilespmem:$0x80E8] =	vst v1;
	(pc) =	sbr.rel @p0 .LBB2_1-.Ltmp0, $4  }
0x458: {  	[hbm4b:s11+s2] =	stream.linear.scatter [tilespmem:s1], [sflag:$0x2], $0x10, $0x38;
	[tilespmem:$0x80F8] =	vst v63  }
0x459: {  	_ =	swait.ge [sflag:s5], $0x10  }
0x45a: {  	[sflag:s5] =	ssyncset.done $0x0  }
0x45b: {  	s4 =	sadd.s32 $0xFFFFFFFF, s4;
	[sflag:s5] =	ssyncadd.s32 $0xFFFFFFF0  }
0x45c: {  	_ =	sfence.sel $0x180000  }
0x45d: {  	[bflag:$0x0] =	sbarrier.arrive $0xFFFF  }
0x45e: {  	_ =	strace $0x90000047  }
0x45f: {  	s0 =	stileid.u32;
	[bflag:$0x2] =	sbarrier.arrive $0xFFFF  }
0x460: {  	p0 =	sne.s32 s0, $0x0;
	s0 =	rddreg [dreg:$0x1]  }
0x461: {  	s0 =	sadd.s32 @!p0 $0x100000, s0  }
0x462: {  	[sflag:s0] =	ssyncadd.tile.s32 @!p0 $0x1;
	_ =	shalt  }
.Lfunc_end2:
_tile_overlayer_lowered:
.L_overlay_start_2:
0x463: {  	(tag) =	ssettag $0x2  }
0x464: {  	s0 =	rddreg [dreg:$0x0];
	s2 =	stileid.u32  }
0x465: {  	s1 =	rddreg [dreg:$0x1];
	p0 =	sne.s32 s2, $0x0  }
0x466: {  	s3 =	rddreg [dreg:$0x2];
	[bflag:$0x3] =	sbarrier.arrive $0xFFFF;
	s2 =	simm.s32 @!p0 $0x1C02  }
0x467: {  	[timem:s3], [sflag:s2] =	dma.local @!p0 [hbm:s0], s1  }
0x468: {  	s0 =	simm.s32 @!p0 $0x2  }
0x469: {  	_ =	swait.ge @!p0 [sflag:s0], s1  }
0x46a: {  	s1 =	ssub.s32 @!p0 $0x0, s1;
	[sflag:s0] =	ssyncset.done @!p0 $0x0  }
0x46b: {  	[sflag:s0] =	ssyncadd.s32 @!p0 s1  }
0x46c: {  	[bflag:$0x3] =	sbarrier.arrive $0xFFFF  }
0x46d: {  	_ =	shalt  }

</sc_bundles>
